<compile_context>
chip_gen: v7x
topology: tpu7x:2x2x1
jax: 0.10.2.dev20260603
libtpu: 0.0.44.dev20260713+nightly
codegen_flags: <defaults>
</compile_context>

<pallas_src>
import functools

import jax
import jax.numpy as jnp
from jax import lax
from jax.experimental import pallas as pl
from jax.experimental.pallas import tpu as pltpu
from jax.experimental.pallas import tpu_sc as plsc

N = 10000
E = 320000
IN_CH = 128
HID = 8
HEADS = 8
F1 = HEADS * HID
F2 = 32
G1 = F1 + 16
G2 = F2 + 16

NC, NS, LANES = 2, 16, 16
NW = NC * NS
K = 128
CH = 80
EPW = CH * K
EPAD = NW * EPW
ETAIL = EPAD + 2 * K
NPAD = 10112
RPS = NPAD // NS

BN = 1000


def _leaky(v):
    return jnp.where(v >= 0, v, 0.2 * v)


def _make_edge_kernel(F, per_head):
    G = F + 16
    cpe_g = G // LANES

    mesh = plsc.VectorSubcoreMesh(core_axis_name="c", subcore_axis_name="s",
                                  num_cores=NC, num_subcores=NS)

    @functools.partial(
        pl.kernel,
        out_type=jax.ShapeDtypeStruct((NC, NPAD, G), jnp.float32),
        mesh=mesh,
        scratch_types=[
            pltpu.VMEM((CH + 2, K), jnp.int32),
            pltpu.VMEM((CH + 2, K), jnp.int32),
            pltpu.VMEM((K, G), jnp.float32),
            pltpu.VMEM((K, G), jnp.float32),
            pltpu.VMEM((K, G), jnp.float32),
            pltpu.VMEM((K, G), jnp.float32),
            pltpu.VMEM((K, 16), jnp.float32),
            pltpu.VMEM((K, 16), jnp.float32),
            pltpu.VMEM((K, 16), jnp.float32),
            pltpu.VMEM((K, 16), jnp.float32),
            pltpu.VMEM_SHARED((NPAD, G), jnp.float32),
        ] + [pltpu.SemaphoreType.DMA] * 12,
        compiler_params=pltpu.CompilerParams(use_tc_tiling_on_sc=False),
    )
    def edge_kernel(src_hbm, dst_hbm, gtab, utab, acc_out,
                    src_v, dst_v, g0, g1, g2, g3, u0, u1, u2, u3, acc_s,
                    sg0, sg1, sg2, sg3, su0, su1, su2, su3,
                    ss0, ss1, ss2, ss3):
        c = lax.axis_index("c")
        s = lax.axis_index("s")
        wid = s * NC + c
        zero16 = jnp.zeros((LANES,), jnp.float32)
        iot = lax.iota(jnp.int32, LANES)
        bufs = ((g0, u0, sg0, su0, ss0), (g1, u1, sg1, su1, ss1),
                (g2, u2, sg2, su2, ss2), (g3, u3, sg3, su3, ss3))

        pltpu.sync_copy(src_hbm.at[pl.ds(wid * CH, CH + 2)], src_v)
        pltpu.sync_copy(dst_hbm.at[pl.ds(wid * CH, CH + 2)], dst_v)

        @plsc.parallel_loop(0, K * cpe_g, unroll=4)
        def _zero(i):
            g0[i // cpe_g, pl.ds((i % cpe_g) * LANES, LANES)] = zero16

        for k in range((RPS + K - 1) // K):
            rows = min(K, RPS - k * K)
            pltpu.sync_copy(g0.at[pl.ds(0, rows)],
                            acc_s.at[pl.ds(s * RPS + k * K, rows)])
        plsc.subcore_barrier()

        def fire(b, chunk):
            g, u, sg, su, ss = bufs[b]
            pltpu.async_copy(gtab.at[src_v.at[chunk]], g, sg)
            pltpu.async_copy(utab.at[dst_v.at[chunk]], u, su)

        def drain(b, chunk):
            g, u, sg, su, ss = bufs[b]
            pltpu.make_async_copy(gtab.at[src_v.at[chunk]], g, sg).wait()
            pltpu.make_async_copy(utab.at[dst_v.at[chunk]], u, su).wait()

        def drain_scatter(b, chunk):
            g, u, sg, su, ss = bufs[b]
            pltpu.make_async_copy(g, acc_s.at[dst_v.at[chunk]], ss).wait()

        for b in (0, 1):
            fire(b, b)

        @pl.loop(0, CH, step=4)
        def _chunks(j):
            for b in (0, 1, 2, 3):
                g, u, sg, su, ss = bufs[b]
                drain(b, j + b)

                @plsc.parallel_loop(0, K, unroll=8)
                def _edge(e):
                    t = g[e, pl.ds(F, LANES)]
                    w16 = jnp.exp(_leaky(t + u[e]))
                    g[e, pl.ds(F, LANES)] = w16
                    for q in range(F // LANES):
                        if per_head:
                            idx = lax.shift_right_logical(iot, 3) + (2 * q)
                        else:
                            idx = iot & 0
                        wexp = lax.gather(
                            w16, idx[:, None],
                            lax.GatherDimensionNumbers(
                                offset_dims=(), collapsed_slice_dims=(0,),
                                start_index_map=(0,)),
                            slice_sizes=(1,),
                            mode=lax.GatherScatterMode.PROMISE_IN_BOUNDS)
                        sl = pl.ds(q * LANES, LANES)
                        g[e, sl] = g[e, sl] * wexp

                pltpu.async_copy(g, acc_s.at[dst_v.at[j + b]], ss, add=True)
                bn = (b + 2) % 4
                if b < 2:
                    @pl.when(j > 0)
                    def _wait_prev():
                        drain_scatter(bn, j + b - 2)
                else:
                    drain_scatter(bn, j + b - 2)
                fire(bn, j + b + 2)

        drain(0, CH)
        drain(1, CH + 1)
        drain_scatter(2, CH - 2)
        drain_scatter(3, CH - 1)

        plsc.subcore_barrier()
        pltpu.sync_copy(acc_s.at[pl.ds(s * RPS, RPS)],
                        acc_out.at[c, pl.ds(s * RPS, RPS)])

    return edge_kernel


@functools.lru_cache(maxsize=None)
def _edge_kernel(F, per_head):
    return _make_edge_kernel(F, per_head)


def _tc1_body(x_ref, w1_ref, mt_ref, mu_ref, g_ref, u_ref):
    h = jnp.dot(x_ref[...], w1_ref[...], preferred_element_type=jnp.float32)
    t = jnp.dot(h, mt_ref[...], preferred_element_type=jnp.float32)
    g_ref[...] = jnp.concatenate([h, t], axis=1)
    u_ref[...] = jnp.dot(h, mu_ref[...], preferred_element_type=jnp.float32)


def _tc1(x, W1, M1T, M1U):
    return pl.pallas_call(
        _tc1_body,
        grid=(N // BN,),
        in_specs=[
            pl.BlockSpec((BN, IN_CH), lambda i: (i, 0)),
            pl.BlockSpec((IN_CH, F1), lambda i: (0, 0)),
            pl.BlockSpec((F1, 16), lambda i: (0, 0)),
            pl.BlockSpec((F1, 16), lambda i: (0, 0)),
        ],
        out_specs=[
            pl.BlockSpec((BN, G1), lambda i: (i, 0)),
            pl.BlockSpec((BN, 16), lambda i: (i, 0)),
        ],
        out_shape=[
            jax.ShapeDtypeStruct((N, G1), jnp.float32),
            jax.ShapeDtypeStruct((N, 16), jnp.float32),
        ],
    )(x, W1, M1T, M1U)


def _tc2_body(acc_ref, g1_ref, r_ref, b1_ref, w2_ref, mt_ref, mu_ref,
              g2_ref, u2_ref):
    acc = acc_ref[...]
    g1 = g1_ref[...]
    h1 = g1[:, :F1]
    t1 = g1[:, F1:]
    wself = jnp.exp(_leaky(t1[:, :8] + t1[:, 8:]))
    r = r_ref[...]
    num = acc[0, :, :F1] + acc[1, :, :F1] + h1 * jnp.dot(
        wself, r, preferred_element_type=jnp.float32)
    den8 = acc[0, :, F1:F1 + 8] + acc[1, :, F1:F1 + 8] + wself
    den = jnp.dot(den8, r, preferred_element_type=jnp.float32)
    out1 = num / (den + 1e-16) + b1_ref[...]
    h2 = jnp.where(out1 > 0, out1, jnp.exp(out1) - 1.0)
    hh2 = jnp.dot(h2, w2_ref[...], preferred_element_type=jnp.float32)
    t2 = jnp.dot(hh2, mt_ref[...], preferred_element_type=jnp.float32)
    g2_ref[...] = jnp.concatenate([hh2, t2], axis=1)
    u2_ref[...] = jnp.dot(hh2, mu_ref[...], preferred_element_type=jnp.float32)


def _tc2(acc1, g1, R, b1, W2, M2T, M2U):
    return pl.pallas_call(
        _tc2_body,
        grid=(N // BN,),
        in_specs=[
            pl.BlockSpec((NC, BN, G1), lambda i: (0, i, 0)),
            pl.BlockSpec((BN, G1), lambda i: (i, 0)),
            pl.BlockSpec((HEADS, F1), lambda i: (0, 0)),
            pl.BlockSpec((1, F1), lambda i: (0, 0)),
            pl.BlockSpec((F1, F2), lambda i: (0, 0)),
            pl.BlockSpec((F2, 16), lambda i: (0, 0)),
            pl.BlockSpec((F2, 16), lambda i: (0, 0)),
        ],
        out_specs=[
            pl.BlockSpec((BN, G2), lambda i: (i, 0)),
            pl.BlockSpec((BN, 16), lambda i: (i, 0)),
        ],
        out_shape=[
            jax.ShapeDtypeStruct((N, G2), jnp.float32),
            jax.ShapeDtypeStruct((N, 16), jnp.float32),
        ],
    )(acc1, g1, R, b1, W2, M2T, M2U)


def _tc3_body(acc_ref, g2_ref, b2_ref, o_ref):
    acc = acc_ref[...]
    g2 = g2_ref[...]
    hh2 = g2[:, :F2]
    t2 = g2[:, F2:]
    w2 = jnp.exp(_leaky(t2[:, 0:1] + t2[:, 8:9]))
    num = acc[0, :, :F2] + acc[1, :, :F2] + hh2 * w2
    den = acc[0, :, F2:F2 + 1] + acc[1, :, F2:F2 + 1] + w2
    out = num / (den + 1e-16) + b2_ref[...]
    m = jnp.max(out, axis=1, keepdims=True)
    lse = jnp.log(jnp.sum(jnp.exp(out - m), axis=1, keepdims=True)) + m
    o_ref[...] = out - lse


def _tc3(acc2, g2, b2):
    return pl.pallas_call(
        _tc3_body,
        grid=(N // BN,),
        in_specs=[
            pl.BlockSpec((NC, BN, G2), lambda i: (0, i, 0)),
            pl.BlockSpec((BN, G2), lambda i: (i, 0)),
            pl.BlockSpec((1, F2), lambda i: (0, 0)),
        ],
        out_specs=pl.BlockSpec((BN, F2), lambda i: (i, 0)),
        out_shape=jax.ShapeDtypeStruct((N, F2), jnp.float32),
    )(acc2, g2, b2)


def kernel(x, edge_index, W1, att_src1, att_dst1, b1, W2, att_src2, att_dst2, b2):
    a1s = att_src1.reshape(HEADS, HID)
    a1d = att_dst1.reshape(HEADS, HID)
    eye = jnp.eye(HEADS, dtype=jnp.float32)
    Ms = (eye[:, None, :] * a1s[:, :, None]).reshape(F1, HEADS)
    Md = (eye[:, None, :] * a1d[:, :, None]).reshape(F1, HEADS)
    M1T = jnp.concatenate([Ms, Md], axis=1)
    M1U = jnp.concatenate([Md, Ms], axis=1)
    a2s = att_src2.reshape(F2, 1)
    a2d = att_dst2.reshape(F2, 1)
    M2T = jnp.concatenate([jnp.tile(a2s, (1, 8)), jnp.tile(a2d, (1, 8))], axis=1)
    M2U = jnp.concatenate([jnp.tile(a2d, (1, 8)), jnp.tile(a2s, (1, 8))], axis=1)
    R = jnp.repeat(jnp.eye(HEADS, dtype=jnp.float32), HID, axis=1)

    src = jnp.concatenate(
        [edge_index[0], jnp.zeros((ETAIL - E,), jnp.int32)]
    ).reshape(NW * CH + 2, K)
    dst = jnp.concatenate(
        [edge_index[1], jnp.full((ETAIL - E,), N, jnp.int32)]
    ).reshape(NW * CH + 2, K)

    g1, U1 = _tc1(x, W1, M1T, M1U)
    U1p = jnp.concatenate([U1, jnp.zeros((NPAD - N, 16), jnp.float32)], axis=0)
    acc1 = _edge_kernel(F1, True)(src, dst, g1, U1p)
    g2, U2 = _tc2(acc1, g1, R, b1.reshape(1, F1), W2, M2T, M2U)
    U2p = jnp.concatenate([U2, jnp.zeros((NPAD - N, 16), jnp.float32)], axis=0)
    acc2 = _edge_kernel(F2, False)(src, dst, g2, U2p)
    return _tc3(acc2, g2, b2.reshape(1, F2))

# --- scband reference (transcript-rebuilt; emitter-appended) ---
"""Pipeline reference for scband-gat-6605659701282 (READ-ONLY COPY).

The authoritative reference and input builder live on the scoring server;
editing this copy changes nothing except your own understanding.
"""

import jax, jax.numpy as jnp
import numpy as np

N_NODES = 10000
IN_CH = 128
HID = 8
OUT_CH = 32
HEADS = 8


def glorot(key, shape):
    fan = shape[0] + shape[-1]
    lim = jnp.sqrt(6.0 / fan)
    return jax.random.uniform(key, shape, minval=-lim, maxval=lim, dtype=jnp.float32)


def setup_inputs(seed: int = 0) -> dict:
    key = jax.random.key(seed)
    ks = jax.random.split(key, 12)
    x = jax.random.normal(ks[0], (N_NODES, IN_CH), dtype=jnp.float32)
    edge_index = jax.random.randint(ks[1], (2, 320000), 0, N_NODES, dtype=jnp.int32)
    W1 = glorot(ks[2], (IN_CH, HEADS * HID))
    att_src1 = glorot(ks[3], (1, HEADS, HID))
    att_dst1 = glorot(ks[4], (1, HEADS, HID))
    b1 = jnp.zeros((HEADS * HID,), dtype=jnp.float32)
    W2 = glorot(ks[5], (HEADS * HID, 1 * OUT_CH))
    att_src2 = glorot(ks[6], (1, 1, OUT_CH))
    att_dst2 = glorot(ks[7], (1, 1, OUT_CH))
    b2 = jnp.zeros((OUT_CH,), dtype=jnp.float32)
    return {"x": x, "edge_index": edge_index, "W1": W1, "att_src1": att_src1,
            "att_dst1": att_dst1, "b1": b1, "W2": W2, "att_src2": att_src2,
            "att_dst2": att_dst2, "b2": b2}


def gat_conv(x, edge_index, W, a_src, a_dst, b, heads, C, concat, N):
    src, dst = edge_index[0], edge_index[1]
    h = (x @ W).reshape(N, heads, C)
    alpha_src = (h * a_src).sum(-1)  # [N, H]
    alpha_dst = (h * a_dst).sum(-1)  # [N, H]
    e = alpha_src[src] + alpha_dst[dst]  # [E, H]
    e = jax.nn.leaky_relu(e, 0.2)
    m = jax.ops.segment_max(e, dst, num_segments=N)
    e = jnp.exp(e - m[dst])
    s = jax.ops.segment_sum(e, dst, num_segments=N)
    alpha = e / (s[dst] + 1e-16)
    msg = h[src] * alpha[:, :, None]  # [E, H, C]
    out = jax.ops.segment_sum(msg, dst, num_segments=N)
    if concat:
        out = out.reshape(N, heads * C)
    else:
        out = out.mean(axis=1)
    return out + b


def reference(x, edge_index, W1, att_src1, att_dst1, b1, W2, att_src2, att_dst2, b2):
    N = x.shape[0]
    # add self loops (PyG GATConv default add_self_loops=True)
    loop = jnp.arange(N, dtype=edge_index.dtype)
    ei = jnp.concatenate([edge_index, jnp.stack([loop, loop])], axis=1)
    # eval mode: dropout is identity
    h = gat_conv(x, ei, W1, att_src1, att_dst1, b1, HEADS, HID, True, N)
    h = jax.nn.elu(h)
    out = gat_conv(h, ei, W2, att_src2, att_dst2, b2, 1, OUT_CH, False, N)
    return jax.nn.log_softmax(out, axis=1)

if __name__ == "__main__":
    import jax
    _d = setup_inputs()
    print(jax.jit(kernel)(*tuple(_d.values())))

</pallas_src>

<mosaic_0001>
#map = affine_map<(d0, d1) -> (0, 0)>
#map1 = affine_map<(d0, d1) -> (0, 0, 0)>
module attributes {stable_mosaic.version = 14 : i64} {
  func.func @edge_kernel(%arg0: i32, %arg1: i32, %arg2: memref<2562x128xi32, #tpu.memory_space<hbm>>, %arg3: memref<2562x128xi32, #tpu.memory_space<hbm>>, %arg4: memref<10000x48xf32, #tpu.memory_space<hbm>>, %arg5: memref<10112x16xf32, #tpu.memory_space<hbm>>, %arg6: memref<2x10112x48xf32, #tpu.memory_space<hbm>>, %arg7: memref<82x128xi32, #tpu.memory_space<vmem>>, %arg8: memref<82x128xi32, #tpu.memory_space<vmem>>, %arg9: memref<128x48xf32, #tpu.memory_space<vmem>>, %arg10: memref<128x48xf32, #tpu.memory_space<vmem>>, %arg11: memref<128x48xf32, #tpu.memory_space<vmem>>, %arg12: memref<128x48xf32, #tpu.memory_space<vmem>>, %arg13: memref<128x16xf32, #tpu.memory_space<vmem>>, %arg14: memref<128x16xf32, #tpu.memory_space<vmem>>, %arg15: memref<128x16xf32, #tpu.memory_space<vmem>>, %arg16: memref<128x16xf32, #tpu.memory_space<vmem>>, %arg17: memref<10112x48xf32, #tpu.memory_space<vmem_shared>>, %arg18: memref<!tpu.dma_semaphore, #tpu.memory_space<semaphore_mem>>, %arg19: memref<!tpu.dma_semaphore, #tpu.memory_space<semaphore_mem>>, %arg20: memref<!tpu.dma_semaphore, #tpu.memory_space<semaphore_mem>>, %arg21: memref<!tpu.dma_semaphore, #tpu.memory_space<semaphore_mem>>, %arg22: memref<!tpu.dma_semaphore, #tpu.memory_space<semaphore_mem>>, %arg23: memref<!tpu.dma_semaphore, #tpu.memory_space<semaphore_mem>>, %arg24: memref<!tpu.dma_semaphore, #tpu.memory_space<semaphore_mem>>, %arg25: memref<!tpu.dma_semaphore, #tpu.memory_space<semaphore_mem>>, %arg26: memref<!tpu.dma_semaphore, #tpu.memory_space<semaphore_mem>>, %arg27: memref<!tpu.dma_semaphore, #tpu.memory_space<semaphore_mem>>, %arg28: memref<!tpu.dma_semaphore, #tpu.memory_space<semaphore_mem>>, %arg29: memref<!tpu.dma_semaphore, #tpu.memory_space<semaphore_mem>>) attributes {dimension_semantics = [#tpu.dimension_semantics<core_parallel>, #tpu.dimension_semantics<subcore_parallel>], iteration_bounds = array<i64: 2, 16>, scalar_prefetch = 0 : i64, scratch_operands = 23 : i64, tpu.core_type = #tpu.core_type<sc_vector_subcore>, window_params = [{transform_indices = #map}, {transform_indices = #map}, {transform_indices = #map}, {transform_indices = #map}, {transform_indices = #map1}]} {
    %mul3A = arith.constant 2 : i32
    %mul3A_0 = arith.muli %arg1, %mul3A : i32
    %add3A = arith.addi %mul3A_0, %arg0 : i32
    %broadcast_in_dim3A = arith.constant 0.000000e+00 : f32
    %broadcast_in_dim3A_1 = vector.broadcast %broadcast_in_dim3A : f32 to vector<16xf32>
    %iota3A = tpu.iota {dimensions = array<i32: 0>} : vector<16xi32>
    %mul3A_2 = arith.constant 80 : i32
    %mul3A_3 = arith.muli %add3A, %mul3A_2 : i32
    "tpu.region"() ({
      %run_scoped3A = tpu.sem_alloc : memref<!tpu.dma_semaphore, #tpu.memory_space<semaphore_mem>>
      %dma_start3A_105 = arith.constant 0 : i32
      %dma_start3A_106 = tpu.memref_slice %arg2[%mul3A_3, %dma_start3A_105] : memref<2562x128xi32, #tpu.memory_space<hbm>> -> memref<82x128xi32, #tpu.memory_space<hbm>>
      %dma_start3A_107 = arith.constant 0 : i32
      %dma_start3A_108 = tpu.memref_slice %arg2[%mul3A_3, %dma_start3A_107] : memref<2562x128xi32, #tpu.memory_space<hbm>> -> memref<82x128xi32, #tpu.memory_space<hbm>>
      tpu.enqueue_dma source(%dma_start3A_108 : memref<82x128xi32, #tpu.memory_space<hbm>>) target(%arg7 : memref<82x128xi32, #tpu.memory_space<vmem>>) target_semaphore(%run_scoped3A : memref<!tpu.dma_semaphore, #tpu.memory_space<semaphore_mem>>)
      %dma_wait3A_109 = arith.constant 0 : i32
      %dma_wait3A_110 = tpu.memref_slice %arg2[%mul3A_3, %dma_wait3A_109] : memref<2562x128xi32, #tpu.memory_space<hbm>> -> memref<82x128xi32, #tpu.memory_space<hbm>>
      %dma_wait3A_111 = arith.constant 0 : i32
      %dma_wait3A_112 = tpu.memref_slice %arg2[%mul3A_3, %dma_wait3A_111] : memref<2562x128xi32, #tpu.memory_space<hbm>> -> memref<82x128xi32, #tpu.memory_space<hbm>>
      tpu.wait_dma2 semaphore(%run_scoped3A : memref<!tpu.dma_semaphore, #tpu.memory_space<semaphore_mem>>) src(%dma_wait3A_112 : memref<82x128xi32, #tpu.memory_space<hbm>>) dst(%arg7 : memref<82x128xi32, #tpu.memory_space<vmem>>)
      tpu.yield
    }) : () -> ()
    %mul3A_4 = arith.constant 80 : i32
    %mul3A_5 = arith.muli %add3A, %mul3A_4 : i32
    "tpu.region"() ({
      %run_scoped3A = tpu.sem_alloc : memref<!tpu.dma_semaphore, #tpu.memory_space<semaphore_mem>>
      %dma_start3A_105 = arith.constant 0 : i32
      %dma_start3A_106 = tpu.memref_slice %arg3[%mul3A_5, %dma_start3A_105] : memref<2562x128xi32, #tpu.memory_space<hbm>> -> memref<82x128xi32, #tpu.memory_space<hbm>>
      %dma_start3A_107 = arith.constant 0 : i32
      %dma_start3A_108 = tpu.memref_slice %arg3[%mul3A_5, %dma_start3A_107] : memref<2562x128xi32, #tpu.memory_space<hbm>> -> memref<82x128xi32, #tpu.memory_space<hbm>>
      tpu.enqueue_dma source(%dma_start3A_108 : memref<82x128xi32, #tpu.memory_space<hbm>>) target(%arg8 : memref<82x128xi32, #tpu.memory_space<vmem>>) target_semaphore(%run_scoped3A : memref<!tpu.dma_semaphore, #tpu.memory_space<semaphore_mem>>)
      %dma_wait3A_109 = arith.constant 0 : i32
      %dma_wait3A_110 = tpu.memref_slice %arg3[%mul3A_5, %dma_wait3A_109] : memref<2562x128xi32, #tpu.memory_space<hbm>> -> memref<82x128xi32, #tpu.memory_space<hbm>>
      %dma_wait3A_111 = arith.constant 0 : i32
      %dma_wait3A_112 = tpu.memref_slice %arg3[%mul3A_5, %dma_wait3A_111] : memref<2562x128xi32, #tpu.memory_space<hbm>> -> memref<82x128xi32, #tpu.memory_space<hbm>>
      tpu.wait_dma2 semaphore(%run_scoped3A : memref<!tpu.dma_semaphore, #tpu.memory_space<semaphore_mem>>) src(%dma_wait3A_112 : memref<82x128xi32, #tpu.memory_space<hbm>>) dst(%arg8 : memref<82x128xi32, #tpu.memory_space<vmem>>)
      tpu.yield
    }) : () -> ()
    %parallel_loop3A = arith.constant 0 : i32
    %parallel_loop3A_6 = arith.constant 384 : i32
    %parallel_loop3A_7 = arith.constant 1 : i32
    scf.for %parallel_loop3A_105 = %parallel_loop3A to %parallel_loop3A_6 step %parallel_loop3A_7  : i32 {
      %parallel_loop3A_106 = arith.constant 3 : i32
      %parallel_loop3A_107 = arith.divsi %parallel_loop3A_105, %parallel_loop3A_106 : i32
      %parallel_loop3A_108 = arith.constant 0 : i32
      %parallel_loop3A_109 = arith.cmpi sgt, %parallel_loop3A_105, %parallel_loop3A_108 : i32
      %parallel_loop3A_110 = arith.extui %parallel_loop3A_109 : i1 to i32
      %parallel_loop3A_111 = arith.constant 0 : i32
      %parallel_loop3A_112 = arith.cmpi slt, %parallel_loop3A_105, %parallel_loop3A_111 : i32
      %parallel_loop3A_113 = arith.extui %parallel_loop3A_112 : i1 to i32
      %parallel_loop3A_114 = arith.subi %parallel_loop3A_110, %parallel_loop3A_113 : i32
      %parallel_loop3A_115 = arith.constant 0 : i32
      %parallel_loop3A_116 = arith.cmpi sgt, %parallel_loop3A_106, %parallel_loop3A_115 : i32
      %parallel_loop3A_117 = arith.extui %parallel_loop3A_116 : i1 to i32
      %parallel_loop3A_118 = arith.constant 0 : i32
      %parallel_loop3A_119 = arith.cmpi slt, %parallel_loop3A_106, %parallel_loop3A_118 : i32
      %parallel_loop3A_120 = arith.extui %parallel_loop3A_119 : i1 to i32
      %parallel_loop3A_121 = arith.subi %parallel_loop3A_117, %parallel_loop3A_120 : i32
      %parallel_loop3A_122 = arith.cmpi ne, %parallel_loop3A_114, %parallel_loop3A_121 : i32
      %parallel_loop3A_123 = arith.remsi %parallel_loop3A_105, %parallel_loop3A_106 : i32
      %parallel_loop3A_124 = arith.constant 0 : i32
      %parallel_loop3A_125 = arith.cmpi ne, %parallel_loop3A_123, %parallel_loop3A_124 : i32
      %parallel_loop3A_126 = arith.andi %parallel_loop3A_122, %parallel_loop3A_125 : i1
      %parallel_loop3A_127 = arith.constant 1 : i32
      %parallel_loop3A_128 = arith.subi %parallel_loop3A_107, %parallel_loop3A_127 : i32
      %parallel_loop3A_129 = arith.select %parallel_loop3A_126, %parallel_loop3A_128, %parallel_loop3A_107 : i32
      %parallel_loop3A_130 = arith.constant 3 : i32
      %parallel_loop3A_131 = arith.constant 0 : i32
      %parallel_loop3A_132 = arith.cmpi eq, %parallel_loop3A_130, %parallel_loop3A_131 : i32
      %parallel_loop3A_133 = arith.constant 1 : i32
      %parallel_loop3A_134 = arith.select %parallel_loop3A_132, %parallel_loop3A_133, %parallel_loop3A_130 : i32
      %parallel_loop3A_135 = arith.remsi %parallel_loop3A_105, %parallel_loop3A_134 : i32
      %parallel_loop3A_136 = arith.constant 0 : i32
      %parallel_loop3A_137 = arith.cmpi ne, %parallel_loop3A_135, %parallel_loop3A_136 : i32
      %parallel_loop3A_138 = arith.constant 0 : i32
      %parallel_loop3A_139 = arith.cmpi slt, %parallel_loop3A_135, %parallel_loop3A_138 : i32
      %parallel_loop3A_140 = arith.constant 0 : i32
      %parallel_loop3A_141 = arith.cmpi slt, %parallel_loop3A_134, %parallel_loop3A_140 : i32
      %parallel_loop3A_142 = arith.xori %parallel_loop3A_139, %parallel_loop3A_141 : i1
      %parallel_loop3A_143 = arith.andi %parallel_loop3A_142, %parallel_loop3A_137 : i1
      %parallel_loop3A_144 = arith.addi %parallel_loop3A_135, %parallel_loop3A_134 : i32
      %parallel_loop3A_145 = arith.select %parallel_loop3A_143, %parallel_loop3A_144, %parallel_loop3A_135 : i32
      %parallel_loop3A_146 = arith.constant 16 : i32
      %parallel_loop3A_147 = arith.muli %parallel_loop3A_145, %parallel_loop3A_146 : i32
      %parallel_loop3A_148 = arith.index_cast %parallel_loop3A_129 : i32 to index
      %parallel_loop3A_149 = arith.index_cast %parallel_loop3A_147 : i32 to index
      %parallel_loop3A_150 = tpu.vector_load %arg9[%parallel_loop3A_148, %parallel_loop3A_149] {strides = array<i32>} : memref<128x48xf32, #tpu.memory_space<vmem>>, vector<1x16xf32>,
      %parallel_loop3A_151 = vector.shape_cast %parallel_loop3A_150 : vector<1x16xf32> to vector<16xf32>
      %parallel_loop3A_152 = vector.shape_cast %broadcast_in_dim3A_1 : vector<16xf32> to vector<1x16xf32>
      tpu.vector_store %arg9[%parallel_loop3A_148, %parallel_loop3A_149], %parallel_loop3A_152 {strides = array<i32>} : memref<128x48xf32, #tpu.memory_space<vmem>>, vector<1x16xf32>,
    } {sc.loop_unroll_factor = 4 : i64, sc.parallel_access}
    %mul3A_8 = arith.constant 632 : i32
    %mul3A_9 = arith.muli %arg1, %mul3A_8 : i32
    %add3A_10 = arith.constant 0 : i32
    %add3A_11 = arith.addi %mul3A_9, %add3A_10 : i32
    "tpu.region"() ({
      %run_scoped3A = tpu.sem_alloc : memref<!tpu.dma_semaphore, #tpu.memory_space<semaphore_mem>>
      %dma_start3A_105 = arith.constant 0 : i32
      %dma_start3A_106 = arith.constant 0 : i32
      %dma_start3A_107 = tpu.memref_slice %arg9[%dma_start3A_105, %dma_start3A_106] : memref<128x48xf32, #tpu.memory_space<vmem>> -> memref<128x48xf32, #tpu.memory_space<vmem>>
      %dma_start3A_108 = arith.constant 0 : i32
      %dma_start3A_109 = tpu.memref_slice %arg17[%add3A_11, %dma_start3A_108] : memref<10112x48xf32, #tpu.memory_space<vmem_shared>> -> memref<128x48xf32, #tpu.memory_space<vmem_shared>>
      %dma_start3A_110 = arith.constant 0 : i32
      %dma_start3A_111 = tpu.memref_slice %arg17[%add3A_11, %dma_start3A_110] : memref<10112x48xf32, #tpu.memory_space<vmem_shared>> -> memref<128x48xf32, #tpu.memory_space<vmem_shared>>
      %dma_start3A_112 = arith.constant 0 : i32
      %dma_start3A_113 = arith.constant 0 : i32
      %dma_start3A_114 = tpu.memref_slice %arg9[%dma_start3A_112, %dma_start3A_113] : memref<128x48xf32, #tpu.memory_space<vmem>> -> memref<128x48xf32, #tpu.memory_space<vmem>>
      tpu.enqueue_dma source(%dma_start3A_114 : memref<128x48xf32, #tpu.memory_space<vmem>>) target(%dma_start3A_111 : memref<128x48xf32, #tpu.memory_space<vmem_shared>>) target_semaphore(%run_scoped3A : memref<!tpu.dma_semaphore, #tpu.memory_space<semaphore_mem>>)
      %dma_wait3A_115 = arith.constant 0 : i32
      %dma_wait3A_116 = arith.constant 0 : i32
      %dma_wait3A_117 = tpu.memref_slice %arg9[%dma_wait3A_115, %dma_wait3A_116] : memref<128x48xf32, #tpu.memory_space<vmem>> -> memref<128x48xf32, #tpu.memory_space<vmem>>
      %dma_wait3A_118 = arith.constant 0 : i32
      %dma_wait3A_119 = tpu.memref_slice %arg17[%add3A_11, %dma_wait3A_118] : memref<10112x48xf32, #tpu.memory_space<vmem_shared>> -> memref<128x48xf32, #tpu.memory_space<vmem_shared>>
      %dma_wait3A_120 = arith.constant 0 : i32
      %dma_wait3A_121 = tpu.memref_slice %arg17[%add3A_11, %dma_wait3A_120] : memref<10112x48xf32, #tpu.memory_space<vmem_shared>> -> memref<128x48xf32, #tpu.memory_space<vmem_shared>>
      %dma_wait3A_122 = arith.constant 0 : i32
      %dma_wait3A_123 = arith.constant 0 : i32
      %dma_wait3A_124 = tpu.memref_slice %arg9[%dma_wait3A_122, %dma_wait3A_123] : memref<128x48xf32, #tpu.memory_space<vmem>> -> memref<128x48xf32, #tpu.memory_space<vmem>>
      tpu.wait_dma2 semaphore(%run_scoped3A : memref<!tpu.dma_semaphore, #tpu.memory_space<semaphore_mem>>) src(%dma_wait3A_124 : memref<128x48xf32, #tpu.memory_space<vmem>>) dst(%dma_wait3A_121 : memref<128x48xf32, #tpu.memory_space<vmem_shared>>)
      tpu.yield
    }) : () -> ()
    %mul3A_12 = arith.constant 632 : i32
    %mul3A_13 = arith.muli %arg1, %mul3A_12 : i32
    %add3A_14 = arith.constant 128 : i32
    %add3A_15 = arith.addi %mul3A_13, %add3A_14 : i32
    "tpu.region"() ({
      %run_scoped3A = tpu.sem_alloc : memref<!tpu.dma_semaphore, #tpu.memory_space<semaphore_mem>>
      %dma_start3A_105 = arith.constant 0 : i32
      %dma_start3A_106 = arith.constant 0 : i32
      %dma_start3A_107 = tpu.memref_slice %arg9[%dma_start3A_105, %dma_start3A_106] : memref<128x48xf32, #tpu.memory_space<vmem>> -> memref<128x48xf32, #tpu.memory_space<vmem>>
      %dma_start3A_108 = arith.constant 0 : i32
      %dma_start3A_109 = tpu.memref_slice %arg17[%add3A_15, %dma_start3A_108] : memref<10112x48xf32, #tpu.memory_space<vmem_shared>> -> memref<128x48xf32, #tpu.memory_space<vmem_shared>>
      %dma_start3A_110 = arith.constant 0 : i32
      %dma_start3A_111 = tpu.memref_slice %arg17[%add3A_15, %dma_start3A_110] : memref<10112x48xf32, #tpu.memory_space<vmem_shared>> -> memref<128x48xf32, #tpu.memory_space<vmem_shared>>
      %dma_start3A_112 = arith.constant 0 : i32
      %dma_start3A_113 = arith.constant 0 : i32
      %dma_start3A_114 = tpu.memref_slice %arg9[%dma_start3A_112, %dma_start3A_113] : memref<128x48xf32, #tpu.memory_space<vmem>> -> memref<128x48xf32, #tpu.memory_space<vmem>>
      tpu.enqueue_dma source(%dma_start3A_114 : memref<128x48xf32, #tpu.memory_space<vmem>>) target(%dma_start3A_111 : memref<128x48xf32, #tpu.memory_space<vmem_shared>>) target_semaphore(%run_scoped3A : memref<!tpu.dma_semaphore, #tpu.memory_space<semaphore_mem>>)
      %dma_wait3A_115 = arith.constant 0 : i32
      %dma_wait3A_116 = arith.constant 0 : i32
      %dma_wait3A_117 = tpu.memref_slice %arg9[%dma_wait3A_115, %dma_wait3A_116] : memref<128x48xf32, #tpu.memory_space<vmem>> -> memref<128x48xf32, #tpu.memory_space<vmem>>
      %dma_wait3A_118 = arith.constant 0 : i32
      %dma_wait3A_119 = tpu.memref_slice %arg17[%add3A_15, %dma_wait3A_118] : memref<10112x48xf32, #tpu.memory_space<vmem_shared>> -> memref<128x48xf32, #tpu.memory_space<vmem_shared>>
      %dma_wait3A_120 = arith.constant 0 : i32
      %dma_wait3A_121 = tpu.memref_slice %arg17[%add3A_15, %dma_wait3A_120] : memref<10112x48xf32, #tpu.memory_space<vmem_shared>> -> memref<128x48xf32, #tpu.memory_space<vmem_shared>>
      %dma_wait3A_122 = arith.constant 0 : i32
      %dma_wait3A_123 = arith.constant 0 : i32
      %dma_wait3A_124 = tpu.memref_slice %arg9[%dma_wait3A_122, %dma_wait3A_123] : memref<128x48xf32, #tpu.memory_space<vmem>> -> memref<128x48xf32, #tpu.memory_space<vmem>>
      tpu.wait_dma2 semaphore(%run_scoped3A : memref<!tpu.dma_semaphore, #tpu.memory_space<semaphore_mem>>) src(%dma_wait3A_124 : memref<128x48xf32, #tpu.memory_space<vmem>>) dst(%dma_wait3A_121 : memref<128x48xf32, #tpu.memory_space<vmem_shared>>)
      tpu.yield
    }) : () -> ()
    %mul3A_16 = arith.constant 632 : i32
    %mul3A_17 = arith.muli %arg1, %mul3A_16 : i32
    %add3A_18 = arith.constant 256 : i32
    %add3A_19 = arith.addi %mul3A_17, %add3A_18 : i32
    "tpu.region"() ({
      %run_scoped3A = tpu.sem_alloc : memref<!tpu.dma_semaphore, #tpu.memory_space<semaphore_mem>>
      %dma_start3A_105 = arith.constant 0 : i32
      %dma_start3A_106 = arith.constant 0 : i32
      %dma_start3A_107 = tpu.memref_slice %arg9[%dma_start3A_105, %dma_start3A_106] : memref<128x48xf32, #tpu.memory_space<vmem>> -> memref<128x48xf32, #tpu.memory_space<vmem>>
      %dma_start3A_108 = arith.constant 0 : i32
      %dma_start3A_109 = tpu.memref_slice %arg17[%add3A_19, %dma_start3A_108] : memref<10112x48xf32, #tpu.memory_space<vmem_shared>> -> memref<128x48xf32, #tpu.memory_space<vmem_shared>>
      %dma_start3A_110 = arith.constant 0 : i32
      %dma_start3A_111 = tpu.memref_slice %arg17[%add3A_19, %dma_start3A_110] : memref<10112x48xf32, #tpu.memory_space<vmem_shared>> -> memref<128x48xf32, #tpu.memory_space<vmem_shared>>
      %dma_start3A_112 = arith.constant 0 : i32
      %dma_start3A_113 = arith.constant 0 : i32
      %dma_start3A_114 = tpu.memref_slice %arg9[%dma_start3A_112, %dma_start3A_113] : memref<128x48xf32, #tpu.memory_space<vmem>> -> memref<128x48xf32, #tpu.memory_space<vmem>>
      tpu.enqueue_dma source(%dma_start3A_114 : memref<128x48xf32, #tpu.memory_space<vmem>>) target(%dma_start3A_111 : memref<128x48xf32, #tpu.memory_space<vmem_shared>>) target_semaphore(%run_scoped3A : memref<!tpu.dma_semaphore, #tpu.memory_space<semaphore_mem>>)
      %dma_wait3A_115 = arith.constant 0 : i32
      %dma_wait3A_116 = arith.constant 0 : i32
      %dma_wait3A_117 = tpu.memref_slice %arg9[%dma_wait3A_115, %dma_wait3A_116] : memref<128x48xf32, #tpu.memory_space<vmem>> -> memref<128x48xf32, #tpu.memory_space<vmem>>
      %dma_wait3A_118 = arith.constant 0 : i32
      %dma_wait3A_119 = tpu.memref_slice %arg17[%add3A_19, %dma_wait3A_118] : memref<10112x48xf32, #tpu.memory_space<vmem_shared>> -> memref<128x48xf32, #tpu.memory_space<vmem_shared>>
      %dma_wait3A_120 = arith.constant 0 : i32
      %dma_wait3A_121 = tpu.memref_slice %arg17[%add3A_19, %dma_wait3A_120] : memref<10112x48xf32, #tpu.memory_space<vmem_shared>> -> memref<128x48xf32, #tpu.memory_space<vmem_shared>>
      %dma_wait3A_122 = arith.constant 0 : i32
      %dma_wait3A_123 = arith.constant 0 : i32
      %dma_wait3A_124 = tpu.memref_slice %arg9[%dma_wait3A_122, %dma_wait3A_123] : memref<128x48xf32, #tpu.memory_space<vmem>> -> memref<128x48xf32, #tpu.memory_space<vmem>>
      tpu.wait_dma2 semaphore(%run_scoped3A : memref<!tpu.dma_semaphore, #tpu.memory_space<semaphore_mem>>) src(%dma_wait3A_124 : memref<128x48xf32, #tpu.memory_space<vmem>>) dst(%dma_wait3A_121 : memref<128x48xf32, #tpu.memory_space<vmem_shared>>)
      tpu.yield
    }) : () -> ()
    %mul3A_20 = arith.constant 632 : i32
    %mul3A_21 = arith.muli %arg1, %mul3A_20 : i32
    %add3A_22 = arith.constant 384 : i32
    %add3A_23 = arith.addi %mul3A_21, %add3A_22 : i32
    "tpu.region"() ({
      %run_scoped3A = tpu.sem_alloc : memref<!tpu.dma_semaphore, #tpu.memory_space<semaphore_mem>>
      %dma_start3A_105 = arith.constant 0 : i32
      %dma_start3A_106 = arith.constant 0 : i32
      %dma_start3A_107 = tpu.memref_slice %arg9[%dma_start3A_105, %dma_start3A_106] : memref<128x48xf32, #tpu.memory_space<vmem>> -> memref<128x48xf32, #tpu.memory_space<vmem>>
      %dma_start3A_108 = arith.constant 0 : i32
      %dma_start3A_109 = tpu.memref_slice %arg17[%add3A_23, %dma_start3A_108] : memref<10112x48xf32, #tpu.memory_space<vmem_shared>> -> memref<128x48xf32, #tpu.memory_space<vmem_shared>>
      %dma_start3A_110 = arith.constant 0 : i32
      %dma_start3A_111 = tpu.memref_slice %arg17[%add3A_23, %dma_start3A_110] : memref<10112x48xf32, #tpu.memory_space<vmem_shared>> -> memref<128x48xf32, #tpu.memory_space<vmem_shared>>
      %dma_start3A_112 = arith.constant 0 : i32
      %dma_start3A_113 = arith.constant 0 : i32
      %dma_start3A_114 = tpu.memref_slice %arg9[%dma_start3A_112, %dma_start3A_113] : memref<128x48xf32, #tpu.memory_space<vmem>> -> memref<128x48xf32, #tpu.memory_space<vmem>>
      tpu.enqueue_dma source(%dma_start3A_114 : memref<128x48xf32, #tpu.memory_space<vmem>>) target(%dma_start3A_111 : memref<128x48xf32, #tpu.memory_space<vmem_shared>>) target_semaphore(%run_scoped3A : memref<!tpu.dma_semaphore, #tpu.memory_space<semaphore_mem>>)
      %dma_wait3A_115 = arith.constant 0 : i32
      %dma_wait3A_116 = arith.constant 0 : i32
      %dma_wait3A_117 = tpu.memref_slice %arg9[%dma_wait3A_115, %dma_wait3A_116] : memref<128x48xf32, #tpu.memory_space<vmem>> -> memref<128x48xf32, #tpu.memory_space<vmem>>
      %dma_wait3A_118 = arith.constant 0 : i32
      %dma_wait3A_119 = tpu.memref_slice %arg17[%add3A_23, %dma_wait3A_118] : memref<10112x48xf32, #tpu.memory_space<vmem_shared>> -> memref<128x48xf32, #tpu.memory_space<vmem_shared>>
      %dma_wait3A_120 = arith.constant 0 : i32
      %dma_wait3A_121 = tpu.memref_slice %arg17[%add3A_23, %dma_wait3A_120] : memref<10112x48xf32, #tpu.memory_space<vmem_shared>> -> memref<128x48xf32, #tpu.memory_space<vmem_shared>>
      %dma_wait3A_122 = arith.constant 0 : i32
      %dma_wait3A_123 = arith.constant 0 : i32
      %dma_wait3A_124 = tpu.memref_slice %arg9[%dma_wait3A_122, %dma_wait3A_123] : memref<128x48xf32, #tpu.memory_space<vmem>> -> memref<128x48xf32, #tpu.memory_space<vmem>>
      tpu.wait_dma2 semaphore(%run_scoped3A : memref<!tpu.dma_semaphore, #tpu.memory_space<semaphore_mem>>) src(%dma_wait3A_124 : memref<128x48xf32, #tpu.memory_space<vmem>>) dst(%dma_wait3A_121 : memref<128x48xf32, #tpu.memory_space<vmem_shared>>)
      tpu.yield
    }) : () -> ()
    %mul3A_24 = arith.constant 632 : i32
    %mul3A_25 = arith.muli %arg1, %mul3A_24 : i32
    %add3A_26 = arith.constant 512 : i32
    %add3A_27 = arith.addi %mul3A_25, %add3A_26 : i32
    "tpu.region"() ({
      %run_scoped3A = tpu.sem_alloc : memref<!tpu.dma_semaphore, #tpu.memory_space<semaphore_mem>>
      %dma_start3A_105 = arith.constant 0 : i32
      %dma_start3A_106 = arith.constant 0 : i32
      %dma_start3A_107 = tpu.memref_slice %arg9[%dma_start3A_105, %dma_start3A_106] : memref<128x48xf32, #tpu.memory_space<vmem>> -> memref<120x48xf32, #tpu.memory_space<vmem>>
      %dma_start3A_108 = arith.constant 0 : i32
      %dma_start3A_109 = tpu.memref_slice %arg17[%add3A_27, %dma_start3A_108] : memref<10112x48xf32, #tpu.memory_space<vmem_shared>> -> memref<120x48xf32, #tpu.memory_space<vmem_shared>>
      %dma_start3A_110 = arith.constant 0 : i32
      %dma_start3A_111 = tpu.memref_slice %arg17[%add3A_27, %dma_start3A_110] : memref<10112x48xf32, #tpu.memory_space<vmem_shared>> -> memref<120x48xf32, #tpu.memory_space<vmem_shared>>
      %dma_start3A_112 = arith.constant 0 : i32
      %dma_start3A_113 = arith.constant 0 : i32
      %dma_start3A_114 = tpu.memref_slice %arg9[%dma_start3A_112, %dma_start3A_113] : memref<128x48xf32, #tpu.memory_space<vmem>> -> memref<120x48xf32, #tpu.memory_space<vmem>>
      tpu.enqueue_dma source(%dma_start3A_114 : memref<120x48xf32, #tpu.memory_space<vmem>>) target(%dma_start3A_111 : memref<120x48xf32, #tpu.memory_space<vmem_shared>>) target_semaphore(%run_scoped3A : memref<!tpu.dma_semaphore, #tpu.memory_space<semaphore_mem>>)
      %dma_wait3A_115 = arith.constant 0 : i32
      %dma_wait3A_116 = arith.constant 0 : i32
      %dma_wait3A_117 = tpu.memref_slice %arg9[%dma_wait3A_115, %dma_wait3A_116] : memref<128x48xf32, #tpu.memory_space<vmem>> -> memref<120x48xf32, #tpu.memory_space<vmem>>
      %dma_wait3A_118 = arith.constant 0 : i32
      %dma_wait3A_119 = tpu.memref_slice %arg17[%add3A_27, %dma_wait3A_118] : memref<10112x48xf32, #tpu.memory_space<vmem_shared>> -> memref<120x48xf32, #tpu.memory_space<vmem_shared>>
      %dma_wait3A_120 = arith.constant 0 : i32
      %dma_wait3A_121 = tpu.memref_slice %arg17[%add3A_27, %dma_wait3A_120] : memref<10112x48xf32, #tpu.memory_space<vmem_shared>> -> memref<120x48xf32, #tpu.memory_space<vmem_shared>>
      %dma_wait3A_122 = arith.constant 0 : i32
      %dma_wait3A_123 = arith.constant 0 : i32
      %dma_wait3A_124 = tpu.memref_slice %arg9[%dma_wait3A_122, %dma_wait3A_123] : memref<128x48xf32, #tpu.memory_space<vmem>> -> memref<120x48xf32, #tpu.memory_space<vmem>>
      tpu.wait_dma2 semaphore(%run_scoped3A : memref<!tpu.dma_semaphore, #tpu.memory_space<semaphore_mem>>) src(%dma_wait3A_124 : memref<120x48xf32, #tpu.memory_space<vmem>>) dst(%dma_wait3A_121 : memref<120x48xf32, #tpu.memory_space<vmem_shared>>)
      tpu.yield
    }) : () -> ()
    %barrier3A = arith.constant 0 : index
    tpu.barrier barrier_id(%barrier3A)
    %dma_start3A = arith.constant 0 : i32
    %dma_start3A_28 = arith.constant 0 : i32
    %dma_start3A_29 = tpu.memref_slice %arg7[%dma_start3A, %dma_start3A_28] : memref<82x128xi32, #tpu.memory_space<vmem>> -> memref<1x128xi32, #tpu.memory_space<vmem>>
    %dma_start3A_30 = tpu.memref_squeeze %dma_start3A_29 : memref<1x128xi32, #tpu.memory_space<vmem>> -> memref<128xi32, #tpu.memory_space<vmem>>
    %dma_start3A_31 = arith.constant 0 : i32
    %dma_start3A_32 = arith.constant 0 : i32
    %dma_start3A_33 = tpu.memref_slice %arg4[%dma_start3A_31, %dma_start3A_32] : memref<10000x48xf32, #tpu.memory_space<hbm>> -> memref<10000x48xf32, #tpu.memory_space<hbm>>
    tpu.enqueue_indirect_dma source(%dma_start3A_33 : memref<10000x48xf32, #tpu.memory_space<hbm>>) target(%arg9 : memref<128x48xf32, #tpu.memory_space<vmem>>) offsets(%dma_start3A_30 : memref<128xi32, #tpu.memory_space<vmem>>) semaphore(%arg18 : memref<!tpu.dma_semaphore, #tpu.memory_space<semaphore_mem>>)
    %dma_start3A_34 = arith.constant 0 : i32
    %dma_start3A_35 = arith.constant 0 : i32
    %dma_start3A_36 = tpu.memref_slice %arg8[%dma_start3A_34, %dma_start3A_35] : memref<82x128xi32, #tpu.memory_space<vmem>> -> memref<1x128xi32, #tpu.memory_space<vmem>>
    %dma_start3A_37 = tpu.memref_squeeze %dma_start3A_36 : memref<1x128xi32, #tpu.memory_space<vmem>> -> memref<128xi32, #tpu.memory_space<vmem>>
    %dma_start3A_38 = arith.constant 0 : i32
    %dma_start3A_39 = arith.constant 0 : i32
    %dma_start3A_40 = tpu.memref_slice %arg5[%dma_start3A_38, %dma_start3A_39] : memref<10112x16xf32, #tpu.memory_space<hbm>> -> memref<10112x16xf32, #tpu.memory_space<hbm>>
    tpu.enqueue_indirect_dma source(%dma_start3A_40 : memref<10112x16xf32, #tpu.memory_space<hbm>>) target(%arg13 : memref<128x16xf32, #tpu.memory_space<vmem>>) offsets(%dma_start3A_37 : memref<128xi32, #tpu.memory_space<vmem>>) semaphore(%arg22 : memref<!tpu.dma_semaphore, #tpu.memory_space<semaphore_mem>>)
    %dma_start3A_41 = arith.constant 1 : i32
    %dma_start3A_42 = arith.constant 0 : i32
    %dma_start3A_43 = tpu.memref_slice %arg7[%dma_start3A_41, %dma_start3A_42] : memref<82x128xi32, #tpu.memory_space<vmem>> -> memref<1x128xi32, #tpu.memory_space<vmem>>
    %dma_start3A_44 = tpu.memref_squeeze %dma_start3A_43 : memref<1x128xi32, #tpu.memory_space<vmem>> -> memref<128xi32, #tpu.memory_space<vmem>>
    %dma_start3A_45 = arith.constant 0 : i32
    %dma_start3A_46 = arith.constant 0 : i32
    %dma_start3A_47 = tpu.memref_slice %arg4[%dma_start3A_45, %dma_start3A_46] : memref<10000x48xf32, #tpu.memory_space<hbm>> -> memref<10000x48xf32, #tpu.memory_space<hbm>>
    tpu.enqueue_indirect_dma source(%dma_start3A_47 : memref<10000x48xf32, #tpu.memory_space<hbm>>) target(%arg10 : memref<128x48xf32, #tpu.memory_space<vmem>>) offsets(%dma_start3A_44 : memref<128xi32, #tpu.memory_space<vmem>>) semaphore(%arg19 : memref<!tpu.dma_semaphore, #tpu.memory_space<semaphore_mem>>)
    %dma_start3A_48 = arith.constant 1 : i32
    %dma_start3A_49 = arith.constant 0 : i32
    %dma_start3A_50 = tpu.memref_slice %arg8[%dma_start3A_48, %dma_start3A_49] : memref<82x128xi32, #tpu.memory_space<vmem>> -> memref<1x128xi32, #tpu.memory_space<vmem>>
    %dma_start3A_51 = tpu.memref_squeeze %dma_start3A_50 : memref<1x128xi32, #tpu.memory_space<vmem>> -> memref<128xi32, #tpu.memory_space<vmem>>
    %dma_start3A_52 = arith.constant 0 : i32
    %dma_start3A_53 = arith.constant 0 : i32
    %dma_start3A_54 = tpu.memref_slice %arg5[%dma_start3A_52, %dma_start3A_53] : memref<10112x16xf32, #tpu.memory_space<hbm>> -> memref<10112x16xf32, #tpu.memory_space<hbm>>
    tpu.enqueue_indirect_dma source(%dma_start3A_54 : memref<10112x16xf32, #tpu.memory_space<hbm>>) target(%arg14 : memref<128x16xf32, #tpu.memory_space<vmem>>) offsets(%dma_start3A_51 : memref<128xi32, #tpu.memory_space<vmem>>) semaphore(%arg23 : memref<!tpu.dma_semaphore, #tpu.memory_space<semaphore_mem>>)
    %scan3A = arith.constant 0 : i32
    %scan3A_55 = arith.constant 20 : i32
    %scan3A_56 = arith.addi %scan3A, %scan3A_55 : i32
    %scan3A_57 = arith.constant 1 : i32
    scf.for %scan3A_105 = %scan3A to %scan3A_56 step %scan3A_57  : i32 {
      %mul3A_106 = arith.constant 4 : i32
      %mul3A_107 = arith.muli %scan3A_105, %mul3A_106 : i32
      %add3A_108 = arith.constant 0 : i32
      %add3A_109 = arith.addi %add3A_108, %mul3A_107 : i32
      %add3A_110 = arith.constant 0 : i32
      %add3A_111 = arith.addi %add3A_109, %add3A_110 : i32
      %dma_wait3A_112 = arith.constant 0 : i32
      %dma_wait3A_113 = tpu.memref_slice %arg7[%add3A_111, %dma_wait3A_112] : memref<82x128xi32, #tpu.memory_space<vmem>> -> memref<1x128xi32, #tpu.memory_space<vmem>>
      %dma_wait3A_114 = tpu.memref_squeeze %dma_wait3A_113 : memref<1x128xi32, #tpu.memory_space<vmem>> -> memref<128xi32, #tpu.memory_space<vmem>>
      %dma_wait3A_115 = arith.constant 0 : i32
      %dma_wait3A_116 = arith.constant 0 : i32
      %dma_wait3A_117 = tpu.memref_slice %arg4[%dma_wait3A_115, %dma_wait3A_116] : memref<10000x48xf32, #tpu.memory_space<hbm>> -> memref<10000x48xf32, #tpu.memory_space<hbm>>
      tpu.wait_indirect_dma semaphore(%arg18 : memref<!tpu.dma_semaphore, #tpu.memory_space<semaphore_mem>>) src(%dma_wait3A_117 : memref<10000x48xf32, #tpu.memory_space<hbm>>) dst(%arg9 : memref<128x48xf32, #tpu.memory_space<vmem>>)
      %dma_wait3A_118 = arith.constant 0 : i32
      %dma_wait3A_119 = tpu.memref_slice %arg8[%add3A_111, %dma_wait3A_118] : memref<82x128xi32, #tpu.memory_space<vmem>> -> memref<1x128xi32, #tpu.memory_space<vmem>>
      %dma_wait3A_120 = tpu.memref_squeeze %dma_wait3A_119 : memref<1x128xi32, #tpu.memory_space<vmem>> -> memref<128xi32, #tpu.memory_space<vmem>>
      %dma_wait3A_121 = arith.constant 0 : i32
      %dma_wait3A_122 = arith.constant 0 : i32
      %dma_wait3A_123 = tpu.memref_slice %arg5[%dma_wait3A_121, %dma_wait3A_122] : memref<10112x16xf32, #tpu.memory_space<hbm>> -> memref<10112x16xf32, #tpu.memory_space<hbm>>
      tpu.wait_indirect_dma semaphore(%arg22 : memref<!tpu.dma_semaphore, #tpu.memory_space<semaphore_mem>>) src(%dma_wait3A_123 : memref<10112x16xf32, #tpu.memory_space<hbm>>) dst(%arg13 : memref<128x16xf32, #tpu.memory_space<vmem>>)
      %parallel_loop3A_124 = arith.constant 0 : i32
      %parallel_loop3A_125 = arith.constant 128 : i32
      %parallel_loop3A_126 = arith.constant 1 : i32
      scf.for %parallel_loop3A_300 = %parallel_loop3A_124 to %parallel_loop3A_125 step %parallel_loop3A_126  : i32 {
        %parallel_loop3A_301 = arith.index_cast %parallel_loop3A_300 : i32 to index
        %parallel_loop3A_302 = arith.constant 32 : index
        %parallel_loop3A_303 = tpu.vector_load %arg9[%parallel_loop3A_301, %parallel_loop3A_302] {strides = array<i32>} : memref<128x48xf32, #tpu.memory_space<vmem>>, vector<1x16xf32>,
        %parallel_loop3A_304 = vector.shape_cast %parallel_loop3A_303 : vector<1x16xf32> to vector<16xf32>
        %parallel_loop3A_305 = arith.index_cast %parallel_loop3A_300 : i32 to index
        %parallel_loop3A_306 = arith.constant 0 : index
        %parallel_loop3A_307 = tpu.vector_load %arg13[%parallel_loop3A_305, %parallel_loop3A_306] {strides = array<i32>} : memref<128x16xf32, #tpu.memory_space<vmem>>, vector<1x16xf32>,
        %parallel_loop3A_308 = vector.shape_cast %parallel_loop3A_307 : vector<1x16xf32> to vector<16xf32>
        %parallel_loop3A_309 = arith.addf %parallel_loop3A_304, %parallel_loop3A_308 : vector<16xf32>
        %parallel_loop3A_310 = arith.constant 0.000000e+00 : f32
        %parallel_loop3A_311 = vector.broadcast %parallel_loop3A_310 : f32 to vector<16xf32>
        %parallel_loop3A_312 = arith.cmpf oge, %parallel_loop3A_309, %parallel_loop3A_311 : vector<16xf32>
        %parallel_loop3A_313 = arith.constant 2.000000e-01 : f32
        %parallel_loop3A_314 = vector.broadcast %parallel_loop3A_313 : f32 to vector<16xf32>
        %parallel_loop3A_315 = arith.mulf %parallel_loop3A_314, %parallel_loop3A_309 : vector<16xf32>
        %parallel_loop3A_316 = arith.select %parallel_loop3A_312, %parallel_loop3A_309, %parallel_loop3A_315 : vector<16xi1>, vector<16xf32>
        %parallel_loop3A_317 = math.exp %parallel_loop3A_316 : vector<16xf32>
        %parallel_loop3A_318 = arith.index_cast %parallel_loop3A_300 : i32 to index
        %parallel_loop3A_319 = arith.constant 32 : index
        %parallel_loop3A_320 = tpu.vector_load %arg9[%parallel_loop3A_318, %parallel_loop3A_319] {strides = array<i32>} : memref<128x48xf32, #tpu.memory_space<vmem>>, vector<1x16xf32>,
        %parallel_loop3A_321 = vector.shape_cast %parallel_loop3A_320 : vector<1x16xf32> to vector<16xf32>
        %parallel_loop3A_322 = vector.shape_cast %parallel_loop3A_317 : vector<16xf32> to vector<1x16xf32>
        tpu.vector_store %arg9[%parallel_loop3A_318, %parallel_loop3A_319], %parallel_loop3A_322 {strides = array<i32>} : memref<128x48xf32, #tpu.memory_space<vmem>>, vector<1x16xf32>,
        %parallel_loop3A_323 = arith.constant 0 : i32
        %parallel_loop3A_324 = vector.broadcast %parallel_loop3A_323 : i32 to vector<16xi32>
        %parallel_loop3A_325 = arith.andi %iota3A, %parallel_loop3A_324 : vector<16xi32>
        %parallel_loop3A_326 = vector.shape_cast %parallel_loop3A_325 : vector<16xi32> to vector<16x1xi32>
        %parallel_loop3A_327 = vector.shape_cast %parallel_loop3A_326 : vector<16x1xi32> to vector<16xi32>
        %parallel_loop3A_328 = tpu.dynamic_gather %parallel_loop3A_317[%parallel_loop3A_327] in [0] : vector<16xf32>, vector<16xi32> -> vector<16xf32>
        %parallel_loop3A_329 = arith.index_cast %parallel_loop3A_300 : i32 to index
        %parallel_loop3A_330 = arith.constant 0 : index
        %parallel_loop3A_331 = tpu.vector_load %arg9[%parallel_loop3A_329, %parallel_loop3A_330] {strides = array<i32>} : memref<128x48xf32, #tpu.memory_space<vmem>>, vector<1x16xf32>,
        %parallel_loop3A_332 = vector.shape_cast %parallel_loop3A_331 : vector<1x16xf32> to vector<16xf32>
        %parallel_loop3A_333 = arith.mulf %parallel_loop3A_332, %parallel_loop3A_328 : vector<16xf32>
        %parallel_loop3A_334 = arith.index_cast %parallel_loop3A_300 : i32 to index
        %parallel_loop3A_335 = arith.constant 0 : index
        %parallel_loop3A_336 = tpu.vector_load %arg9[%parallel_loop3A_334, %parallel_loop3A_335] {strides = array<i32>} : memref<128x48xf32, #tpu.memory_space<vmem>>, vector<1x16xf32>,
        %parallel_loop3A_337 = vector.shape_cast %parallel_loop3A_336 : vector<1x16xf32> to vector<16xf32>
        %parallel_loop3A_338 = vector.shape_cast %parallel_loop3A_333 : vector<16xf32> to vector<1x16xf32>
        tpu.vector_store %arg9[%parallel_loop3A_334, %parallel_loop3A_335], %parallel_loop3A_338 {strides = array<i32>} : memref<128x48xf32, #tpu.memory_space<vmem>>, vector<1x16xf32>,
        %parallel_loop3A_339 = arith.constant 0 : i32
        %parallel_loop3A_340 = vector.broadcast %parallel_loop3A_339 : i32 to vector<16xi32>
        %parallel_loop3A_341 = arith.andi %iota3A, %parallel_loop3A_340 : vector<16xi32>
        %parallel_loop3A_342 = vector.shape_cast %parallel_loop3A_341 : vector<16xi32> to vector<16x1xi32>
        %parallel_loop3A_343 = vector.shape_cast %parallel_loop3A_342 : vector<16x1xi32> to vector<16xi32>
        %parallel_loop3A_344 = tpu.dynamic_gather %parallel_loop3A_317[%parallel_loop3A_343] in [0] : vector<16xf32>, vector<16xi32> -> vector<16xf32>
        %parallel_loop3A_345 = arith.index_cast %parallel_loop3A_300 : i32 to index
        %parallel_loop3A_346 = arith.constant 16 : index
        %parallel_loop3A_347 = tpu.vector_load %arg9[%parallel_loop3A_345, %parallel_loop3A_346] {strides = array<i32>} : memref<128x48xf32, #tpu.memory_space<vmem>>, vector<1x16xf32>,
        %parallel_loop3A_348 = vector.shape_cast %parallel_loop3A_347 : vector<1x16xf32> to vector<16xf32>
        %parallel_loop3A_349 = arith.mulf %parallel_loop3A_348, %parallel_loop3A_344 : vector<16xf32>
        %parallel_loop3A_350 = arith.index_cast %parallel_loop3A_300 : i32 to index
        %parallel_loop3A_351 = arith.constant 16 : index
        %parallel_loop3A_352 = tpu.vector_load %arg9[%parallel_loop3A_350, %parallel_loop3A_351] {strides = array<i32>} : memref<128x48xf32, #tpu.memory_space<vmem>>, vector<1x16xf32>,
        %parallel_loop3A_353 = vector.shape_cast %parallel_loop3A_352 : vector<1x16xf32> to vector<16xf32>
        %parallel_loop3A_354 = vector.shape_cast %parallel_loop3A_349 : vector<16xf32> to vector<1x16xf32>
        tpu.vector_store %arg9[%parallel_loop3A_350, %parallel_loop3A_351], %parallel_loop3A_354 {strides = array<i32>} : memref<128x48xf32, #tpu.memory_space<vmem>>, vector<1x16xf32>,
      } {sc.loop_unroll_factor = 8 : i64, sc.parallel_access}
      %add3A_127 = arith.constant 0 : i32
      %add3A_128 = arith.addi %add3A_109, %add3A_127 : i32
      %dma_start3A_129 = arith.constant 0 : i32
      %dma_start3A_130 = tpu.memref_slice %arg8[%add3A_128, %dma_start3A_129] : memref<82x128xi32, #tpu.memory_space<vmem>> -> memref<1x128xi32, #tpu.memory_space<vmem>>
      %dma_start3A_131 = tpu.memref_squeeze %dma_start3A_130 : memref<1x128xi32, #tpu.memory_space<vmem>> -> memref<128xi32, #tpu.memory_space<vmem>>
      %dma_start3A_132 = arith.constant 0 : i32
      %dma_start3A_133 = arith.constant 0 : i32
      %dma_start3A_134 = tpu.memref_slice %arg17[%dma_start3A_132, %dma_start3A_133] : memref<10112x48xf32, #tpu.memory_space<vmem_shared>> -> memref<10112x48xf32, #tpu.memory_space<vmem_shared>>
      tpu.enqueue_indirect_dma source(%arg9 : memref<128x48xf32, #tpu.memory_space<vmem>>) target(%dma_start3A_134 : memref<10112x48xf32, #tpu.memory_space<vmem_shared>>) offsets(%dma_start3A_131 : memref<128xi32, #tpu.memory_space<vmem>>) semaphore(%arg26 : memref<!tpu.dma_semaphore, #tpu.memory_space<semaphore_mem>>) {add = true}
      %gt3A = arith.constant 0 : i32
      %gt3A_135 = arith.cmpi sgt, %add3A_109, %gt3A : i32
      %convert_element_type3A = arith.extui %gt3A_135 : i1 to i32
      %cond3A = arith.constant 0 : i32
      %cond3A_136 = arith.cmpi ne, %convert_element_type3A, %cond3A : i32
      scf.if %cond3A_136 {
        %add3A_300 = arith.constant 0 : i32
        %add3A_301 = arith.addi %add3A_109, %add3A_300 : i32
        %sub3A_302 = arith.constant 2 : i32
        %sub3A_303 = arith.subi %add3A_301, %sub3A_302 : i32
        %dma_wait3A_304 = arith.constant 0 : i32
        %dma_wait3A_305 = tpu.memref_slice %arg8[%sub3A_303, %dma_wait3A_304] : memref<82x128xi32, #tpu.memory_space<vmem>> -> memref<1x128xi32, #tpu.memory_space<vmem>>
        %dma_wait3A_306 = tpu.memref_squeeze %dma_wait3A_305 : memref<1x128xi32, #tpu.memory_space<vmem>> -> memref<128xi32, #tpu.memory_space<vmem>>
        %dma_wait3A_307 = arith.constant 0 : i32
        %dma_wait3A_308 = arith.constant 0 : i32
        %dma_wait3A_309 = tpu.memref_slice %arg17[%dma_wait3A_307, %dma_wait3A_308] : memref<10112x48xf32, #tpu.memory_space<vmem_shared>> -> memref<10112x48xf32, #tpu.memory_space<vmem_shared>>
        tpu.wait_indirect_dma semaphore(%arg28 : memref<!tpu.dma_semaphore, #tpu.memory_space<semaphore_mem>>) src(%arg11 : memref<128x48xf32, #tpu.memory_space<vmem>>) dst(%dma_wait3A_309 : memref<10112x48xf32, #tpu.memory_space<vmem_shared>>)
      } else {
      }
      %add3A_137 = arith.constant 0 : i32
      %add3A_138 = arith.addi %add3A_109, %add3A_137 : i32
      %add3A_139 = arith.constant 2 : i32
      %add3A_140 = arith.addi %add3A_138, %add3A_139 : i32
      %dma_start3A_141 = arith.constant 0 : i32
      %dma_start3A_142 = tpu.memref_slice %arg7[%add3A_140, %dma_start3A_141] : memref<82x128xi32, #tpu.memory_space<vmem>> -> memref<1x128xi32, #tpu.memory_space<vmem>>
      %dma_start3A_143 = tpu.memref_squeeze %dma_start3A_142 : memref<1x128xi32, #tpu.memory_space<vmem>> -> memref<128xi32, #tpu.memory_space<vmem>>
      %dma_start3A_144 = arith.constant 0 : i32
      %dma_start3A_145 = arith.constant 0 : i32
      %dma_start3A_146 = tpu.memref_slice %arg4[%dma_start3A_144, %dma_start3A_145] : memref<10000x48xf32, #tpu.memory_space<hbm>> -> memref<10000x48xf32, #tpu.memory_space<hbm>>
      tpu.enqueue_indirect_dma source(%dma_start3A_146 : memref<10000x48xf32, #tpu.memory_space<hbm>>) target(%arg11 : memref<128x48xf32, #tpu.memory_space<vmem>>) offsets(%dma_start3A_143 : memref<128xi32, #tpu.memory_space<vmem>>) semaphore(%arg20 : memref<!tpu.dma_semaphore, #tpu.memory_space<semaphore_mem>>)
      %dma_start3A_147 = arith.constant 0 : i32
      %dma_start3A_148 = tpu.memref_slice %arg8[%add3A_140, %dma_start3A_147] : memref<82x128xi32, #tpu.memory_space<vmem>> -> memref<1x128xi32, #tpu.memory_space<vmem>>
      %dma_start3A_149 = tpu.memref_squeeze %dma_start3A_148 : memref<1x128xi32, #tpu.memory_space<vmem>> -> memref<128xi32, #tpu.memory_space<vmem>>
      %dma_start3A_150 = arith.constant 0 : i32
      %dma_start3A_151 = arith.constant 0 : i32
      %dma_start3A_152 = tpu.memref_slice %arg5[%dma_start3A_150, %dma_start3A_151] : memref<10112x16xf32, #tpu.memory_space<hbm>> -> memref<10112x16xf32, #tpu.memory_space<hbm>>
      tpu.enqueue_indirect_dma source(%dma_start3A_152 : memref<10112x16xf32, #tpu.memory_space<hbm>>) target(%arg15 : memref<128x16xf32, #tpu.memory_space<vmem>>) offsets(%dma_start3A_149 : memref<128xi32, #tpu.memory_space<vmem>>) semaphore(%arg24 : memref<!tpu.dma_semaphore, #tpu.memory_space<semaphore_mem>>)
      %add3A_153 = arith.constant 1 : i32
      %add3A_154 = arith.addi %add3A_109, %add3A_153 : i32
      %dma_wait3A_155 = arith.constant 0 : i32
      %dma_wait3A_156 = tpu.memref_slice %arg7[%add3A_154, %dma_wait3A_155] : memref<82x128xi32, #tpu.memory_space<vmem>> -> memref<1x128xi32, #tpu.memory_space<vmem>>
      %dma_wait3A_157 = tpu.memref_squeeze %dma_wait3A_156 : memref<1x128xi32, #tpu.memory_space<vmem>> -> memref<128xi32, #tpu.memory_space<vmem>>
      %dma_wait3A_158 = arith.constant 0 : i32
      %dma_wait3A_159 = arith.constant 0 : i32
      %dma_wait3A_160 = tpu.memref_slice %arg4[%dma_wait3A_158, %dma_wait3A_159] : memref<10000x48xf32, #tpu.memory_space<hbm>> -> memref<10000x48xf32, #tpu.memory_space<hbm>>
      tpu.wait_indirect_dma semaphore(%arg19 : memref<!tpu.dma_semaphore, #tpu.memory_space<semaphore_mem>>) src(%dma_wait3A_160 : memref<10000x48xf32, #tpu.memory_space<hbm>>) dst(%arg10 : memref<128x48xf32, #tpu.memory_space<vmem>>)
      %dma_wait3A_161 = arith.constant 0 : i32
      %dma_wait3A_162 = tpu.memref_slice %arg8[%add3A_154, %dma_wait3A_161] : memref<82x128xi32, #tpu.memory_space<vmem>> -> memref<1x128xi32, #tpu.memory_space<vmem>>
      %dma_wait3A_163 = tpu.memref_squeeze %dma_wait3A_162 : memref<1x128xi32, #tpu.memory_space<vmem>> -> memref<128xi32, #tpu.memory_space<vmem>>
      %dma_wait3A_164 = arith.constant 0 : i32
      %dma_wait3A_165 = arith.constant 0 : i32
      %dma_wait3A_166 = tpu.memref_slice %arg5[%dma_wait3A_164, %dma_wait3A_165] : memref<10112x16xf32, #tpu.memory_space<hbm>> -> memref<10112x16xf32, #tpu.memory_space<hbm>>
      tpu.wait_indirect_dma semaphore(%arg23 : memref<!tpu.dma_semaphore, #tpu.memory_space<semaphore_mem>>) src(%dma_wait3A_166 : memref<10112x16xf32, #tpu.memory_space<hbm>>) dst(%arg14 : memref<128x16xf32, #tpu.memory_space<vmem>>)
      %parallel_loop3A_167 = arith.constant 0 : i32
      %parallel_loop3A_168 = arith.constant 128 : i32
      %parallel_loop3A_169 = arith.constant 1 : i32
      scf.for %parallel_loop3A_300 = %parallel_loop3A_167 to %parallel_loop3A_168 step %parallel_loop3A_169  : i32 {
        %parallel_loop3A_301 = arith.index_cast %parallel_loop3A_300 : i32 to index
        %parallel_loop3A_302 = arith.constant 32 : index
        %parallel_loop3A_303 = tpu.vector_load %arg10[%parallel_loop3A_301, %parallel_loop3A_302] {strides = array<i32>} : memref<128x48xf32, #tpu.memory_space<vmem>>, vector<1x16xf32>,
        %parallel_loop3A_304 = vector.shape_cast %parallel_loop3A_303 : vector<1x16xf32> to vector<16xf32>
        %parallel_loop3A_305 = arith.index_cast %parallel_loop3A_300 : i32 to index
        %parallel_loop3A_306 = arith.constant 0 : index
        %parallel_loop3A_307 = tpu.vector_load %arg14[%parallel_loop3A_305, %parallel_loop3A_306] {strides = array<i32>} : memref<128x16xf32, #tpu.memory_space<vmem>>, vector<1x16xf32>,
        %parallel_loop3A_308 = vector.shape_cast %parallel_loop3A_307 : vector<1x16xf32> to vector<16xf32>
        %parallel_loop3A_309 = arith.addf %parallel_loop3A_304, %parallel_loop3A_308 : vector<16xf32>
        %parallel_loop3A_310 = arith.constant 0.000000e+00 : f32
        %parallel_loop3A_311 = vector.broadcast %parallel_loop3A_310 : f32 to vector<16xf32>
        %parallel_loop3A_312 = arith.cmpf oge, %parallel_loop3A_309, %parallel_loop3A_311 : vector<16xf32>
        %parallel_loop3A_313 = arith.constant 2.000000e-01 : f32
        %parallel_loop3A_314 = vector.broadcast %parallel_loop3A_313 : f32 to vector<16xf32>
        %parallel_loop3A_315 = arith.mulf %parallel_loop3A_314, %parallel_loop3A_309 : vector<16xf32>
        %parallel_loop3A_316 = arith.select %parallel_loop3A_312, %parallel_loop3A_309, %parallel_loop3A_315 : vector<16xi1>, vector<16xf32>
        %parallel_loop3A_317 = math.exp %parallel_loop3A_316 : vector<16xf32>
        %parallel_loop3A_318 = arith.index_cast %parallel_loop3A_300 : i32 to index
        %parallel_loop3A_319 = arith.constant 32 : index
        %parallel_loop3A_320 = tpu.vector_load %arg10[%parallel_loop3A_318, %parallel_loop3A_319] {strides = array<i32>} : memref<128x48xf32, #tpu.memory_space<vmem>>, vector<1x16xf32>,
        %parallel_loop3A_321 = vector.shape_cast %parallel_loop3A_320 : vector<1x16xf32> to vector<16xf32>
        %parallel_loop3A_322 = vector.shape_cast %parallel_loop3A_317 : vector<16xf32> to vector<1x16xf32>
        tpu.vector_store %arg10[%parallel_loop3A_318, %parallel_loop3A_319], %parallel_loop3A_322 {strides = array<i32>} : memref<128x48xf32, #tpu.memory_space<vmem>>, vector<1x16xf32>,
        %parallel_loop3A_323 = arith.constant 0 : i32
        %parallel_loop3A_324 = vector.broadcast %parallel_loop3A_323 : i32 to vector<16xi32>
        %parallel_loop3A_325 = arith.andi %iota3A, %parallel_loop3A_324 : vector<16xi32>
        %parallel_loop3A_326 = vector.shape_cast %parallel_loop3A_325 : vector<16xi32> to vector<16x1xi32>
        %parallel_loop3A_327 = vector.shape_cast %parallel_loop3A_326 : vector<16x1xi32> to vector<16xi32>
        %parallel_loop3A_328 = tpu.dynamic_gather %parallel_loop3A_317[%parallel_loop3A_327] in [0] : vector<16xf32>, vector<16xi32> -> vector<16xf32>
        %parallel_loop3A_329 = arith.index_cast %parallel_loop3A_300 : i32 to index
        %parallel_loop3A_330 = arith.constant 0 : index
        %parallel_loop3A_331 = tpu.vector_load %arg10[%parallel_loop3A_329, %parallel_loop3A_330] {strides = array<i32>} : memref<128x48xf32, #tpu.memory_space<vmem>>, vector<1x16xf32>,
        %parallel_loop3A_332 = vector.shape_cast %parallel_loop3A_331 : vector<1x16xf32> to vector<16xf32>
        %parallel_loop3A_333 = arith.mulf %parallel_loop3A_332, %parallel_loop3A_328 : vector<16xf32>
        %parallel_loop3A_334 = arith.index_cast %parallel_loop3A_300 : i32 to index
        %parallel_loop3A_335 = arith.constant 0 : index
        %parallel_loop3A_336 = tpu.vector_load %arg10[%parallel_loop3A_334, %parallel_loop3A_335] {strides = array<i32>} : memref<128x48xf32, #tpu.memory_space<vmem>>, vector<1x16xf32>,
        %parallel_loop3A_337 = vector.shape_cast %parallel_loop3A_336 : vector<1x16xf32> to vector<16xf32>
        %parallel_loop3A_338 = vector.shape_cast %parallel_loop3A_333 : vector<16xf32> to vector<1x16xf32>
        tpu.vector_store %arg10[%parallel_loop3A_334, %parallel_loop3A_335], %parallel_loop3A_338 {strides = array<i32>} : memref<128x48xf32, #tpu.memory_space<vmem>>, vector<1x16xf32>,
        %parallel_loop3A_339 = arith.constant 0 : i32
        %parallel_loop3A_340 = vector.broadcast %parallel_loop3A_339 : i32 to vector<16xi32>
        %parallel_loop3A_341 = arith.andi %iota3A, %parallel_loop3A_340 : vector<16xi32>
        %parallel_loop3A_342 = vector.shape_cast %parallel_loop3A_341 : vector<16xi32> to vector<16x1xi32>
        %parallel_loop3A_343 = vector.shape_cast %parallel_loop3A_342 : vector<16x1xi32> to vector<16xi32>
        %parallel_loop3A_344 = tpu.dynamic_gather %parallel_loop3A_317[%parallel_loop3A_343] in [0] : vector<16xf32>, vector<16xi32> -> vector<16xf32>
        %parallel_loop3A_345 = arith.index_cast %parallel_loop3A_300 : i32 to index
        %parallel_loop3A_346 = arith.constant 16 : index
        %parallel_loop3A_347 = tpu.vector_load %arg10[%parallel_loop3A_345, %parallel_loop3A_346] {strides = array<i32>} : memref<128x48xf32, #tpu.memory_space<vmem>>, vector<1x16xf32>,
        %parallel_loop3A_348 = vector.shape_cast %parallel_loop3A_347 : vector<1x16xf32> to vector<16xf32>
        %parallel_loop3A_349 = arith.mulf %parallel_loop3A_348, %parallel_loop3A_344 : vector<16xf32>
        %parallel_loop3A_350 = arith.index_cast %parallel_loop3A_300 : i32 to index
        %parallel_loop3A_351 = arith.constant 16 : index
        %parallel_loop3A_352 = tpu.vector_load %arg10[%parallel_loop3A_350, %parallel_loop3A_351] {strides = array<i32>} : memref<128x48xf32, #tpu.memory_space<vmem>>, vector<1x16xf32>,
        %parallel_loop3A_353 = vector.shape_cast %parallel_loop3A_352 : vector<1x16xf32> to vector<16xf32>
        %parallel_loop3A_354 = vector.shape_cast %parallel_loop3A_349 : vector<16xf32> to vector<1x16xf32>
        tpu.vector_store %arg10[%parallel_loop3A_350, %parallel_loop3A_351], %parallel_loop3A_354 {strides = array<i32>} : memref<128x48xf32, #tpu.memory_space<vmem>>, vector<1x16xf32>,
      } {sc.loop_unroll_factor = 8 : i64, sc.parallel_access}
      %add3A_170 = arith.constant 1 : i32
      %add3A_171 = arith.addi %add3A_109, %add3A_170 : i32
      %dma_start3A_172 = arith.constant 0 : i32
      %dma_start3A_173 = tpu.memref_slice %arg8[%add3A_171, %dma_start3A_172] : memref<82x128xi32, #tpu.memory_space<vmem>> -> memref<1x128xi32, #tpu.memory_space<vmem>>
      %dma_start3A_174 = tpu.memref_squeeze %dma_start3A_173 : memref<1x128xi32, #tpu.memory_space<vmem>> -> memref<128xi32, #tpu.memory_space<vmem>>
      %dma_start3A_175 = arith.constant 0 : i32
      %dma_start3A_176 = arith.constant 0 : i32
      %dma_start3A_177 = tpu.memref_slice %arg17[%dma_start3A_175, %dma_start3A_176] : memref<10112x48xf32, #tpu.memory_space<vmem_shared>> -> memref<10112x48xf32, #tpu.memory_space<vmem_shared>>
      tpu.enqueue_indirect_dma source(%arg10 : memref<128x48xf32, #tpu.memory_space<vmem>>) target(%dma_start3A_177 : memref<10112x48xf32, #tpu.memory_space<vmem_shared>>) offsets(%dma_start3A_174 : memref<128xi32, #tpu.memory_space<vmem>>) semaphore(%arg27 : memref<!tpu.dma_semaphore, #tpu.memory_space<semaphore_mem>>) {add = true}
      %gt3A_178 = arith.constant 0 : i32
      %gt3A_179 = arith.cmpi sgt, %add3A_109, %gt3A_178 : i32
      %convert_element_type3A_180 = arith.extui %gt3A_179 : i1 to i32
      %cond3A_181 = arith.constant 0 : i32
      %cond3A_182 = arith.cmpi ne, %convert_element_type3A_180, %cond3A_181 : i32
      scf.if %cond3A_182 {
        %add3A_300 = arith.constant 1 : i32
        %add3A_301 = arith.addi %add3A_109, %add3A_300 : i32
        %sub3A_302 = arith.constant 2 : i32
        %sub3A_303 = arith.subi %add3A_301, %sub3A_302 : i32
        %dma_wait3A_304 = arith.constant 0 : i32
        %dma_wait3A_305 = tpu.memref_slice %arg8[%sub3A_303, %dma_wait3A_304] : memref<82x128xi32, #tpu.memory_space<vmem>> -> memref<1x128xi32, #tpu.memory_space<vmem>>
        %dma_wait3A_306 = tpu.memref_squeeze %dma_wait3A_305 : memref<1x128xi32, #tpu.memory_space<vmem>> -> memref<128xi32, #tpu.memory_space<vmem>>
        %dma_wait3A_307 = arith.constant 0 : i32
        %dma_wait3A_308 = arith.constant 0 : i32
        %dma_wait3A_309 = tpu.memref_slice %arg17[%dma_wait3A_307, %dma_wait3A_308] : memref<10112x48xf32, #tpu.memory_space<vmem_shared>> -> memref<10112x48xf32, #tpu.memory_space<vmem_shared>>
        tpu.wait_indirect_dma semaphore(%arg29 : memref<!tpu.dma_semaphore, #tpu.memory_space<semaphore_mem>>) src(%arg12 : memref<128x48xf32, #tpu.memory_space<vmem>>) dst(%dma_wait3A_309 : memref<10112x48xf32, #tpu.memory_space<vmem_shared>>)
      } else {
      }
      %add3A_183 = arith.constant 1 : i32
      %add3A_184 = arith.addi %add3A_109, %add3A_183 : i32
      %add3A_185 = arith.constant 2 : i32
      %add3A_186 = arith.addi %add3A_184, %add3A_185 : i32
      %dma_start3A_187 = arith.constant 0 : i32
      %dma_start3A_188 = tpu.memref_slice %arg7[%add3A_186, %dma_start3A_187] : memref<82x128xi32, #tpu.memory_space<vmem>> -> memref<1x128xi32, #tpu.memory_space<vmem>>
      %dma_start3A_189 = tpu.memref_squeeze %dma_start3A_188 : memref<1x128xi32, #tpu.memory_space<vmem>> -> memref<128xi32, #tpu.memory_space<vmem>>
      %dma_start3A_190 = arith.constant 0 : i32
      %dma_start3A_191 = arith.constant 0 : i32
      %dma_start3A_192 = tpu.memref_slice %arg4[%dma_start3A_190, %dma_start3A_191] : memref<10000x48xf32, #tpu.memory_space<hbm>> -> memref<10000x48xf32, #tpu.memory_space<hbm>>
      tpu.enqueue_indirect_dma source(%dma_start3A_192 : memref<10000x48xf32, #tpu.memory_space<hbm>>) target(%arg12 : memref<128x48xf32, #tpu.memory_space<vmem>>) offsets(%dma_start3A_189 : memref<128xi32, #tpu.memory_space<vmem>>) semaphore(%arg21 : memref<!tpu.dma_semaphore, #tpu.memory_space<semaphore_mem>>)
      %dma_start3A_193 = arith.constant 0 : i32
      %dma_start3A_194 = tpu.memref_slice %arg8[%add3A_186, %dma_start3A_193] : memref<82x128xi32, #tpu.memory_space<vmem>> -> memref<1x128xi32, #tpu.memory_space<vmem>>
      %dma_start3A_195 = tpu.memref_squeeze %dma_start3A_194 : memref<1x128xi32, #tpu.memory_space<vmem>> -> memref<128xi32, #tpu.memory_space<vmem>>
      %dma_start3A_196 = arith.constant 0 : i32
      %dma_start3A_197 = arith.constant 0 : i32
      %dma_start3A_198 = tpu.memref_slice %arg5[%dma_start3A_196, %dma_start3A_197] : memref<10112x16xf32, #tpu.memory_space<hbm>> -> memref<10112x16xf32, #tpu.memory_space<hbm>>
      tpu.enqueue_indirect_dma source(%dma_start3A_198 : memref<10112x16xf32, #tpu.memory_space<hbm>>) target(%arg16 : memref<128x16xf32, #tpu.memory_space<vmem>>) offsets(%dma_start3A_195 : memref<128xi32, #tpu.memory_space<vmem>>) semaphore(%arg25 : memref<!tpu.dma_semaphore, #tpu.memory_space<semaphore_mem>>)
      %add3A_199 = arith.constant 2 : i32
      %add3A_200 = arith.addi %add3A_109, %add3A_199 : i32
      %dma_wait3A_201 = arith.constant 0 : i32
      %dma_wait3A_202 = tpu.memref_slice %arg7[%add3A_200, %dma_wait3A_201] : memref<82x128xi32, #tpu.memory_space<vmem>> -> memref<1x128xi32, #tpu.memory_space<vmem>>
      %dma_wait3A_203 = tpu.memref_squeeze %dma_wait3A_202 : memref<1x128xi32, #tpu.memory_space<vmem>> -> memref<128xi32, #tpu.memory_space<vmem>>
      %dma_wait3A_204 = arith.constant 0 : i32
      %dma_wait3A_205 = arith.constant 0 : i32
      %dma_wait3A_206 = tpu.memref_slice %arg4[%dma_wait3A_204, %dma_wait3A_205] : memref<10000x48xf32, #tpu.memory_space<hbm>> -> memref<10000x48xf32, #tpu.memory_space<hbm>>
      tpu.wait_indirect_dma semaphore(%arg20 : memref<!tpu.dma_semaphore, #tpu.memory_space<semaphore_mem>>) src(%dma_wait3A_206 : memref<10000x48xf32, #tpu.memory_space<hbm>>) dst(%arg11 : memref<128x48xf32, #tpu.memory_space<vmem>>)
      %dma_wait3A_207 = arith.constant 0 : i32
      %dma_wait3A_208 = tpu.memref_slice %arg8[%add3A_200, %dma_wait3A_207] : memref<82x128xi32, #tpu.memory_space<vmem>> -> memref<1x128xi32, #tpu.memory_space<vmem>>
      %dma_wait3A_209 = tpu.memref_squeeze %dma_wait3A_208 : memref<1x128xi32, #tpu.memory_space<vmem>> -> memref<128xi32, #tpu.memory_space<vmem>>
      %dma_wait3A_210 = arith.constant 0 : i32
      %dma_wait3A_211 = arith.constant 0 : i32
      %dma_wait3A_212 = tpu.memref_slice %arg5[%dma_wait3A_210, %dma_wait3A_211] : memref<10112x16xf32, #tpu.memory_space<hbm>> -> memref<10112x16xf32, #tpu.memory_space<hbm>>
      tpu.wait_indirect_dma semaphore(%arg24 : memref<!tpu.dma_semaphore, #tpu.memory_space<semaphore_mem>>) src(%dma_wait3A_212 : memref<10112x16xf32, #tpu.memory_space<hbm>>) dst(%arg15 : memref<128x16xf32, #tpu.memory_space<vmem>>)
      %parallel_loop3A_213 = arith.constant 0 : i32
      %parallel_loop3A_214 = arith.constant 128 : i32
      %parallel_loop3A_215 = arith.constant 1 : i32
      scf.for %parallel_loop3A_300 = %parallel_loop3A_213 to %parallel_loop3A_214 step %parallel_loop3A_215  : i32 {
        %parallel_loop3A_301 = arith.index_cast %parallel_loop3A_300 : i32 to index
        %parallel_loop3A_302 = arith.constant 32 : index
        %parallel_loop3A_303 = tpu.vector_load %arg11[%parallel_loop3A_301, %parallel_loop3A_302] {strides = array<i32>} : memref<128x48xf32, #tpu.memory_space<vmem>>, vector<1x16xf32>,
        %parallel_loop3A_304 = vector.shape_cast %parallel_loop3A_303 : vector<1x16xf32> to vector<16xf32>
        %parallel_loop3A_305 = arith.index_cast %parallel_loop3A_300 : i32 to index
        %parallel_loop3A_306 = arith.constant 0 : index
        %parallel_loop3A_307 = tpu.vector_load %arg15[%parallel_loop3A_305, %parallel_loop3A_306] {strides = array<i32>} : memref<128x16xf32, #tpu.memory_space<vmem>>, vector<1x16xf32>,
        %parallel_loop3A_308 = vector.shape_cast %parallel_loop3A_307 : vector<1x16xf32> to vector<16xf32>
        %parallel_loop3A_309 = arith.addf %parallel_loop3A_304, %parallel_loop3A_308 : vector<16xf32>
        %parallel_loop3A_310 = arith.constant 0.000000e+00 : f32
        %parallel_loop3A_311 = vector.broadcast %parallel_loop3A_310 : f32 to vector<16xf32>
        %parallel_loop3A_312 = arith.cmpf oge, %parallel_loop3A_309, %parallel_loop3A_311 : vector<16xf32>
        %parallel_loop3A_313 = arith.constant 2.000000e-01 : f32
        %parallel_loop3A_314 = vector.broadcast %parallel_loop3A_313 : f32 to vector<16xf32>
        %parallel_loop3A_315 = arith.mulf %parallel_loop3A_314, %parallel_loop3A_309 : vector<16xf32>
        %parallel_loop3A_316 = arith.select %parallel_loop3A_312, %parallel_loop3A_309, %parallel_loop3A_315 : vector<16xi1>, vector<16xf32>
        %parallel_loop3A_317 = math.exp %parallel_loop3A_316 : vector<16xf32>
        %parallel_loop3A_318 = arith.index_cast %parallel_loop3A_300 : i32 to index
        %parallel_loop3A_319 = arith.constant 32 : index
        %parallel_loop3A_320 = tpu.vector_load %arg11[%parallel_loop3A_318, %parallel_loop3A_319] {strides = array<i32>} : memref<128x48xf32, #tpu.memory_space<vmem>>, vector<1x16xf32>,
        %parallel_loop3A_321 = vector.shape_cast %parallel_loop3A_320 : vector<1x16xf32> to vector<16xf32>
        %parallel_loop3A_322 = vector.shape_cast %parallel_loop3A_317 : vector<16xf32> to vector<1x16xf32>
        tpu.vector_store %arg11[%parallel_loop3A_318, %parallel_loop3A_319], %parallel_loop3A_322 {strides = array<i32>} : memref<128x48xf32, #tpu.memory_space<vmem>>, vector<1x16xf32>,
        %parallel_loop3A_323 = arith.constant 0 : i32
        %parallel_loop3A_324 = vector.broadcast %parallel_loop3A_323 : i32 to vector<16xi32>
        %parallel_loop3A_325 = arith.andi %iota3A, %parallel_loop3A_324 : vector<16xi32>
        %parallel_loop3A_326 = vector.shape_cast %parallel_loop3A_325 : vector<16xi32> to vector<16x1xi32>
        %parallel_loop3A_327 = vector.shape_cast %parallel_loop3A_326 : vector<16x1xi32> to vector<16xi32>
        %parallel_loop3A_328 = tpu.dynamic_gather %parallel_loop3A_317[%parallel_loop3A_327] in [0] : vector<16xf32>, vector<16xi32> -> vector<16xf32>
        %parallel_loop3A_329 = arith.index_cast %parallel_loop3A_300 : i32 to index
        %parallel_loop3A_330 = arith.constant 0 : index
        %parallel_loop3A_331 = tpu.vector_load %arg11[%parallel_loop3A_329, %parallel_loop3A_330] {strides = array<i32>} : memref<128x48xf32, #tpu.memory_space<vmem>>, vector<1x16xf32>,
        %parallel_loop3A_332 = vector.shape_cast %parallel_loop3A_331 : vector<1x16xf32> to vector<16xf32>
        %parallel_loop3A_333 = arith.mulf %parallel_loop3A_332, %parallel_loop3A_328 : vector<16xf32>
        %parallel_loop3A_334 = arith.index_cast %parallel_loop3A_300 : i32 to index
        %parallel_loop3A_335 = arith.constant 0 : index
        %parallel_loop3A_336 = tpu.vector_load %arg11[%parallel_loop3A_334, %parallel_loop3A_335] {strides = array<i32>} : memref<128x48xf32, #tpu.memory_space<vmem>>, vector<1x16xf32>,
        %parallel_loop3A_337 = vector.shape_cast %parallel_loop3A_336 : vector<1x16xf32> to vector<16xf32>
        %parallel_loop3A_338 = vector.shape_cast %parallel_loop3A_333 : vector<16xf32> to vector<1x16xf32>
        tpu.vector_store %arg11[%parallel_loop3A_334, %parallel_loop3A_335], %parallel_loop3A_338 {strides = array<i32>} : memref<128x48xf32, #tpu.memory_space<vmem>>, vector<1x16xf32>,
        %parallel_loop3A_339 = arith.constant 0 : i32
        %parallel_loop3A_340 = vector.broadcast %parallel_loop3A_339 : i32 to vector<16xi32>
        %parallel_loop3A_341 = arith.andi %iota3A, %parallel_loop3A_340 : vector<16xi32>
        %parallel_loop3A_342 = vector.shape_cast %parallel_loop3A_341 : vector<16xi32> to vector<16x1xi32>
        %parallel_loop3A_343 = vector.shape_cast %parallel_loop3A_342 : vector<16x1xi32> to vector<16xi32>
        %parallel_loop3A_344 = tpu.dynamic_gather %parallel_loop3A_317[%parallel_loop3A_343] in [0] : vector<16xf32>, vector<16xi32> -> vector<16xf32>
        %parallel_loop3A_345 = arith.index_cast %parallel_loop3A_300 : i32 to index
        %parallel_loop3A_346 = arith.constant 16 : index
        %parallel_loop3A_347 = tpu.vector_load %arg11[%parallel_loop3A_345, %parallel_loop3A_346] {strides = array<i32>} : memref<128x48xf32, #tpu.memory_space<vmem>>, vector<1x16xf32>,
        %parallel_loop3A_348 = vector.shape_cast %parallel_loop3A_347 : vector<1x16xf32> to vector<16xf32>
        %parallel_loop3A_349 = arith.mulf %parallel_loop3A_348, %parallel_loop3A_344 : vector<16xf32>
        %parallel_loop3A_350 = arith.index_cast %parallel_loop3A_300 : i32 to index
        %parallel_loop3A_351 = arith.constant 16 : index
        %parallel_loop3A_352 = tpu.vector_load %arg11[%parallel_loop3A_350, %parallel_loop3A_351] {strides = array<i32>} : memref<128x48xf32, #tpu.memory_space<vmem>>, vector<1x16xf32>,
        %parallel_loop3A_353 = vector.shape_cast %parallel_loop3A_352 : vector<1x16xf32> to vector<16xf32>
        %parallel_loop3A_354 = vector.shape_cast %parallel_loop3A_349 : vector<16xf32> to vector<1x16xf32>
        tpu.vector_store %arg11[%parallel_loop3A_350, %parallel_loop3A_351], %parallel_loop3A_354 {strides = array<i32>} : memref<128x48xf32, #tpu.memory_space<vmem>>, vector<1x16xf32>,
      } {sc.loop_unroll_factor = 8 : i64, sc.parallel_access}
      %add3A_216 = arith.constant 2 : i32
      %add3A_217 = arith.addi %add3A_109, %add3A_216 : i32
      %dma_start3A_218 = arith.constant 0 : i32
      %dma_start3A_219 = tpu.memref_slice %arg8[%add3A_217, %dma_start3A_218] : memref<82x128xi32, #tpu.memory_space<vmem>> -> memref<1x128xi32, #tpu.memory_space<vmem>>
      %dma_start3A_220 = tpu.memref_squeeze %dma_start3A_219 : memref<1x128xi32, #tpu.memory_space<vmem>> -> memref<128xi32, #tpu.memory_space<vmem>>
      %dma_start3A_221 = arith.constant 0 : i32
      %dma_start3A_222 = arith.constant 0 : i32
      %dma_start3A_223 = tpu.memref_slice %arg17[%dma_start3A_221, %dma_start3A_222] : memref<10112x48xf32, #tpu.memory_space<vmem_shared>> -> memref<10112x48xf32, #tpu.memory_space<vmem_shared>>
      tpu.enqueue_indirect_dma source(%arg11 : memref<128x48xf32, #tpu.memory_space<vmem>>) target(%dma_start3A_223 : memref<10112x48xf32, #tpu.memory_space<vmem_shared>>) offsets(%dma_start3A_220 : memref<128xi32, #tpu.memory_space<vmem>>) semaphore(%arg28 : memref<!tpu.dma_semaphore, #tpu.memory_space<semaphore_mem>>) {add = true}
      %add3A_224 = arith.constant 2 : i32
      %add3A_225 = arith.addi %add3A_109, %add3A_224 : i32
      %sub3A = arith.constant 2 : i32
      %sub3A_226 = arith.subi %add3A_225, %sub3A : i32
      %dma_wait3A_227 = arith.constant 0 : i32
      %dma_wait3A_228 = tpu.memref_slice %arg8[%sub3A_226, %dma_wait3A_227] : memref<82x128xi32, #tpu.memory_space<vmem>> -> memref<1x128xi32, #tpu.memory_space<vmem>>
      %dma_wait3A_229 = tpu.memref_squeeze %dma_wait3A_228 : memref<1x128xi32, #tpu.memory_space<vmem>> -> memref<128xi32, #tpu.memory_space<vmem>>
      %dma_wait3A_230 = arith.constant 0 : i32
      %dma_wait3A_231 = arith.constant 0 : i32
      %dma_wait3A_232 = tpu.memref_slice %arg17[%dma_wait3A_230, %dma_wait3A_231] : memref<10112x48xf32, #tpu.memory_space<vmem_shared>> -> memref<10112x48xf32, #tpu.memory_space<vmem_shared>>
      tpu.wait_indirect_dma semaphore(%arg26 : memref<!tpu.dma_semaphore, #tpu.memory_space<semaphore_mem>>) src(%arg9 : memref<128x48xf32, #tpu.memory_space<vmem>>) dst(%dma_wait3A_232 : memref<10112x48xf32, #tpu.memory_space<vmem_shared>>)
      %add3A_233 = arith.constant 2 : i32
      %add3A_234 = arith.addi %add3A_109, %add3A_233 : i32
      %add3A_235 = arith.constant 2 : i32
      %add3A_236 = arith.addi %add3A_234, %add3A_235 : i32
      %dma_start3A_237 = arith.constant 0 : i32
      %dma_start3A_238 = tpu.memref_slice %arg7[%add3A_236, %dma_start3A_237] : memref<82x128xi32, #tpu.memory_space<vmem>> -> memref<1x128xi32, #tpu.memory_space<vmem>>
      %dma_start3A_239 = tpu.memref_squeeze %dma_start3A_238 : memref<1x128xi32, #tpu.memory_space<vmem>> -> memref<128xi32, #tpu.memory_space<vmem>>
      %dma_start3A_240 = arith.constant 0 : i32
      %dma_start3A_241 = arith.constant 0 : i32
      %dma_start3A_242 = tpu.memref_slice %arg4[%dma_start3A_240, %dma_start3A_241] : memref<10000x48xf32, #tpu.memory_space<hbm>> -> memref<10000x48xf32, #tpu.memory_space<hbm>>
      tpu.enqueue_indirect_dma source(%dma_start3A_242 : memref<10000x48xf32, #tpu.memory_space<hbm>>) target(%arg9 : memref<128x48xf32, #tpu.memory_space<vmem>>) offsets(%dma_start3A_239 : memref<128xi32, #tpu.memory_space<vmem>>) semaphore(%arg18 : memref<!tpu.dma_semaphore, #tpu.memory_space<semaphore_mem>>)
      %dma_start3A_243 = arith.constant 0 : i32
      %dma_start3A_244 = tpu.memref_slice %arg8[%add3A_236, %dma_start3A_243] : memref<82x128xi32, #tpu.memory_space<vmem>> -> memref<1x128xi32, #tpu.memory_space<vmem>>
      %dma_start3A_245 = tpu.memref_squeeze %dma_start3A_244 : memref<1x128xi32, #tpu.memory_space<vmem>> -> memref<128xi32, #tpu.memory_space<vmem>>
      %dma_start3A_246 = arith.constant 0 : i32
      %dma_start3A_247 = arith.constant 0 : i32
      %dma_start3A_248 = tpu.memref_slice %arg5[%dma_start3A_246, %dma_start3A_247] : memref<10112x16xf32, #tpu.memory_space<hbm>> -> memref<10112x16xf32, #tpu.memory_space<hbm>>
      tpu.enqueue_indirect_dma source(%dma_start3A_248 : memref<10112x16xf32, #tpu.memory_space<hbm>>) target(%arg13 : memref<128x16xf32, #tpu.memory_space<vmem>>) offsets(%dma_start3A_245 : memref<128xi32, #tpu.memory_space<vmem>>) semaphore(%arg22 : memref<!tpu.dma_semaphore, #tpu.memory_space<semaphore_mem>>)
      %add3A_249 = arith.constant 3 : i32
      %add3A_250 = arith.addi %add3A_109, %add3A_249 : i32
      %dma_wait3A_251 = arith.constant 0 : i32
      %dma_wait3A_252 = tpu.memref_slice %arg7[%add3A_250, %dma_wait3A_251] : memref<82x128xi32, #tpu.memory_space<vmem>> -> memref<1x128xi32, #tpu.memory_space<vmem>>
      %dma_wait3A_253 = tpu.memref_squeeze %dma_wait3A_252 : memref<1x128xi32, #tpu.memory_space<vmem>> -> memref<128xi32, #tpu.memory_space<vmem>>
      %dma_wait3A_254 = arith.constant 0 : i32
      %dma_wait3A_255 = arith.constant 0 : i32
      %dma_wait3A_256 = tpu.memref_slice %arg4[%dma_wait3A_254, %dma_wait3A_255] : memref<10000x48xf32, #tpu.memory_space<hbm>> -> memref<10000x48xf32, #tpu.memory_space<hbm>>
      tpu.wait_indirect_dma semaphore(%arg21 : memref<!tpu.dma_semaphore, #tpu.memory_space<semaphore_mem>>) src(%dma_wait3A_256 : memref<10000x48xf32, #tpu.memory_space<hbm>>) dst(%arg12 : memref<128x48xf32, #tpu.memory_space<vmem>>)
      %dma_wait3A_257 = arith.constant 0 : i32
      %dma_wait3A_258 = tpu.memref_slice %arg8[%add3A_250, %dma_wait3A_257] : memref<82x128xi32, #tpu.memory_space<vmem>> -> memref<1x128xi32, #tpu.memory_space<vmem>>
      %dma_wait3A_259 = tpu.memref_squeeze %dma_wait3A_258 : memref<1x128xi32, #tpu.memory_space<vmem>> -> memref<128xi32, #tpu.memory_space<vmem>>
      %dma_wait3A_260 = arith.constant 0 : i32
      %dma_wait3A_261 = arith.constant 0 : i32
      %dma_wait3A_262 = tpu.memref_slice %arg5[%dma_wait3A_260, %dma_wait3A_261] : memref<10112x16xf32, #tpu.memory_space<hbm>> -> memref<10112x16xf32, #tpu.memory_space<hbm>>
      tpu.wait_indirect_dma semaphore(%arg25 : memref<!tpu.dma_semaphore, #tpu.memory_space<semaphore_mem>>) src(%dma_wait3A_262 : memref<10112x16xf32, #tpu.memory_space<hbm>>) dst(%arg16 : memref<128x16xf32, #tpu.memory_space<vmem>>)
      %parallel_loop3A_263 = arith.constant 0 : i32
      %parallel_loop3A_264 = arith.constant 128 : i32
      %parallel_loop3A_265 = arith.constant 1 : i32
      scf.for %parallel_loop3A_300 = %parallel_loop3A_263 to %parallel_loop3A_264 step %parallel_loop3A_265  : i32 {
        %parallel_loop3A_301 = arith.index_cast %parallel_loop3A_300 : i32 to index
        %parallel_loop3A_302 = arith.constant 32 : index
        %parallel_loop3A_303 = tpu.vector_load %arg12[%parallel_loop3A_301, %parallel_loop3A_302] {strides = array<i32>} : memref<128x48xf32, #tpu.memory_space<vmem>>, vector<1x16xf32>,
        %parallel_loop3A_304 = vector.shape_cast %parallel_loop3A_303 : vector<1x16xf32> to vector<16xf32>
        %parallel_loop3A_305 = arith.index_cast %parallel_loop3A_300 : i32 to index
        %parallel_loop3A_306 = arith.constant 0 : index
        %parallel_loop3A_307 = tpu.vector_load %arg16[%parallel_loop3A_305, %parallel_loop3A_306] {strides = array<i32>} : memref<128x16xf32, #tpu.memory_space<vmem>>, vector<1x16xf32>,
        %parallel_loop3A_308 = vector.shape_cast %parallel_loop3A_307 : vector<1x16xf32> to vector<16xf32>
        %parallel_loop3A_309 = arith.addf %parallel_loop3A_304, %parallel_loop3A_308 : vector<16xf32>
        %parallel_loop3A_310 = arith.constant 0.000000e+00 : f32
        %parallel_loop3A_311 = vector.broadcast %parallel_loop3A_310 : f32 to vector<16xf32>
        %parallel_loop3A_312 = arith.cmpf oge, %parallel_loop3A_309, %parallel_loop3A_311 : vector<16xf32>
        %parallel_loop3A_313 = arith.constant 2.000000e-01 : f32
        %parallel_loop3A_314 = vector.broadcast %parallel_loop3A_313 : f32 to vector<16xf32>
        %parallel_loop3A_315 = arith.mulf %parallel_loop3A_314, %parallel_loop3A_309 : vector<16xf32>
        %parallel_loop3A_316 = arith.select %parallel_loop3A_312, %parallel_loop3A_309, %parallel_loop3A_315 : vector<16xi1>, vector<16xf32>
        %parallel_loop3A_317 = math.exp %parallel_loop3A_316 : vector<16xf32>
        %parallel_loop3A_318 = arith.index_cast %parallel_loop3A_300 : i32 to index
        %parallel_loop3A_319 = arith.constant 32 : index
        %parallel_loop3A_320 = tpu.vector_load %arg12[%parallel_loop3A_318, %parallel_loop3A_319] {strides = array<i32>} : memref<128x48xf32, #tpu.memory_space<vmem>>, vector<1x16xf32>,
        %parallel_loop3A_321 = vector.shape_cast %parallel_loop3A_320 : vector<1x16xf32> to vector<16xf32>
        %parallel_loop3A_322 = vector.shape_cast %parallel_loop3A_317 : vector<16xf32> to vector<1x16xf32>
        tpu.vector_store %arg12[%parallel_loop3A_318, %parallel_loop3A_319], %parallel_loop3A_322 {strides = array<i32>} : memref<128x48xf32, #tpu.memory_space<vmem>>, vector<1x16xf32>,
        %parallel_loop3A_323 = arith.constant 0 : i32
        %parallel_loop3A_324 = vector.broadcast %parallel_loop3A_323 : i32 to vector<16xi32>
        %parallel_loop3A_325 = arith.andi %iota3A, %parallel_loop3A_324 : vector<16xi32>
        %parallel_loop3A_326 = vector.shape_cast %parallel_loop3A_325 : vector<16xi32> to vector<16x1xi32>
        %parallel_loop3A_327 = vector.shape_cast %parallel_loop3A_326 : vector<16x1xi32> to vector<16xi32>
        %parallel_loop3A_328 = tpu.dynamic_gather %parallel_loop3A_317[%parallel_loop3A_327] in [0] : vector<16xf32>, vector<16xi32> -> vector<16xf32>
        %parallel_loop3A_329 = arith.index_cast %parallel_loop3A_300 : i32 to index
        %parallel_loop3A_330 = arith.constant 0 : index
        %parallel_loop3A_331 = tpu.vector_load %arg12[%parallel_loop3A_329, %parallel_loop3A_330] {strides = array<i32>} : memref<128x48xf32, #tpu.memory_space<vmem>>, vector<1x16xf32>,
        %parallel_loop3A_332 = vector.shape_cast %parallel_loop3A_331 : vector<1x16xf32> to vector<16xf32>
        %parallel_loop3A_333 = arith.mulf %parallel_loop3A_332, %parallel_loop3A_328 : vector<16xf32>
        %parallel_loop3A_334 = arith.index_cast %parallel_loop3A_300 : i32 to index
        %parallel_loop3A_335 = arith.constant 0 : index
        %parallel_loop3A_336 = tpu.vector_load %arg12[%parallel_loop3A_334, %parallel_loop3A_335] {strides = array<i32>} : memref<128x48xf32, #tpu.memory_space<vmem>>, vector<1x16xf32>,
        %parallel_loop3A_337 = vector.shape_cast %parallel_loop3A_336 : vector<1x16xf32> to vector<16xf32>
        %parallel_loop3A_338 = vector.shape_cast %parallel_loop3A_333 : vector<16xf32> to vector<1x16xf32>
        tpu.vector_store %arg12[%parallel_loop3A_334, %parallel_loop3A_335], %parallel_loop3A_338 {strides = array<i32>} : memref<128x48xf32, #tpu.memory_space<vmem>>, vector<1x16xf32>,
        %parallel_loop3A_339 = arith.constant 0 : i32
        %parallel_loop3A_340 = vector.broadcast %parallel_loop3A_339 : i32 to vector<16xi32>
        %parallel_loop3A_341 = arith.andi %iota3A, %parallel_loop3A_340 : vector<16xi32>
        %parallel_loop3A_342 = vector.shape_cast %parallel_loop3A_341 : vector<16xi32> to vector<16x1xi32>
        %parallel_loop3A_343 = vector.shape_cast %parallel_loop3A_342 : vector<16x1xi32> to vector<16xi32>
        %parallel_loop3A_344 = tpu.dynamic_gather %parallel_loop3A_317[%parallel_loop3A_343] in [0] : vector<16xf32>, vector<16xi32> -> vector<16xf32>
        %parallel_loop3A_345 = arith.index_cast %parallel_loop3A_300 : i32 to index
        %parallel_loop3A_346 = arith.constant 16 : index
        %parallel_loop3A_347 = tpu.vector_load %arg12[%parallel_loop3A_345, %parallel_loop3A_346] {strides = array<i32>} : memref<128x48xf32, #tpu.memory_space<vmem>>, vector<1x16xf32>,
        %parallel_loop3A_348 = vector.shape_cast %parallel_loop3A_347 : vector<1x16xf32> to vector<16xf32>
        %parallel_loop3A_349 = arith.mulf %parallel_loop3A_348, %parallel_loop3A_344 : vector<16xf32>
        %parallel_loop3A_350 = arith.index_cast %parallel_loop3A_300 : i32 to index
        %parallel_loop3A_351 = arith.constant 16 : index
        %parallel_loop3A_352 = tpu.vector_load %arg12[%parallel_loop3A_350, %parallel_loop3A_351] {strides = array<i32>} : memref<128x48xf32, #tpu.memory_space<vmem>>, vector<1x16xf32>,
        %parallel_loop3A_353 = vector.shape_cast %parallel_loop3A_352 : vector<1x16xf32> to vector<16xf32>
        %parallel_loop3A_354 = vector.shape_cast %parallel_loop3A_349 : vector<16xf32> to vector<1x16xf32>
        tpu.vector_store %arg12[%parallel_loop3A_350, %parallel_loop3A_351], %parallel_loop3A_354 {strides = array<i32>} : memref<128x48xf32, #tpu.memory_space<vmem>>, vector<1x16xf32>,
      } {sc.loop_unroll_factor = 8 : i64, sc.parallel_access}
      %add3A_266 = arith.constant 3 : i32
      %add3A_267 = arith.addi %add3A_109, %add3A_266 : i32
      %dma_start3A_268 = arith.constant 0 : i32
      %dma_start3A_269 = tpu.memref_slice %arg8[%add3A_267, %dma_start3A_268] : memref<82x128xi32, #tpu.memory_space<vmem>> -> memref<1x128xi32, #tpu.memory_space<vmem>>
      %dma_start3A_270 = tpu.memref_squeeze %dma_start3A_269 : memref<1x128xi32, #tpu.memory_space<vmem>> -> memref<128xi32, #tpu.memory_space<vmem>>
      %dma_start3A_271 = arith.constant 0 : i32
      %dma_start3A_272 = arith.constant 0 : i32
      %dma_start3A_273 = tpu.memref_slice %arg17[%dma_start3A_271, %dma_start3A_272] : memref<10112x48xf32, #tpu.memory_space<vmem_shared>> -> memref<10112x48xf32, #tpu.memory_space<vmem_shared>>
      tpu.enqueue_indirect_dma source(%arg12 : memref<128x48xf32, #tpu.memory_space<vmem>>) target(%dma_start3A_273 : memref<10112x48xf32, #tpu.memory_space<vmem_shared>>) offsets(%dma_start3A_270 : memref<128xi32, #tpu.memory_space<vmem>>) semaphore(%arg29 : memref<!tpu.dma_semaphore, #tpu.memory_space<semaphore_mem>>) {add = true}
      %add3A_274 = arith.constant 3 : i32
      %add3A_275 = arith.addi %add3A_109, %add3A_274 : i32
      %sub3A_276 = arith.constant 2 : i32
      %sub3A_277 = arith.subi %add3A_275, %sub3A_276 : i32
      %dma_wait3A_278 = arith.constant 0 : i32
      %dma_wait3A_279 = tpu.memref_slice %arg8[%sub3A_277, %dma_wait3A_278] : memref<82x128xi32, #tpu.memory_space<vmem>> -> memref<1x128xi32, #tpu.memory_space<vmem>>
      %dma_wait3A_280 = tpu.memref_squeeze %dma_wait3A_279 : memref<1x128xi32, #tpu.memory_space<vmem>> -> memref<128xi32, #tpu.memory_space<vmem>>
      %dma_wait3A_281 = arith.constant 0 : i32
      %dma_wait3A_282 = arith.constant 0 : i32
      %dma_wait3A_283 = tpu.memref_slice %arg17[%dma_wait3A_281, %dma_wait3A_282] : memref<10112x48xf32, #tpu.memory_space<vmem_shared>> -> memref<10112x48xf32, #tpu.memory_space<vmem_shared>>
      tpu.wait_indirect_dma semaphore(%arg27 : memref<!tpu.dma_semaphore, #tpu.memory_space<semaphore_mem>>) src(%arg10 : memref<128x48xf32, #tpu.memory_space<vmem>>) dst(%dma_wait3A_283 : memref<10112x48xf32, #tpu.memory_space<vmem_shared>>)
      %add3A_284 = arith.constant 3 : i32
      %add3A_285 = arith.addi %add3A_109, %add3A_284 : i32
      %add3A_286 = arith.constant 2 : i32
      %add3A_287 = arith.addi %add3A_285, %add3A_286 : i32
      %dma_start3A_288 = arith.constant 0 : i32
      %dma_start3A_289 = tpu.memref_slice %arg7[%add3A_287, %dma_start3A_288] : memref<82x128xi32, #tpu.memory_space<vmem>> -> memref<1x128xi32, #tpu.memory_space<vmem>>
      %dma_start3A_290 = tpu.memref_squeeze %dma_start3A_289 : memref<1x128xi32, #tpu.memory_space<vmem>> -> memref<128xi32, #tpu.memory_space<vmem>>
      %dma_start3A_291 = arith.constant 0 : i32
      %dma_start3A_292 = arith.constant 0 : i32
      %dma_start3A_293 = tpu.memref_slice %arg4[%dma_start3A_291, %dma_start3A_292] : memref<10000x48xf32, #tpu.memory_space<hbm>> -> memref<10000x48xf32, #tpu.memory_space<hbm>>
      tpu.enqueue_indirect_dma source(%dma_start3A_293 : memref<10000x48xf32, #tpu.memory_space<hbm>>) target(%arg10 : memref<128x48xf32, #tpu.memory_space<vmem>>) offsets(%dma_start3A_290 : memref<128xi32, #tpu.memory_space<vmem>>) semaphore(%arg19 : memref<!tpu.dma_semaphore, #tpu.memory_space<semaphore_mem>>)
      %dma_start3A_294 = arith.constant 0 : i32
      %dma_start3A_295 = tpu.memref_slice %arg8[%add3A_287, %dma_start3A_294] : memref<82x128xi32, #tpu.memory_space<vmem>> -> memref<1x128xi32, #tpu.memory_space<vmem>>
      %dma_start3A_296 = tpu.memref_squeeze %dma_start3A_295 : memref<1x128xi32, #tpu.memory_space<vmem>> -> memref<128xi32, #tpu.memory_space<vmem>>
      %dma_start3A_297 = arith.constant 0 : i32
      %dma_start3A_298 = arith.constant 0 : i32
      %dma_start3A_299 = tpu.memref_slice %arg5[%dma_start3A_297, %dma_start3A_298] : memref<10112x16xf32, #tpu.memory_space<hbm>> -> memref<10112x16xf32, #tpu.memory_space<hbm>>
      tpu.enqueue_indirect_dma source(%dma_start3A_299 : memref<10112x16xf32, #tpu.memory_space<hbm>>) target(%arg14 : memref<128x16xf32, #tpu.memory_space<vmem>>) offsets(%dma_start3A_296 : memref<128xi32, #tpu.memory_space<vmem>>) semaphore(%arg23 : memref<!tpu.dma_semaphore, #tpu.memory_space<semaphore_mem>>)
    }
    %scan3A_58 = arith.constant 20 : i32
    %dma_wait3A = arith.constant 80 : i32
    %dma_wait3A_59 = arith.constant 0 : i32
    %dma_wait3A_60 = tpu.memref_slice %arg7[%dma_wait3A, %dma_wait3A_59] : memref<82x128xi32, #tpu.memory_space<vmem>> -> memref<1x128xi32, #tpu.memory_space<vmem>>
    %dma_wait3A_61 = tpu.memref_squeeze %dma_wait3A_60 : memref<1x128xi32, #tpu.memory_space<vmem>> -> memref<128xi32, #tpu.memory_space<vmem>>
    %dma_wait3A_62 = arith.constant 0 : i32
    %dma_wait3A_63 = arith.constant 0 : i32
    %dma_wait3A_64 = tpu.memref_slice %arg4[%dma_wait3A_62, %dma_wait3A_63] : memref<10000x48xf32, #tpu.memory_space<hbm>> -> memref<10000x48xf32, #tpu.memory_space<hbm>>
    tpu.wait_indirect_dma semaphore(%arg18 : memref<!tpu.dma_semaphore, #tpu.memory_space<semaphore_mem>>) src(%dma_wait3A_64 : memref<10000x48xf32, #tpu.memory_space<hbm>>) dst(%arg9 : memref<128x48xf32, #tpu.memory_space<vmem>>)
    %dma_wait3A_65 = arith.constant 80 : i32
    %dma_wait3A_66 = arith.constant 0 : i32
    %dma_wait3A_67 = tpu.memref_slice %arg8[%dma_wait3A_65, %dma_wait3A_66] : memref<82x128xi32, #tpu.memory_space<vmem>> -> memref<1x128xi32, #tpu.memory_space<vmem>>
    %dma_wait3A_68 = tpu.memref_squeeze %dma_wait3A_67 : memref<1x128xi32, #tpu.memory_space<vmem>> -> memref<128xi32, #tpu.memory_space<vmem>>
    %dma_wait3A_69 = arith.constant 0 : i32
    %dma_wait3A_70 = arith.constant 0 : i32
    %dma_wait3A_71 = tpu.memref_slice %arg5[%dma_wait3A_69, %dma_wait3A_70] : memref<10112x16xf32, #tpu.memory_space<hbm>> -> memref<10112x16xf32, #tpu.memory_space<hbm>>
    tpu.wait_indirect_dma semaphore(%arg22 : memref<!tpu.dma_semaphore, #tpu.memory_space<semaphore_mem>>) src(%dma_wait3A_71 : memref<10112x16xf32, #tpu.memory_space<hbm>>) dst(%arg13 : memref<128x16xf32, #tpu.memory_space<vmem>>)
    %dma_wait3A_72 = arith.constant 81 : i32
    %dma_wait3A_73 = arith.constant 0 : i32
    %dma_wait3A_74 = tpu.memref_slice %arg7[%dma_wait3A_72, %dma_wait3A_73] : memref<82x128xi32, #tpu.memory_space<vmem>> -> memref<1x128xi32, #tpu.memory_space<vmem>>
    %dma_wait3A_75 = tpu.memref_squeeze %dma_wait3A_74 : memref<1x128xi32, #tpu.memory_space<vmem>> -> memref<128xi32, #tpu.memory_space<vmem>>
    %dma_wait3A_76 = arith.constant 0 : i32
    %dma_wait3A_77 = arith.constant 0 : i32
    %dma_wait3A_78 = tpu.memref_slice %arg4[%dma_wait3A_76, %dma_wait3A_77] : memref<10000x48xf32, #tpu.memory_space<hbm>> -> memref<10000x48xf32, #tpu.memory_space<hbm>>
    tpu.wait_indirect_dma semaphore(%arg19 : memref<!tpu.dma_semaphore, #tpu.memory_space<semaphore_mem>>) src(%dma_wait3A_78 : memref<10000x48xf32, #tpu.memory_space<hbm>>) dst(%arg10 : memref<128x48xf32, #tpu.memory_space<vmem>>)
    %dma_wait3A_79 = arith.constant 81 : i32
    %dma_wait3A_80 = arith.constant 0 : i32
    %dma_wait3A_81 = tpu.memref_slice %arg8[%dma_wait3A_79, %dma_wait3A_80] : memref<82x128xi32, #tpu.memory_space<vmem>> -> memref<1x128xi32, #tpu.memory_space<vmem>>
    %dma_wait3A_82 = tpu.memref_squeeze %dma_wait3A_81 : memref<1x128xi32, #tpu.memory_space<vmem>> -> memref<128xi32, #tpu.memory_space<vmem>>
    %dma_wait3A_83 = arith.constant 0 : i32
    %dma_wait3A_84 = arith.constant 0 : i32
    %dma_wait3A_85 = tpu.memref_slice %arg5[%dma_wait3A_83, %dma_wait3A_84] : memref<10112x16xf32, #tpu.memory_space<hbm>> -> memref<10112x16xf32, #tpu.memory_space<hbm>>
    tpu.wait_indirect_dma semaphore(%arg23 : memref<!tpu.dma_semaphore, #tpu.memory_space<semaphore_mem>>) src(%dma_wait3A_85 : memref<10112x16xf32, #tpu.memory_space<hbm>>) dst(%arg14 : memref<128x16xf32, #tpu.memory_space<vmem>>)
    %dma_wait3A_86 = arith.constant 78 : i32
    %dma_wait3A_87 = arith.constant 0 : i32
    %dma_wait3A_88 = tpu.memref_slice %arg8[%dma_wait3A_86, %dma_wait3A_87] : memref<82x128xi32, #tpu.memory_space<vmem>> -> memref<1x128xi32, #tpu.memory_space<vmem>>
    %dma_wait3A_89 = tpu.memref_squeeze %dma_wait3A_88 : memref<1x128xi32, #tpu.memory_space<vmem>> -> memref<128xi32, #tpu.memory_space<vmem>>
    %dma_wait3A_90 = arith.constant 0 : i32
    %dma_wait3A_91 = arith.constant 0 : i32
    %dma_wait3A_92 = tpu.memref_slice %arg17[%dma_wait3A_90, %dma_wait3A_91] : memref<10112x48xf32, #tpu.memory_space<vmem_shared>> -> memref<10112x48xf32, #tpu.memory_space<vmem_shared>>
    tpu.wait_indirect_dma semaphore(%arg28 : memref<!tpu.dma_semaphore, #tpu.memory_space<semaphore_mem>>) src(%arg11 : memref<128x48xf32, #tpu.memory_space<vmem>>) dst(%dma_wait3A_92 : memref<10112x48xf32, #tpu.memory_space<vmem_shared>>)
    %dma_wait3A_93 = arith.constant 79 : i32
    %dma_wait3A_94 = arith.constant 0 : i32
    %dma_wait3A_95 = tpu.memref_slice %arg8[%dma_wait3A_93, %dma_wait3A_94] : memref<82x128xi32, #tpu.memory_space<vmem>> -> memref<1x128xi32, #tpu.memory_space<vmem>>
    %dma_wait3A_96 = tpu.memref_squeeze %dma_wait3A_95 : memref<1x128xi32, #tpu.memory_space<vmem>> -> memref<128xi32, #tpu.memory_space<vmem>>
    %dma_wait3A_97 = arith.constant 0 : i32
    %dma_wait3A_98 = arith.constant 0 : i32
    %dma_wait3A_99 = tpu.memref_slice %arg17[%dma_wait3A_97, %dma_wait3A_98] : memref<10112x48xf32, #tpu.memory_space<vmem_shared>> -> memref<10112x48xf32, #tpu.memory_space<vmem_shared>>
    tpu.wait_indirect_dma semaphore(%arg29 : memref<!tpu.dma_semaphore, #tpu.memory_space<semaphore_mem>>) src(%arg12 : memref<128x48xf32, #tpu.memory_space<vmem>>) dst(%dma_wait3A_99 : memref<10112x48xf32, #tpu.memory_space<vmem_shared>>)
    %barrier3A_100 = arith.constant 0 : index
    tpu.barrier barrier_id(%barrier3A_100)
    %mul3A_101 = arith.constant 632 : i32
    %mul3A_102 = arith.muli %arg1, %mul3A_101 : i32
    %mul3A_103 = arith.constant 632 : i32
    %mul3A_104 = arith.muli %arg1, %mul3A_103 : i32
    "tpu.region"() ({
      %run_scoped3A = tpu.sem_alloc : memref<!tpu.dma_semaphore, #tpu.memory_space<semaphore_mem>>
      %dma_start3A_105 = arith.constant 0 : i32
      %dma_start3A_106 = tpu.memref_slice %arg6[%arg0, %mul3A_104, %dma_start3A_105] : memref<2x10112x48xf32, #tpu.memory_space<hbm>> -> memref<1x632x48xf32, #tpu.memory_space<hbm>>
      %dma_start3A_107 = tpu.memref_squeeze %dma_start3A_106 : memref<1x632x48xf32, #tpu.memory_space<hbm>> -> memref<632x48xf32, #tpu.memory_space<hbm>>
      %dma_start3A_108 = arith.constant 0 : i32
      %dma_start3A_109 = tpu.memref_slice %arg17[%mul3A_102, %dma_start3A_108] : memref<10112x48xf32, #tpu.memory_space<vmem_shared>> -> memref<632x48xf32, #tpu.memory_space<vmem_shared>>
      tpu.enqueue_dma source(%dma_start3A_109 : memref<632x48xf32, #tpu.memory_space<vmem_shared>>) target(%dma_start3A_107 : memref<632x48xf32, #tpu.memory_space<hbm>>) target_semaphore(%run_scoped3A : memref<!tpu.dma_semaphore, #tpu.memory_space<semaphore_mem>>)
      %dma_wait3A_110 = arith.constant 0 : i32
      %dma_wait3A_111 = tpu.memref_slice %arg6[%arg0, %mul3A_104, %dma_wait3A_110] : memref<2x10112x48xf32, #tpu.memory_space<hbm>> -> memref<1x632x48xf32, #tpu.memory_space<hbm>>
      %dma_wait3A_112 = tpu.memref_squeeze %dma_wait3A_111 : memref<1x632x48xf32, #tpu.memory_space<hbm>> -> memref<632x48xf32, #tpu.memory_space<hbm>>
      %dma_wait3A_113 = arith.constant 0 : i32
      %dma_wait3A_114 = tpu.memref_slice %arg17[%mul3A_102, %dma_wait3A_113] : memref<10112x48xf32, #tpu.memory_space<vmem_shared>> -> memref<632x48xf32, #tpu.memory_space<vmem_shared>>
      tpu.wait_dma2 semaphore(%run_scoped3A : memref<!tpu.dma_semaphore, #tpu.memory_space<semaphore_mem>>) src(%dma_wait3A_114 : memref<632x48xf32, #tpu.memory_space<vmem_shared>>) dst(%dma_wait3A_112 : memref<632x48xf32, #tpu.memory_space<hbm>>)
      tpu.yield
    }) : () -> ()
    return
  }
}

#map = affine_map<(d0, d1) -> (0, 0)>
#map1 = affine_map<(d0, d1) -> (0, 0, 0)>
module attributes {stable_mosaic.version = 14 : i64} {
  func.func @edge_kernel(%arg0: i32, %arg1: i32, %arg2: memref<2562x128xi32, #tpu.memory_space<hbm>>, %arg3: memref<2562x128xi32, #tpu.memory_space<hbm>>, %arg4: memref<10000x80xf32, #tpu.memory_space<hbm>>, %arg5: memref<10112x16xf32, #tpu.memory_space<hbm>>, %arg6: memref<2x10112x80xf32, #tpu.memory_space<hbm>>, %arg7: memref<82x128xi32, #tpu.memory_space<vmem>>, %arg8: memref<82x128xi32, #tpu.memory_space<vmem>>, %arg9: memref<128x80xf32, #tpu.memory_space<vmem>>, %arg10: memref<128x80xf32, #tpu.memory_space<vmem>>, %arg11: memref<128x80xf32, #tpu.memory_space<vmem>>, %arg12: memref<128x80xf32, #tpu.memory_space<vmem>>, %arg13: memref<128x16xf32, #tpu.memory_space<vmem>>, %arg14: memref<128x16xf32, #tpu.memory_space<vmem>>, %arg15: memref<128x16xf32, #tpu.memory_space<vmem>>, %arg16: memref<128x16xf32, #tpu.memory_space<vmem>>, %arg17: memref<10112x80xf32, #tpu.memory_space<vmem_shared>>, %arg18: memref<!tpu.dma_semaphore, #tpu.memory_space<semaphore_mem>>, %arg19: memref<!tpu.dma_semaphore, #tpu.memory_space<semaphore_mem>>, %arg20: memref<!tpu.dma_semaphore, #tpu.memory_space<semaphore_mem>>, %arg21: memref<!tpu.dma_semaphore, #tpu.memory_space<semaphore_mem>>, %arg22: memref<!tpu.dma_semaphore, #tpu.memory_space<semaphore_mem>>, %arg23: memref<!tpu.dma_semaphore, #tpu.memory_space<semaphore_mem>>, %arg24: memref<!tpu.dma_semaphore, #tpu.memory_space<semaphore_mem>>, %arg25: memref<!tpu.dma_semaphore, #tpu.memory_space<semaphore_mem>>, %arg26: memref<!tpu.dma_semaphore, #tpu.memory_space<semaphore_mem>>, %arg27: memref<!tpu.dma_semaphore, #tpu.memory_space<semaphore_mem>>, %arg28: memref<!tpu.dma_semaphore, #tpu.memory_space<semaphore_mem>>, %arg29: memref<!tpu.dma_semaphore, #tpu.memory_space<semaphore_mem>>) attributes {dimension_semantics = [#tpu.dimension_semantics<core_parallel>, #tpu.dimension_semantics<subcore_parallel>], iteration_bounds = array<i64: 2, 16>, scalar_prefetch = 0 : i64, scratch_operands = 23 : i64, tpu.core_type = #tpu.core_type<sc_vector_subcore>, window_params = [{transform_indices = #map}, {transform_indices = #map}, {transform_indices = #map}, {transform_indices = #map}, {transform_indices = #map1}]} {
    %mul3A = arith.constant 2 : i32
    %mul3A_0 = arith.muli %arg1, %mul3A : i32
    %add3A = arith.addi %mul3A_0, %arg0 : i32
    %broadcast_in_dim3A = arith.constant 0.000000e+00 : f32
    %broadcast_in_dim3A_1 = vector.broadcast %broadcast_in_dim3A : f32 to vector<16xf32>
    %iota3A = tpu.iota {dimensions = array<i32: 0>} : vector<16xi32>
    %mul3A_2 = arith.constant 80 : i32
    %mul3A_3 = arith.muli %add3A, %mul3A_2 : i32
    "tpu.region"() ({
      %run_scoped3A = tpu.sem_alloc : memref<!tpu.dma_semaphore, #tpu.memory_space<semaphore_mem>>
      %dma_start3A_105 = arith.constant 0 : i32
      %dma_start3A_106 = tpu.memref_slice %arg2[%mul3A_3, %dma_start3A_105] : memref<2562x128xi32, #tpu.memory_space<hbm>> -> memref<82x128xi32, #tpu.memory_space<hbm>>
      %dma_start3A_107 = arith.constant 0 : i32
      %dma_start3A_108 = tpu.memref_slice %arg2[%mul3A_3, %dma_start3A_107] : memref<2562x128xi32, #tpu.memory_space<hbm>> -> memref<82x128xi32, #tpu.memory_space<hbm>>
      tpu.enqueue_dma source(%dma_start3A_108 : memref<82x128xi32, #tpu.memory_space<hbm>>) target(%arg7 : memref<82x128xi32, #tpu.memory_space<vmem>>) target_semaphore(%run_scoped3A : memref<!tpu.dma_semaphore, #tpu.memory_space<semaphore_mem>>)
      %dma_wait3A_109 = arith.constant 0 : i32
      %dma_wait3A_110 = tpu.memref_slice %arg2[%mul3A_3, %dma_wait3A_109] : memref<2562x128xi32, #tpu.memory_space<hbm>> -> memref<82x128xi32, #tpu.memory_space<hbm>>
      %dma_wait3A_111 = arith.constant 0 : i32
      %dma_wait3A_112 = tpu.memref_slice %arg2[%mul3A_3, %dma_wait3A_111] : memref<2562x128xi32, #tpu.memory_space<hbm>> -> memref<82x128xi32, #tpu.memory_space<hbm>>
      tpu.wait_dma2 semaphore(%run_scoped3A : memref<!tpu.dma_semaphore, #tpu.memory_space<semaphore_mem>>) src(%dma_wait3A_112 : memref<82x128xi32, #tpu.memory_space<hbm>>) dst(%arg7 : memref<82x128xi32, #tpu.memory_space<vmem>>)
      tpu.yield
    }) : () -> ()
    %mul3A_4 = arith.constant 80 : i32
    %mul3A_5 = arith.muli %add3A, %mul3A_4 : i32
    "tpu.region"() ({
      %run_scoped3A = tpu.sem_alloc : memref<!tpu.dma_semaphore, #tpu.memory_space<semaphore_mem>>
      %dma_start3A_105 = arith.constant 0 : i32
      %dma_start3A_106 = tpu.memref_slice %arg3[%mul3A_5, %dma_start3A_105] : memref<2562x128xi32, #tpu.memory_space<hbm>> -> memref<82x128xi32, #tpu.memory_space<hbm>>
      %dma_start3A_107 = arith.constant 0 : i32
      %dma_start3A_108 = tpu.memref_slice %arg3[%mul3A_5, %dma_start3A_107] : memref<2562x128xi32, #tpu.memory_space<hbm>> -> memref<82x128xi32, #tpu.memory_space<hbm>>
      tpu.enqueue_dma source(%dma_start3A_108 : memref<82x128xi32, #tpu.memory_space<hbm>>) target(%arg8 : memref<82x128xi32, #tpu.memory_space<vmem>>) target_semaphore(%run_scoped3A : memref<!tpu.dma_semaphore, #tpu.memory_space<semaphore_mem>>)
      %dma_wait3A_109 = arith.constant 0 : i32
      %dma_wait3A_110 = tpu.memref_slice %arg3[%mul3A_5, %dma_wait3A_109] : memref<2562x128xi32, #tpu.memory_space<hbm>> -> memref<82x128xi32, #tpu.memory_space<hbm>>
      %dma_wait3A_111 = arith.constant 0 : i32
      %dma_wait3A_112 = tpu.memref_slice %arg3[%mul3A_5, %dma_wait3A_111] : memref<2562x128xi32, #tpu.memory_space<hbm>> -> memref<82x128xi32, #tpu.memory_space<hbm>>
      tpu.wait_dma2 semaphore(%run_scoped3A : memref<!tpu.dma_semaphore, #tpu.memory_space<semaphore_mem>>) src(%dma_wait3A_112 : memref<82x128xi32, #tpu.memory_space<hbm>>) dst(%arg8 : memref<82x128xi32, #tpu.memory_space<vmem>>)
      tpu.yield
    }) : () -> ()
    %parallel_loop3A = arith.constant 0 : i32
    %parallel_loop3A_6 = arith.constant 640 : i32
    %parallel_loop3A_7 = arith.constant 1 : i32
    scf.for %parallel_loop3A_105 = %parallel_loop3A to %parallel_loop3A_6 step %parallel_loop3A_7  : i32 {
      %parallel_loop3A_106 = arith.constant 5 : i32
      %parallel_loop3A_107 = arith.divsi %parallel_loop3A_105, %parallel_loop3A_106 : i32
      %parallel_loop3A_108 = arith.constant 0 : i32
      %parallel_loop3A_109 = arith.cmpi sgt, %parallel_loop3A_105, %parallel_loop3A_108 : i32
      %parallel_loop3A_110 = arith.extui %parallel_loop3A_109 : i1 to i32
      %parallel_loop3A_111 = arith.constant 0 : i32
      %parallel_loop3A_112 = arith.cmpi slt, %parallel_loop3A_105, %parallel_loop3A_111 : i32
      %parallel_loop3A_113 = arith.extui %parallel_loop3A_112 : i1 to i32
      %parallel_loop3A_114 = arith.subi %parallel_loop3A_110, %parallel_loop3A_113 : i32
      %parallel_loop3A_115 = arith.constant 0 : i32
      %parallel_loop3A_116 = arith.cmpi sgt, %parallel_loop3A_106, %parallel_loop3A_115 : i32
      %parallel_loop3A_117 = arith.extui %parallel_loop3A_116 : i1 to i32
      %parallel_loop3A_118 = arith.constant 0 : i32
      %parallel_loop3A_119 = arith.cmpi slt, %parallel_loop3A_106, %parallel_loop3A_118 : i32
      %parallel_loop3A_120 = arith.extui %parallel_loop3A_119 : i1 to i32
      %parallel_loop3A_121 = arith.subi %parallel_loop3A_117, %parallel_loop3A_120 : i32
      %parallel_loop3A_122 = arith.cmpi ne, %parallel_loop3A_114, %parallel_loop3A_121 : i32
      %parallel_loop3A_123 = arith.remsi %parallel_loop3A_105, %parallel_loop3A_106 : i32
      %parallel_loop3A_124 = arith.constant 0 : i32
      %parallel_loop3A_125 = arith.cmpi ne, %parallel_loop3A_123, %parallel_loop3A_124 : i32
      %parallel_loop3A_126 = arith.andi %parallel_loop3A_122, %parallel_loop3A_125 : i1
      %parallel_loop3A_127 = arith.constant 1 : i32
      %parallel_loop3A_128 = arith.subi %parallel_loop3A_107, %parallel_loop3A_127 : i32
      %parallel_loop3A_129 = arith.select %parallel_loop3A_126, %parallel_loop3A_128, %parallel_loop3A_107 : i32
      %parallel_loop3A_130 = arith.constant 5 : i32
      %parallel_loop3A_131 = arith.constant 0 : i32
      %parallel_loop3A_132 = arith.cmpi eq, %parallel_loop3A_130, %parallel_loop3A_131 : i32
      %parallel_loop3A_133 = arith.constant 1 : i32
      %parallel_loop3A_134 = arith.select %parallel_loop3A_132, %parallel_loop3A_133, %parallel_loop3A_130 : i32
      %parallel_loop3A_135 = arith.remsi %parallel_loop3A_105, %parallel_loop3A_134 : i32
      %parallel_loop3A_136 = arith.constant 0 : i32
      %parallel_loop3A_137 = arith.cmpi ne, %parallel_loop3A_135, %parallel_loop3A_136 : i32
      %parallel_loop3A_138 = arith.constant 0 : i32
      %parallel_loop3A_139 = arith.cmpi slt, %parallel_loop3A_135, %parallel_loop3A_138 : i32
      %parallel_loop3A_140 = arith.constant 0 : i32
      %parallel_loop3A_141 = arith.cmpi slt, %parallel_loop3A_134, %parallel_loop3A_140 : i32
      %parallel_loop3A_142 = arith.xori %parallel_loop3A_139, %parallel_loop3A_141 : i1
      %parallel_loop3A_143 = arith.andi %parallel_loop3A_142, %parallel_loop3A_137 : i1
      %parallel_loop3A_144 = arith.addi %parallel_loop3A_135, %parallel_loop3A_134 : i32
      %parallel_loop3A_145 = arith.select %parallel_loop3A_143, %parallel_loop3A_144, %parallel_loop3A_135 : i32
      %parallel_loop3A_146 = arith.constant 16 : i32
      %parallel_loop3A_147 = arith.muli %parallel_loop3A_145, %parallel_loop3A_146 : i32
      %parallel_loop3A_148 = arith.index_cast %parallel_loop3A_129 : i32 to index
      %parallel_loop3A_149 = arith.index_cast %parallel_loop3A_147 : i32 to index
      %parallel_loop3A_150 = tpu.vector_load %arg9[%parallel_loop3A_148, %parallel_loop3A_149] {strides = array<i32>} : memref<128x80xf32, #tpu.memory_space<vmem>>, vector<1x16xf32>,
      %parallel_loop3A_151 = vector.shape_cast %parallel_loop3A_150 : vector<1x16xf32> to vector<16xf32>
      %parallel_loop3A_152 = vector.shape_cast %broadcast_in_dim3A_1 : vector<16xf32> to vector<1x16xf32>
      tpu.vector_store %arg9[%parallel_loop3A_148, %parallel_loop3A_149], %parallel_loop3A_152 {strides = array<i32>} : memref<128x80xf32, #tpu.memory_space<vmem>>, vector<1x16xf32>,
    } {sc.loop_unroll_factor = 4 : i64, sc.parallel_access}
    %mul3A_8 = arith.constant 632 : i32
    %mul3A_9 = arith.muli %arg1, %mul3A_8 : i32
    %add3A_10 = arith.constant 0 : i32
    %add3A_11 = arith.addi %mul3A_9, %add3A_10 : i32
    "tpu.region"() ({
      %run_scoped3A = tpu.sem_alloc : memref<!tpu.dma_semaphore, #tpu.memory_space<semaphore_mem>>
      %dma_start3A_105 = arith.constant 0 : i32
      %dma_start3A_106 = arith.constant 0 : i32
      %dma_start3A_107 = tpu.memref_slice %arg9[%dma_start3A_105, %dma_start3A_106] : memref<128x80xf32, #tpu.memory_space<vmem>> -> memref<128x80xf32, #tpu.memory_space<vmem>>
      %dma_start3A_108 = arith.constant 0 : i32
      %dma_start3A_109 = tpu.memref_slice %arg17[%add3A_11, %dma_start3A_108] : memref<10112x80xf32, #tpu.memory_space<vmem_shared>> -> memref<128x80xf32, #tpu.memory_space<vmem_shared>>
      %dma_start3A_110 = arith.constant 0 : i32
      %dma_start3A_111 = tpu.memref_slice %arg17[%add3A_11, %dma_start3A_110] : memref<10112x80xf32, #tpu.memory_space<vmem_shared>> -> memref<128x80xf32, #tpu.memory_space<vmem_shared>>
      %dma_start3A_112 = arith.constant 0 : i32
      %dma_start3A_113 = arith.constant 0 : i32
      %dma_start3A_114 = tpu.memref_slice %arg9[%dma_start3A_112, %dma_start3A_113] : memref<128x80xf32, #tpu.memory_space<vmem>> -> memref<128x80xf32, #tpu.memory_space<vmem>>
      tpu.enqueue_dma source(%dma_start3A_114 : memref<128x80xf32, #tpu.memory_space<vmem>>) target(%dma_start3A_111 : memref<128x80xf32, #tpu.memory_space<vmem_shared>>) target_semaphore(%run_scoped3A : memref<!tpu.dma_semaphore, #tpu.memory_space<semaphore_mem>>)
      %dma_wait3A_115 = arith.constant 0 : i32
      %dma_wait3A_116 = arith.constant 0 : i32
      %dma_wait3A_117 = tpu.memref_slice %arg9[%dma_wait3A_115, %dma_wait3A_116] : memref<128x80xf32, #tpu.memory_space<vmem>> -> memref<128x80xf32, #tpu.memory_space<vmem>>
      %dma_wait3A_118 = arith.constant 0 : i32
      %dma_wait3A_119 = tpu.memref_slice %arg17[%add3A_11, %dma_wait3A_118] : memref<10112x80xf32, #tpu.memory_space<vmem_shared>> -> memref<128x80xf32, #tpu.memory_space<vmem_shared>>
      %dma_wait3A_120 = arith.constant 0 : i32
      %dma_wait3A_121 = tpu.memref_slice %arg17[%add3A_11, %dma_wait3A_120] : memref<10112x80xf32, #tpu.memory_space<vmem_shared>> -> memref<128x80xf32, #tpu.memory_space<vmem_shared>>
      %dma_wait3A_122 = arith.constant 0 : i32
      %dma_wait3A_123 = arith.constant 0 : i32
      %dma_wait3A_124 = tpu.memref_slice %arg9[%dma_wait3A_122, %dma_wait3A_123] : memref<128x80xf32, #tpu.memory_space<vmem>> -> memref<128x80xf32, #tpu.memory_space<vmem>>
      tpu.wait_dma2 semaphore(%run_scoped3A : memref<!tpu.dma_semaphore, #tpu.memory_space<semaphore_mem>>) src(%dma_wait3A_124 : memref<128x80xf32, #tpu.memory_space<vmem>>) dst(%dma_wait3A_121 : memref<128x80xf32, #tpu.memory_space<vmem_shared>>)
      tpu.yield
    }) : () -> ()
    %mul3A_12 = arith.constant 632 : i32
    %mul3A_13 = arith.muli %arg1, %mul3A_12 : i32
    %add3A_14 = arith.constant 128 : i32
    %add3A_15 = arith.addi %mul3A_13, %add3A_14 : i32
    "tpu.region"() ({
      %run_scoped3A = tpu.sem_alloc : memref<!tpu.dma_semaphore, #tpu.memory_space<semaphore_mem>>
      %dma_start3A_105 = arith.constant 0 : i32
      %dma_start3A_106 = arith.constant 0 : i32
      %dma_start3A_107 = tpu.memref_slice %arg9[%dma_start3A_105, %dma_start3A_106] : memref<128x80xf32, #tpu.memory_space<vmem>> -> memref<128x80xf32, #tpu.memory_space<vmem>>
      %dma_start3A_108 = arith.constant 0 : i32
      %dma_start3A_109 = tpu.memref_slice %arg17[%add3A_15, %dma_start3A_108] : memref<10112x80xf32, #tpu.memory_space<vmem_shared>> -> memref<128x80xf32, #tpu.memory_space<vmem_shared>>
      %dma_start3A_110 = arith.constant 0 : i32
      %dma_start3A_111 = tpu.memref_slice %arg17[%add3A_15, %dma_start3A_110] : memref<10112x80xf32, #tpu.memory_space<vmem_shared>> -> memref<128x80xf32, #tpu.memory_space<vmem_shared>>
      %dma_start3A_112 = arith.constant 0 : i32
      %dma_start3A_113 = arith.constant 0 : i32
      %dma_start3A_114 = tpu.memref_slice %arg9[%dma_start3A_112, %dma_start3A_113] : memref<128x80xf32, #tpu.memory_space<vmem>> -> memref<128x80xf32, #tpu.memory_space<vmem>>
      tpu.enqueue_dma source(%dma_start3A_114 : memref<128x80xf32, #tpu.memory_space<vmem>>) target(%dma_start3A_111 : memref<128x80xf32, #tpu.memory_space<vmem_shared>>) target_semaphore(%run_scoped3A : memref<!tpu.dma_semaphore, #tpu.memory_space<semaphore_mem>>)
      %dma_wait3A_115 = arith.constant 0 : i32
      %dma_wait3A_116 = arith.constant 0 : i32
      %dma_wait3A_117 = tpu.memref_slice %arg9[%dma_wait3A_115, %dma_wait3A_116] : memref<128x80xf32, #tpu.memory_space<vmem>> -> memref<128x80xf32, #tpu.memory_space<vmem>>
      %dma_wait3A_118 = arith.constant 0 : i32
      %dma_wait3A_119 = tpu.memref_slice %arg17[%add3A_15, %dma_wait3A_118] : memref<10112x80xf32, #tpu.memory_space<vmem_shared>> -> memref<128x80xf32, #tpu.memory_space<vmem_shared>>
      %dma_wait3A_120 = arith.constant 0 : i32
      %dma_wait3A_121 = tpu.memref_slice %arg17[%add3A_15, %dma_wait3A_120] : memref<10112x80xf32, #tpu.memory_space<vmem_shared>> -> memref<128x80xf32, #tpu.memory_space<vmem_shared>>
      %dma_wait3A_122 = arith.constant 0 : i32
      %dma_wait3A_123 = arith.constant 0 : i32
      %dma_wait3A_124 = tpu.memref_slice %arg9[%dma_wait3A_122, %dma_wait3A_123] : memref<128x80xf32, #tpu.memory_space<vmem>> -> memref<128x80xf32, #tpu.memory_space<vmem>>
      tpu.wait_dma2 semaphore(%run_scoped3A : memref<!tpu.dma_semaphore, #tpu.memory_space<semaphore_mem>>) src(%dma_wait3A_124 : memref<128x80xf32, #tpu.memory_space<vmem>>) dst(%dma_wait3A_121 : memref<128x80xf32, #tpu.memory_space<vmem_shared>>)
      tpu.yield
    }) : () -> ()
    %mul3A_16 = arith.constant 632 : i32
    %mul3A_17 = arith.muli %arg1, %mul3A_16 : i32
    %add3A_18 = arith.constant 256 : i32
    %add3A_19 = arith.addi %mul3A_17, %add3A_18 : i32
    "tpu.region"() ({
      %run_scoped3A = tpu.sem_alloc : memref<!tpu.dma_semaphore, #tpu.memory_space<semaphore_mem>>
      %dma_start3A_105 = arith.constant 0 : i32
      %dma_start3A_106 = arith.constant 0 : i32
      %dma_start3A_107 = tpu.memref_slice %arg9[%dma_start3A_105, %dma_start3A_106] : memref<128x80xf32, #tpu.memory_space<vmem>> -> memref<128x80xf32, #tpu.memory_space<vmem>>
      %dma_start3A_108 = arith.constant 0 : i32
      %dma_start3A_109 = tpu.memref_slice %arg17[%add3A_19, %dma_start3A_108] : memref<10112x80xf32, #tpu.memory_space<vmem_shared>> -> memref<128x80xf32, #tpu.memory_space<vmem_shared>>
      %dma_start3A_110 = arith.constant 0 : i32
      %dma_start3A_111 = tpu.memref_slice %arg17[%add3A_19, %dma_start3A_110] : memref<10112x80xf32, #tpu.memory_space<vmem_shared>> -> memref<128x80xf32, #tpu.memory_space<vmem_shared>>
      %dma_start3A_112 = arith.constant 0 : i32
      %dma_start3A_113 = arith.constant 0 : i32
      %dma_start3A_114 = tpu.memref_slice %arg9[%dma_start3A_112, %dma_start3A_113] : memref<128x80xf32, #tpu.memory_space<vmem>> -> memref<128x80xf32, #tpu.memory_space<vmem>>
      tpu.enqueue_dma source(%dma_start3A_114 : memref<128x80xf32, #tpu.memory_space<vmem>>) target(%dma_start3A_111 : memref<128x80xf32, #tpu.memory_space<vmem_shared>>) target_semaphore(%run_scoped3A : memref<!tpu.dma_semaphore, #tpu.memory_space<semaphore_mem>>)
      %dma_wait3A_115 = arith.constant 0 : i32
      %dma_wait3A_116 = arith.constant 0 : i32
      %dma_wait3A_117 = tpu.memref_slice %arg9[%dma_wait3A_115, %dma_wait3A_116] : memref<128x80xf32, #tpu.memory_space<vmem>> -> memref<128x80xf32, #tpu.memory_space<vmem>>
      %dma_wait3A_118 = arith.constant 0 : i32
      %dma_wait3A_119 = tpu.memref_slice %arg17[%add3A_19, %dma_wait3A_118] : memref<10112x80xf32, #tpu.memory_space<vmem_shared>> -> memref<128x80xf32, #tpu.memory_space<vmem_shared>>
      %dma_wait3A_120 = arith.constant 0 : i32
      %dma_wait3A_121 = tpu.memref_slice %arg17[%add3A_19, %dma_wait3A_120] : memref<10112x80xf32, #tpu.memory_space<vmem_shared>> -> memref<128x80xf32, #tpu.memory_space<vmem_shared>>
      %dma_wait3A_122 = arith.constant 0 : i32
      %dma_wait3A_123 = arith.constant 0 : i32
      %dma_wait3A_124 = tpu.memref_slice %arg9[%dma_wait3A_122, %dma_wait3A_123] : memref<128x80xf32, #tpu.memory_space<vmem>> -> memref<128x80xf32, #tpu.memory_space<vmem>>
      tpu.wait_dma2 semaphore(%run_scoped3A : memref<!tpu.dma_semaphore, #tpu.memory_space<semaphore_mem>>) src(%dma_wait3A_124 : memref<128x80xf32, #tpu.memory_space<vmem>>) dst(%dma_wait3A_121 : memref<128x80xf32, #tpu.memory_space<vmem_shared>>)
      tpu.yield
    }) : () -> ()
    %mul3A_20 = arith.constant 632 : i32
    %mul3A_21 = arith.muli %arg1, %mul3A_20 : i32
    %add3A_22 = arith.constant 384 : i32
    %add3A_23 = arith.addi %mul3A_21, %add3A_22 : i32
    "tpu.region"() ({
      %run_scoped3A = tpu.sem_alloc : memref<!tpu.dma_semaphore, #tpu.memory_space<semaphore_mem>>
      %dma_start3A_105 = arith.constant 0 : i32
      %dma_start3A_106 = arith.constant 0 : i32
      %dma_start3A_107 = tpu.memref_slice %arg9[%dma_start3A_105, %dma_start3A_106] : memref<128x80xf32, #tpu.memory_space<vmem>> -> memref<128x80xf32, #tpu.memory_space<vmem>>
      %dma_start3A_108 = arith.constant 0 : i32
      %dma_start3A_109 = tpu.memref_slice %arg17[%add3A_23, %dma_start3A_108] : memref<10112x80xf32, #tpu.memory_space<vmem_shared>> -> memref<128x80xf32, #tpu.memory_space<vmem_shared>>
      %dma_start3A_110 = arith.constant 0 : i32
      %dma_start3A_111 = tpu.memref_slice %arg17[%add3A_23, %dma_start3A_110] : memref<10112x80xf32, #tpu.memory_space<vmem_shared>> -> memref<128x80xf32, #tpu.memory_space<vmem_shared>>
      %dma_start3A_112 = arith.constant 0 : i32
      %dma_start3A_113 = arith.constant 0 : i32
      %dma_start3A_114 = tpu.memref_slice %arg9[%dma_start3A_112, %dma_start3A_113] : memref<128x80xf32, #tpu.memory_space<vmem>> -> memref<128x80xf32, #tpu.memory_space<vmem>>
      tpu.enqueue_dma source(%dma_start3A_114 : memref<128x80xf32, #tpu.memory_space<vmem>>) target(%dma_start3A_111 : memref<128x80xf32, #tpu.memory_space<vmem_shared>>) target_semaphore(%run_scoped3A : memref<!tpu.dma_semaphore, #tpu.memory_space<semaphore_mem>>)
      %dma_wait3A_115 = arith.constant 0 : i32
      %dma_wait3A_116 = arith.constant 0 : i32
      %dma_wait3A_117 = tpu.memref_slice %arg9[%dma_wait3A_115, %dma_wait3A_116] : memref<128x80xf32, #tpu.memory_space<vmem>> -> memref<128x80xf32, #tpu.memory_space<vmem>>
      %dma_wait3A_118 = arith.constant 0 : i32
      %dma_wait3A_119 = tpu.memref_slice %arg17[%add3A_23, %dma_wait3A_118] : memref<10112x80xf32, #tpu.memory_space<vmem_shared>> -> memref<128x80xf32, #tpu.memory_space<vmem_shared>>
      %dma_wait3A_120 = arith.constant 0 : i32
      %dma_wait3A_121 = tpu.memref_slice %arg17[%add3A_23, %dma_wait3A_120] : memref<10112x80xf32, #tpu.memory_space<vmem_shared>> -> memref<128x80xf32, #tpu.memory_space<vmem_shared>>
      %dma_wait3A_122 = arith.constant 0 : i32
      %dma_wait3A_123 = arith.constant 0 : i32
      %dma_wait3A_124 = tpu.memref_slice %arg9[%dma_wait3A_122, %dma_wait3A_123] : memref<128x80xf32, #tpu.memory_space<vmem>> -> memref<128x80xf32, #tpu.memory_space<vmem>>
      tpu.wait_dma2 semaphore(%run_scoped3A : memref<!tpu.dma_semaphore, #tpu.memory_space<semaphore_mem>>) src(%dma_wait3A_124 : memref<128x80xf32, #tpu.memory_space<vmem>>) dst(%dma_wait3A_121 : memref<128x80xf32, #tpu.memory_space<vmem_shared>>)
      tpu.yield
    }) : () -> ()
    %mul3A_24 = arith.constant 632 : i32
    %mul3A_25 = arith.muli %arg1, %mul3A_24 : i32
    %add3A_26 = arith.constant 512 : i32
    %add3A_27 = arith.addi %mul3A_25, %add3A_26 : i32
    "tpu.region"() ({
      %run_scoped3A = tpu.sem_alloc : memref<!tpu.dma_semaphore, #tpu.memory_space<semaphore_mem>>
      %dma_start3A_105 = arith.constant 0 : i32
      %dma_start3A_106 = arith.constant 0 : i32
      %dma_start3A_107 = tpu.memref_slice %arg9[%dma_start3A_105, %dma_start3A_106] : memref<128x80xf32, #tpu.memory_space<vmem>> -> memref<120x80xf32, #tpu.memory_space<vmem>>
      %dma_start3A_108 = arith.constant 0 : i32
      %dma_start3A_109 = tpu.memref_slice %arg17[%add3A_27, %dma_start3A_108] : memref<10112x80xf32, #tpu.memory_space<vmem_shared>> -> memref<120x80xf32, #tpu.memory_space<vmem_shared>>
      %dma_start3A_110 = arith.constant 0 : i32
      %dma_start3A_111 = tpu.memref_slice %arg17[%add3A_27, %dma_start3A_110] : memref<10112x80xf32, #tpu.memory_space<vmem_shared>> -> memref<120x80xf32, #tpu.memory_space<vmem_shared>>
      %dma_start3A_112 = arith.constant 0 : i32
      %dma_start3A_113 = arith.constant 0 : i32
      %dma_start3A_114 = tpu.memref_slice %arg9[%dma_start3A_112, %dma_start3A_113] : memref<128x80xf32, #tpu.memory_space<vmem>> -> memref<120x80xf32, #tpu.memory_space<vmem>>
      tpu.enqueue_dma source(%dma_start3A_114 : memref<120x80xf32, #tpu.memory_space<vmem>>) target(%dma_start3A_111 : memref<120x80xf32, #tpu.memory_space<vmem_shared>>) target_semaphore(%run_scoped3A : memref<!tpu.dma_semaphore, #tpu.memory_space<semaphore_mem>>)
      %dma_wait3A_115 = arith.constant 0 : i32
      %dma_wait3A_116 = arith.constant 0 : i32
      %dma_wait3A_117 = tpu.memref_slice %arg9[%dma_wait3A_115, %dma_wait3A_116] : memref<128x80xf32, #tpu.memory_space<vmem>> -> memref<120x80xf32, #tpu.memory_space<vmem>>
      %dma_wait3A_118 = arith.constant 0 : i32
      %dma_wait3A_119 = tpu.memref_slice %arg17[%add3A_27, %dma_wait3A_118] : memref<10112x80xf32, #tpu.memory_space<vmem_shared>> -> memref<120x80xf32, #tpu.memory_space<vmem_shared>>
      %dma_wait3A_120 = arith.constant 0 : i32
      %dma_wait3A_121 = tpu.memref_slice %arg17[%add3A_27, %dma_wait3A_120] : memref<10112x80xf32, #tpu.memory_space<vmem_shared>> -> memref<120x80xf32, #tpu.memory_space<vmem_shared>>
      %dma_wait3A_122 = arith.constant 0 : i32
      %dma_wait3A_123 = arith.constant 0 : i32
      %dma_wait3A_124 = tpu.memref_slice %arg9[%dma_wait3A_122, %dma_wait3A_123] : memref<128x80xf32, #tpu.memory_space<vmem>> -> memref<120x80xf32, #tpu.memory_space<vmem>>
      tpu.wait_dma2 semaphore(%run_scoped3A : memref<!tpu.dma_semaphore, #tpu.memory_space<semaphore_mem>>) src(%dma_wait3A_124 : memref<120x80xf32, #tpu.memory_space<vmem>>) dst(%dma_wait3A_121 : memref<120x80xf32, #tpu.memory_space<vmem_shared>>)
      tpu.yield
    }) : () -> ()
    %barrier3A = arith.constant 0 : index
    tpu.barrier barrier_id(%barrier3A)
    %dma_start3A = arith.constant 0 : i32
    %dma_start3A_28 = arith.constant 0 : i32
    %dma_start3A_29 = tpu.memref_slice %arg7[%dma_start3A, %dma_start3A_28] : memref<82x128xi32, #tpu.memory_space<vmem>> -> memref<1x128xi32, #tpu.memory_space<vmem>>
    %dma_start3A_30 = tpu.memref_squeeze %dma_start3A_29 : memref<1x128xi32, #tpu.memory_space<vmem>> -> memref<128xi32, #tpu.memory_space<vmem>>
    %dma_start3A_31 = arith.constant 0 : i32
    %dma_start3A_32 = arith.constant 0 : i32
    %dma_start3A_33 = tpu.memref_slice %arg4[%dma_start3A_31, %dma_start3A_32] : memref<10000x80xf32, #tpu.memory_space<hbm>> -> memref<10000x80xf32, #tpu.memory_space<hbm>>
    tpu.enqueue_indirect_dma source(%dma_start3A_33 : memref<10000x80xf32, #tpu.memory_space<hbm>>) target(%arg9 : memref<128x80xf32, #tpu.memory_space<vmem>>) offsets(%dma_start3A_30 : memref<128xi32, #tpu.memory_space<vmem>>) semaphore(%arg18 : memref<!tpu.dma_semaphore, #tpu.memory_space<semaphore_mem>>)
    %dma_start3A_34 = arith.constant 0 : i32
    %dma_start3A_35 = arith.constant 0 : i32
    %dma_start3A_36 = tpu.memref_slice %arg8[%dma_start3A_34, %dma_start3A_35] : memref<82x128xi32, #tpu.memory_space<vmem>> -> memref<1x128xi32, #tpu.memory_space<vmem>>
    %dma_start3A_37 = tpu.memref_squeeze %dma_start3A_36 : memref<1x128xi32, #tpu.memory_space<vmem>> -> memref<128xi32, #tpu.memory_space<vmem>>
    %dma_start3A_38 = arith.constant 0 : i32
    %dma_start3A_39 = arith.constant 0 : i32
    %dma_start3A_40 = tpu.memref_slice %arg5[%dma_start3A_38, %dma_start3A_39] : memref<10112x16xf32, #tpu.memory_space<hbm>> -> memref<10112x16xf32, #tpu.memory_space<hbm>>
    tpu.enqueue_indirect_dma source(%dma_start3A_40 : memref<10112x16xf32, #tpu.memory_space<hbm>>) target(%arg13 : memref<128x16xf32, #tpu.memory_space<vmem>>) offsets(%dma_start3A_37 : memref<128xi32, #tpu.memory_space<vmem>>) semaphore(%arg22 : memref<!tpu.dma_semaphore, #tpu.memory_space<semaphore_mem>>)
    %dma_start3A_41 = arith.constant 1 : i32
    %dma_start3A_42 = arith.constant 0 : i32
    %dma_start3A_43 = tpu.memref_slice %arg7[%dma_start3A_41, %dma_start3A_42] : memref<82x128xi32, #tpu.memory_space<vmem>> -> memref<1x128xi32, #tpu.memory_space<vmem>>
    %dma_start3A_44 = tpu.memref_squeeze %dma_start3A_43 : memref<1x128xi32, #tpu.memory_space<vmem>> -> memref<128xi32, #tpu.memory_space<vmem>>
    %dma_start3A_45 = arith.constant 0 : i32
    %dma_start3A_46 = arith.constant 0 : i32
    %dma_start3A_47 = tpu.memref_slice %arg4[%dma_start3A_45, %dma_start3A_46] : memref<10000x80xf32, #tpu.memory_space<hbm>> -> memref<10000x80xf32, #tpu.memory_space<hbm>>
    tpu.enqueue_indirect_dma source(%dma_start3A_47 : memref<10000x80xf32, #tpu.memory_space<hbm>>) target(%arg10 : memref<128x80xf32, #tpu.memory_space<vmem>>) offsets(%dma_start3A_44 : memref<128xi32, #tpu.memory_space<vmem>>) semaphore(%arg19 : memref<!tpu.dma_semaphore, #tpu.memory_space<semaphore_mem>>)
    %dma_start3A_48 = arith.constant 1 : i32
    %dma_start3A_49 = arith.constant 0 : i32
    %dma_start3A_50 = tpu.memref_slice %arg8[%dma_start3A_48, %dma_start3A_49] : memref<82x128xi32, #tpu.memory_space<vmem>> -> memref<1x128xi32, #tpu.memory_space<vmem>>
    %dma_start3A_51 = tpu.memref_squeeze %dma_start3A_50 : memref<1x128xi32, #tpu.memory_space<vmem>> -> memref<128xi32, #tpu.memory_space<vmem>>
    %dma_start3A_52 = arith.constant 0 : i32
    %dma_start3A_53 = arith.constant 0 : i32
    %dma_start3A_54 = tpu.memref_slice %arg5[%dma_start3A_52, %dma_start3A_53] : memref<10112x16xf32, #tpu.memory_space<hbm>> -> memref<10112x16xf32, #tpu.memory_space<hbm>>
    tpu.enqueue_indirect_dma source(%dma_start3A_54 : memref<10112x16xf32, #tpu.memory_space<hbm>>) target(%arg14 : memref<128x16xf32, #tpu.memory_space<vmem>>) offsets(%dma_start3A_51 : memref<128xi32, #tpu.memory_space<vmem>>) semaphore(%arg23 : memref<!tpu.dma_semaphore, #tpu.memory_space<semaphore_mem>>)
    %scan3A = arith.constant 0 : i32
    %scan3A_55 = arith.constant 20 : i32
    %scan3A_56 = arith.addi %scan3A, %scan3A_55 : i32
    %scan3A_57 = arith.constant 1 : i32
    scf.for %scan3A_105 = %scan3A to %scan3A_56 step %scan3A_57  : i32 {
      %mul3A_106 = arith.constant 4 : i32
      %mul3A_107 = arith.muli %scan3A_105, %mul3A_106 : i32
      %add3A_108 = arith.constant 0 : i32
      %add3A_109 = arith.addi %add3A_108, %mul3A_107 : i32
      %add3A_110 = arith.constant 0 : i32
      %add3A_111 = arith.addi %add3A_109, %add3A_110 : i32
      %dma_wait3A_112 = arith.constant 0 : i32
      %dma_wait3A_113 = tpu.memref_slice %arg7[%add3A_111, %dma_wait3A_112] : memref<82x128xi32, #tpu.memory_space<vmem>> -> memref<1x128xi32, #tpu.memory_space<vmem>>
      %dma_wait3A_114 = tpu.memref_squeeze %dma_wait3A_113 : memref<1x128xi32, #tpu.memory_space<vmem>> -> memref<128xi32, #tpu.memory_space<vmem>>
      %dma_wait3A_115 = arith.constant 0 : i32
      %dma_wait3A_116 = arith.constant 0 : i32
      %dma_wait3A_117 = tpu.memref_slice %arg4[%dma_wait3A_115, %dma_wait3A_116] : memref<10000x80xf32, #tpu.memory_space<hbm>> -> memref<10000x80xf32, #tpu.memory_space<hbm>>
      tpu.wait_indirect_dma semaphore(%arg18 : memref<!tpu.dma_semaphore, #tpu.memory_space<semaphore_mem>>) src(%dma_wait3A_117 : memref<10000x80xf32, #tpu.memory_space<hbm>>) dst(%arg9 : memref<128x80xf32, #tpu.memory_space<vmem>>)
      %dma_wait3A_118 = arith.constant 0 : i32
      %dma_wait3A_119 = tpu.memref_slice %arg8[%add3A_111, %dma_wait3A_118] : memref<82x128xi32, #tpu.memory_space<vmem>> -> memref<1x128xi32, #tpu.memory_space<vmem>>
      %dma_wait3A_120 = tpu.memref_squeeze %dma_wait3A_119 : memref<1x128xi32, #tpu.memory_space<vmem>> -> memref<128xi32, #tpu.memory_space<vmem>>
      %dma_wait3A_121 = arith.constant 0 : i32
      %dma_wait3A_122 = arith.constant 0 : i32
      %dma_wait3A_123 = tpu.memref_slice %arg5[%dma_wait3A_121, %dma_wait3A_122] : memref<10112x16xf32, #tpu.memory_space<hbm>> -> memref<10112x16xf32, #tpu.memory_space<hbm>>
      tpu.wait_indirect_dma semaphore(%arg22 : memref<!tpu.dma_semaphore, #tpu.memory_space<semaphore_mem>>) src(%dma_wait3A_123 : memref<10112x16xf32, #tpu.memory_space<hbm>>) dst(%arg13 : memref<128x16xf32, #tpu.memory_space<vmem>>)
      %parallel_loop3A_124 = arith.constant 0 : i32
      %parallel_loop3A_125 = arith.constant 128 : i32
      %parallel_loop3A_126 = arith.constant 1 : i32
      scf.for %parallel_loop3A_300 = %parallel_loop3A_124 to %parallel_loop3A_125 step %parallel_loop3A_126  : i32 {
        %parallel_loop3A_301 = arith.index_cast %parallel_loop3A_300 : i32 to index
        %parallel_loop3A_302 = arith.constant 64 : index
        %parallel_loop3A_303 = tpu.vector_load %arg9[%parallel_loop3A_301, %parallel_loop3A_302] {strides = array<i32>} : memref<128x80xf32, #tpu.memory_space<vmem>>, vector<1x16xf32>,
        %parallel_loop3A_304 = vector.shape_cast %parallel_loop3A_303 : vector<1x16xf32> to vector<16xf32>
        %parallel_loop3A_305 = arith.index_cast %parallel_loop3A_300 : i32 to index
        %parallel_loop3A_306 = arith.constant 0 : index
        %parallel_loop3A_307 = tpu.vector_load %arg13[%parallel_loop3A_305, %parallel_loop3A_306] {strides = array<i32>} : memref<128x16xf32, #tpu.memory_space<vmem>>, vector<1x16xf32>,
        %parallel_loop3A_308 = vector.shape_cast %parallel_loop3A_307 : vector<1x16xf32> to vector<16xf32>
        %parallel_loop3A_309 = arith.addf %parallel_loop3A_304, %parallel_loop3A_308 : vector<16xf32>
        %parallel_loop3A_310 = arith.constant 0.000000e+00 : f32
        %parallel_loop3A_311 = vector.broadcast %parallel_loop3A_310 : f32 to vector<16xf32>
        %parallel_loop3A_312 = arith.cmpf oge, %parallel_loop3A_309, %parallel_loop3A_311 : vector<16xf32>
        %parallel_loop3A_313 = arith.constant 2.000000e-01 : f32
        %parallel_loop3A_314 = vector.broadcast %parallel_loop3A_313 : f32 to vector<16xf32>
        %parallel_loop3A_315 = arith.mulf %parallel_loop3A_314, %parallel_loop3A_309 : vector<16xf32>
        %parallel_loop3A_316 = arith.select %parallel_loop3A_312, %parallel_loop3A_309, %parallel_loop3A_315 : vector<16xi1>, vector<16xf32>
        %parallel_loop3A_317 = math.exp %parallel_loop3A_316 : vector<16xf32>
        %parallel_loop3A_318 = arith.index_cast %parallel_loop3A_300 : i32 to index
        %parallel_loop3A_319 = arith.constant 64 : index
        %parallel_loop3A_320 = tpu.vector_load %arg9[%parallel_loop3A_318, %parallel_loop3A_319] {strides = array<i32>} : memref<128x80xf32, #tpu.memory_space<vmem>>, vector<1x16xf32>,
        %parallel_loop3A_321 = vector.shape_cast %parallel_loop3A_320 : vector<1x16xf32> to vector<16xf32>
        %parallel_loop3A_322 = vector.shape_cast %parallel_loop3A_317 : vector<16xf32> to vector<1x16xf32>
        tpu.vector_store %arg9[%parallel_loop3A_318, %parallel_loop3A_319], %parallel_loop3A_322 {strides = array<i32>} : memref<128x80xf32, #tpu.memory_space<vmem>>, vector<1x16xf32>,
        %parallel_loop3A_323 = arith.constant 3 : i32
        %parallel_loop3A_324 = vector.broadcast %parallel_loop3A_323 : i32 to vector<16xi32>
        %parallel_loop3A_325 = arith.shrui %iota3A, %parallel_loop3A_324 : vector<16xi32>
        %parallel_loop3A_326 = arith.constant 0 : i32
        %parallel_loop3A_327 = vector.broadcast %parallel_loop3A_326 : i32 to vector<16xi32>
        %parallel_loop3A_328 = arith.addi %parallel_loop3A_325, %parallel_loop3A_327 : vector<16xi32>
        %parallel_loop3A_329 = vector.shape_cast %parallel_loop3A_328 : vector<16xi32> to vector<16x1xi32>
        %parallel_loop3A_330 = vector.shape_cast %parallel_loop3A_329 : vector<16x1xi32> to vector<16xi32>
        %parallel_loop3A_331 = tpu.dynamic_gather %parallel_loop3A_317[%parallel_loop3A_330] in [0] : vector<16xf32>, vector<16xi32> -> vector<16xf32>
        %parallel_loop3A_332 = arith.index_cast %parallel_loop3A_300 : i32 to index
        %parallel_loop3A_333 = arith.constant 0 : index
        %parallel_loop3A_334 = tpu.vector_load %arg9[%parallel_loop3A_332, %parallel_loop3A_333] {strides = array<i32>} : memref<128x80xf32, #tpu.memory_space<vmem>>, vector<1x16xf32>,
        %parallel_loop3A_335 = vector.shape_cast %parallel_loop3A_334 : vector<1x16xf32> to vector<16xf32>
        %parallel_loop3A_336 = arith.mulf %parallel_loop3A_335, %parallel_loop3A_331 : vector<16xf32>
        %parallel_loop3A_337 = arith.index_cast %parallel_loop3A_300 : i32 to index
        %parallel_loop3A_338 = arith.constant 0 : index
        %parallel_loop3A_339 = tpu.vector_load %arg9[%parallel_loop3A_337, %parallel_loop3A_338] {strides = array<i32>} : memref<128x80xf32, #tpu.memory_space<vmem>>, vector<1x16xf32>,
        %parallel_loop3A_340 = vector.shape_cast %parallel_loop3A_339 : vector<1x16xf32> to vector<16xf32>
        %parallel_loop3A_341 = vector.shape_cast %parallel_loop3A_336 : vector<16xf32> to vector<1x16xf32>
        tpu.vector_store %arg9[%parallel_loop3A_337, %parallel_loop3A_338], %parallel_loop3A_341 {strides = array<i32>} : memref<128x80xf32, #tpu.memory_space<vmem>>, vector<1x16xf32>,
        %parallel_loop3A_342 = arith.constant 3 : i32
        %parallel_loop3A_343 = vector.broadcast %parallel_loop3A_342 : i32 to vector<16xi32>
        %parallel_loop3A_344 = arith.shrui %iota3A, %parallel_loop3A_343 : vector<16xi32>
        %parallel_loop3A_345 = arith.constant 2 : i32
        %parallel_loop3A_346 = vector.broadcast %parallel_loop3A_345 : i32 to vector<16xi32>
        %parallel_loop3A_347 = arith.addi %parallel_loop3A_344, %parallel_loop3A_346 : vector<16xi32>
        %parallel_loop3A_348 = vector.shape_cast %parallel_loop3A_347 : vector<16xi32> to vector<16x1xi32>
        %parallel_loop3A_349 = vector.shape_cast %parallel_loop3A_348 : vector<16x1xi32> to vector<16xi32>
        %parallel_loop3A_350 = tpu.dynamic_gather %parallel_loop3A_317[%parallel_loop3A_349] in [0] : vector<16xf32>, vector<16xi32> -> vector<16xf32>
        %parallel_loop3A_351 = arith.index_cast %parallel_loop3A_300 : i32 to index
        %parallel_loop3A_352 = arith.constant 16 : index
        %parallel_loop3A_353 = tpu.vector_load %arg9[%parallel_loop3A_351, %parallel_loop3A_352] {strides = array<i32>} : memref<128x80xf32, #tpu.memory_space<vmem>>, vector<1x16xf32>,
        %parallel_loop3A_354 = vector.shape_cast %parallel_loop3A_353 : vector<1x16xf32> to vector<16xf32>
        %parallel_loop3A_355 = arith.mulf %parallel_loop3A_354, %parallel_loop3A_350 : vector<16xf32>
        %parallel_loop3A_356 = arith.index_cast %parallel_loop3A_300 : i32 to index
        %parallel_loop3A_357 = arith.constant 16 : index
        %parallel_loop3A_358 = tpu.vector_load %arg9[%parallel_loop3A_356, %parallel_loop3A_357] {strides = array<i32>} : memref<128x80xf32, #tpu.memory_space<vmem>>, vector<1x16xf32>,
        %parallel_loop3A_359 = vector.shape_cast %parallel_loop3A_358 : vector<1x16xf32> to vector<16xf32>
        %parallel_loop3A_360 = vector.shape_cast %parallel_loop3A_355 : vector<16xf32> to vector<1x16xf32>
        tpu.vector_store %arg9[%parallel_loop3A_356, %parallel_loop3A_357], %parallel_loop3A_360 {strides = array<i32>} : memref<128x80xf32, #tpu.memory_space<vmem>>, vector<1x16xf32>,
        %parallel_loop3A_361 = arith.constant 3 : i32
        %parallel_loop3A_362 = vector.broadcast %parallel_loop3A_361 : i32 to vector<16xi32>
        %parallel_loop3A_363 = arith.shrui %iota3A, %parallel_loop3A_362 : vector<16xi32>
        %parallel_loop3A_364 = arith.constant 4 : i32
        %parallel_loop3A_365 = vector.broadcast %parallel_loop3A_364 : i32 to vector<16xi32>
        %parallel_loop3A_366 = arith.addi %parallel_loop3A_363, %parallel_loop3A_365 : vector<16xi32>
        %parallel_loop3A_367 = vector.shape_cast %parallel_loop3A_366 : vector<16xi32> to vector<16x1xi32>
        %parallel_loop3A_368 = vector.shape_cast %parallel_loop3A_367 : vector<16x1xi32> to vector<16xi32>
        %parallel_loop3A_369 = tpu.dynamic_gather %parallel_loop3A_317[%parallel_loop3A_368] in [0] : vector<16xf32>, vector<16xi32> -> vector<16xf32>
        %parallel_loop3A_370 = arith.index_cast %parallel_loop3A_300 : i32 to index
        %parallel_loop3A_371 = arith.constant 32 : index
        %parallel_loop3A_372 = tpu.vector_load %arg9[%parallel_loop3A_370, %parallel_loop3A_371] {strides = array<i32>} : memref<128x80xf32, #tpu.memory_space<vmem>>, vector<1x16xf32>,
        %parallel_loop3A_373 = vector.shape_cast %parallel_loop3A_372 : vector<1x16xf32> to vector<16xf32>
        %parallel_loop3A_374 = arith.mulf %parallel_loop3A_373, %parallel_loop3A_369 : vector<16xf32>
        %parallel_loop3A_375 = arith.index_cast %parallel_loop3A_300 : i32 to index
        %parallel_loop3A_376 = arith.constant 32 : index
        %parallel_loop3A_377 = tpu.vector_load %arg9[%parallel_loop3A_375, %parallel_loop3A_376] {strides = array<i32>} : memref<128x80xf32, #tpu.memory_space<vmem>>, vector<1x16xf32>,
        %parallel_loop3A_378 = vector.shape_cast %parallel_loop3A_377 : vector<1x16xf32> to vector<16xf32>
        %parallel_loop3A_379 = vector.shape_cast %parallel_loop3A_374 : vector<16xf32> to vector<1x16xf32>
        tpu.vector_store %arg9[%parallel_loop3A_375, %parallel_loop3A_376], %parallel_loop3A_379 {strides = array<i32>} : memref<128x80xf32, #tpu.memory_space<vmem>>, vector<1x16xf32>,
        %parallel_loop3A_380 = arith.constant 3 : i32
        %parallel_loop3A_381 = vector.broadcast %parallel_loop3A_380 : i32 to vector<16xi32>
        %parallel_loop3A_382 = arith.shrui %iota3A, %parallel_loop3A_381 : vector<16xi32>
        %parallel_loop3A_383 = arith.constant 6 : i32
        %parallel_loop3A_384 = vector.broadcast %parallel_loop3A_383 : i32 to vector<16xi32>
        %parallel_loop3A_385 = arith.addi %parallel_loop3A_382, %parallel_loop3A_384 : vector<16xi32>
        %parallel_loop3A_386 = vector.shape_cast %parallel_loop3A_385 : vector<16xi32> to vector<16x1xi32>
        %parallel_loop3A_387 = vector.shape_cast %parallel_loop3A_386 : vector<16x1xi32> to vector<16xi32>
        %parallel_loop3A_388 = tpu.dynamic_gather %parallel_loop3A_317[%parallel_loop3A_387] in [0] : vector<16xf32>, vector<16xi32> -> vector<16xf32>
        %parallel_loop3A_389 = arith.index_cast %parallel_loop3A_300 : i32 to index
        %parallel_loop3A_390 = arith.constant 48 : index
        %parallel_loop3A_391 = tpu.vector_load %arg9[%parallel_loop3A_389, %parallel_loop3A_390] {strides = array<i32>} : memref<128x80xf32, #tpu.memory_space<vmem>>, vector<1x16xf32>,
        %parallel_loop3A_392 = vector.shape_cast %parallel_loop3A_391 : vector<1x16xf32> to vector<16xf32>
        %parallel_loop3A_393 = arith.mulf %parallel_loop3A_392, %parallel_loop3A_388 : vector<16xf32>
        %parallel_loop3A_394 = arith.index_cast %parallel_loop3A_300 : i32 to index
        %parallel_loop3A_395 = arith.constant 48 : index
        %parallel_loop3A_396 = tpu.vector_load %arg9[%parallel_loop3A_394, %parallel_loop3A_395] {strides = array<i32>} : memref<128x80xf32, #tpu.memory_space<vmem>>, vector<1x16xf32>,
        %parallel_loop3A_397 = vector.shape_cast %parallel_loop3A_396 : vector<1x16xf32> to vector<16xf32>
        %parallel_loop3A_398 = vector.shape_cast %parallel_loop3A_393 : vector<16xf32> to vector<1x16xf32>
        tpu.vector_store %arg9[%parallel_loop3A_394, %parallel_loop3A_395], %parallel_loop3A_398 {strides = array<i32>} : memref<128x80xf32, #tpu.memory_space<vmem>>, vector<1x16xf32>,
      } {sc.loop_unroll_factor = 8 : i64, sc.parallel_access}
      %add3A_127 = arith.constant 0 : i32
      %add3A_128 = arith.addi %add3A_109, %add3A_127 : i32
      %dma_start3A_129 = arith.constant 0 : i32
      %dma_start3A_130 = tpu.memref_slice %arg8[%add3A_128, %dma_start3A_129] : memref<82x128xi32, #tpu.memory_space<vmem>> -> memref<1x128xi32, #tpu.memory_space<vmem>>
      %dma_start3A_131 = tpu.memref_squeeze %dma_start3A_130 : memref<1x128xi32, #tpu.memory_space<vmem>> -> memref<128xi32, #tpu.memory_space<vmem>>
      %dma_start3A_132 = arith.constant 0 : i32
      %dma_start3A_133 = arith.constant 0 : i32
      %dma_start3A_134 = tpu.memref_slice %arg17[%dma_start3A_132, %dma_start3A_133] : memref<10112x80xf32, #tpu.memory_space<vmem_shared>> -> memref<10112x80xf32, #tpu.memory_space<vmem_shared>>
      tpu.enqueue_indirect_dma source(%arg9 : memref<128x80xf32, #tpu.memory_space<vmem>>) target(%dma_start3A_134 : memref<10112x80xf32, #tpu.memory_space<vmem_shared>>) offsets(%dma_start3A_131 : memref<128xi32, #tpu.memory_space<vmem>>) semaphore(%arg26 : memref<!tpu.dma_semaphore, #tpu.memory_space<semaphore_mem>>) {add = true}
      %gt3A = arith.constant 0 : i32
      %gt3A_135 = arith.cmpi sgt, %add3A_109, %gt3A : i32
      %convert_element_type3A = arith.extui %gt3A_135 : i1 to i32
      %cond3A = arith.constant 0 : i32
      %cond3A_136 = arith.cmpi ne, %convert_element_type3A, %cond3A : i32
      scf.if %cond3A_136 {
        %add3A_300 = arith.constant 0 : i32
        %add3A_301 = arith.addi %add3A_109, %add3A_300 : i32
        %sub3A_302 = arith.constant 2 : i32
        %sub3A_303 = arith.subi %add3A_301, %sub3A_302 : i32
        %dma_wait3A_304 = arith.constant 0 : i32
        %dma_wait3A_305 = tpu.memref_slice %arg8[%sub3A_303, %dma_wait3A_304] : memref<82x128xi32, #tpu.memory_space<vmem>> -> memref<1x128xi32, #tpu.memory_space<vmem>>
        %dma_wait3A_306 = tpu.memref_squeeze %dma_wait3A_305 : memref<1x128xi32, #tpu.memory_space<vmem>> -> memref<128xi32, #tpu.memory_space<vmem>>
        %dma_wait3A_307 = arith.constant 0 : i32
        %dma_wait3A_308 = arith.constant 0 : i32
        %dma_wait3A_309 = tpu.memref_slice %arg17[%dma_wait3A_307, %dma_wait3A_308] : memref<10112x80xf32, #tpu.memory_space<vmem_shared>> -> memref<10112x80xf32, #tpu.memory_space<vmem_shared>>
        tpu.wait_indirect_dma semaphore(%arg28 : memref<!tpu.dma_semaphore, #tpu.memory_space<semaphore_mem>>) src(%arg11 : memref<128x80xf32, #tpu.memory_space<vmem>>) dst(%dma_wait3A_309 : memref<10112x80xf32, #tpu.memory_space<vmem_shared>>)
      } else {
      }
      %add3A_137 = arith.constant 0 : i32
      %add3A_138 = arith.addi %add3A_109, %add3A_137 : i32
      %add3A_139 = arith.constant 2 : i32
      %add3A_140 = arith.addi %add3A_138, %add3A_139 : i32
      %dma_start3A_141 = arith.constant 0 : i32
      %dma_start3A_142 = tpu.memref_slice %arg7[%add3A_140, %dma_start3A_141] : memref<82x128xi32, #tpu.memory_space<vmem>> -> memref<1x128xi32, #tpu.memory_space<vmem>>
      %dma_start3A_143 = tpu.memref_squeeze %dma_start3A_142 : memref<1x128xi32, #tpu.memory_space<vmem>> -> memref<128xi32, #tpu.memory_space<vmem>>
      %dma_start3A_144 = arith.constant 0 : i32
      %dma_start3A_145 = arith.constant 0 : i32
      %dma_start3A_146 = tpu.memref_slice %arg4[%dma_start3A_144, %dma_start3A_145] : memref<10000x80xf32, #tpu.memory_space<hbm>> -> memref<10000x80xf32, #tpu.memory_space<hbm>>
      tpu.enqueue_indirect_dma source(%dma_start3A_146 : memref<10000x80xf32, #tpu.memory_space<hbm>>) target(%arg11 : memref<128x80xf32, #tpu.memory_space<vmem>>) offsets(%dma_start3A_143 : memref<128xi32, #tpu.memory_space<vmem>>) semaphore(%arg20 : memref<!tpu.dma_semaphore, #tpu.memory_space<semaphore_mem>>)
      %dma_start3A_147 = arith.constant 0 : i32
      %dma_start3A_148 = tpu.memref_slice %arg8[%add3A_140, %dma_start3A_147] : memref<82x128xi32, #tpu.memory_space<vmem>> -> memref<1x128xi32, #tpu.memory_space<vmem>>
      %dma_start3A_149 = tpu.memref_squeeze %dma_start3A_148 : memref<1x128xi32, #tpu.memory_space<vmem>> -> memref<128xi32, #tpu.memory_space<vmem>>
      %dma_start3A_150 = arith.constant 0 : i32
      %dma_start3A_151 = arith.constant 0 : i32
      %dma_start3A_152 = tpu.memref_slice %arg5[%dma_start3A_150, %dma_start3A_151] : memref<10112x16xf32, #tpu.memory_space<hbm>> -> memref<10112x16xf32, #tpu.memory_space<hbm>>
      tpu.enqueue_indirect_dma source(%dma_start3A_152 : memref<10112x16xf32, #tpu.memory_space<hbm>>) target(%arg15 : memref<128x16xf32, #tpu.memory_space<vmem>>) offsets(%dma_start3A_149 : memref<128xi32, #tpu.memory_space<vmem>>) semaphore(%arg24 : memref<!tpu.dma_semaphore, #tpu.memory_space<semaphore_mem>>)
      %add3A_153 = arith.constant 1 : i32
      %add3A_154 = arith.addi %add3A_109, %add3A_153 : i32
      %dma_wait3A_155 = arith.constant 0 : i32
      %dma_wait3A_156 = tpu.memref_slice %arg7[%add3A_154, %dma_wait3A_155] : memref<82x128xi32, #tpu.memory_space<vmem>> -> memref<1x128xi32, #tpu.memory_space<vmem>>
      %dma_wait3A_157 = tpu.memref_squeeze %dma_wait3A_156 : memref<1x128xi32, #tpu.memory_space<vmem>> -> memref<128xi32, #tpu.memory_space<vmem>>
      %dma_wait3A_158 = arith.constant 0 : i32
      %dma_wait3A_159 = arith.constant 0 : i32
      %dma_wait3A_160 = tpu.memref_slice %arg4[%dma_wait3A_158, %dma_wait3A_159] : memref<10000x80xf32, #tpu.memory_space<hbm>> -> memref<10000x80xf32, #tpu.memory_space<hbm>>
      tpu.wait_indirect_dma semaphore(%arg19 : memref<!tpu.dma_semaphore, #tpu.memory_space<semaphore_mem>>) src(%dma_wait3A_160 : memref<10000x80xf32, #tpu.memory_space<hbm>>) dst(%arg10 : memref<128x80xf32, #tpu.memory_space<vmem>>)
      %dma_wait3A_161 = arith.constant 0 : i32
      %dma_wait3A_162 = tpu.memref_slice %arg8[%add3A_154, %dma_wait3A_161] : memref<82x128xi32, #tpu.memory_space<vmem>> -> memref<1x128xi32, #tpu.memory_space<vmem>>
      %dma_wait3A_163 = tpu.memref_squeeze %dma_wait3A_162 : memref<1x128xi32, #tpu.memory_space<vmem>> -> memref<128xi32, #tpu.memory_space<vmem>>
      %dma_wait3A_164 = arith.constant 0 : i32
      %dma_wait3A_165 = arith.constant 0 : i32
      %dma_wait3A_166 = tpu.memref_slice %arg5[%dma_wait3A_164, %dma_wait3A_165] : memref<10112x16xf32, #tpu.memory_space<hbm>> -> memref<10112x16xf32, #tpu.memory_space<hbm>>
      tpu.wait_indirect_dma semaphore(%arg23 : memref<!tpu.dma_semaphore, #tpu.memory_space<semaphore_mem>>) src(%dma_wait3A_166 : memref<10112x16xf32, #tpu.memory_space<hbm>>) dst(%arg14 : memref<128x16xf32, #tpu.memory_space<vmem>>)
      %parallel_loop3A_167 = arith.constant 0 : i32
      %parallel_loop3A_168 = arith.constant 128 : i32
      %parallel_loop3A_169 = arith.constant 1 : i32
      scf.for %parallel_loop3A_300 = %parallel_loop3A_167 to %parallel_loop3A_168 step %parallel_loop3A_169  : i32 {
        %parallel_loop3A_301 = arith.index_cast %parallel_loop3A_300 : i32 to index
        %parallel_loop3A_302 = arith.constant 64 : index
        %parallel_loop3A_303 = tpu.vector_load %arg10[%parallel_loop3A_301, %parallel_loop3A_302] {strides = array<i32>} : memref<128x80xf32, #tpu.memory_space<vmem>>, vector<1x16xf32>,
        %parallel_loop3A_304 = vector.shape_cast %parallel_loop3A_303 : vector<1x16xf32> to vector<16xf32>
        %parallel_loop3A_305 = arith.index_cast %parallel_loop3A_300 : i32 to index
        %parallel_loop3A_306 = arith.constant 0 : index
        %parallel_loop3A_307 = tpu.vector_load %arg14[%parallel_loop3A_305, %parallel_loop3A_306] {strides = array<i32>} : memref<128x16xf32, #tpu.memory_space<vmem>>, vector<1x16xf32>,
        %parallel_loop3A_308 = vector.shape_cast %parallel_loop3A_307 : vector<1x16xf32> to vector<16xf32>
        %parallel_loop3A_309 = arith.addf %parallel_loop3A_304, %parallel_loop3A_308 : vector<16xf32>
        %parallel_loop3A_310 = arith.constant 0.000000e+00 : f32
        %parallel_loop3A_311 = vector.broadcast %parallel_loop3A_310 : f32 to vector<16xf32>
        %parallel_loop3A_312 = arith.cmpf oge, %parallel_loop3A_309, %parallel_loop3A_311 : vector<16xf32>
        %parallel_loop3A_313 = arith.constant 2.000000e-01 : f32
        %parallel_loop3A_314 = vector.broadcast %parallel_loop3A_313 : f32 to vector<16xf32>
        %parallel_loop3A_315 = arith.mulf %parallel_loop3A_314, %parallel_loop3A_309 : vector<16xf32>
        %parallel_loop3A_316 = arith.select %parallel_loop3A_312, %parallel_loop3A_309, %parallel_loop3A_315 : vector<16xi1>, vector<16xf32>
        %parallel_loop3A_317 = math.exp %parallel_loop3A_316 : vector<16xf32>
        %parallel_loop3A_318 = arith.index_cast %parallel_loop3A_300 : i32 to index
        %parallel_loop3A_319 = arith.constant 64 : index
        %parallel_loop3A_320 = tpu.vector_load %arg10[%parallel_loop3A_318, %parallel_loop3A_319] {strides = array<i32>} : memref<128x80xf32, #tpu.memory_space<vmem>>, vector<1x16xf32>,
        %parallel_loop3A_321 = vector.shape_cast %parallel_loop3A_320 : vector<1x16xf32> to vector<16xf32>
        %parallel_loop3A_322 = vector.shape_cast %parallel_loop3A_317 : vector<16xf32> to vector<1x16xf32>
        tpu.vector_store %arg10[%parallel_loop3A_318, %parallel_loop3A_319], %parallel_loop3A_322 {strides = array<i32>} : memref<128x80xf32, #tpu.memory_space<vmem>>, vector<1x16xf32>,
        %parallel_loop3A_323 = arith.constant 3 : i32
        %parallel_loop3A_324 = vector.broadcast %parallel_loop3A_323 : i32 to vector<16xi32>
        %parallel_loop3A_325 = arith.shrui %iota3A, %parallel_loop3A_324 : vector<16xi32>
        %parallel_loop3A_326 = arith.constant 0 : i32
        %parallel_loop3A_327 = vector.broadcast %parallel_loop3A_326 : i32 to vector<16xi32>
        %parallel_loop3A_328 = arith.addi %parallel_loop3A_325, %parallel_loop3A_327 : vector<16xi32>
        %parallel_loop3A_329 = vector.shape_cast %parallel_loop3A_328 : vector<16xi32> to vector<16x1xi32>
        %parallel_loop3A_330 = vector.shape_cast %parallel_loop3A_329 : vector<16x1xi32> to vector<16xi32>
        %parallel_loop3A_331 = tpu.dynamic_gather %parallel_loop3A_317[%parallel_loop3A_330] in [0] : vector<16xf32>, vector<16xi32> -> vector<16xf32>
        %parallel_loop3A_332 = arith.index_cast %parallel_loop3A_300 : i32 to index
        %parallel_loop3A_333 = arith.constant 0 : index
        %parallel_loop3A_334 = tpu.vector_load %arg10[%parallel_loop3A_332, %parallel_loop3A_333] {strides = array<i32>} : memref<128x80xf32, #tpu.memory_space<vmem>>, vector<1x16xf32>,
        %parallel_loop3A_335 = vector.shape_cast %parallel_loop3A_334 : vector<1x16xf32> to vector<16xf32>
        %parallel_loop3A_336 = arith.mulf %parallel_loop3A_335, %parallel_loop3A_331 : vector<16xf32>
        %parallel_loop3A_337 = arith.index_cast %parallel_loop3A_300 : i32 to index
        %parallel_loop3A_338 = arith.constant 0 : index
        %parallel_loop3A_339 = tpu.vector_load %arg10[%parallel_loop3A_337, %parallel_loop3A_338] {strides = array<i32>} : memref<128x80xf32, #tpu.memory_space<vmem>>, vector<1x16xf32>,
        %parallel_loop3A_340 = vector.shape_cast %parallel_loop3A_339 : vector<1x16xf32> to vector<16xf32>
        %parallel_loop3A_341 = vector.shape_cast %parallel_loop3A_336 : vector<16xf32> to vector<1x16xf32>
        tpu.vector_store %arg10[%parallel_loop3A_337, %parallel_loop3A_338], %parallel_loop3A_341 {strides = array<i32>} : memref<128x80xf32, #tpu.memory_space<vmem>>, vector<1x16xf32>,
        %parallel_loop3A_342 = arith.constant 3 : i32
        %parallel_loop3A_343 = vector.broadcast %parallel_loop3A_342 : i32 to vector<16xi32>
        %parallel_loop3A_344 = arith.shrui %iota3A, %parallel_loop3A_343 : vector<16xi32>
        %parallel_loop3A_345 = arith.constant 2 : i32
        %parallel_loop3A_346 = vector.broadcast %parallel_loop3A_345 : i32 to vector<16xi32>
        %parallel_loop3A_347 = arith.addi %parallel_loop3A_344, %parallel_loop3A_346 : vector<16xi32>
        %parallel_loop3A_348 = vector.shape_cast %parallel_loop3A_347 : vector<16xi32> to vector<16x1xi32>
        %parallel_loop3A_349 = vector.shape_cast %parallel_loop3A_348 : vector<16x1xi32> to vector<16xi32>
        %parallel_loop3A_350 = tpu.dynamic_gather %parallel_loop3A_317[%parallel_loop3A_349] in [0] : vector<16xf32>, vector<16xi32> -> vector<16xf32>
        %parallel_loop3A_351 = arith.index_cast %parallel_loop3A_300 : i32 to index
        %parallel_loop3A_352 = arith.constant 16 : index
        %parallel_loop3A_353 = tpu.vector_load %arg10[%parallel_loop3A_351, %parallel_loop3A_352] {strides = array<i32>} : memref<128x80xf32, #tpu.memory_space<vmem>>, vector<1x16xf32>,
        %parallel_loop3A_354 = vector.shape_cast %parallel_loop3A_353 : vector<1x16xf32> to vector<16xf32>
        %parallel_loop3A_355 = arith.mulf %parallel_loop3A_354, %parallel_loop3A_350 : vector<16xf32>
        %parallel_loop3A_356 = arith.index_cast %parallel_loop3A_300 : i32 to index
        %parallel_loop3A_357 = arith.constant 16 : index
        %parallel_loop3A_358 = tpu.vector_load %arg10[%parallel_loop3A_356, %parallel_loop3A_357] {strides = array<i32>} : memref<128x80xf32, #tpu.memory_space<vmem>>, vector<1x16xf32>,
        %parallel_loop3A_359 = vector.shape_cast %parallel_loop3A_358 : vector<1x16xf32> to vector<16xf32>
        %parallel_loop3A_360 = vector.shape_cast %parallel_loop3A_355 : vector<16xf32> to vector<1x16xf32>
        tpu.vector_store %arg10[%parallel_loop3A_356, %parallel_loop3A_357], %parallel_loop3A_360 {strides = array<i32>} : memref<128x80xf32, #tpu.memory_space<vmem>>, vector<1x16xf32>,
        %parallel_loop3A_361 = arith.constant 3 : i32
        %parallel_loop3A_362 = vector.broadcast %parallel_loop3A_361 : i32 to vector<16xi32>
        %parallel_loop3A_363 = arith.shrui %iota3A, %parallel_loop3A_362 : vector<16xi32>
        %parallel_loop3A_364 = arith.constant 4 : i32
        %parallel_loop3A_365 = vector.broadcast %parallel_loop3A_364 : i32 to vector<16xi32>
        %parallel_loop3A_366 = arith.addi %parallel_loop3A_363, %parallel_loop3A_365 : vector<16xi32>
        %parallel_loop3A_367 = vector.shape_cast %parallel_loop3A_366 : vector<16xi32> to vector<16x1xi32>
        %parallel_loop3A_368 = vector.shape_cast %parallel_loop3A_367 : vector<16x1xi32> to vector<16xi32>
        %parallel_loop3A_369 = tpu.dynamic_gather %parallel_loop3A_317[%parallel_loop3A_368] in [0] : vector<16xf32>, vector<16xi32> -> vector<16xf32>
        %parallel_loop3A_370 = arith.index_cast %parallel_loop3A_300 : i32 to index
        %parallel_loop3A_371 = arith.constant 32 : index
        %parallel_loop3A_372 = tpu.vector_load %arg10[%parallel_loop3A_370, %parallel_loop3A_371] {strides = array<i32>} : memref<128x80xf32, #tpu.memory_space<vmem>>, vector<1x16xf32>,
        %parallel_loop3A_373 = vector.shape_cast %parallel_loop3A_372 : vector<1x16xf32> to vector<16xf32>
        %parallel_loop3A_374 = arith.mulf %parallel_loop3A_373, %parallel_loop3A_369 : vector<16xf32>
        %parallel_loop3A_375 = arith.index_cast %parallel_loop3A_300 : i32 to index
        %parallel_loop3A_376 = arith.constant 32 : index
        %parallel_loop3A_377 = tpu.vector_load %arg10[%parallel_loop3A_375, %parallel_loop3A_376] {strides = array<i32>} : memref<128x80xf32, #tpu.memory_space<vmem>>, vector<1x16xf32>,
        %parallel_loop3A_378 = vector.shape_cast %parallel_loop3A_377 : vector<1x16xf32> to vector<16xf32>
        %parallel_loop3A_379 = vector.shape_cast %parallel_loop3A_374 : vector<16xf32> to vector<1x16xf32>
        tpu.vector_store %arg10[%parallel_loop3A_375, %parallel_loop3A_376], %parallel_loop3A_379 {strides = array<i32>} : memref<128x80xf32, #tpu.memory_space<vmem>>, vector<1x16xf32>,
        %parallel_loop3A_380 = arith.constant 3 : i32
        %parallel_loop3A_381 = vector.broadcast %parallel_loop3A_380 : i32 to vector<16xi32>
        %parallel_loop3A_382 = arith.shrui %iota3A, %parallel_loop3A_381 : vector<16xi32>
        %parallel_loop3A_383 = arith.constant 6 : i32
        %parallel_loop3A_384 = vector.broadcast %parallel_loop3A_383 : i32 to vector<16xi32>
        %parallel_loop3A_385 = arith.addi %parallel_loop3A_382, %parallel_loop3A_384 : vector<16xi32>
        %parallel_loop3A_386 = vector.shape_cast %parallel_loop3A_385 : vector<16xi32> to vector<16x1xi32>
        %parallel_loop3A_387 = vector.shape_cast %parallel_loop3A_386 : vector<16x1xi32> to vector<16xi32>
        %parallel_loop3A_388 = tpu.dynamic_gather %parallel_loop3A_317[%parallel_loop3A_387] in [0] : vector<16xf32>, vector<16xi32> -> vector<16xf32>
        %parallel_loop3A_389 = arith.index_cast %parallel_loop3A_300 : i32 to index
        %parallel_loop3A_390 = arith.constant 48 : index
        %parallel_loop3A_391 = tpu.vector_load %arg10[%parallel_loop3A_389, %parallel_loop3A_390] {strides = array<i32>} : memref<128x80xf32, #tpu.memory_space<vmem>>, vector<1x16xf32>,
        %parallel_loop3A_392 = vector.shape_cast %parallel_loop3A_391 : vector<1x16xf32> to vector<16xf32>
        %parallel_loop3A_393 = arith.mulf %parallel_loop3A_392, %parallel_loop3A_388 : vector<16xf32>
        %parallel_loop3A_394 = arith.index_cast %parallel_loop3A_300 : i32 to index
        %parallel_loop3A_395 = arith.constant 48 : index
        %parallel_loop3A_396 = tpu.vector_load %arg10[%parallel_loop3A_394, %parallel_loop3A_395] {strides = array<i32>} : memref<128x80xf32, #tpu.memory_space<vmem>>, vector<1x16xf32>,
        %parallel_loop3A_397 = vector.shape_cast %parallel_loop3A_396 : vector<1x16xf32> to vector<16xf32>
        %parallel_loop3A_398 = vector.shape_cast %parallel_loop3A_393 : vector<16xf32> to vector<1x16xf32>
        tpu.vector_store %arg10[%parallel_loop3A_394, %parallel_loop3A_395], %parallel_loop3A_398 {strides = array<i32>} : memref<128x80xf32, #tpu.memory_space<vmem>>, vector<1x16xf32>,
      } {sc.loop_unroll_factor = 8 : i64, sc.parallel_access}
      %add3A_170 = arith.constant 1 : i32
      %add3A_171 = arith.addi %add3A_109, %add3A_170 : i32
      %dma_start3A_172 = arith.constant 0 : i32
      %dma_start3A_173 = tpu.memref_slice %arg8[%add3A_171, %dma_start3A_172] : memref<82x128xi32, #tpu.memory_space<vmem>> -> memref<1x128xi32, #tpu.memory_space<vmem>>
      %dma_start3A_174 = tpu.memref_squeeze %dma_start3A_173 : memref<1x128xi32, #tpu.memory_space<vmem>> -> memref<128xi32, #tpu.memory_space<vmem>>
      %dma_start3A_175 = arith.constant 0 : i32
      %dma_start3A_176 = arith.constant 0 : i32
      %dma_start3A_177 = tpu.memref_slice %arg17[%dma_start3A_175, %dma_start3A_176] : memref<10112x80xf32, #tpu.memory_space<vmem_shared>> -> memref<10112x80xf32, #tpu.memory_space<vmem_shared>>
      tpu.enqueue_indirect_dma source(%arg10 : memref<128x80xf32, #tpu.memory_space<vmem>>) target(%dma_start3A_177 : memref<10112x80xf32, #tpu.memory_space<vmem_shared>>) offsets(%dma_start3A_174 : memref<128xi32, #tpu.memory_space<vmem>>) semaphore(%arg27 : memref<!tpu.dma_semaphore, #tpu.memory_space<semaphore_mem>>) {add = true}
      %gt3A_178 = arith.constant 0 : i32
      %gt3A_179 = arith.cmpi sgt, %add3A_109, %gt3A_178 : i32
      %convert_element_type3A_180 = arith.extui %gt3A_179 : i1 to i32
      %cond3A_181 = arith.constant 0 : i32
      %cond3A_182 = arith.cmpi ne, %convert_element_type3A_180, %cond3A_181 : i32
      scf.if %cond3A_182 {
        %add3A_300 = arith.constant 1 : i32
        %add3A_301 = arith.addi %add3A_109, %add3A_300 : i32
        %sub3A_302 = arith.constant 2 : i32
        %sub3A_303 = arith.subi %add3A_301, %sub3A_302 : i32
        %dma_wait3A_304 = arith.constant 0 : i32
        %dma_wait3A_305 = tpu.memref_slice %arg8[%sub3A_303, %dma_wait3A_304] : memref<82x128xi32, #tpu.memory_space<vmem>> -> memref<1x128xi32, #tpu.memory_space<vmem>>
        %dma_wait3A_306 = tpu.memref_squeeze %dma_wait3A_305 : memref<1x128xi32, #tpu.memory_space<vmem>> -> memref<128xi32, #tpu.memory_space<vmem>>
        %dma_wait3A_307 = arith.constant 0 : i32
        %dma_wait3A_308 = arith.constant 0 : i32
        %dma_wait3A_309 = tpu.memref_slice %arg17[%dma_wait3A_307, %dma_wait3A_308] : memref<10112x80xf32, #tpu.memory_space<vmem_shared>> -> memref<10112x80xf32, #tpu.memory_space<vmem_shared>>
        tpu.wait_indirect_dma semaphore(%arg29 : memref<!tpu.dma_semaphore, #tpu.memory_space<semaphore_mem>>) src(%arg12 : memref<128x80xf32, #tpu.memory_space<vmem>>) dst(%dma_wait3A_309 : memref<10112x80xf32, #tpu.memory_space<vmem_shared>>)
      } else {
      }
      %add3A_183 = arith.constant 1 : i32
      %add3A_184 = arith.addi %add3A_109, %add3A_183 : i32
      %add3A_185 = arith.constant 2 : i32
      %add3A_186 = arith.addi %add3A_184, %add3A_185 : i32
      %dma_start3A_187 = arith.constant 0 : i32
      %dma_start3A_188 = tpu.memref_slice %arg7[%add3A_186, %dma_start3A_187] : memref<82x128xi32, #tpu.memory_space<vmem>> -> memref<1x128xi32, #tpu.memory_space<vmem>>
      %dma_start3A_189 = tpu.memref_squeeze %dma_start3A_188 : memref<1x128xi32, #tpu.memory_space<vmem>> -> memref<128xi32, #tpu.memory_space<vmem>>
      %dma_start3A_190 = arith.constant 0 : i32
      %dma_start3A_191 = arith.constant 0 : i32
      %dma_start3A_192 = tpu.memref_slice %arg4[%dma_start3A_190, %dma_start3A_191] : memref<10000x80xf32, #tpu.memory_space<hbm>> -> memref<10000x80xf32, #tpu.memory_space<hbm>>
      tpu.enqueue_indirect_dma source(%dma_start3A_192 : memref<10000x80xf32, #tpu.memory_space<hbm>>) target(%arg12 : memref<128x80xf32, #tpu.memory_space<vmem>>) offsets(%dma_start3A_189 : memref<128xi32, #tpu.memory_space<vmem>>) semaphore(%arg21 : memref<!tpu.dma_semaphore, #tpu.memory_space<semaphore_mem>>)
      %dma_start3A_193 = arith.constant 0 : i32
      %dma_start3A_194 = tpu.memref_slice %arg8[%add3A_186, %dma_start3A_193] : memref<82x128xi32, #tpu.memory_space<vmem>> -> memref<1x128xi32, #tpu.memory_space<vmem>>
      %dma_start3A_195 = tpu.memref_squeeze %dma_start3A_194 : memref<1x128xi32, #tpu.memory_space<vmem>> -> memref<128xi32, #tpu.memory_space<vmem>>
      %dma_start3A_196 = arith.constant 0 : i32
      %dma_start3A_197 = arith.constant 0 : i32
      %dma_start3A_198 = tpu.memref_slice %arg5[%dma_start3A_196, %dma_start3A_197] : memref<10112x16xf32, #tpu.memory_space<hbm>> -> memref<10112x16xf32, #tpu.memory_space<hbm>>
      tpu.enqueue_indirect_dma source(%dma_start3A_198 : memref<10112x16xf32, #tpu.memory_space<hbm>>) target(%arg16 : memref<128x16xf32, #tpu.memory_space<vmem>>) offsets(%dma_start3A_195 : memref<128xi32, #tpu.memory_space<vmem>>) semaphore(%arg25 : memref<!tpu.dma_semaphore, #tpu.memory_space<semaphore_mem>>)
      %add3A_199 = arith.constant 2 : i32
      %add3A_200 = arith.addi %add3A_109, %add3A_199 : i32
      %dma_wait3A_201 = arith.constant 0 : i32
      %dma_wait3A_202 = tpu.memref_slice %arg7[%add3A_200, %dma_wait3A_201] : memref<82x128xi32, #tpu.memory_space<vmem>> -> memref<1x128xi32, #tpu.memory_space<vmem>>
      %dma_wait3A_203 = tpu.memref_squeeze %dma_wait3A_202 : memref<1x128xi32, #tpu.memory_space<vmem>> -> memref<128xi32, #tpu.memory_space<vmem>>
      %dma_wait3A_204 = arith.constant 0 : i32
      %dma_wait3A_205 = arith.constant 0 : i32
      %dma_wait3A_206 = tpu.memref_slice %arg4[%dma_wait3A_204, %dma_wait3A_205] : memref<10000x80xf32, #tpu.memory_space<hbm>> -> memref<10000x80xf32, #tpu.memory_space<hbm>>
      tpu.wait_indirect_dma semaphore(%arg20 : memref<!tpu.dma_semaphore, #tpu.memory_space<semaphore_mem>>) src(%dma_wait3A_206 : memref<10000x80xf32, #tpu.memory_space<hbm>>) dst(%arg11 : memref<128x80xf32, #tpu.memory_space<vmem>>)
      %dma_wait3A_207 = arith.constant 0 : i32
      %dma_wait3A_208 = tpu.memref_slice %arg8[%add3A_200, %dma_wait3A_207] : memref<82x128xi32, #tpu.memory_space<vmem>> -> memref<1x128xi32, #tpu.memory_space<vmem>>
      %dma_wait3A_209 = tpu.memref_squeeze %dma_wait3A_208 : memref<1x128xi32, #tpu.memory_space<vmem>> -> memref<128xi32, #tpu.memory_space<vmem>>
      %dma_wait3A_210 = arith.constant 0 : i32
      %dma_wait3A_211 = arith.constant 0 : i32
      %dma_wait3A_212 = tpu.memref_slice %arg5[%dma_wait3A_210, %dma_wait3A_211] : memref<10112x16xf32, #tpu.memory_space<hbm>> -> memref<10112x16xf32, #tpu.memory_space<hbm>>
      tpu.wait_indirect_dma semaphore(%arg24 : memref<!tpu.dma_semaphore, #tpu.memory_space<semaphore_mem>>) src(%dma_wait3A_212 : memref<10112x16xf32, #tpu.memory_space<hbm>>) dst(%arg15 : memref<128x16xf32, #tpu.memory_space<vmem>>)
      %parallel_loop3A_213 = arith.constant 0 : i32
      %parallel_loop3A_214 = arith.constant 128 : i32
      %parallel_loop3A_215 = arith.constant 1 : i32
      scf.for %parallel_loop3A_300 = %parallel_loop3A_213 to %parallel_loop3A_214 step %parallel_loop3A_215  : i32 {
        %parallel_loop3A_301 = arith.index_cast %parallel_loop3A_300 : i32 to index
        %parallel_loop3A_302 = arith.constant 64 : index
        %parallel_loop3A_303 = tpu.vector_load %arg11[%parallel_loop3A_301, %parallel_loop3A_302] {strides = array<i32>} : memref<128x80xf32, #tpu.memory_space<vmem>>, vector<1x16xf32>,
        %parallel_loop3A_304 = vector.shape_cast %parallel_loop3A_303 : vector<1x16xf32> to vector<16xf32>
        %parallel_loop3A_305 = arith.index_cast %parallel_loop3A_300 : i32 to index
        %parallel_loop3A_306 = arith.constant 0 : index
        %parallel_loop3A_307 = tpu.vector_load %arg15[%parallel_loop3A_305, %parallel_loop3A_306] {strides = array<i32>} : memref<128x16xf32, #tpu.memory_space<vmem>>, vector<1x16xf32>,
        %parallel_loop3A_308 = vector.shape_cast %parallel_loop3A_307 : vector<1x16xf32> to vector<16xf32>
        %parallel_loop3A_309 = arith.addf %parallel_loop3A_304, %parallel_loop3A_308 : vector<16xf32>
        %parallel_loop3A_310 = arith.constant 0.000000e+00 : f32
        %parallel_loop3A_311 = vector.broadcast %parallel_loop3A_310 : f32 to vector<16xf32>
        %parallel_loop3A_312 = arith.cmpf oge, %parallel_loop3A_309, %parallel_loop3A_311 : vector<16xf32>
        %parallel_loop3A_313 = arith.constant 2.000000e-01 : f32
        %parallel_loop3A_314 = vector.broadcast %parallel_loop3A_313 : f32 to vector<16xf32>
        %parallel_loop3A_315 = arith.mulf %parallel_loop3A_314, %parallel_loop3A_309 : vector<16xf32>
        %parallel_loop3A_316 = arith.select %parallel_loop3A_312, %parallel_loop3A_309, %parallel_loop3A_315 : vector<16xi1>, vector<16xf32>
        %parallel_loop3A_317 = math.exp %parallel_loop3A_316 : vector<16xf32>
        %parallel_loop3A_318 = arith.index_cast %parallel_loop3A_300 : i32 to index
        %parallel_loop3A_319 = arith.constant 64 : index
        %parallel_loop3A_320 = tpu.vector_load %arg11[%parallel_loop3A_318, %parallel_loop3A_319] {strides = array<i32>} : memref<128x80xf32, #tpu.memory_space<vmem>>, vector<1x16xf32>,
        %parallel_loop3A_321 = vector.shape_cast %parallel_loop3A_320 : vector<1x16xf32> to vector<16xf32>
        %parallel_loop3A_322 = vector.shape_cast %parallel_loop3A_317 : vector<16xf32> to vector<1x16xf32>
        tpu.vector_store %arg11[%parallel_loop3A_318, %parallel_loop3A_319], %parallel_loop3A_322 {strides = array<i32>} : memref<128x80xf32, #tpu.memory_space<vmem>>, vector<1x16xf32>,
        %parallel_loop3A_323 = arith.constant 3 : i32
        %parallel_loop3A_324 = vector.broadcast %parallel_loop3A_323 : i32 to vector<16xi32>
        %parallel_loop3A_325 = arith.shrui %iota3A, %parallel_loop3A_324 : vector<16xi32>
        %parallel_loop3A_326 = arith.constant 0 : i32
        %parallel_loop3A_327 = vector.broadcast %parallel_loop3A_326 : i32 to vector<16xi32>
        %parallel_loop3A_328 = arith.addi %parallel_loop3A_325, %parallel_loop3A_327 : vector<16xi32>
        %parallel_loop3A_329 = vector.shape_cast %parallel_loop3A_328 : vector<16xi32> to vector<16x1xi32>
        %parallel_loop3A_330 = vector.shape_cast %parallel_loop3A_329 : vector<16x1xi32> to vector<16xi32>
        %parallel_loop3A_331 = tpu.dynamic_gather %parallel_loop3A_317[%parallel_loop3A_330] in [0] : vector<16xf32>, vector<16xi32> -> vector<16xf32>
        %parallel_loop3A_332 = arith.index_cast %parallel_loop3A_300 : i32 to index
        %parallel_loop3A_333 = arith.constant 0 : index
        %parallel_loop3A_334 = tpu.vector_load %arg11[%parallel_loop3A_332, %parallel_loop3A_333] {strides = array<i32>} : memref<128x80xf32, #tpu.memory_space<vmem>>, vector<1x16xf32>,
        %parallel_loop3A_335 = vector.shape_cast %parallel_loop3A_334 : vector<1x16xf32> to vector<16xf32>
        %parallel_loop3A_336 = arith.mulf %parallel_loop3A_335, %parallel_loop3A_331 : vector<16xf32>
        %parallel_loop3A_337 = arith.index_cast %parallel_loop3A_300 : i32 to index
        %parallel_loop3A_338 = arith.constant 0 : index
        %parallel_loop3A_339 = tpu.vector_load %arg11[%parallel_loop3A_337, %parallel_loop3A_338] {strides = array<i32>} : memref<128x80xf32, #tpu.memory_space<vmem>>, vector<1x16xf32>,
        %parallel_loop3A_340 = vector.shape_cast %parallel_loop3A_339 : vector<1x16xf32> to vector<16xf32>
        %parallel_loop3A_341 = vector.shape_cast %parallel_loop3A_336 : vector<16xf32> to vector<1x16xf32>
        tpu.vector_store %arg11[%parallel_loop3A_337, %parallel_loop3A_338], %parallel_loop3A_341 {strides = array<i32>} : memref<128x80xf32, #tpu.memory_space<vmem>>, vector<1x16xf32>,
        %parallel_loop3A_342 = arith.constant 3 : i32
        %parallel_loop3A_343 = vector.broadcast %parallel_loop3A_342 : i32 to vector<16xi32>
        %parallel_loop3A_344 = arith.shrui %iota3A, %parallel_loop3A_343 : vector<16xi32>
        %parallel_loop3A_345 = arith.constant 2 : i32
        %parallel_loop3A_346 = vector.broadcast %parallel_loop3A_345 : i32 to vector<16xi32>
        %parallel_loop3A_347 = arith.addi %parallel_loop3A_344, %parallel_loop3A_346 : vector<16xi32>
        %parallel_loop3A_348 = vector.shape_cast %parallel_loop3A_347 : vector<16xi32> to vector<16x1xi32>
        %parallel_loop3A_349 = vector.shape_cast %parallel_loop3A_348 : vector<16x1xi32> to vector<16xi32>
        %parallel_loop3A_350 = tpu.dynamic_gather %parallel_loop3A_317[%parallel_loop3A_349] in [0] : vector<16xf32>, vector<16xi32> -> vector<16xf32>
        %parallel_loop3A_351 = arith.index_cast %parallel_loop3A_300 : i32 to index
        %parallel_loop3A_352 = arith.constant 16 : index
        %parallel_loop3A_353 = tpu.vector_load %arg11[%parallel_loop3A_351, %parallel_loop3A_352] {strides = array<i32>} : memref<128x80xf32, #tpu.memory_space<vmem>>, vector<1x16xf32>,
        %parallel_loop3A_354 = vector.shape_cast %parallel_loop3A_353 : vector<1x16xf32> to vector<16xf32>
        %parallel_loop3A_355 = arith.mulf %parallel_loop3A_354, %parallel_loop3A_350 : vector<16xf32>
        %parallel_loop3A_356 = arith.index_cast %parallel_loop3A_300 : i32 to index
        %parallel_loop3A_357 = arith.constant 16 : index
        %parallel_loop3A_358 = tpu.vector_load %arg11[%parallel_loop3A_356, %parallel_loop3A_357] {strides = array<i32>} : memref<128x80xf32, #tpu.memory_space<vmem>>, vector<1x16xf32>,
        %parallel_loop3A_359 = vector.shape_cast %parallel_loop3A_358 : vector<1x16xf32> to vector<16xf32>
        %parallel_loop3A_360 = vector.shape_cast %parallel_loop3A_355 : vector<16xf32> to vector<1x16xf32>
        tpu.vector_store %arg11[%parallel_loop3A_356, %parallel_loop3A_357], %parallel_loop3A_360 {strides = array<i32>} : memref<128x80xf32, #tpu.memory_space<vmem>>, vector<1x16xf32>,
        %parallel_loop3A_361 = arith.constant 3 : i32
        %parallel_loop3A_362 = vector.broadcast %parallel_loop3A_361 : i32 to vector<16xi32>
        %parallel_loop3A_363 = arith.shrui %iota3A, %parallel_loop3A_362 : vector<16xi32>
        %parallel_loop3A_364 = arith.constant 4 : i32
        %parallel_loop3A_365 = vector.broadcast %parallel_loop3A_364 : i32 to vector<16xi32>
        %parallel_loop3A_366 = arith.addi %parallel_loop3A_363, %parallel_loop3A_365 : vector<16xi32>
        %parallel_loop3A_367 = vector.shape_cast %parallel_loop3A_366 : vector<16xi32> to vector<16x1xi32>
        %parallel_loop3A_368 = vector.shape_cast %parallel_loop3A_367 : vector<16x1xi32> to vector<16xi32>
        %parallel_loop3A_369 = tpu.dynamic_gather %parallel_loop3A_317[%parallel_loop3A_368] in [0] : vector<16xf32>, vector<16xi32> -> vector<16xf32>
        %parallel_loop3A_370 = arith.index_cast %parallel_loop3A_300 : i32 to index
        %parallel_loop3A_371 = arith.constant 32 : index
        %parallel_loop3A_372 = tpu.vector_load %arg11[%parallel_loop3A_370, %parallel_loop3A_371] {strides = array<i32>} : memref<128x80xf32, #tpu.memory_space<vmem>>, vector<1x16xf32>,
        %parallel_loop3A_373 = vector.shape_cast %parallel_loop3A_372 : vector<1x16xf32> to vector<16xf32>
        %parallel_loop3A_374 = arith.mulf %parallel_loop3A_373, %parallel_loop3A_369 : vector<16xf32>
        %parallel_loop3A_375 = arith.index_cast %parallel_loop3A_300 : i32 to index
        %parallel_loop3A_376 = arith.constant 32 : index
        %parallel_loop3A_377 = tpu.vector_load %arg11[%parallel_loop3A_375, %parallel_loop3A_376] {strides = array<i32>} : memref<128x80xf32, #tpu.memory_space<vmem>>, vector<1x16xf32>,
        %parallel_loop3A_378 = vector.shape_cast %parallel_loop3A_377 : vector<1x16xf32> to vector<16xf32>
        %parallel_loop3A_379 = vector.shape_cast %parallel_loop3A_374 : vector<16xf32> to vector<1x16xf32>
        tpu.vector_store %arg11[%parallel_loop3A_375, %parallel_loop3A_376], %parallel_loop3A_379 {strides = array<i32>} : memref<128x80xf32, #tpu.memory_space<vmem>>, vector<1x16xf32>,
        %parallel_loop3A_380 = arith.constant 3 : i32
        %parallel_loop3A_381 = vector.broadcast %parallel_loop3A_380 : i32 to vector<16xi32>
        %parallel_loop3A_382 = arith.shrui %iota3A, %parallel_loop3A_381 : vector<16xi32>
        %parallel_loop3A_383 = arith.constant 6 : i32
        %parallel_loop3A_384 = vector.broadcast %parallel_loop3A_383 : i32 to vector<16xi32>
        %parallel_loop3A_385 = arith.addi %parallel_loop3A_382, %parallel_loop3A_384 : vector<16xi32>
        %parallel_loop3A_386 = vector.shape_cast %parallel_loop3A_385 : vector<16xi32> to vector<16x1xi32>
        %parallel_loop3A_387 = vector.shape_cast %parallel_loop3A_386 : vector<16x1xi32> to vector<16xi32>
        %parallel_loop3A_388 = tpu.dynamic_gather %parallel_loop3A_317[%parallel_loop3A_387] in [0] : vector<16xf32>, vector<16xi32> -> vector<16xf32>
        %parallel_loop3A_389 = arith.index_cast %parallel_loop3A_300 : i32 to index
        %parallel_loop3A_390 = arith.constant 48 : index
        %parallel_loop3A_391 = tpu.vector_load %arg11[%parallel_loop3A_389, %parallel_loop3A_390] {strides = array<i32>} : memref<128x80xf32, #tpu.memory_space<vmem>>, vector<1x16xf32>,
        %parallel_loop3A_392 = vector.shape_cast %parallel_loop3A_391 : vector<1x16xf32> to vector<16xf32>
        %parallel_loop3A_393 = arith.mulf %parallel_loop3A_392, %parallel_loop3A_388 : vector<16xf32>
        %parallel_loop3A_394 = arith.index_cast %parallel_loop3A_300 : i32 to index
        %parallel_loop3A_395 = arith.constant 48 : index
        %parallel_loop3A_396 = tpu.vector_load %arg11[%parallel_loop3A_394, %parallel_loop3A_395] {strides = array<i32>} : memref<128x80xf32, #tpu.memory_space<vmem>>, vector<1x16xf32>,
        %parallel_loop3A_397 = vector.shape_cast %parallel_loop3A_396 : vector<1x16xf32> to vector<16xf32>
        %parallel_loop3A_398 = vector.shape_cast %parallel_loop3A_393 : vector<16xf32> to vector<1x16xf32>
        tpu.vector_store %arg11[%parallel_loop3A_394, %parallel_loop3A_395], %parallel_loop3A_398 {strides = array<i32>} : memref<128x80xf32, #tpu.memory_space<vmem>>, vector<1x16xf32>,
      } {sc.loop_unroll_factor = 8 : i64, sc.parallel_access}
      %add3A_216 = arith.constant 2 : i32
      %add3A_217 = arith.addi %add3A_109, %add3A_216 : i32
      %dma_start3A_218 = arith.constant 0 : i32
      %dma_start3A_219 = tpu.memref_slice %arg8[%add3A_217, %dma_start3A_218] : memref<82x128xi32, #tpu.memory_space<vmem>> -> memref<1x128xi32, #tpu.memory_space<vmem>>
      %dma_start3A_220 = tpu.memref_squeeze %dma_start3A_219 : memref<1x128xi32, #tpu.memory_space<vmem>> -> memref<128xi32, #tpu.memory_space<vmem>>
      %dma_start3A_221 = arith.constant 0 : i32
      %dma_start3A_222 = arith.constant 0 : i32
      %dma_start3A_223 = tpu.memref_slice %arg17[%dma_start3A_221, %dma_start3A_222] : memref<10112x80xf32, #tpu.memory_space<vmem_shared>> -> memref<10112x80xf32, #tpu.memory_space<vmem_shared>>
      tpu.enqueue_indirect_dma source(%arg11 : memref<128x80xf32, #tpu.memory_space<vmem>>) target(%dma_start3A_223 : memref<10112x80xf32, #tpu.memory_space<vmem_shared>>) offsets(%dma_start3A_220 : memref<128xi32, #tpu.memory_space<vmem>>) semaphore(%arg28 : memref<!tpu.dma_semaphore, #tpu.memory_space<semaphore_mem>>) {add = true}
      %add3A_224 = arith.constant 2 : i32
      %add3A_225 = arith.addi %add3A_109, %add3A_224 : i32
      %sub3A = arith.constant 2 : i32
      %sub3A_226 = arith.subi %add3A_225, %sub3A : i32
      %dma_wait3A_227 = arith.constant 0 : i32
      %dma_wait3A_228 = tpu.memref_slice %arg8[%sub3A_226, %dma_wait3A_227] : memref<82x128xi32, #tpu.memory_space<vmem>> -> memref<1x128xi32, #tpu.memory_space<vmem>>
      %dma_wait3A_229 = tpu.memref_squeeze %dma_wait3A_228 : memref<1x128xi32, #tpu.memory_space<vmem>> -> memref<128xi32, #tpu.memory_space<vmem>>
      %dma_wait3A_230 = arith.constant 0 : i32
      %dma_wait3A_231 = arith.constant 0 : i32
      %dma_wait3A_232 = tpu.memref_slice %arg17[%dma_wait3A_230, %dma_wait3A_231] : memref<10112x80xf32, #tpu.memory_space<vmem_shared>> -> memref<10112x80xf32, #tpu.memory_space<vmem_shared>>
      tpu.wait_indirect_dma semaphore(%arg26 : memref<!tpu.dma_semaphore, #tpu.memory_space<semaphore_mem>>) src(%arg9 : memref<128x80xf32, #tpu.memory_space<vmem>>) dst(%dma_wait3A_232 : memref<10112x80xf32, #tpu.memory_space<vmem_shared>>)
      %add3A_233 = arith.constant 2 : i32
      %add3A_234 = arith.addi %add3A_109, %add3A_233 : i32
      %add3A_235 = arith.constant 2 : i32
      %add3A_236 = arith.addi %add3A_234, %add3A_235 : i32
      %dma_start3A_237 = arith.constant 0 : i32
      %dma_start3A_238 = tpu.memref_slice %arg7[%add3A_236, %dma_start3A_237] : memref<82x128xi32, #tpu.memory_space<vmem>> -> memref<1x128xi32, #tpu.memory_space<vmem>>
      %dma_start3A_239 = tpu.memref_squeeze %dma_start3A_238 : memref<1x128xi32, #tpu.memory_space<vmem>> -> memref<128xi32, #tpu.memory_space<vmem>>
      %dma_start3A_240 = arith.constant 0 : i32
      %dma_start3A_241 = arith.constant 0 : i32
      %dma_start3A_242 = tpu.memref_slice %arg4[%dma_start3A_240, %dma_start3A_241] : memref<10000x80xf32, #tpu.memory_space<hbm>> -> memref<10000x80xf32, #tpu.memory_space<hbm>>
      tpu.enqueue_indirect_dma source(%dma_start3A_242 : memref<10000x80xf32, #tpu.memory_space<hbm>>) target(%arg9 : memref<128x80xf32, #tpu.memory_space<vmem>>) offsets(%dma_start3A_239 : memref<128xi32, #tpu.memory_space<vmem>>) semaphore(%arg18 : memref<!tpu.dma_semaphore, #tpu.memory_space<semaphore_mem>>)
      %dma_start3A_243 = arith.constant 0 : i32
      %dma_start3A_244 = tpu.memref_slice %arg8[%add3A_236, %dma_start3A_243] : memref<82x128xi32, #tpu.memory_space<vmem>> -> memref<1x128xi32, #tpu.memory_space<vmem>>
      %dma_start3A_245 = tpu.memref_squeeze %dma_start3A_244 : memref<1x128xi32, #tpu.memory_space<vmem>> -> memref<128xi32, #tpu.memory_space<vmem>>
      %dma_start3A_246 = arith.constant 0 : i32
      %dma_start3A_247 = arith.constant 0 : i32
      %dma_start3A_248 = tpu.memref_slice %arg5[%dma_start3A_246, %dma_start3A_247] : memref<10112x16xf32, #tpu.memory_space<hbm>> -> memref<10112x16xf32, #tpu.memory_space<hbm>>
      tpu.enqueue_indirect_dma source(%dma_start3A_248 : memref<10112x16xf32, #tpu.memory_space<hbm>>) target(%arg13 : memref<128x16xf32, #tpu.memory_space<vmem>>) offsets(%dma_start3A_245 : memref<128xi32, #tpu.memory_space<vmem>>) semaphore(%arg22 : memref<!tpu.dma_semaphore, #tpu.memory_space<semaphore_mem>>)
      %add3A_249 = arith.constant 3 : i32
      %add3A_250 = arith.addi %add3A_109, %add3A_249 : i32
      %dma_wait3A_251 = arith.constant 0 : i32
      %dma_wait3A_252 = tpu.memref_slice %arg7[%add3A_250, %dma_wait3A_251] : memref<82x128xi32, #tpu.memory_space<vmem>> -> memref<1x128xi32, #tpu.memory_space<vmem>>
      %dma_wait3A_253 = tpu.memref_squeeze %dma_wait3A_252 : memref<1x128xi32, #tpu.memory_space<vmem>> -> memref<128xi32, #tpu.memory_space<vmem>>
      %dma_wait3A_254 = arith.constant 0 : i32
      %dma_wait3A_255 = arith.constant 0 : i32
      %dma_wait3A_256 = tpu.memref_slice %arg4[%dma_wait3A_254, %dma_wait3A_255] : memref<10000x80xf32, #tpu.memory_space<hbm>> -> memref<10000x80xf32, #tpu.memory_space<hbm>>
      tpu.wait_indirect_dma semaphore(%arg21 : memref<!tpu.dma_semaphore, #tpu.memory_space<semaphore_mem>>) src(%dma_wait3A_256 : memref<10000x80xf32, #tpu.memory_space<hbm>>) dst(%arg12 : memref<128x80xf32, #tpu.memory_space<vmem>>)
      %dma_wait3A_257 = arith.constant 0 : i32
      %dma_wait3A_258 = tpu.memref_slice %arg8[%add3A_250, %dma_wait3A_257] : memref<82x128xi32, #tpu.memory_space<vmem>> -> memref<1x128xi32, #tpu.memory_space<vmem>>
      %dma_wait3A_259 = tpu.memref_squeeze %dma_wait3A_258 : memref<1x128xi32, #tpu.memory_space<vmem>> -> memref<128xi32, #tpu.memory_space<vmem>>
      %dma_wait3A_260 = arith.constant 0 : i32
      %dma_wait3A_261 = arith.constant 0 : i32
      %dma_wait3A_262 = tpu.memref_slice %arg5[%dma_wait3A_260, %dma_wait3A_261] : memref<10112x16xf32, #tpu.memory_space<hbm>> -> memref<10112x16xf32, #tpu.memory_space<hbm>>
      tpu.wait_indirect_dma semaphore(%arg25 : memref<!tpu.dma_semaphore, #tpu.memory_space<semaphore_mem>>) src(%dma_wait3A_262 : memref<10112x16xf32, #tpu.memory_space<hbm>>) dst(%arg16 : memref<128x16xf32, #tpu.memory_space<vmem>>)
      %parallel_loop3A_263 = arith.constant 0 : i32
      %parallel_loop3A_264 = arith.constant 128 : i32
      %parallel_loop3A_265 = arith.constant 1 : i32
      scf.for %parallel_loop3A_300 = %parallel_loop3A_263 to %parallel_loop3A_264 step %parallel_loop3A_265  : i32 {
        %parallel_loop3A_301 = arith.index_cast %parallel_loop3A_300 : i32 to index
        %parallel_loop3A_302 = arith.constant 64 : index
        %parallel_loop3A_303 = tpu.vector_load %arg12[%parallel_loop3A_301, %parallel_loop3A_302] {strides = array<i32>} : memref<128x80xf32, #tpu.memory_space<vmem>>, vector<1x16xf32>,
        %parallel_loop3A_304 = vector.shape_cast %parallel_loop3A_303 : vector<1x16xf32> to vector<16xf32>
        %parallel_loop3A_305 = arith.index_cast %parallel_loop3A_300 : i32 to index
        %parallel_loop3A_306 = arith.constant 0 : index
        %parallel_loop3A_307 = tpu.vector_load %arg16[%parallel_loop3A_305, %parallel_loop3A_306] {strides = array<i32>} : memref<128x16xf32, #tpu.memory_space<vmem>>, vector<1x16xf32>,
        %parallel_loop3A_308 = vector.shape_cast %parallel_loop3A_307 : vector<1x16xf32> to vector<16xf32>
        %parallel_loop3A_309 = arith.addf %parallel_loop3A_304, %parallel_loop3A_308 : vector<16xf32>
        %parallel_loop3A_310 = arith.constant 0.000000e+00 : f32
        %parallel_loop3A_311 = vector.broadcast %parallel_loop3A_310 : f32 to vector<16xf32>
        %parallel_loop3A_312 = arith.cmpf oge, %parallel_loop3A_309, %parallel_loop3A_311 : vector<16xf32>
        %parallel_loop3A_313 = arith.constant 2.000000e-01 : f32
        %parallel_loop3A_314 = vector.broadcast %parallel_loop3A_313 : f32 to vector<16xf32>
        %parallel_loop3A_315 = arith.mulf %parallel_loop3A_314, %parallel_loop3A_309 : vector<16xf32>
        %parallel_loop3A_316 = arith.select %parallel_loop3A_312, %parallel_loop3A_309, %parallel_loop3A_315 : vector<16xi1>, vector<16xf32>
        %parallel_loop3A_317 = math.exp %parallel_loop3A_316 : vector<16xf32>
        %parallel_loop3A_318 = arith.index_cast %parallel_loop3A_300 : i32 to index
        %parallel_loop3A_319 = arith.constant 64 : index
        %parallel_loop3A_320 = tpu.vector_load %arg12[%parallel_loop3A_318, %parallel_loop3A_319] {strides = array<i32>} : memref<128x80xf32, #tpu.memory_space<vmem>>, vector<1x16xf32>,
        %parallel_loop3A_321 = vector.shape_cast %parallel_loop3A_320 : vector<1x16xf32> to vector<16xf32>
        %parallel_loop3A_322 = vector.shape_cast %parallel_loop3A_317 : vector<16xf32> to vector<1x16xf32>
        tpu.vector_store %arg12[%parallel_loop3A_318, %parallel_loop3A_319], %parallel_loop3A_322 {strides = array<i32>} : memref<128x80xf32, #tpu.memory_space<vmem>>, vector<1x16xf32>,
        %parallel_loop3A_323 = arith.constant 3 : i32
        %parallel_loop3A_324 = vector.broadcast %parallel_loop3A_323 : i32 to vector<16xi32>
        %parallel_loop3A_325 = arith.shrui %iota3A, %parallel_loop3A_324 : vector<16xi32>
        %parallel_loop3A_326 = arith.constant 0 : i32
        %parallel_loop3A_327 = vector.broadcast %parallel_loop3A_326 : i32 to vector<16xi32>
        %parallel_loop3A_328 = arith.addi %parallel_loop3A_325, %parallel_loop3A_327 : vector<16xi32>
        %parallel_loop3A_329 = vector.shape_cast %parallel_loop3A_328 : vector<16xi32> to vector<16x1xi32>
        %parallel_loop3A_330 = vector.shape_cast %parallel_loop3A_329 : vector<16x1xi32> to vector<16xi32>
        %parallel_loop3A_331 = tpu.dynamic_gather %parallel_loop3A_317[%parallel_loop3A_330] in [0] : vector<16xf32>, vector<16xi32> -> vector<16xf32>
        %parallel_loop3A_332 = arith.index_cast %parallel_loop3A_300 : i32 to index
        %parallel_loop3A_333 = arith.constant 0 : index
        %parallel_loop3A_334 = tpu.vector_load %arg12[%parallel_loop3A_332, %parallel_loop3A_333] {strides = array<i32>} : memref<128x80xf32, #tpu.memory_space<vmem>>, vector<1x16xf32>,
        %parallel_loop3A_335 = vector.shape_cast %parallel_loop3A_334 : vector<1x16xf32> to vector<16xf32>
        %parallel_loop3A_336 = arith.mulf %parallel_loop3A_335, %parallel_loop3A_331 : vector<16xf32>
        %parallel_loop3A_337 = arith.index_cast %parallel_loop3A_300 : i32 to index
        %parallel_loop3A_338 = arith.constant 0 : index
        %parallel_loop3A_339 = tpu.vector_load %arg12[%parallel_loop3A_337, %parallel_loop3A_338] {strides = array<i32>} : memref<128x80xf32, #tpu.memory_space<vmem>>, vector<1x16xf32>,
        %parallel_loop3A_340 = vector.shape_cast %parallel_loop3A_339 : vector<1x16xf32> to vector<16xf32>
        %parallel_loop3A_341 = vector.shape_cast %parallel_loop3A_336 : vector<16xf32> to vector<1x16xf32>
        tpu.vector_store %arg12[%parallel_loop3A_337, %parallel_loop3A_338], %parallel_loop3A_341 {strides = array<i32>} : memref<128x80xf32, #tpu.memory_space<vmem>>, vector<1x16xf32>,
        %parallel_loop3A_342 = arith.constant 3 : i32
        %parallel_loop3A_343 = vector.broadcast %parallel_loop3A_342 : i32 to vector<16xi32>
        %parallel_loop3A_344 = arith.shrui %iota3A, %parallel_loop3A_343 : vector<16xi32>
        %parallel_loop3A_345 = arith.constant 2 : i32
        %parallel_loop3A_346 = vector.broadcast %parallel_loop3A_345 : i32 to vector<16xi32>
        %parallel_loop3A_347 = arith.addi %parallel_loop3A_344, %parallel_loop3A_346 : vector<16xi32>
        %parallel_loop3A_348 = vector.shape_cast %parallel_loop3A_347 : vector<16xi32> to vector<16x1xi32>
        %parallel_loop3A_349 = vector.shape_cast %parallel_loop3A_348 : vector<16x1xi32> to vector<16xi32>
        %parallel_loop3A_350 = tpu.dynamic_gather %parallel_loop3A_317[%parallel_loop3A_349] in [0] : vector<16xf32>, vector<16xi32> -> vector<16xf32>
        %parallel_loop3A_351 = arith.index_cast %parallel_loop3A_300 : i32 to index
        %parallel_loop3A_352 = arith.constant 16 : index
        %parallel_loop3A_353 = tpu.vector_load %arg12[%parallel_loop3A_351, %parallel_loop3A_352] {strides = array<i32>} : memref<128x80xf32, #tpu.memory_space<vmem>>, vector<1x16xf32>,
        %parallel_loop3A_354 = vector.shape_cast %parallel_loop3A_353 : vector<1x16xf32> to vector<16xf32>
        %parallel_loop3A_355 = arith.mulf %parallel_loop3A_354, %parallel_loop3A_350 : vector<16xf32>
        %parallel_loop3A_356 = arith.index_cast %parallel_loop3A_300 : i32 to index
        %parallel_loop3A_357 = arith.constant 16 : index
        %parallel_loop3A_358 = tpu.vector_load %arg12[%parallel_loop3A_356, %parallel_loop3A_357] {strides = array<i32>} : memref<128x80xf32, #tpu.memory_space<vmem>>, vector<1x16xf32>,
        %parallel_loop3A_359 = vector.shape_cast %parallel_loop3A_358 : vector<1x16xf32> to vector<16xf32>
        %parallel_loop3A_360 = vector.shape_cast %parallel_loop3A_355 : vector<16xf32> to vector<1x16xf32>
        tpu.vector_store %arg12[%parallel_loop3A_356, %parallel_loop3A_357], %parallel_loop3A_360 {strides = array<i32>} : memref<128x80xf32, #tpu.memory_space<vmem>>, vector<1x16xf32>,
        %parallel_loop3A_361 = arith.constant 3 : i32
        %parallel_loop3A_362 = vector.broadcast %parallel_loop3A_361 : i32 to vector<16xi32>
        %parallel_loop3A_363 = arith.shrui %iota3A, %parallel_loop3A_362 : vector<16xi32>
        %parallel_loop3A_364 = arith.constant 4 : i32
        %parallel_loop3A_365 = vector.broadcast %parallel_loop3A_364 : i32 to vector<16xi32>
        %parallel_loop3A_366 = arith.addi %parallel_loop3A_363, %parallel_loop3A_365 : vector<16xi32>
        %parallel_loop3A_367 = vector.shape_cast %parallel_loop3A_366 : vector<16xi32> to vector<16x1xi32>
        %parallel_loop3A_368 = vector.shape_cast %parallel_loop3A_367 : vector<16x1xi32> to vector<16xi32>
        %parallel_loop3A_369 = tpu.dynamic_gather %parallel_loop3A_317[%parallel_loop3A_368] in [0] : vector<16xf32>, vector<16xi32> -> vector<16xf32>
        %parallel_loop3A_370 = arith.index_cast %parallel_loop3A_300 : i32 to index
        %parallel_loop3A_371 = arith.constant 32 : index
        %parallel_loop3A_372 = tpu.vector_load %arg12[%parallel_loop3A_370, %parallel_loop3A_371] {strides = array<i32>} : memref<128x80xf32, #tpu.memory_space<vmem>>, vector<1x16xf32>,
        %parallel_loop3A_373 = vector.shape_cast %parallel_loop3A_372 : vector<1x16xf32> to vector<16xf32>
        %parallel_loop3A_374 = arith.mulf %parallel_loop3A_373, %parallel_loop3A_369 : vector<16xf32>
        %parallel_loop3A_375 = arith.index_cast %parallel_loop3A_300 : i32 to index
        %parallel_loop3A_376 = arith.constant 32 : index
        %parallel_loop3A_377 = tpu.vector_load %arg12[%parallel_loop3A_375, %parallel_loop3A_376] {strides = array<i32>} : memref<128x80xf32, #tpu.memory_space<vmem>>, vector<1x16xf32>,
        %parallel_loop3A_378 = vector.shape_cast %parallel_loop3A_377 : vector<1x16xf32> to vector<16xf32>
        %parallel_loop3A_379 = vector.shape_cast %parallel_loop3A_374 : vector<16xf32> to vector<1x16xf32>
        tpu.vector_store %arg12[%parallel_loop3A_375, %parallel_loop3A_376], %parallel_loop3A_379 {strides = array<i32>} : memref<128x80xf32, #tpu.memory_space<vmem>>, vector<1x16xf32>,
        %parallel_loop3A_380 = arith.constant 3 : i32
        %parallel_loop3A_381 = vector.broadcast %parallel_loop3A_380 : i32 to vector<16xi32>
        %parallel_loop3A_382 = arith.shrui %iota3A, %parallel_loop3A_381 : vector<16xi32>
        %parallel_loop3A_383 = arith.constant 6 : i32
        %parallel_loop3A_384 = vector.broadcast %parallel_loop3A_383 : i32 to vector<16xi32>
        %parallel_loop3A_385 = arith.addi %parallel_loop3A_382, %parallel_loop3A_384 : vector<16xi32>
        %parallel_loop3A_386 = vector.shape_cast %parallel_loop3A_385 : vector<16xi32> to vector<16x1xi32>
        %parallel_loop3A_387 = vector.shape_cast %parallel_loop3A_386 : vector<16x1xi32> to vector<16xi32>
        %parallel_loop3A_388 = tpu.dynamic_gather %parallel_loop3A_317[%parallel_loop3A_387] in [0] : vector<16xf32>, vector<16xi32> -> vector<16xf32>
        %parallel_loop3A_389 = arith.index_cast %parallel_loop3A_300 : i32 to index
        %parallel_loop3A_390 = arith.constant 48 : index
        %parallel_loop3A_391 = tpu.vector_load %arg12[%parallel_loop3A_389, %parallel_loop3A_390] {strides = array<i32>} : memref<128x80xf32, #tpu.memory_space<vmem>>, vector<1x16xf32>,
        %parallel_loop3A_392 = vector.shape_cast %parallel_loop3A_391 : vector<1x16xf32> to vector<16xf32>
        %parallel_loop3A_393 = arith.mulf %parallel_loop3A_392, %parallel_loop3A_388 : vector<16xf32>
        %parallel_loop3A_394 = arith.index_cast %parallel_loop3A_300 : i32 to index
        %parallel_loop3A_395 = arith.constant 48 : index
        %parallel_loop3A_396 = tpu.vector_load %arg12[%parallel_loop3A_394, %parallel_loop3A_395] {strides = array<i32>} : memref<128x80xf32, #tpu.memory_space<vmem>>, vector<1x16xf32>,
        %parallel_loop3A_397 = vector.shape_cast %parallel_loop3A_396 : vector<1x16xf32> to vector<16xf32>
        %parallel_loop3A_398 = vector.shape_cast %parallel_loop3A_393 : vector<16xf32> to vector<1x16xf32>
        tpu.vector_store %arg12[%parallel_loop3A_394, %parallel_loop3A_395], %parallel_loop3A_398 {strides = array<i32>} : memref<128x80xf32, #tpu.memory_space<vmem>>, vector<1x16xf32>,
      } {sc.loop_unroll_factor = 8 : i64, sc.parallel_access}
      %add3A_266 = arith.constant 3 : i32
      %add3A_267 = arith.addi %add3A_109, %add3A_266 : i32
      %dma_start3A_268 = arith.constant 0 : i32
      %dma_start3A_269 = tpu.memref_slice %arg8[%add3A_267, %dma_start3A_268] : memref<82x128xi32, #tpu.memory_space<vmem>> -> memref<1x128xi32, #tpu.memory_space<vmem>>
      %dma_start3A_270 = tpu.memref_squeeze %dma_start3A_269 : memref<1x128xi32, #tpu.memory_space<vmem>> -> memref<128xi32, #tpu.memory_space<vmem>>
      %dma_start3A_271 = arith.constant 0 : i32
      %dma_start3A_272 = arith.constant 0 : i32
      %dma_start3A_273 = tpu.memref_slice %arg17[%dma_start3A_271, %dma_start3A_272] : memref<10112x80xf32, #tpu.memory_space<vmem_shared>> -> memref<10112x80xf32, #tpu.memory_space<vmem_shared>>
      tpu.enqueue_indirect_dma source(%arg12 : memref<128x80xf32, #tpu.memory_space<vmem>>) target(%dma_start3A_273 : memref<10112x80xf32, #tpu.memory_space<vmem_shared>>) offsets(%dma_start3A_270 : memref<128xi32, #tpu.memory_space<vmem>>) semaphore(%arg29 : memref<!tpu.dma_semaphore, #tpu.memory_space<semaphore_mem>>) {add = true}
      %add3A_274 = arith.constant 3 : i32
      %add3A_275 = arith.addi %add3A_109, %add3A_274 : i32
      %sub3A_276 = arith.constant 2 : i32
      %sub3A_277 = arith.subi %add3A_275, %sub3A_276 : i32
      %dma_wait3A_278 = arith.constant 0 : i32
      %dma_wait3A_279 = tpu.memref_slice %arg8[%sub3A_277, %dma_wait3A_278] : memref<82x128xi32, #tpu.memory_space<vmem>> -> memref<1x128xi32, #tpu.memory_space<vmem>>
      %dma_wait3A_280 = tpu.memref_squeeze %dma_wait3A_279 : memref<1x128xi32, #tpu.memory_space<vmem>> -> memref<128xi32, #tpu.memory_space<vmem>>
      %dma_wait3A_281 = arith.constant 0 : i32
      %dma_wait3A_282 = arith.constant 0 : i32
      %dma_wait3A_283 = tpu.memref_slice %arg17[%dma_wait3A_281, %dma_wait3A_282] : memref<10112x80xf32, #tpu.memory_space<vmem_shared>> -> memref<10112x80xf32, #tpu.memory_space<vmem_shared>>
      tpu.wait_indirect_dma semaphore(%arg27 : memref<!tpu.dma_semaphore, #tpu.memory_space<semaphore_mem>>) src(%arg10 : memref<128x80xf32, #tpu.memory_space<vmem>>) dst(%dma_wait3A_283 : memref<10112x80xf32, #tpu.memory_space<vmem_shared>>)
      %add3A_284 = arith.constant 3 : i32
      %add3A_285 = arith.addi %add3A_109, %add3A_284 : i32
      %add3A_286 = arith.constant 2 : i32
      %add3A_287 = arith.addi %add3A_285, %add3A_286 : i32
      %dma_start3A_288 = arith.constant 0 : i32
      %dma_start3A_289 = tpu.memref_slice %arg7[%add3A_287, %dma_start3A_288] : memref<82x128xi32, #tpu.memory_space<vmem>> -> memref<1x128xi32, #tpu.memory_space<vmem>>
      %dma_start3A_290 = tpu.memref_squeeze %dma_start3A_289 : memref<1x128xi32, #tpu.memory_space<vmem>> -> memref<128xi32, #tpu.memory_space<vmem>>
      %dma_start3A_291 = arith.constant 0 : i32
      %dma_start3A_292 = arith.constant 0 : i32
      %dma_start3A_293 = tpu.memref_slice %arg4[%dma_start3A_291, %dma_start3A_292] : memref<10000x80xf32, #tpu.memory_space<hbm>> -> memref<10000x80xf32, #tpu.memory_space<hbm>>
      tpu.enqueue_indirect_dma source(%dma_start3A_293 : memref<10000x80xf32, #tpu.memory_space<hbm>>) target(%arg10 : memref<128x80xf32, #tpu.memory_space<vmem>>) offsets(%dma_start3A_290 : memref<128xi32, #tpu.memory_space<vmem>>) semaphore(%arg19 : memref<!tpu.dma_semaphore, #tpu.memory_space<semaphore_mem>>)
      %dma_start3A_294 = arith.constant 0 : i32
      %dma_start3A_295 = tpu.memref_slice %arg8[%add3A_287, %dma_start3A_294] : memref<82x128xi32, #tpu.memory_space<vmem>> -> memref<1x128xi32, #tpu.memory_space<vmem>>
      %dma_start3A_296 = tpu.memref_squeeze %dma_start3A_295 : memref<1x128xi32, #tpu.memory_space<vmem>> -> memref<128xi32, #tpu.memory_space<vmem>>
      %dma_start3A_297 = arith.constant 0 : i32
      %dma_start3A_298 = arith.constant 0 : i32
      %dma_start3A_299 = tpu.memref_slice %arg5[%dma_start3A_297, %dma_start3A_298] : memref<10112x16xf32, #tpu.memory_space<hbm>> -> memref<10112x16xf32, #tpu.memory_space<hbm>>
      tpu.enqueue_indirect_dma source(%dma_start3A_299 : memref<10112x16xf32, #tpu.memory_space<hbm>>) target(%arg14 : memref<128x16xf32, #tpu.memory_space<vmem>>) offsets(%dma_start3A_296 : memref<128xi32, #tpu.memory_space<vmem>>) semaphore(%arg23 : memref<!tpu.dma_semaphore, #tpu.memory_space<semaphore_mem>>)
    }
    %scan3A_58 = arith.constant 20 : i32
    %dma_wait3A = arith.constant 80 : i32
    %dma_wait3A_59 = arith.constant 0 : i32
    %dma_wait3A_60 = tpu.memref_slice %arg7[%dma_wait3A, %dma_wait3A_59] : memref<82x128xi32, #tpu.memory_space<vmem>> -> memref<1x128xi32, #tpu.memory_space<vmem>>
    %dma_wait3A_61 = tpu.memref_squeeze %dma_wait3A_60 : memref<1x128xi32, #tpu.memory_space<vmem>> -> memref<128xi32, #tpu.memory_space<vmem>>
    %dma_wait3A_62 = arith.constant 0 : i32
    %dma_wait3A_63 = arith.constant 0 : i32
    %dma_wait3A_64 = tpu.memref_slice %arg4[%dma_wait3A_62, %dma_wait3A_63] : memref<10000x80xf32, #tpu.memory_space<hbm>> -> memref<10000x80xf32, #tpu.memory_space<hbm>>
    tpu.wait_indirect_dma semaphore(%arg18 : memref<!tpu.dma_semaphore, #tpu.memory_space<semaphore_mem>>) src(%dma_wait3A_64 : memref<10000x80xf32, #tpu.memory_space<hbm>>) dst(%arg9 : memref<128x80xf32, #tpu.memory_space<vmem>>)
    %dma_wait3A_65 = arith.constant 80 : i32
    %dma_wait3A_66 = arith.constant 0 : i32
    %dma_wait3A_67 = tpu.memref_slice %arg8[%dma_wait3A_65, %dma_wait3A_66] : memref<82x128xi32, #tpu.memory_space<vmem>> -> memref<1x128xi32, #tpu.memory_space<vmem>>
    %dma_wait3A_68 = tpu.memref_squeeze %dma_wait3A_67 : memref<1x128xi32, #tpu.memory_space<vmem>> -> memref<128xi32, #tpu.memory_space<vmem>>
    %dma_wait3A_69 = arith.constant 0 : i32
    %dma_wait3A_70 = arith.constant 0 : i32
    %dma_wait3A_71 = tpu.memref_slice %arg5[%dma_wait3A_69, %dma_wait3A_70] : memref<10112x16xf32, #tpu.memory_space<hbm>> -> memref<10112x16xf32, #tpu.memory_space<hbm>>
    tpu.wait_indirect_dma semaphore(%arg22 : memref<!tpu.dma_semaphore, #tpu.memory_space<semaphore_mem>>) src(%dma_wait3A_71 : memref<10112x16xf32, #tpu.memory_space<hbm>>) dst(%arg13 : memref<128x16xf32, #tpu.memory_space<vmem>>)
    %dma_wait3A_72 = arith.constant 81 : i32
    %dma_wait3A_73 = arith.constant 0 : i32
    %dma_wait3A_74 = tpu.memref_slice %arg7[%dma_wait3A_72, %dma_wait3A_73] : memref<82x128xi32, #tpu.memory_space<vmem>> -> memref<1x128xi32, #tpu.memory_space<vmem>>
    %dma_wait3A_75 = tpu.memref_squeeze %dma_wait3A_74 : memref<1x128xi32, #tpu.memory_space<vmem>> -> memref<128xi32, #tpu.memory_space<vmem>>
    %dma_wait3A_76 = arith.constant 0 : i32
    %dma_wait3A_77 = arith.constant 0 : i32
    %dma_wait3A_78 = tpu.memref_slice %arg4[%dma_wait3A_76, %dma_wait3A_77] : memref<10000x80xf32, #tpu.memory_space<hbm>> -> memref<10000x80xf32, #tpu.memory_space<hbm>>
    tpu.wait_indirect_dma semaphore(%arg19 : memref<!tpu.dma_semaphore, #tpu.memory_space<semaphore_mem>>) src(%dma_wait3A_78 : memref<10000x80xf32, #tpu.memory_space<hbm>>) dst(%arg10 : memref<128x80xf32, #tpu.memory_space<vmem>>)
    %dma_wait3A_79 = arith.constant 81 : i32
    %dma_wait3A_80 = arith.constant 0 : i32
    %dma_wait3A_81 = tpu.memref_slice %arg8[%dma_wait3A_79, %dma_wait3A_80] : memref<82x128xi32, #tpu.memory_space<vmem>> -> memref<1x128xi32, #tpu.memory_space<vmem>>
    %dma_wait3A_82 = tpu.memref_squeeze %dma_wait3A_81 : memref<1x128xi32, #tpu.memory_space<vmem>> -> memref<128xi32, #tpu.memory_space<vmem>>
    %dma_wait3A_83 = arith.constant 0 : i32
    %dma_wait3A_84 = arith.constant 0 : i32
    %dma_wait3A_85 = tpu.memref_slice %arg5[%dma_wait3A_83, %dma_wait3A_84] : memref<10112x16xf32, #tpu.memory_space<hbm>> -> memref<10112x16xf32, #tpu.memory_space<hbm>>
    tpu.wait_indirect_dma semaphore(%arg23 : memref<!tpu.dma_semaphore, #tpu.memory_space<semaphore_mem>>) src(%dma_wait3A_85 : memref<10112x16xf32, #tpu.memory_space<hbm>>) dst(%arg14 : memref<128x16xf32, #tpu.memory_space<vmem>>)
    %dma_wait3A_86 = arith.constant 78 : i32
    %dma_wait3A_87 = arith.constant 0 : i32
    %dma_wait3A_88 = tpu.memref_slice %arg8[%dma_wait3A_86, %dma_wait3A_87] : memref<82x128xi32, #tpu.memory_space<vmem>> -> memref<1x128xi32, #tpu.memory_space<vmem>>
    %dma_wait3A_89 = tpu.memref_squeeze %dma_wait3A_88 : memref<1x128xi32, #tpu.memory_space<vmem>> -> memref<128xi32, #tpu.memory_space<vmem>>
    %dma_wait3A_90 = arith.constant 0 : i32
    %dma_wait3A_91 = arith.constant 0 : i32
    %dma_wait3A_92 = tpu.memref_slice %arg17[%dma_wait3A_90, %dma_wait3A_91] : memref<10112x80xf32, #tpu.memory_space<vmem_shared>> -> memref<10112x80xf32, #tpu.memory_space<vmem_shared>>
    tpu.wait_indirect_dma semaphore(%arg28 : memref<!tpu.dma_semaphore, #tpu.memory_space<semaphore_mem>>) src(%arg11 : memref<128x80xf32, #tpu.memory_space<vmem>>) dst(%dma_wait3A_92 : memref<10112x80xf32, #tpu.memory_space<vmem_shared>>)
    %dma_wait3A_93 = arith.constant 79 : i32
    %dma_wait3A_94 = arith.constant 0 : i32
    %dma_wait3A_95 = tpu.memref_slice %arg8[%dma_wait3A_93, %dma_wait3A_94] : memref<82x128xi32, #tpu.memory_space<vmem>> -> memref<1x128xi32, #tpu.memory_space<vmem>>
    %dma_wait3A_96 = tpu.memref_squeeze %dma_wait3A_95 : memref<1x128xi32, #tpu.memory_space<vmem>> -> memref<128xi32, #tpu.memory_space<vmem>>
    %dma_wait3A_97 = arith.constant 0 : i32
    %dma_wait3A_98 = arith.constant 0 : i32
    %dma_wait3A_99 = tpu.memref_slice %arg17[%dma_wait3A_97, %dma_wait3A_98] : memref<10112x80xf32, #tpu.memory_space<vmem_shared>> -> memref<10112x80xf32, #tpu.memory_space<vmem_shared>>
    tpu.wait_indirect_dma semaphore(%arg29 : memref<!tpu.dma_semaphore, #tpu.memory_space<semaphore_mem>>) src(%arg12 : memref<128x80xf32, #tpu.memory_space<vmem>>) dst(%dma_wait3A_99 : memref<10112x80xf32, #tpu.memory_space<vmem_shared>>)
    %barrier3A_100 = arith.constant 0 : index
    tpu.barrier barrier_id(%barrier3A_100)
    %mul3A_101 = arith.constant 632 : i32
    %mul3A_102 = arith.muli %arg1, %mul3A_101 : i32
    %mul3A_103 = arith.constant 632 : i32
    %mul3A_104 = arith.muli %arg1, %mul3A_103 : i32
    "tpu.region"() ({
      %run_scoped3A = tpu.sem_alloc : memref<!tpu.dma_semaphore, #tpu.memory_space<semaphore_mem>>
      %dma_start3A_105 = arith.constant 0 : i32
      %dma_start3A_106 = tpu.memref_slice %arg6[%arg0, %mul3A_104, %dma_start3A_105] : memref<2x10112x80xf32, #tpu.memory_space<hbm>> -> memref<1x632x80xf32, #tpu.memory_space<hbm>>
      %dma_start3A_107 = tpu.memref_squeeze %dma_start3A_106 : memref<1x632x80xf32, #tpu.memory_space<hbm>> -> memref<632x80xf32, #tpu.memory_space<hbm>>
      %dma_start3A_108 = arith.constant 0 : i32
      %dma_start3A_109 = tpu.memref_slice %arg17[%mul3A_102, %dma_start3A_108] : memref<10112x80xf32, #tpu.memory_space<vmem_shared>> -> memref<632x80xf32, #tpu.memory_space<vmem_shared>>
      tpu.enqueue_dma source(%dma_start3A_109 : memref<632x80xf32, #tpu.memory_space<vmem_shared>>) target(%dma_start3A_107 : memref<632x80xf32, #tpu.memory_space<hbm>>) target_semaphore(%run_scoped3A : memref<!tpu.dma_semaphore, #tpu.memory_space<semaphore_mem>>)
      %dma_wait3A_110 = arith.constant 0 : i32
      %dma_wait3A_111 = tpu.memref_slice %arg6[%arg0, %mul3A_104, %dma_wait3A_110] : memref<2x10112x80xf32, #tpu.memory_space<hbm>> -> memref<1x632x80xf32, #tpu.memory_space<hbm>>
      %dma_wait3A_112 = tpu.memref_squeeze %dma_wait3A_111 : memref<1x632x80xf32, #tpu.memory_space<hbm>> -> memref<632x80xf32, #tpu.memory_space<hbm>>
      %dma_wait3A_113 = arith.constant 0 : i32
      %dma_wait3A_114 = tpu.memref_slice %arg17[%mul3A_102, %dma_wait3A_113] : memref<10112x80xf32, #tpu.memory_space<vmem_shared>> -> memref<632x80xf32, #tpu.memory_space<vmem_shared>>
      tpu.wait_dma2 semaphore(%run_scoped3A : memref<!tpu.dma_semaphore, #tpu.memory_space<semaphore_mem>>) src(%dma_wait3A_114 : memref<632x80xf32, #tpu.memory_space<vmem_shared>>) dst(%dma_wait3A_112 : memref<632x80xf32, #tpu.memory_space<hbm>>)
      tpu.yield
    }) : () -> ()
    return
  }
}

module attributes {stable_mosaic.version = 14 : i64} {
  func.func @_tc1_body(%arg0: i32, %arg1: memref<1000x128xf32, #tpu.memory_space<vmem>>, %arg2: memref<128x64xf32, #tpu.memory_space<vmem>>, %arg3: memref<64x16xf32, #tpu.memory_space<vmem>>, %arg4: memref<64x16xf32, #tpu.memory_space<vmem>>, %arg5: memref<1000x80xf32, #tpu.memory_space<vmem>>, %arg6: memref<1000x16xf32, #tpu.memory_space<vmem>>) attributes {dimension_semantics = [#tpu.dimension_semantics<arbitrary>], iteration_bounds = array<i64: 10>, scalar_prefetch = 0 : i64, scratch_operands = 0 : i64, tpu.core_type = #tpu.core_type<tc>, window_params = [{transform_indices = @transform_0, window_bounds = array<i64: 1000, 128>}, {pipeline_mode = #tpu.pipeline_mode<synchronous>, transform_indices = @transform_1, window_bounds = array<i64: 128, 64>}, {pipeline_mode = #tpu.pipeline_mode<synchronous>, transform_indices = @transform_2, window_bounds = array<i64: 64, 16>}, {pipeline_mode = #tpu.pipeline_mode<synchronous>, transform_indices = @transform_3, window_bounds = array<i64: 64, 16>}, {transform_indices = @transform_4, window_bounds = array<i64: 1000, 80>}, {transform_indices = @transform_5, window_bounds = array<i64: 1000, 16>}]} {
    %get3A = arith.constant 0 : index
    %get3A_0 = arith.constant 0 : index
    %get3A_1 = vector.load %arg1[%get3A, %get3A_0] : memref<1000x128xf32, #tpu.memory_space<vmem>>, vector<1000x128xf32>
    %get3A_2 = arith.constant 0 : index
    %get3A_3 = arith.constant 0 : index
    %get3A_4 = vector.load %arg2[%get3A_2, %get3A_3] : memref<128x64xf32, #tpu.memory_space<vmem>>, vector<128x64xf32>
    %dot_general3A = arith.constant dense<0.000000e+00> : vector<1000x64xf32>
    %dot_general3A_5 = tpu.matmul %get3A_1, %get3A_4, %dot_general3A {dimension_numbers = #tpu.dot_dimension_numbers<[1], [0], [0], [1], [0, 0, 1, 1], [], []>, transpose_lhs_hint = false} : vector<1000x128xf32>, vector<128x64xf32>, vector<1000x64xf32> -> vector<1000x64xf32>
    %get3A_6 = arith.constant 0 : index
    %get3A_7 = arith.constant 0 : index
    %get3A_8 = vector.load %arg3[%get3A_6, %get3A_7] : memref<64x16xf32, #tpu.memory_space<vmem>>, vector<64x16xf32>
    %dot_general3A_9 = arith.constant dense<0.000000e+00> : vector<1000x16xf32>
    %dot_general3A_10 = tpu.matmul %dot_general3A_5, %get3A_8, %dot_general3A_9 {dimension_numbers = #tpu.dot_dimension_numbers<[1], [0], [0], [1], [0, 0, 1, 1], [], []>, transpose_lhs_hint = false} : vector<1000x64xf32>, vector<64x16xf32>, vector<1000x16xf32> -> vector<1000x16xf32>
    %concatenate3A = tpu.concatenate %dot_general3A_5, %dot_general3A_10 in 1 : vector<1000x64xf32>, vector<1000x16xf32> -> vector<1000x80xf32>
    %swap3A = arith.constant 0 : index
    %swap3A_11 = arith.constant 0 : index
    %swap3A_12 = vector.load %arg5[%swap3A, %swap3A_11] : memref<1000x80xf32, #tpu.memory_space<vmem>>, vector<1000x80xf32>
    tpu.vector_store %arg5[%swap3A, %swap3A_11], %concatenate3A {strides = array<i32>} : memref<1000x80xf32, #tpu.memory_space<vmem>>, vector<1000x80xf32>,
    %get3A_13 = arith.constant 0 : index
    %get3A_14 = arith.constant 0 : index
    %get3A_15 = vector.load %arg4[%get3A_13, %get3A_14] : memref<64x16xf32, #tpu.memory_space<vmem>>, vector<64x16xf32>
    %dot_general3A_16 = arith.constant dense<0.000000e+00> : vector<1000x16xf32>
    %dot_general3A_17 = tpu.matmul %dot_general3A_5, %get3A_15, %dot_general3A_16 {dimension_numbers = #tpu.dot_dimension_numbers<[1], [0], [0], [1], [0, 0, 1, 1], [], []>, transpose_lhs_hint = false} : vector<1000x64xf32>, vector<64x16xf32>, vector<1000x16xf32> -> vector<1000x16xf32>
    %swap3A_18 = arith.constant 0 : index
    %swap3A_19 = arith.constant 0 : index
    %swap3A_20 = vector.load %arg6[%swap3A_18, %swap3A_19] : memref<1000x16xf32, #tpu.memory_space<vmem>>, vector<1000x16xf32>
    tpu.vector_store %arg6[%swap3A_18, %swap3A_19], %dot_general3A_17 {strides = array<i32>} : memref<1000x16xf32, #tpu.memory_space<vmem>>, vector<1000x16xf32>,
    return
  }
  func.func @transform_0(%arg0: i32) -> (i32, i32) {
    %c0_i32 = arith.constant 0 : i32
    %c0_i32_0 = arith.constant 0 : i32
    return %arg0, %c0_i32 : i32, i32
  }
  func.func @transform_1(%arg0: i32) -> (i32, i32) {
    %c0_i32 = arith.constant 0 : i32
    %c0_i32_0 = arith.constant 0 : i32
    %c0_i32_1 = arith.constant 0 : i32
    return %c0_i32, %c0_i32_0 : i32, i32
  }
  func.func @transform_2(%arg0: i32) -> (i32, i32) {
    %c0_i32 = arith.constant 0 : i32
    %c0_i32_0 = arith.constant 0 : i32
    %c0_i32_1 = arith.constant 0 : i32
    return %c0_i32, %c0_i32_0 : i32, i32
  }
  func.func @transform_3(%arg0: i32) -> (i32, i32) {
    %c0_i32 = arith.constant 0 : i32
    %c0_i32_0 = arith.constant 0 : i32
    %c0_i32_1 = arith.constant 0 : i32
    return %c0_i32, %c0_i32_0 : i32, i32
  }
  func.func @transform_4(%arg0: i32) -> (i32, i32) {
    %c0_i32 = arith.constant 0 : i32
    %c0_i32_0 = arith.constant 0 : i32
    return %arg0, %c0_i32 : i32, i32
  }
  func.func @transform_5(%arg0: i32) -> (i32, i32) {
    %c0_i32 = arith.constant 0 : i32
    %c0_i32_0 = arith.constant 0 : i32
    return %arg0, %c0_i32 : i32, i32
  }
}

module attributes {stable_mosaic.version = 14 : i64} {
  func.func @_tc2_body(%arg0: i32, %arg1: memref<2x1000x80xf32, #tpu.memory_space<vmem>>, %arg2: memref<1000x80xf32, #tpu.memory_space<vmem>>, %arg3: memref<8x64xf32, #tpu.memory_space<vmem>>, %arg4: memref<1x64xf32, #tpu.memory_space<vmem>>, %arg5: memref<64x32xf32, #tpu.memory_space<vmem>>, %arg6: memref<32x16xf32, #tpu.memory_space<vmem>>, %arg7: memref<32x16xf32, #tpu.memory_space<vmem>>, %arg8: memref<1000x48xf32, #tpu.memory_space<vmem>>, %arg9: memref<1000x16xf32, #tpu.memory_space<vmem>>) attributes {dimension_semantics = [#tpu.dimension_semantics<arbitrary>], iteration_bounds = array<i64: 10>, scalar_prefetch = 0 : i64, scratch_operands = 0 : i64, tpu.core_type = #tpu.core_type<tc>, window_params = [{transform_indices = @transform_0, window_bounds = array<i64: 2, 1000, 80>}, {transform_indices = @transform_1, window_bounds = array<i64: 1000, 80>}, {pipeline_mode = #tpu.pipeline_mode<synchronous>, transform_indices = @transform_2, window_bounds = array<i64: 8, 64>}, {pipeline_mode = #tpu.pipeline_mode<synchronous>, transform_indices = @transform_3, window_bounds = array<i64: 1, 64>}, {pipeline_mode = #tpu.pipeline_mode<synchronous>, transform_indices = @transform_4, window_bounds = array<i64: 64, 32>}, {pipeline_mode = #tpu.pipeline_mode<synchronous>, transform_indices = @transform_5, window_bounds = array<i64: 32, 16>}, {pipeline_mode = #tpu.pipeline_mode<synchronous>, transform_indices = @transform_6, window_bounds = array<i64: 32, 16>}, {transform_indices = @transform_7, window_bounds = array<i64: 1000, 48>}, {transform_indices = @transform_8, window_bounds = array<i64: 1000, 16>}]} {
    %get3A = arith.constant 0 : index
    %get3A_0 = arith.constant 0 : index
    %get3A_1 = arith.constant 0 : index
    %get3A_2 = vector.load %arg1[%get3A, %get3A_0, %get3A_1] : memref<2x1000x80xf32, #tpu.memory_space<vmem>>, vector<2x1000x80xf32>
    %get3A_3 = arith.constant 0 : index
    %get3A_4 = arith.constant 0 : index
    %get3A_5 = vector.load %arg2[%get3A_3, %get3A_4] : memref<1000x80xf32, #tpu.memory_space<vmem>>, vector<1000x80xf32>
    %slice3A = vector.extract_strided_slice %get3A_5 {offsets = [0, 0], sizes = [1000, 64], strides = [1, 1]} : vector<1000x80xf32> to vector<1000x64xf32>
    %slice3A_6 = vector.extract_strided_slice %get3A_5 {offsets = [0, 64], sizes = [1000, 16], strides = [1, 1]} : vector<1000x80xf32> to vector<1000x16xf32>
    %slice3A_7 = vector.extract_strided_slice %slice3A_6 {offsets = [0, 0], sizes = [1000, 8], strides = [1, 1]} : vector<1000x16xf32> to vector<1000x8xf32>
    %slice3A_8 = vector.extract_strided_slice %slice3A_6 {offsets = [0, 8], sizes = [1000, 8], strides = [1, 1]} : vector<1000x16xf32> to vector<1000x8xf32>
    %add3A = arith.addf %slice3A_7, %slice3A_8 : vector<1000x8xf32>
    %ge3A = arith.constant 0.000000e+00 : f32
    %ge3A_9 = vector.broadcast %ge3A : f32 to vector<1000x8xf32>
    %ge3A_10 = arith.cmpf oge, %add3A, %ge3A_9 : vector<1000x8xf32>
    %mul3A = arith.constant 2.000000e-01 : f32
    %mul3A_11 = vector.broadcast %mul3A : f32 to vector<1000x8xf32>
    %mul3A_12 = arith.mulf %mul3A_11, %add3A : vector<1000x8xf32>
    %select_n3A = arith.select %ge3A_10, %add3A, %mul3A_12 : vector<1000x8xi1>, vector<1000x8xf32>
    %exp3A = math.exp %select_n3A : vector<1000x8xf32>
    %get3A_13 = arith.constant 0 : index
    %get3A_14 = arith.constant 0 : index
    %get3A_15 = vector.load %arg3[%get3A_13, %get3A_14] : memref<8x64xf32, #tpu.memory_space<vmem>>, vector<8x64xf32>
    %slice3A_16 = vector.extract_strided_slice %get3A_2 {offsets = [0, 0, 0], sizes = [1, 1000, 64], strides = [1, 1, 1]} : vector<2x1000x80xf32> to vector<1x1000x64xf32>
    %squeeze3A = vector.shape_cast %slice3A_16 : vector<1x1000x64xf32> to vector<1000x64xf32>
    %slice3A_17 = vector.extract_strided_slice %get3A_2 {offsets = [1, 0, 0], sizes = [1, 1000, 64], strides = [1, 1, 1]} : vector<2x1000x80xf32> to vector<1x1000x64xf32>
    %squeeze3A_18 = vector.shape_cast %slice3A_17 : vector<1x1000x64xf32> to vector<1000x64xf32>
    %add3A_19 = arith.addf %squeeze3A, %squeeze3A_18 : vector<1000x64xf32>
    %dot_general3A = arith.constant dense<0.000000e+00> : vector<1000x64xf32>
    %dot_general3A_20 = tpu.matmul %exp3A, %get3A_15, %dot_general3A {dimension_numbers = #tpu.dot_dimension_numbers<[1], [0], [0], [1], [0, 0, 1, 1], [], []>, transpose_lhs_hint = false} : vector<1000x8xf32>, vector<8x64xf32>, vector<1000x64xf32> -> vector<1000x64xf32>
    %mul3A_21 = arith.mulf %slice3A, %dot_general3A_20 : vector<1000x64xf32>
    %add3A_22 = arith.addf %add3A_19, %mul3A_21 : vector<1000x64xf32>
    %slice3A_23 = vector.extract_strided_slice %get3A_2 {offsets = [0, 0, 64], sizes = [1, 1000, 8], strides = [1, 1, 1]} : vector<2x1000x80xf32> to vector<1x1000x8xf32>
    %squeeze3A_24 = vector.shape_cast %slice3A_23 : vector<1x1000x8xf32> to vector<1000x8xf32>
    %slice3A_25 = vector.extract_strided_slice %get3A_2 {offsets = [1, 0, 64], sizes = [1, 1000, 8], strides = [1, 1, 1]} : vector<2x1000x80xf32> to vector<1x1000x8xf32>
    %squeeze3A_26 = vector.shape_cast %slice3A_25 : vector<1x1000x8xf32> to vector<1000x8xf32>
    %add3A_27 = arith.addf %squeeze3A_24, %squeeze3A_26 : vector<1000x8xf32>
    %add3A_28 = arith.addf %add3A_27, %exp3A : vector<1000x8xf32>
    %dot_general3A_29 = arith.constant dense<0.000000e+00> : vector<1000x64xf32>
    %dot_general3A_30 = tpu.matmul %add3A_28, %get3A_15, %dot_general3A_29 {dimension_numbers = #tpu.dot_dimension_numbers<[1], [0], [0], [1], [0, 0, 1, 1], [], []>, transpose_lhs_hint = false} : vector<1000x8xf32>, vector<8x64xf32>, vector<1000x64xf32> -> vector<1000x64xf32>
    %add3A_31 = arith.constant 1.000000e-16 : f32
    %add3A_32 = vector.broadcast %add3A_31 : f32 to vector<1000x64xf32>
    %add3A_33 = arith.addf %dot_general3A_30, %add3A_32 : vector<1000x64xf32>
    %div3A = arith.divf %add3A_22, %add3A_33 : vector<1000x64xf32>
    %get3A_34 = arith.constant 0 : index
    %get3A_35 = arith.constant 0 : index
    %get3A_36 = vector.load %arg4[%get3A_34, %get3A_35] : memref<1x64xf32, #tpu.memory_space<vmem>>, vector<1x64xf32>
    %add3A_37 = vector.broadcast %get3A_36 : vector<1x64xf32> to vector<1000x64xf32>
    %add3A_38 = arith.addf %div3A, %add3A_37 : vector<1000x64xf32>
    %gt3A = arith.constant 0.000000e+00 : f32
    %gt3A_39 = vector.broadcast %gt3A : f32 to vector<1000x64xf32>
    %gt3A_40 = arith.cmpf ogt, %add3A_38, %gt3A_39 : vector<1000x64xf32>
    %exp3A_41 = math.exp %add3A_38 : vector<1000x64xf32>
    %sub3A = arith.constant 1.000000e+00 : f32
    %sub3A_42 = vector.broadcast %sub3A : f32 to vector<1000x64xf32>
    %sub3A_43 = arith.subf %exp3A_41, %sub3A_42 : vector<1000x64xf32>
    %select_n3A_44 = arith.select %gt3A_40, %add3A_38, %sub3A_43 : vector<1000x64xi1>, vector<1000x64xf32>
    %get3A_45 = arith.constant 0 : index
    %get3A_46 = arith.constant 0 : index
    %get3A_47 = vector.load %arg5[%get3A_45, %get3A_46] : memref<64x32xf32, #tpu.memory_space<vmem>>, vector<64x32xf32>
    %dot_general3A_48 = arith.constant dense<0.000000e+00> : vector<1000x32xf32>
    %dot_general3A_49 = tpu.matmul %select_n3A_44, %get3A_47, %dot_general3A_48 {dimension_numbers = #tpu.dot_dimension_numbers<[1], [0], [0], [1], [0, 0, 1, 1], [], []>, transpose_lhs_hint = false} : vector<1000x64xf32>, vector<64x32xf32>, vector<1000x32xf32> -> vector<1000x32xf32>
    %get3A_50 = arith.constant 0 : index
    %get3A_51 = arith.constant 0 : index
    %get3A_52 = vector.load %arg6[%get3A_50, %get3A_51] : memref<32x16xf32, #tpu.memory_space<vmem>>, vector<32x16xf32>
    %dot_general3A_53 = arith.constant dense<0.000000e+00> : vector<1000x16xf32>
    %dot_general3A_54 = tpu.matmul %dot_general3A_49, %get3A_52, %dot_general3A_53 {dimension_numbers = #tpu.dot_dimension_numbers<[1], [0], [0], [1], [0, 0, 1, 1], [], []>, transpose_lhs_hint = false} : vector<1000x32xf32>, vector<32x16xf32>, vector<1000x16xf32> -> vector<1000x16xf32>
    %concatenate3A = tpu.concatenate %dot_general3A_49, %dot_general3A_54 in 1 : vector<1000x32xf32>, vector<1000x16xf32> -> vector<1000x48xf32>
    %swap3A = arith.constant 0 : index
    %swap3A_55 = arith.constant 0 : index
    %swap3A_56 = vector.load %arg8[%swap3A, %swap3A_55] : memref<1000x48xf32, #tpu.memory_space<vmem>>, vector<1000x48xf32>
    tpu.vector_store %arg8[%swap3A, %swap3A_55], %concatenate3A {strides = array<i32>} : memref<1000x48xf32, #tpu.memory_space<vmem>>, vector<1000x48xf32>,
    %get3A_57 = arith.constant 0 : index
    %get3A_58 = arith.constant 0 : index
    %get3A_59 = vector.load %arg7[%get3A_57, %get3A_58] : memref<32x16xf32, #tpu.memory_space<vmem>>, vector<32x16xf32>
    %dot_general3A_60 = arith.constant dense<0.000000e+00> : vector<1000x16xf32>
    %dot_general3A_61 = tpu.matmul %dot_general3A_49, %get3A_59, %dot_general3A_60 {dimension_numbers = #tpu.dot_dimension_numbers<[1], [0], [0], [1], [0, 0, 1, 1], [], []>, transpose_lhs_hint = false} : vector<1000x32xf32>, vector<32x16xf32>, vector<1000x16xf32> -> vector<1000x16xf32>
    %swap3A_62 = arith.constant 0 : index
    %swap3A_63 = arith.constant 0 : index
    %swap3A_64 = vector.load %arg9[%swap3A_62, %swap3A_63] : memref<1000x16xf32, #tpu.memory_space<vmem>>, vector<1000x16xf32>
    tpu.vector_store %arg9[%swap3A_62, %swap3A_63], %dot_general3A_61 {strides = array<i32>} : memref<1000x16xf32, #tpu.memory_space<vmem>>, vector<1000x16xf32>,
    return
  }
  func.func @transform_0(%arg0: i32) -> (i32, i32, i32) {
    %c0_i32 = arith.constant 0 : i32
    %c0_i32_0 = arith.constant 0 : i32
    %c0_i32_1 = arith.constant 0 : i32
    return %c0_i32, %arg0, %c0_i32_0 : i32, i32, i32
  }
  func.func @transform_1(%arg0: i32) -> (i32, i32) {
    %c0_i32 = arith.constant 0 : i32
    %c0_i32_0 = arith.constant 0 : i32
    return %arg0, %c0_i32 : i32, i32
  }
  func.func @transform_2(%arg0: i32) -> (i32, i32) {
    %c0_i32 = arith.constant 0 : i32
    %c0_i32_0 = arith.constant 0 : i32
    %c0_i32_1 = arith.constant 0 : i32
    return %c0_i32, %c0_i32_0 : i32, i32
  }
  func.func @transform_3(%arg0: i32) -> (i32, i32) {
    %c0_i32 = arith.constant 0 : i32
    %c0_i32_0 = arith.constant 0 : i32
    %c0_i32_1 = arith.constant 0 : i32
    return %c0_i32, %c0_i32_0 : i32, i32
  }
  func.func @transform_4(%arg0: i32) -> (i32, i32) {
    %c0_i32 = arith.constant 0 : i32
    %c0_i32_0 = arith.constant 0 : i32
    %c0_i32_1 = arith.constant 0 : i32
    return %c0_i32, %c0_i32_0 : i32, i32
  }
  func.func @transform_5(%arg0: i32) -> (i32, i32) {
    %c0_i32 = arith.constant 0 : i32
    %c0_i32_0 = arith.constant 0 : i32
    %c0_i32_1 = arith.constant 0 : i32
    return %c0_i32, %c0_i32_0 : i32, i32
  }
  func.func @transform_6(%arg0: i32) -> (i32, i32) {
    %c0_i32 = arith.constant 0 : i32
    %c0_i32_0 = arith.constant 0 : i32
    %c0_i32_1 = arith.constant 0 : i32
    return %c0_i32, %c0_i32_0 : i32, i32
  }
  func.func @transform_7(%arg0: i32) -> (i32, i32) {
    %c0_i32 = arith.constant 0 : i32
    %c0_i32_0 = arith.constant 0 : i32
    return %arg0, %c0_i32 : i32, i32
  }
  func.func @transform_8(%arg0: i32) -> (i32, i32) {
    %c0_i32 = arith.constant 0 : i32
    %c0_i32_0 = arith.constant 0 : i32
    return %arg0, %c0_i32 : i32, i32
  }
}

module attributes {stable_mosaic.version = 14 : i64} {
  func.func @_tc3_body(%arg0: i32, %arg1: memref<2x1000x48xf32, #tpu.memory_space<vmem>>, %arg2: memref<1000x48xf32, #tpu.memory_space<vmem>>, %arg3: memref<1x32xf32, #tpu.memory_space<vmem>>, %arg4: memref<1000x32xf32, #tpu.memory_space<vmem>>) attributes {dimension_semantics = [#tpu.dimension_semantics<arbitrary>], iteration_bounds = array<i64: 10>, scalar_prefetch = 0 : i64, scratch_operands = 0 : i64, tpu.core_type = #tpu.core_type<tc>, window_params = [{transform_indices = @transform_0, window_bounds = array<i64: 2, 1000, 48>}, {transform_indices = @transform_1, window_bounds = array<i64: 1000, 48>}, {pipeline_mode = #tpu.pipeline_mode<synchronous>, transform_indices = @transform_2, window_bounds = array<i64: 1, 32>}, {transform_indices = @transform_3, window_bounds = array<i64: 1000, 32>}]} {
    %get3A = arith.constant 0 : index
    %get3A_0 = arith.constant 0 : index
    %get3A_1 = arith.constant 0 : index
    %get3A_2 = vector.load %arg1[%get3A, %get3A_0, %get3A_1] : memref<2x1000x48xf32, #tpu.memory_space<vmem>>, vector<2x1000x48xf32>
    %get3A_3 = arith.constant 0 : index
    %get3A_4 = arith.constant 0 : index
    %get3A_5 = vector.load %arg2[%get3A_3, %get3A_4] : memref<1000x48xf32, #tpu.memory_space<vmem>>, vector<1000x48xf32>
    %slice3A = vector.extract_strided_slice %get3A_5 {offsets = [0, 0], sizes = [1000, 32], strides = [1, 1]} : vector<1000x48xf32> to vector<1000x32xf32>
    %slice3A_6 = vector.extract_strided_slice %get3A_5 {offsets = [0, 32], sizes = [1000, 16], strides = [1, 1]} : vector<1000x48xf32> to vector<1000x16xf32>
    %slice3A_7 = vector.extract_strided_slice %slice3A_6 {offsets = [0, 0], sizes = [1000, 1], strides = [1, 1]} : vector<1000x16xf32> to vector<1000x1xf32>
    %slice3A_8 = vector.extract_strided_slice %slice3A_6 {offsets = [0, 8], sizes = [1000, 1], strides = [1, 1]} : vector<1000x16xf32> to vector<1000x1xf32>
    %add3A = arith.addf %slice3A_7, %slice3A_8 : vector<1000x1xf32>
    %ge3A = arith.constant 0.000000e+00 : f32
    %ge3A_9 = vector.broadcast %ge3A : f32 to vector<1000x1xf32>
    %ge3A_10 = arith.cmpf oge, %add3A, %ge3A_9 : vector<1000x1xf32>
    %mul3A = arith.constant 2.000000e-01 : f32
    %mul3A_11 = vector.broadcast %mul3A : f32 to vector<1000x1xf32>
    %mul3A_12 = arith.mulf %mul3A_11, %add3A : vector<1000x1xf32>
    %select_n3A = arith.select %ge3A_10, %add3A, %mul3A_12 : vector<1000x1xi1>, vector<1000x1xf32>
    %exp3A = math.exp %select_n3A : vector<1000x1xf32>
    %slice3A_13 = vector.extract_strided_slice %get3A_2 {offsets = [0, 0, 0], sizes = [1, 1000, 32], strides = [1, 1, 1]} : vector<2x1000x48xf32> to vector<1x1000x32xf32>
    %squeeze3A = vector.shape_cast %slice3A_13 : vector<1x1000x32xf32> to vector<1000x32xf32>
    %slice3A_14 = vector.extract_strided_slice %get3A_2 {offsets = [1, 0, 0], sizes = [1, 1000, 32], strides = [1, 1, 1]} : vector<2x1000x48xf32> to vector<1x1000x32xf32>
    %squeeze3A_15 = vector.shape_cast %slice3A_14 : vector<1x1000x32xf32> to vector<1000x32xf32>
    %add3A_16 = arith.addf %squeeze3A, %squeeze3A_15 : vector<1000x32xf32>
    %mul3A_17 = vector.broadcast %exp3A : vector<1000x1xf32> to vector<1000x32xf32>
    %mul3A_18 = arith.mulf %slice3A, %mul3A_17 : vector<1000x32xf32>
    %add3A_19 = arith.addf %add3A_16, %mul3A_18 : vector<1000x32xf32>
    %slice3A_20 = vector.extract_strided_slice %get3A_2 {offsets = [0, 0, 32], sizes = [1, 1000, 1], strides = [1, 1, 1]} : vector<2x1000x48xf32> to vector<1x1000x1xf32>
    %squeeze3A_21 = vector.shape_cast %slice3A_20 : vector<1x1000x1xf32> to vector<1000x1xf32>
    %slice3A_22 = vector.extract_strided_slice %get3A_2 {offsets = [1, 0, 32], sizes = [1, 1000, 1], strides = [1, 1, 1]} : vector<2x1000x48xf32> to vector<1x1000x1xf32>
    %squeeze3A_23 = vector.shape_cast %slice3A_22 : vector<1x1000x1xf32> to vector<1000x1xf32>
    %add3A_24 = arith.addf %squeeze3A_21, %squeeze3A_23 : vector<1000x1xf32>
    %add3A_25 = arith.addf %add3A_24, %exp3A : vector<1000x1xf32>
    %add3A_26 = arith.constant 1.000000e-16 : f32
    %add3A_27 = vector.broadcast %add3A_26 : f32 to vector<1000x1xf32>
    %add3A_28 = arith.addf %add3A_25, %add3A_27 : vector<1000x1xf32>
    %div3A = vector.broadcast %add3A_28 : vector<1000x1xf32> to vector<1000x32xf32>
    %div3A_29 = arith.divf %add3A_19, %div3A : vector<1000x32xf32>
    %get3A_30 = arith.constant 0 : index
    %get3A_31 = arith.constant 0 : index
    %get3A_32 = vector.load %arg3[%get3A_30, %get3A_31] : memref<1x32xf32, #tpu.memory_space<vmem>>, vector<1x32xf32>
    %add3A_33 = vector.broadcast %get3A_32 : vector<1x32xf32> to vector<1000x32xf32>
    %add3A_34 = arith.addf %div3A_29, %add3A_33 : vector<1000x32xf32>
    %reduce_max3A = arith.constant dense<0xFF800000> : vector<1000xf32>
    %reduce_max3A_35 = vector.multi_reduction <maximumf>, %add3A_34, %reduce_max3A [1] : vector<1000x32xf32> to vector<1000xf32>
    %broadcast_in_dim3A = vector.shape_cast %reduce_max3A_35 : vector<1000xf32> to vector<1000x1xf32>
    %sub3A = vector.broadcast %broadcast_in_dim3A : vector<1000x1xf32> to vector<1000x32xf32>
    %sub3A_36 = arith.subf %add3A_34, %sub3A : vector<1000x32xf32>
    %exp3A_37 = math.exp %sub3A_36 : vector<1000x32xf32>
    %reduce_sum3A = arith.constant dense<0.000000e+00> : vector<1000xf32>
    %reduce_sum3A_38 = vector.multi_reduction <add>, %exp3A_37, %reduce_sum3A [1] : vector<1000x32xf32> to vector<1000xf32>
    %broadcast_in_dim3A_39 = vector.shape_cast %reduce_sum3A_38 : vector<1000xf32> to vector<1000x1xf32>
    %log3A = math.log %broadcast_in_dim3A_39 : vector<1000x1xf32>
    %add3A_40 = arith.addf %log3A, %broadcast_in_dim3A : vector<1000x1xf32>
    %sub3A_41 = vector.broadcast %add3A_40 : vector<1000x1xf32> to vector<1000x32xf32>
    %sub3A_42 = arith.subf %add3A_34, %sub3A_41 : vector<1000x32xf32>
    %swap3A = arith.constant 0 : index
    %swap3A_43 = arith.constant 0 : index
    %swap3A_44 = vector.load %arg4[%swap3A, %swap3A_43] : memref<1000x32xf32, #tpu.memory_space<vmem>>, vector<1000x32xf32>
    tpu.vector_store %arg4[%swap3A, %swap3A_43], %sub3A_42 {strides = array<i32>} : memref<1000x32xf32, #tpu.memory_space<vmem>>, vector<1000x32xf32>,
    return
  }
  func.func @transform_0(%arg0: i32) -> (i32, i32, i32) {
    %c0_i32 = arith.constant 0 : i32
    %c0_i32_0 = arith.constant 0 : i32
    %c0_i32_1 = arith.constant 0 : i32
    return %c0_i32, %arg0, %c0_i32_0 : i32, i32, i32
  }
  func.func @transform_1(%arg0: i32) -> (i32, i32) {
    %c0_i32 = arith.constant 0 : i32
    %c0_i32_0 = arith.constant 0 : i32
    return %arg0, %c0_i32 : i32, i32
  }
  func.func @transform_2(%arg0: i32) -> (i32, i32) {
    %c0_i32 = arith.constant 0 : i32
    %c0_i32_0 = arith.constant 0 : i32
    %c0_i32_1 = arith.constant 0 : i32
    return %c0_i32, %c0_i32_0 : i32, i32
  }
  func.func @transform_3(%arg0: i32) -> (i32, i32) {
    %c0_i32 = arith.constant 0 : i32
    %c0_i32_0 = arith.constant 0 : i32
    return %arg0, %c0_i32 : i32, i32
  }
}

</mosaic_0001>

<sc_bundles>
// kernel: kernel.10.cloned.1.call-start
scs
__scs_entry_jumppad:
0x0: {  	(pc) =	sbr.rel $0x88, $3  }
0x1: {  	(tag) =	ssettag $0x0;
	lr =	simm.s32 $0x1  }
0x2: {  	[smem:$0x3F97] =	sst lr;
	_ =	strace $0xD0000000  }
0x3: {  	_ = 	snop  }
0x4: {  	_ = 	snop  }
0x5: {  	_ = 	snop  }
0x6: {  	_ = 	snop  }
0x7: {  	_ = 	snop  }
__scs_overlays_trampoline_lowered:
0x8: {  	[smem:$0x3FA6] =	sst s0  }
0x9: {  	[smem:$0x3FA7] =	sst s1  }
0xa: {  	[smem:$0x3FA8] =	sst s2  }
0xb: {  	[smem:$0x3FA9] =	sst s3  }
0xc: {  	[smem:$0x3FAA] =	sst s4  }
0xd: {  	[smem:$0x3FAB] =	sst s5  }
0xe: {  	[smem:$0x3FAC] =	sst s6  }
0xf: {  	[smem:$0x3FAD] =	sst s7  }
0x10: {  	[smem:$0x3FAE] =	sst s8  }
0x11: {  	[smem:$0x3FAF] =	sst s9;
	s0 =	simm.s32 @!p0 $0x0  }
0x12: {  	s1 =	sld [smem:$0x3F95];
	s0 =	simm.s32 @p0 $0x1  }
0x13: {  	[smem:$0x3FB0] =	sst s0;
	s0 =	simm.s32 @!p1 $0x0  }
0x14: {  	s2 =	sld [smem:$0x3F94];
	s0 =	simm.s32 @p1 $0x1  }
0x15: {  	[smem:$0x3FB1] =	sst s0;
	s0 =	simm.s32 @!p2 $0x0  }
0x16: {  	s3 =	sld [smem:$0x3FDB];
	s0 =	simm.s32 @p2 $0x1  }
0x17: {  	s4 =	simm.s32 $0x1BF5;
	[smem:$0x3FB3] =	sst s0  }
0x18: {  	s0 =	sld [smem:$0x3F96];
	_ =	swait.ge [sflag:s4], $0x0  }
0x19: {  	s7 =	sld [smem:$0x3F97]  }
0x1a: {  	s8 =	sadd.s32 $0xFFFFE003, lr  }
0x1b: {  	s9 =	sadd.s32 $0xFFFFFEF7, lr;
	s5 =	simm.s32 $0xFFFFFFFF;
	p2 =	slt.u32 s8, $0xFFFFF086  }
0x1c: {  	p1 =	slt.u32 s9, $0xF7A;
	s5 =	simm.s32 @!p2 $0x0  }
0x1d: {  	s5 =	simm.s32 @p1 $0x1;
	p0 =	seq.s32 s7, s2  }
0x1e: {  	s7 =	smul.u32 @!p0 $0xF7A, s2;
	p2 =	seq.s32 @!p0 s5, $0x0  }
0x1f: {  	s9 =	smul.u32 $0xF7A, s1;
	s8 =	simm.s32 @!p0 $0x1BF5;
	p2 =	por !p2, p0  }
0x20: {  	[sflag:s8] =	ssyncset.s32 @!p0 $0xFFFFF086;
	s6 =	sadd.s32 @!p0 s3, s7;
	s7 =	simm.s32 @!p0 $0x108  }
0x21: {  	s3 =	sadd.s32 s3, s9;
	s6 =	sadd.s32 @!p0 $0x88, s6;
	s7 =	simm.s32 @p2 $0x1082  }
0x22: {  	[simem:s7], [sflag:s8] =	dma.local @!p0 [hbm:s6], $0xF7A  }
0x23: {  	s9 =	sor.u32 $0xD0000000, s2;
	s6 =	simm.s32 $0x108;
	_ =	swait.ge @!p0 [sflag:s8], $0x0  }
0x24: {  	s3 =	sadd.s32 $0x88, s3;
	s6 =	simm.s32 @!p1 $0x1082;
	[sflag:s4] =	ssyncset.s32 $0xFFFFF086  }
0x25: {  	[simem:s6], [sflag:s4] =	dma.local [hbm:s3], $0xF7A  }
0x26: {  	[smem:$0x3F97] =	sst s1;
	(tag) =	ssettag s2;
	_ =	strace s9  }
0x27: {  	s1 =	sld [smem:$0x3FA7]  }
0x28: {  	s2 =	sld [smem:$0x3FA8]  }
0x29: {  	s4 =	sld [smem:$0x3FAA]  }
0x2a: {  	p0 =	seq.s32 s5, $0x0;
	s5 =	sld [smem:$0x3FAB]  }
0x2b: {  	s6 =	sld [smem:$0x3FAC]  }
0x2c: {  	s7 =	sld [smem:$0x3FAD]  }
0x2d: {  	s3 =	simm.s32 $0x108;
	s8 =	sld [smem:$0x3FAE]  }
0x2e: {  	s3 =	simm.s32 @!p0 $0x1082;
	s9 =	sld [smem:$0x3FAF]  }
0x2f: {  	lr =	sadd.s32 s0, s3;
	s0 =	sld [smem:$0x3FA6]  }
0x30: {  	s3 =	sld [smem:$0x3FA9]  }
0x31: {  	[smem:$0x3FB2] =	sst s10  }
0x32: {  	s10 =	sld [smem:$0x3FB0];
	_ =	sdelay $0x3  }
0x33: {  	p0 =	seq.s32 s10, $0x1;
	s10 =	sld [smem:$0x3FB2];
	_ =	sdelay $0x3  }
0x34: {  	[smem:$0x3FB2] =	sst s10  }
0x35: {  	s10 =	sld [smem:$0x3FB1];
	_ =	sdelay $0x3  }
0x36: {  	p1 =	seq.s32 s10, $0x1;
	s10 =	sld [smem:$0x3FB2];
	_ =	sdelay $0x3  }
0x37: {  	[smem:$0x3FB2] =	sst s10  }
0x38: {  	s10 =	sld [smem:$0x3FB3]  }
0x39: {  	_ = 	snop;
	(pc) =	sbr.ind lr, $3  }
0x3a: {  	_ = 	snop  }
0x3b: {  	_ = 	snop  }
0x3c: {  	p2 =	seq.s32 s10, $0x1;
	s10 =	sld [smem:$0x3FB2]  }
0x3d: {  	_ =	shalt  }
0x3e: {  	_ =	shalt  }
0x3f: {  	_ =	shalt  }
0x40: {  	_ =	shalt  }
0x41: {  	_ =	shalt  }
0x42: {  	_ =	shalt  }
0x43: {  	_ =	shalt  }
0x44: {  	_ =	shalt  }
0x45: {  	_ =	shalt  }
0x46: {  	_ =	shalt  }
0x47: {  	_ =	shalt  }
0x48: {  	_ =	shalt  }
0x49: {  	_ =	shalt  }
0x4a: {  	_ =	shalt  }
0x4b: {  	_ =	shalt  }
0x4c: {  	_ =	shalt  }
0x4d: {  	_ =	shalt  }
0x4e: {  	_ =	shalt  }
0x4f: {  	_ =	shalt  }
0x50: {  	_ =	shalt  }
0x51: {  	_ =	shalt  }
0x52: {  	_ =	shalt  }
0x53: {  	_ =	shalt  }
0x54: {  	_ =	shalt  }
0x55: {  	_ =	shalt  }
0x56: {  	_ =	shalt  }
0x57: {  	_ =	shalt  }
0x58: {  	_ =	shalt  }
0x59: {  	_ =	shalt  }
0x5a: {  	_ =	shalt  }
0x5b: {  	_ =	shalt  }
0x5c: {  	_ =	shalt  }
0x5d: {  	_ =	shalt  }
0x5e: {  	_ =	shalt  }
0x5f: {  	_ =	shalt  }
0x60: {  	_ =	shalt  }
0x61: {  	_ =	shalt  }
0x62: {  	_ =	shalt  }
0x63: {  	_ =	shalt  }
0x64: {  	_ =	shalt  }
0x65: {  	_ =	shalt  }
0x66: {  	_ =	shalt  }
0x67: {  	_ =	shalt  }
0x68: {  	_ =	shalt  }
0x69: {  	_ =	shalt  }
0x6a: {  	_ =	shalt  }
0x6b: {  	_ =	shalt  }
0x6c: {  	_ =	shalt  }
0x6d: {  	_ =	shalt  }
0x6e: {  	_ =	shalt  }
0x6f: {  	_ =	shalt  }
0x70: {  	_ =	shalt  }
0x71: {  	_ =	shalt  }
0x72: {  	_ =	shalt  }
0x73: {  	_ =	shalt  }
0x74: {  	_ =	shalt  }
0x75: {  	_ =	shalt  }
0x76: {  	_ =	shalt  }
0x77: {  	_ =	shalt  }
0x78: {  	_ =	shalt  }
0x79: {  	_ =	shalt  }
0x7a: {  	_ =	shalt  }
0x7b: {  	_ =	shalt  }
0x7c: {  	_ =	shalt  }
0x7d: {  	_ =	shalt  }
0x7e: {  	_ =	shalt  }
0x7f: {  	_ =	shalt  }
0x80: {  	_ =	shalt  }
0x81: {  	_ =	shalt  }
0x82: {  	_ =	shalt  }
0x83: {  	_ =	shalt  }
0x84: {  	_ =	shalt  }
0x85: {  	_ =	shalt  }
0x86: {  	_ =	shalt  }
0x87: {  	_ =	shalt  }
.Lfunc_end0:
.L_simem_size_0:
called_computation.1_lowered:
.L_overlay_start_0:
0x88: {  	s2 =	sld [smem:$0x3FD9]  }
0x89: {  	s3 =	sld [smem:$0x3FFE];
	_ =	sdelay $0x1  }
0x8a: {  	s1 =	srdreg.scid  }
0x8b: {  	s0 =	sand.u32 $0x1, s1  }
0x8c: {  	s17 =	sshll.u32 s0, $0xA;
	s2 =	sadd.s32 s3, s2  }
0x8d: {  	s2 =	sadd.s32 s2, s17  }
0x8e: {  	[smem:$0x3FBE] =	sst s2  }
0x8f: {  	_ = 	snop  }
0x90: {  	s2 =	sld [smem:$0x3FD0];
	(tm) =	ssettm $0x1  }
0x91: {  	s18 =	sld [smem:$0x3FFB];
	_ =	sdelay $0x3  }
0x92: {  	_ =	strace s18  }
0x93: {  	s3 =	sld [smem:$0x3FFC];
	_ =	sdelay $0x3  }
0x94: {  	_ =	strace s3  }
0x95: {  	s3 =	sld [smem:$0x3FFD];
	_ =	sdelay $0x3  }
0x96: {  	_ =	strace s3  }
0x97: {  	_ =	strace $0x8FFFFFFF  }
0x98: {  	s19 =	sld [smem:$0x3FDB];
	_ =	sdelay $0x1  }
0x99: {  	s4 =	simm.s32 $_scs_section_size  }
0x9a: {  	s5 =	simm.s32 $_size__tile_overlayer_lowered;
	s6 =	simm.s32 $_tile_overlayer_lowered  }
0x9b: {  	s22 =	simm.s32 $0x1BFF;
	s21 =	sshll.u32 s6, $0x1;
	s3 =	sadd.s32 s4, s19  }
0x9c: {  	s7 =	simm.s32 $0x0;
	s20 =	sshll.u32 s5, $0x1;
	s5 =	sadd.s32 s21, s3  }
0x9d: {  	[timem:s7], [sflag:s22] =	dma.local [hbm:s5], s20  }
0x9e: {  	_ =	swait.ge [sflag:s22], s20  }
0x9f: {  	s4 =	ssub.s32 $0x0, s20;
	[sflag:s22] =	ssyncset.done $0x0  }
0xa0: {  	[sflag:s22] =	ssyncadd.s32 s4;
	_ =	sdelay $0x1  }
0xa1: {  	s23 =	simm.s32 $0x1B8B  }
0xa2: {  	_ =	swait.ge [sflag:s23], $0x1  }
0xa3: {  	[sflag:s23] =	ssyncset.done $0x0  }
0xa4: {  	s25 =	simm.s32 $0x1B8E;
	s24 =	sld [smem:$0x3FFE];
	[sflag:s23] =	ssyncadd.s32 $0xFFFFFFFF  }
0xa5: {  	s26 =	simm.s32 $execute0_lowered;
	[smem:$0x3FD2] =	sst s25  }
0xa6: {  	s5 =	sshll.u32 s26, $0x1;
	_ =	strace $0x80000049;
	[dreg:$0x1] =	wrdreg $0xFFFFFFFF  }
0xa7: {  	s28 =	simm.s32 $_size_execute0_lowered;
	s3 =	sadd.s32 s3, s5;
	[dreg:$0x0] =	wrdreg $0x0  }
0xa8: {  	s5 =	sshll.u32 s28, $0x1;
	[dreg:$0x2] =	wrdreg s3  }
0xa9: {  	[dreg:$0x3] =	wrdreg s5  }
0xaa: {  	[dreg:$0x4] =	wrdreg $0xC0  }
0xab: {  	_ =	task [dreg:s7], $0x5FFFF  }
0xac: {  	[dreg:$0x1] =	wrdreg $0xFFFFFFFF  }
0xad: {  	[dreg:$0x0] =	wrdreg $0x60  }
0xae: {  	[dreg:$0x2] =	wrdreg s24  }
0xaf: {  	[dreg:$0x3] =	wrdreg s2  }
0xb0: {  	[dreg:$0x4] =	wrdreg $0xD2000  }
0xb1: {  	[dreg:$0x5] =	wrdreg $0x9  }
0xb2: {  	_ =	task.clear_ibuf [dreg:s7], $0x6FFFF;
	_ =	strace $0x90000049  }
0xb3: {  	s29 =	simm.s32 $0x9;
	_ =	strace $0x8000004B  }
0xb4: {  	_ =	swait.ge [sflag:s29], $0x1  }
0xb5: {  	[sflag:s29] =	ssyncadd.s32 $0xFFFFFFFF  }
0xb6: {  	_ =	strace $0x9000004B  }
0xb7: {  	_ =	sfence  }
0xb8: {  	s30 =	sld [smem:$0x0];
	_ =	sdelay $0x2  }
0xb9: {  	s31 =	sshll.u32 s1, $0xD;
	s1 =	sshrl.u32 s1, $0x2  }
0xba: {  	s3 =	sand.u32 $0x4000, s31;
	s1 =	sadd.s32 s1, s30  }
0xbb: {  	s0 =	sor.u32 s3, s0;
	s1 =	sshll.u32 s1, $0x11  }
0xbc: {  	s0 =	sor.u32 s1, s0  }
0xbd: {  	s0 =	sadd.s32 $0x8F2B, s0  }
0xbe: {  	[sflag:s0] =	ssyncadd.remote.s32 $0x1  }
0xbf: {  	_ =	sfence.sel $0xFFFF  }
0xc0: {  	[dreg:$0x0] =	wrdreg $0xFFFFFFFF;
	(pc) =	sbr.abs _section_cstart, $3  }
0xc1: {  	[dreg:$0x1] =	wrdreg $0xFFFFFFFF  }
0xc2: {  	_ =	task.clear_ibuf [dreg:s7], $0x2FFFF;
	_ =	strace $0x9FFFFFFF  }
0xc3: {  	(tm) =	ssettm $0x7FFFFFFF  }
tec
execute0_lowered:
.L_overlay_start_1:
0x0: {  	(tag) =	ssettag $0x1  }
0x1: {  	s0 =	srdreg.scid;
	s1 =	rddreg [dreg:$0x0]  }
0x2: {  	s8 =	stileid.u32;
	s2 =	rddreg [dreg:$0x1]  }
0x3: {  	s5 =	simm.s32 $0x0;
	s19 =	simm.s32 $0xD;
	s17 =	simm.s32 $0x5200  }
0x4: {  	s18 =	simm.s32 $0x80;
	s28 =	simm.s32 $0x2;
	s29 =	simm.s32 $0x6  }
0x5: {  	s30 =	simm.s32 $0x9A00;
	s16 =	simm.s32 $0x8;
	s0 =	sand.u32 $0x1, s0  }
0x6: {  	s3 =	sshll.u32 s8, $0x1;
	s6 =	smul.u32 $0x7680, s8;
	[smem:$0x7FF] =	sst s5  }
0x7: {  	s8 =	smul.u32 $0x1DA00, s8;
	s5 =	sadd.s32 $0x1600, s1;
	s4 =	sor.u32 s0, s3  }
0x8: {  	s3 =	rddreg [dreg:$0x2];
	s20 =	smul.u32 $0x76800, s0;
	s0 =	ssub.s32 $0x2, s0  }
0x9: {  	_ =	strace $0x8000004A;
	s4 =	smul.u32 $0x500, s4;
	s21 =	sshrl.u32 s0, $0x1  }
0xa: {  	s8 =	sshrl.u32 s8, $0x2;
	s15 =	sadd.s32 s6, s3;
	s7 =	sadd.s32 s6, s20  }
0xb: {  	s0 =	ssub.s32 s0, s21;
	s23 =	sadd.s32 s8, s3;
	s20 =	simm.s32 $0x6A00  }
0xc: {  	s21 =	simm.s32 $0x7;
	s6 =	simm.s32 $0xA;
	s8 =	simm.s32 $0x0  }
0xd: {  	[dreg:$0x6] =	wrdreg s15;
	s4 =	sadd.s32 s4, s1;
	s24 =	sadd.s32 $0x1800, s23  }
0xe: {  	s7 =	sshrl.u32 s7, $0x3;
	s25 =	sadd.s32 $0x3000, s23;
	[dreg:$0x7] =	wrdreg s24  }
0xf: {  	s26 =	sadd.s32 $0x4800, s23;
	s31 =	sadd.s32 $0x6000, s23;
	[dreg:$0x8] =	wrdreg s25  }
0x10: {  	s0 =	smax.u32 s0, $0x1;
	s23 =	simm.s32 $0x1;
	[dreg:$0x9] =	wrdreg s26  }
0x11: {  	s1 =	sadd.s32 s7, s1;
	s22 =	sadd.s32 $0x24000, s4;
	[dreg:$0xa] =	wrdreg s31  }
0x12: {  	s4 =	sadd.s32 $0x19E00, s4;
	[dreg:$0xc] =	wrdreg s0;
	s24 =	simm.s32 $0x5  }
0x13: {  	s25 =	simm.s32 $0x8200;
	s0 =	simm.s32 $0x9;
	[dreg:$0x4] =	wrdreg s22  }
0x14: {  	[dreg:$0x5] =	wrdreg s4;
	s1 =	sadd.s32 $0x2E200, s1;
	s22 =	simm.s32 $0x2900  }
0x15: {  	v0 =	vimm.f32 $0.0e+00;
	v1 =	vimm.s32 $0x0;
	s4 =	simm.s32 $0x4;
	[dreg:$0xb] =	wrdreg s1;
	s1 =	simm.s32 $0x3  }
.LBB2_1:
0x16: {  	[dreg:$0xd] =	wrdreg s8  }
0x17: {  	s7 =	simm.s32 $0x0;
	s15 =	rddreg [dreg:$0x4]  }
0x18: {  	[tilespmem:s7], [sflag:$0xD] =	stream.linear.gather [hbm4b:s15+s7], $0x2900, $0x38;
	[tilespmem:$0x14880] =	vst v63  }
0x19: {  	_ =	swait.ge [sflag:s19], $0x2900  }
0x1a: {  	[sflag:s19] =	ssyncset.done $0x0  }
0x1b: {  	s26 =	rddreg [dreg:$0x5];
	[sflag:s19] =	ssyncadd.s32 $0xFFFFD700  }
0x1c: {  	[tilespmem:s22], [sflag:$0xD] =	stream.linear.gather [hbm4b:s26+s7], $0x2900, $0x38;
	[tilespmem:$0x14880] =	vst v63  }
0x1d: {  	s7 =	simm.s32 $0x0  }
0x1e: {  	s31 =	sor.u32 $0x3, s7  }
0x1f: {  	s9 =	sor.u32 $0x1, s7;
	s15 =	smul.u32 $0xAAAB, s7;
	s10 =	sand.u32 $0xFFFF, s31  }
0x20: {  	s11 =	sor.u32 $0x2, s7;
	s12 =	sand.u32 $0xFFFF, s9;
	s10 =	smul.u32 $0xAAAB, s10  }
0x21: {  	s13 =	sand.u32 $0xFFFF, s11;
	s12 =	smul.u32 $0xAAAB, s12  }
0x22: {  	s13 =	smul.u32 $0xAAAB, s13;
	s10 =	sshrl.u32 s10, $0x11  }
0x23: {  	_ =	swait.ge [sflag:s19], $0x2900;
	s14 =	smul.u32 $0x3, s10  }
0x24: {  	[sflag:s19] =	ssyncset.done $0x0;
	s12 =	sshrl.u32 s12, $0x11;
	s10 =	smul.u32 $0xC0, s10  }
0x25: {  	[sflag:s19] =	ssyncadd.s32 $0xFFFFD700;
	s13 =	sshrl.u32 s13, $0x11;
	s22 =	smul.u32 $0x3, s12  }
0x26: {  	s19 =	sshrl.u32 s15, $0x11;
	s26 =	smul.u32 $0x3, s13;
	s8 =	ssub.s32 s31, s14  }
0x27: {  	s10 =	sshrl.u32 s10, $0x2;
	s31 =	smul.u32 $0x3, s19;
	s9 =	ssub.s32 s9, s22  }
0x28: {  	s11 =	ssub.s32 s11, s26;
	s8 =	sand.u32 $0xFFFF, s8;
	s15 =	sand.u32 $0xFFFF, s9  }
0x29: {  	s9 =	smul.u32 $0xC0, s13;
	s8 =	sshll.u32 s8, $0x4;
	s31 =	ssub.s32 $0x0, s31  }
0x2a: {  	s10 =	sadd.s32 s8, s10;
	s8 =	smul.u32 $0xC0, s12;
	s12 =	sand.u32 $0xFFFF, s11  }
0x2b: {  	s13 =	sand.u32 $0xFFFF, s31;
	s11 =	sshll.u32 s15, $0x4;
	[tilespmem:s10+$0x5200] =	vst v0;
	s10 =	smul.u32 $0xC0, s19  }
.LBB2_2:
0x2c: {  	s7 =	sadd.s32 $0x4, s7;
	s13 =	sshll.u32 s13, $0x4  }
0x2d: {  	s12 =	sshll.u32 s12, $0x4;
	s8 =	sshrl.u32 s8, $0x2;
	s26 =	sor.u32 $0x3, s7  }
0x2e: {  	s14 =	sor.u32 $0x1, s7;
	s15 =	sor.u32 $0x2, s7;
	s22 =	sand.u32 $0xFFFF, s26  }
0x2f: {  	s31 =	sand.u32 $0xFFFF, s14;
	s19 =	sand.u32 $0xFFFF, s15;
	s22 =	smul.u32 $0xAAAB, s22  }
0x30: {  	s9 =	sshrl.u32 s9, $0x2;
	s10 =	sshrl.u32 s10, $0x2;
	s31 =	smul.u32 $0xAAAB, s31  }
0x31: {  	s8 =	sadd.s32 s11, s8;
	s11 =	smul.u32 $0xAAAB, s19;
	s19 =	sshrl.u32 s22, $0x11  }
0x32: {  	p0 =	slt.u32 s7, $0x17C;
	[tilespmem:s8+$0x5200] =	vst v0;
	s8 =	sadd.s32 s12, s9;
	s12 =	smul.u32 $0x3, s19  }
0x33: {  	s10 =	sadd.s32 s13, s10;
	s9 =	sshrl.u32 s31, $0x11;
	[tilespmem:s8+$0x5200] =	vst v0;
	s8 =	smul.u32 $0xAAAB, s7  }
0x34: {  	s11 =	sshrl.u32 s11, $0x11;
	[tilespmem:s10+$0x5200] =	vst v0;
	s10 =	ssub.s32 s26, s12;
	s12 =	smul.u32 $0xC0, s19  }
0x35: {  	s13 =	sshrl.u32 s8, $0x11;
	s8 =	smul.u32 $0x3, s9  }
0x36: {  	s19 =	smul.u32 $0x3, s11;
	s10 =	sand.u32 $0xFFFF, s10  }
.Ltmp0:
0x37: {  	s12 =	sshrl.u32 s12, $0x2;
	s10 =	sshll.u32 s10, $0x4;
	(pc) =	sbr.rel @p0 .LBB2_2-.Ltmp0, $4  }
0x38: {  	s22 =	smul.u32 $0x3, s13;
	s14 =	ssub.s32 s14, s8;
	s10 =	sadd.s32 s10, s12  }
0x39: {  	s8 =	smul.u32 $0xC0, s9;
	s14 =	sand.u32 $0xFFFF, s14;
	s12 =	ssub.s32 s15, s19;
	[tilespmem:s10+$0x5200] =	vst v0  }
0x3a: {  	s9 =	smul.u32 $0xC0, s11;
	s15 =	ssub.s32 s7, s22;
	s12 =	sand.u32 $0xFFFF, s12  }
0x3b: {  	s10 =	smul.u32 $0xC0, s13;
	s13 =	sand.u32 $0xFFFF, s15;
	s11 =	sshll.u32 s14, $0x4  }
0x3c: {  	s7 =	sshrl.u32 s8, $0x2  }
0x3d: {  	s22 =	sshll.u32 s12, $0x4;
	s9 =	sshrl.u32 s9, $0x2;
	s7 =	sadd.s32 s11, s7  }
0x3e: {  	s26 =	sshll.u32 s13, $0x4;
	s10 =	sshrl.u32 s10, $0x2;
	s8 =	sadd.s32 s22, s9;
	[tilespmem:s7+$0x5200] =	vst v0  }
0x3f: {  	s9 =	sadd.s32 s26, s10;
	[tilespmem:s8+$0x5200] =	vst v0  }
0x40: {  	[tilespmem:s9+$0x5200] =	vst v0  }
0x41: {  	s19 =	simm.s32 $0xD;
	s15 =	rddreg [dreg:$0x6]  }
0x42: {  	[spmem:s15] =	stream.linear.scatter [tilespmem:s17], [sflag:$0xD], $0x1800, $0x38;
	[tilespmem:$0x14880] =	vst v63  }
0x43: {  	_ =	swait.ge [sflag:s19], $0x1800  }
0x44: {  	[sflag:s19] =	ssyncset.done $0x0  }
0x45: {  	s10 =	rddreg [dreg:$0x7];
	[sflag:s19] =	ssyncadd.s32 $0xFFFFE800  }
0x46: {  	[spmem:s10] =	stream.linear.scatter [tilespmem:s17], [sflag:$0xD], $0x1800, $0x38;
	[tilespmem:$0x14880] =	vst v63  }
0x47: {  	_ =	swait.ge [sflag:s19], $0x1800  }
0x48: {  	[sflag:s19] =	ssyncset.done $0x0  }
0x49: {  	s11 =	rddreg [dreg:$0x8];
	[sflag:s19] =	ssyncadd.s32 $0xFFFFE800  }
0x4a: {  	[spmem:s11] =	stream.linear.scatter [tilespmem:s17], [sflag:$0xD], $0x1800, $0x38;
	[tilespmem:$0x14880] =	vst v63  }
0x4b: {  	_ =	swait.ge [sflag:s19], $0x1800  }
0x4c: {  	[sflag:s19] =	ssyncset.done $0x0  }
0x4d: {  	s12 =	rddreg [dreg:$0x9];
	[sflag:s19] =	ssyncadd.s32 $0xFFFFE800  }
0x4e: {  	[spmem:s12] =	stream.linear.scatter [tilespmem:s17], [sflag:$0xD], $0x1800, $0x38;
	[tilespmem:$0x14880] =	vst v63  }
0x4f: {  	_ =	swait.ge [sflag:s19], $0x1800  }
0x50: {  	[sflag:s19] =	ssyncset.done $0x0  }
0x51: {  	s13 =	rddreg [dreg:$0xa];
	[sflag:s19] =	ssyncadd.s32 $0xFFFFE800  }
0x52: {  	[spmem:s13] =	stream.linear.scatter [tilespmem:s17], [sflag:$0xD], $0x1680, $0x38;
	[tilespmem:$0x14880] =	vst v63  }
0x53: {  	_ =	swait.ge [sflag:s19], $0x1680  }
0x54: {  	[sflag:s19] =	ssyncset.done $0x0  }
0x55: {  	[sflag:s19] =	ssyncadd.s32 $0xFFFFE980  }
0x56: {  	s11 =	simm.s32 $0x0;
	[bflag:$0x0] =	sbarrier.arrive $0xFFFF  }
0x57: {  	[tilespmem:s17], [sflag:$0x1] =	stream.indirect.gather [hbm4b:s5+s18], $0x30, s11, s18, $0xb8;
	[tilespmem:$0x14880] =	vst v63  }
0x58: {  	s22 =	simm.s32 $0x2900;
	s26 =	simm.s32 $0xB200  }
0x59: {  	[tilespmem:s26], [sflag:$0x5] =	stream.indirect.gather [hbm4b:s2+s18], $0x10, s22, s18, $0xb8;
	[tilespmem:$0x14880] =	vst v63  }
0x5a: {  	_ = 	snop  }
0x5b: {  	[tilespmem:s20], [sflag:$0x2] =	stream.indirect.gather [hbm4b:s5+s18], $0x30, s18, s18, $0xb8;
	[tilespmem:$0x14880] =	vst v63  }
0x5c: {  	s14 =	simm.s32 $0x2980;
	s31 =	simm.s32 $0xBA00  }
0x5d: {  	[tilespmem:s31], [sflag:$0x6] =	stream.indirect.gather [hbm4b:s2+s18], $0x10, s14, s18, $0xb8;
	[tilespmem:$0x14880] =	vst v63  }
.LBB2_4:
0x5e: {  	_ =	swait.ge [sflag:s23], $0x1800  }
0x5f: {  	[sflag:s23] =	ssyncset.done $0x0  }
0x60: {  	[sflag:s23] =	ssyncadd.s32 $0xFFFFE800  }
0x61: {  	_ =	swait.ge [sflag:s24], $0x800  }
0x62: {  	[sflag:s24] =	ssyncset.done $0x0  }
0x63: {  	s13 =	simm.s32 $0x52C0;
	[sflag:s24] =	ssyncadd.s32 $0xFFFFF800  }
0x64: {  	s7 =	simm.s32 $0xB240;
	v2 =	vld [tilespmem:s13+$0xB0]  }
0x65: {  	v3 =	vld [tilespmem:s7+$0x30]  }
0x66: {  	v5 =	vld [tilespmem:s7+$0xFFFFFFC0]  }
0x67: {  	v4 =	vld [tilespmem:s13+$0xFFFFFF90]  }
0x68: {  	v6 =	vld [tilespmem:s7+$0xFFFFFFD0]  }
0x69: {  	v7 =	vld [tilespmem:s13+$0xFFFFFFC0]  }
0x6a: {  	v8 =	vld [tilespmem:s7+$0xFFFFFFE0]  }
0x6b: {  	v9 =	vld [tilespmem:s13+$0xFFFFFFF0]  }
0x6c: {  	v10 =	vld [tilespmem:s13+$0x20]  }
0x6d: {  	v12 =	vld [tilespmem:s7+$0x0];
	v2 =	vadd.f32 v3, v2  }
0x6e: {  	v14 =	vld [tilespmem:s13+$0x80]  }
0x6f: {  	v16 =	vld [tilespmem:s7+$0x20];
	v11 =	vmul.f32 $2.000000030e-01, v2  }
0x70: {  	v3 =	vld [tilespmem:s7+$0xFFFFFFF0];
	v4 =	vadd.f32 v6, v4;
	vm0 =	vge.f32 v2, $0.0e+00  }
0x71: {  	v7 =	vadd.f32 v8, v7;
	v8 =	vld [tilespmem:s13+$0xFFFFFF60];
	v2 =	vsel vm0, v2, v11  }
0x72: {  	v13 =	vmul.f32 $2.000000030e-01, v4;
	v2 =	vmul.f32 $1.442695020e+00, v2  }
0x73: {  	v6 =	vld [tilespmem:s13+$0x50];
	vm10 =	vge.f32 v4, $0.0e+00  }
0x74: {  	v11 =	vld [tilespmem:s7+$0x10];
	(erf) = vpow2.f32 v2;
	v2 =	vsel vm10, v4, v13  }
0x75: {  	v17 =	vld [tilespmem:s13+$0xFFFFFF70];
	v10 =	vadd.f32 v12, v10;
	v16 =	vadd.f32 v16, v14;
	v2 =	vmul.f32 $1.442695020e+00, v2  }
0x76: {  	v18 =	vld [tilespmem:s13+$0xFFFFFF80];
	vm11 =	vge.f32 v7, $0.0e+00;
	v9 =	vadd.f32 v3, v9;
	v5 =	vadd.f32 v5, v8  }
0x77: {  	v19 =	vld [tilespmem:s13+$0xA0];
	vm12 =	vge.f32 v10, $0.0e+00;
	v13 =	vmul.f32 $2.000000030e-01, v7;
	(erf) = vpow2.f32 v2  }
0x78: {  	v15 =	vld [tilespmem:s13+$0xFFFFFFA0];
	vm1 =	vge.f32 v9, $0.0e+00;
	v8 =	vmul.f32 $2.000000030e-01, v5;
	vm14 =	vge.f32 v5, $0.0e+00  }
0x79: {  	v14 =	vld [tilespmem:s13+$0xFFFFFFD0];
	v7 =	vsel vm11, v7, v13;
	v6 =	vadd.f32 v11, v6;
	v2 =	vmul.f32 $2.000000030e-01, v9  }
0x7a: {  	v12 =	vld [tilespmem:s13+$0x0];
	v11 =	vmul.f32 $2.000000030e-01, v10;
	v5 =	vsel vm14, v5, v8;
	v7 =	vmul.f32 $1.442695020e+00, v7  }
0x7b: {  	v3 =	vld [tilespmem:s13+$0xFFFFFF50];
	v5 =	vmul.f32 $1.442695020e+00, v5;
	v2 =	vsel vm1, v9, v2;
	v9 =	vmul.f32 $2.000000030e-01, v6  }
0x7c: {  	v4 =	vld [tilespmem:s13+$0xFFFFFF40];
	vm13 =	vge.f32 v6, $0.0e+00;
	(erf) = vpow2.f32 v7;
	v20 =	vmul.f32 $1.442695020e+00, v2  }
0x7d: {  	v13 =	vld [tilespmem:s13+$0xFFFFFFB0];
	v2 =	vsel vm12, v10, v11;
	v6 =	vsel vm13, v6, v9;
	v9 =	vmul.f32 $2.000000030e-01, v16  }
0x7e: {  	vm15 =	vge.f32 v16, $0.0e+00;
	v8 =	vld [tilespmem:s13+$0x10];
	v21 =	vmul.f32 $1.442695020e+00, v2;
	(erf) = vpow2.f32 v20  }
0x7f: {  	v10 =	vld [tilespmem:s13+$0xFFFFFFE0];
	v6 =	vmul.f32 $1.442695020e+00, v6;
	v22 =	vpop (erf);
	v7 =	vsel vm15, v16, v9;
	(erf) = vpow2.f32 v5  }
0x80: {  	v11 =	vld [tilespmem:s13+$0x30];
	v2 =	vperm.xlane v22, v1;
	v63 =	vmul.f32 $1.442695020e+00, v7;
	v62 =	vpop (erf)  }
0x81: {  	v9 =	vld [tilespmem:s13+$0x40];
	(erf) = vpow2.f32 v21;
	v23 =	vperm.xlane v62, v1  }
0x82: {  	v5 =	vld [tilespmem:s13+$0x70];
	[tilespmem:s13+$0xB0] =	vst v22;
	v19 =	vmul.f32 v19, v2;
	(erf) = vpow2.f32 v6  }
0x83: {  	v7 =	vld [tilespmem:s13+$0x60];
	[tilespmem:s13+$0xFFFFFF90] =	vst v62;
	(erf) = vpow2.f32 v63;
	v16 =	vmul.f32 v17, v23  }
0x84: {  	s9 =	simm.s32 $0x0;
	s8 =	simm.s32 $0x5440;
	v6 =	vld [tilespmem:s13+$0x90];
	[tilespmem:s13+$0xA0] =	vst v19;
	v17 =	vmul.f32 v18, v23  }
.LBB2_5:
0x85: {  	v18 =	vld [tilespmem:s8+$0xB0];
	[tilespmem:s13+$0xFFFFFF70] =	vst v16;
	s7 =	sadd.s32 $0x80, s7  }
0x86: {  	s9 =	sadd.s32 $0x8, s9;
	v16 =	vld [tilespmem:s7+$0x30];
	[tilespmem:s13+$0xFFFFFF80] =	vst v17;
	v17 =	vpop (erf)  }
0x87: {  	p0 =	slt.u32 s9, $0x78;
	v19 =	vld [tilespmem:s7+$0xFFFFFFC0];
	[tilespmem:s13+$0xFFFFFFC0] =	vst v17;
	v25 =	vperm.xlane v17, v1  }
0x88: {  	v20 =	vld [tilespmem:s8+$0xFFFFFF90];
	v21 =	vpop (erf)  }
0x89: {  	v22 =	vld [tilespmem:s7+$0xFFFFFFD0];
	v15 =	vmul.f32 v15, v25;
	[tilespmem:s13+$0xFFFFFFF0] =	vst v21;
	v21 =	vperm.xlane v21, v1;
	v23 =	vpop (erf)  }
0x8a: {  	v13 =	vmul.f32 v13, v25;
	v24 =	vld [tilespmem:s8+$0xFFFFFFC0];
	[tilespmem:s13+$0xFFFFFF60] =	vst v23;
	v23 =	vperm.xlane v23, v1;
	v17 =	vpop (erf)  }
0x8b: {  	v25 =	vld [tilespmem:s7+$0xFFFFFFE0];
	v16 =	vadd.f32 v16, v18;
	[tilespmem:s13+$0xFFFFFFA0] =	vst v15;
	v14 =	vmul.f32 v14, v21;
	v15 =	vperm.xlane v17, v1;
	v18 =	vpop (erf)  }
0x8c: {  	v26 =	vld [tilespmem:s8+$0xFFFFFFF0];
	v4 =	vmul.f32 v4, v23;
	[tilespmem:s13+$0xFFFFFFB0] =	vst v13;
	v13 =	vperm.xlane v18, v1;
	v27 =	vpop (erf)  }
0x8d: {  	v28 =	vld [tilespmem:s7+$0xFFFFFFF0];
	v29 =	vmul.f32 $2.000000030e-01, v16;
	[tilespmem:s13+$0xFFFFFFD0] =	vst v14;
	v30 =	vperm.xlane v27, v1  }
0x8e: {  	v3 =	vmul.f32 v3, v23;
	vm0 =	vge.f32 v16, $0.0e+00;
	v14 =	vadd.f32 v22, v20;
	v20 =	vld [tilespmem:s8+$0x20];
	[tilespmem:s13+$0xFFFFFF40] =	vst v4  }
0x8f: {  	v10 =	vmul.f32 v10, v21;
	v12 =	vmul.f32 v12, v15;
	v4 =	vld [tilespmem:s7+$0x0];
	v16 =	vsel vm0, v16, v29;
	[tilespmem:s13+$0x20] =	vst v17  }
0x90: {  	v17 =	vmul.f32 $2.000000030e-01, v14;
	v21 =	vadd.f32 v25, v24;
	v22 =	vld [tilespmem:s8+$0x50];
	v16 =	vmul.f32 $1.442695020e+00, v16;
	[tilespmem:s13+$0xFFFFFF50] =	vst v3  }
0x91: {  	vm0 =	vge.f32 v14, $0.0e+00;
	v3 =	vmul.f32 v8, v15;
	v8 =	vmul.f32 v11, v13;
	v23 =	vld [tilespmem:s7+$0x10];
	[tilespmem:s13+$0xFFFFFFE0] =	vst v10  }
0x92: {  	v10 =	vmul.f32 $2.000000030e-01, v21;
	v11 =	vadd.f32 v28, v26;
	v15 =	vld [tilespmem:s8+$0x80];
	(erf) = vpow2.f32 v16;
	[tilespmem:s13+$0x0] =	vst v12  }
0x93: {  	v12 =	vsel vm0, v14, v17;
	vm0 =	vge.f32 v21, $0.0e+00;
	v14 =	vld [tilespmem:s7+$0x20];
	[tilespmem:s13+$0x10] =	vst v3;
	v3 =	vmul.f32 v9, v13  }
0x94: {  	v9 =	vld [tilespmem:s8+$0xFFFFFF60];
	vm1 =	vge.f32 v11, $0.0e+00;
	v13 =	vmul.f32 $2.000000030e-01, v11;
	v16 =	vadd.f32 v4, v20;
	[tilespmem:s13+$0x30] =	vst v8  }
0x95: {  	v7 =	vmul.f32 v7, v30;
	v8 =	vmul.f32 $1.442695020e+00, v12;
	v10 =	vsel vm0, v21, v10;
	v4 =	vld [tilespmem:s8+$0xFFFFFF40];
	[tilespmem:s13+$0x40] =	vst v3  }
0x96: {  	v3 =	vld [tilespmem:s8+$0xFFFFFF50];
	vm0 =	vge.f32 v16, $0.0e+00;
	v12 =	vmul.f32 $2.000000030e-01, v16;
	v17 =	vadd.f32 v23, v22;
	[tilespmem:s13+$0x50] =	vst v18  }
0x97: {  	v20 =	vmul.f32 $1.442695020e+00, v10;
	v10 =	vsel vm1, v11, v13;
	v18 =	vld [tilespmem:s8+$0xFFFFFF70];
	(erf) = vpow2.f32 v8;
	[tilespmem:s13+$0x60] =	vst v7  }
0x98: {  	v21 =	vld [tilespmem:s8+$0xFFFFFF80];
	vm1 =	vge.f32 v17, $0.0e+00;
	v7 =	vmul.f32 $2.000000030e-01, v17;
	v8 =	vadd.f32 v14, v15;
	[tilespmem:s13+$0x80] =	vst v27  }
0x99: {  	v11 =	vmul.f32 $1.442695020e+00, v10;
	v14 =	vsel vm0, v16, v12;
	v9 =	vadd.f32 v19, v9;
	v16 =	vld [tilespmem:s8+$0xA0]  }
0x9a: {  	v15 =	vld [tilespmem:s8+$0xFFFFFFA0];
	v7 =	vsel vm1, v17, v7;
	vm0 =	vge.f32 v8, $0.0e+00;
	v12 =	vmul.f32 $2.000000030e-01, v8  }
0x9b: {  	v19 =	vmul.f32 $1.442695020e+00, v14;
	vm1 =	vge.f32 v9, $0.0e+00;
	v17 =	vmul.f32 $2.000000030e-01, v9;
	v13 =	vld [tilespmem:s8+$0xFFFFFFB0];
	v10 =	vpop (erf)  }
0x9c: {  	v22 =	vmul.f32 $1.442695020e+00, v7;
	v14 =	vld [tilespmem:s8+$0xFFFFFFD0];
	v7 =	vsel vm0, v8, v12;
	[tilespmem:s8+$0xB0] =	vst v10;
	v23 =	vperm.xlane v10, v1  }
0x9d: {  	v8 =	vsel vm1, v9, v17;
	v10 =	vld [tilespmem:s8+$0xFFFFFFE0];
	v17 =	vmul.f32 $1.442695020e+00, v7;
	(erf) = vpow2.f32 v20  }
0x9e: {  	v7 =	vmul.f32 $1.442695020e+00, v8;
	v12 =	vld [tilespmem:s8+$0x0];
	v9 =	vmul.f32 v16, v23  }
0x9f: {  	v5 =	vmul.f32 v5, v30;
	v8 =	vld [tilespmem:s8+$0x10];
	(erf) = vpow2.f32 v11  }
.Ltmp1:
0xa0: {  	v6 =	vmul.f32 v6, v2;
	v2 =	vmov v23;
	v11 =	vld [tilespmem:s8+$0x30];
	[tilespmem:s8+$0xA0] =	vst v9;
	(erf) = vpow2.f32 v7;
	v16 =	vpop (erf);
	(pc) =	sbr.rel @p0 .LBB2_5-.Ltmp1, $4  }
0xa1: {  	v20 =	vperm.xlane v16, v1;
	v9 =	vld [tilespmem:s8+$0x40];
	(erf) = vpow2.f32 v19;
	[tilespmem:s13+$0x70] =	vst v5  }
0xa2: {  	v7 =	vld [tilespmem:s8+$0x60];
	(erf) = vpow2.f32 v22;
	[tilespmem:s13+$0x90] =	vst v6;
	s13 =	smov.u32 s8  }
0xa3: {  	[tilespmem:s8+$0xFFFFFF90] =	vst v16;
	v16 =	vmul.f32 v18, v20;
	v5 =	vld [tilespmem:s8+$0x70];
	(erf) = vpow2.f32 v17  }
0xa4: {  	v17 =	vmul.f32 v21, v20;
	s8 =	sadd.s32 $0x180, s8;
	v6 =	vld [tilespmem:s13+$0x90]  }
0xa5: {  	_ = 	snop  }
0xa6: {  	[tilespmem:s13+$0xFFFFFF70] =	vst v16;
	v16 =	vpop (erf)  }
0xa7: {  	[tilespmem:s13+$0xFFFFFF80] =	vst v17;
	v17 =	vperm.xlane v16, v1  }
0xa8: {  	[tilespmem:s13+$0xFFFFFFC0] =	vst v16;
	v16 =	vpop (erf)  }
0xa9: {  	v15 =	vmul.f32 v15, v17;
	[tilespmem:s13+$0xFFFFFFF0] =	vst v16;
	v16 =	vperm.xlane v16, v1;
	v18 =	vpop (erf)  }
0xaa: {  	v13 =	vmul.f32 v13, v17;
	[tilespmem:s13+$0xFFFFFF60] =	vst v18;
	v18 =	vperm.xlane v18, v1  }
0xab: {  	v2 =	vmul.f32 v6, v2;
	[tilespmem:s13+$0xFFFFFFA0] =	vst v15  }
0xac: {  	v14 =	vmul.f32 v14, v16;
	[tilespmem:s13+$0xFFFFFFB0] =	vst v13;
	v4 =	vmul.f32 v4, v18  }
0xad: {  	v10 =	vmul.f32 v10, v16;
	[tilespmem:s13+$0x90] =	vst v2  }
0xae: {  	[tilespmem:s13+$0xFFFFFFD0] =	vst v14  }
0xaf: {  	v13 =	vpop (erf);
	[tilespmem:s13+$0xFFFFFFE0] =	vst v10  }
0xb0: {  	v3 =	vmul.f32 v3, v18;
	v14 =	vperm.xlane v13, v1;
	[tilespmem:s13+$0xFFFFFF40] =	vst v4;
	v4 =	vpop (erf)  }
0xb1: {  	[tilespmem:s13+$0x20] =	vst v13;
	v13 =	vperm.xlane v4, v1  }
0xb2: {  	[tilespmem:s13+$0xFFFFFF50] =	vst v3;
	v3 =	vmul.f32 v8, v14  }
0xb3: {  	v12 =	vmul.f32 v12, v14;
	v8 =	vpop (erf);
	[tilespmem:s13+$0x50] =	vst v4;
	v10 =	vmul.f32 v11, v13  }
0xb4: {  	[tilespmem:s13+$0x10] =	vst v3;
	v11 =	vperm.xlane v8, v1;
	v3 =	vmul.f32 v9, v13  }
0xb5: {  	[tilespmem:s13+$0x0] =	vst v12  }
0xb6: {  	[tilespmem:s13+$0x40] =	vst v3;
	v3 =	vmul.f32 v7, v11  }
0xb7: {  	[tilespmem:s13+$0x80] =	vst v8  }
0xb8: {  	s12 =	sshll.u32 s11, $0x9;
	[tilespmem:s13+$0x60] =	vst v3;
	v3 =	vmul.f32 v5, v11  }
0xb9: {  	s14 =	sand.u32 $0x3FFFFE00, s12;
	[tilespmem:s13+$0x30] =	vst v10  }
0xba: {  	p0 =	seq.s32 s11, $0x0;
	s7 =	sadd.s32 $0x2900, s14;
	[tilespmem:s13+$0x70] =	vst v3  }
0xbb: {  	[spmem:s3] =	stream.indirect.scatter.add.f32 [tilespmem:s17], [sflag:$0x9], $0x30, s7, s18, $0xb8;
	[tilespmem:$0x14880] =	vst v63  }
0xbc: {  	s7 =	simm.s32 @!p0 $0xB  }
0xbd: {  	_ =	swait.ge @!p0 [sflag:s7], $0x1800  }
0xbe: {  	[sflag:s7] =	ssyncset.done @!p0 $0x0  }
0xbf: {  	s9 =	sor.u32 $0x100, s12;
	[sflag:s7] =	ssyncadd.s32 @!p0 $0xFFFFE800  }
0xc0: {  	[tilespmem:s25], [sflag:$0x3] =	stream.indirect.gather [hbm4b:s5+s18], $0x30, s9, s18, $0xb8;
	[tilespmem:$0x14880] =	vst v63  }
0xc1: {  	s10 =	simm.s32 $0xC200;
	s13 =	sadd.s32 $0x2A00, s12  }
0xc2: {  	[tilespmem:s10], [sflag:$0x7] =	stream.indirect.gather [hbm4b:s2+s18], $0x10, s13, s18, $0xb8;
	[tilespmem:$0x14880] =	vst v63  }
0xc3: {  	_ =	swait.ge [sflag:s28], $0x1800  }
0xc4: {  	[sflag:s28] =	ssyncset.done $0x0  }
0xc5: {  	[sflag:s28] =	ssyncadd.s32 $0xFFFFE800  }
0xc6: {  	_ =	swait.ge [sflag:s29], $0x800  }
0xc7: {  	[sflag:s29] =	ssyncset.done $0x0  }
0xc8: {  	s7 =	simm.s32 $0x6AC0;
	[sflag:s29] =	ssyncadd.s32 $0xFFFFF800  }
0xc9: {  	s9 =	simm.s32 $0xBA40;
	v2 =	vld [tilespmem:s7+$0xB0]  }
0xca: {  	v3 =	vld [tilespmem:s9+$0x30]  }
0xcb: {  	v5 =	vld [tilespmem:s9+$0xFFFFFFC0]  }
0xcc: {  	v4 =	vld [tilespmem:s7+$0xFFFFFF90]  }
0xcd: {  	v6 =	vld [tilespmem:s9+$0xFFFFFFD0]  }
0xce: {  	v7 =	vld [tilespmem:s7+$0xFFFFFFC0]  }
0xcf: {  	v8 =	vld [tilespmem:s9+$0xFFFFFFE0]  }
0xd0: {  	v9 =	vld [tilespmem:s7+$0xFFFFFFF0]  }
0xd1: {  	v10 =	vld [tilespmem:s7+$0x20]  }
0xd2: {  	v12 =	vld [tilespmem:s9+$0x0];
	v2 =	vadd.f32 v3, v2  }
0xd3: {  	v14 =	vld [tilespmem:s7+$0x80]  }
0xd4: {  	v16 =	vld [tilespmem:s9+$0x20];
	v11 =	vmul.f32 $2.000000030e-01, v2  }
0xd5: {  	v3 =	vld [tilespmem:s9+$0xFFFFFFF0];
	v4 =	vadd.f32 v6, v4;
	vm0 =	vge.f32 v2, $0.0e+00  }
0xd6: {  	v7 =	vadd.f32 v8, v7;
	v8 =	vld [tilespmem:s7+$0xFFFFFF60];
	v2 =	vsel vm0, v2, v11  }
0xd7: {  	v13 =	vmul.f32 $2.000000030e-01, v4;
	v2 =	vmul.f32 $1.442695020e+00, v2  }
0xd8: {  	v6 =	vld [tilespmem:s7+$0x50];
	vm10 =	vge.f32 v4, $0.0e+00  }
0xd9: {  	v11 =	vld [tilespmem:s9+$0x10];
	(erf) = vpow2.f32 v2;
	v2 =	vsel vm10, v4, v13  }
0xda: {  	v17 =	vld [tilespmem:s7+$0xFFFFFF70];
	v10 =	vadd.f32 v12, v10;
	v16 =	vadd.f32 v16, v14;
	v2 =	vmul.f32 $1.442695020e+00, v2  }
0xdb: {  	v18 =	vld [tilespmem:s7+$0xFFFFFF80];
	vm11 =	vge.f32 v7, $0.0e+00;
	v9 =	vadd.f32 v3, v9;
	v5 =	vadd.f32 v5, v8  }
0xdc: {  	v19 =	vld [tilespmem:s7+$0xA0];
	vm12 =	vge.f32 v10, $0.0e+00;
	v13 =	vmul.f32 $2.000000030e-01, v7;
	(erf) = vpow2.f32 v2  }
0xdd: {  	v15 =	vld [tilespmem:s7+$0xFFFFFFA0];
	vm1 =	vge.f32 v9, $0.0e+00;
	v8 =	vmul.f32 $2.000000030e-01, v5;
	vm14 =	vge.f32 v5, $0.0e+00  }
0xde: {  	v14 =	vld [tilespmem:s7+$0xFFFFFFD0];
	v7 =	vsel vm11, v7, v13;
	v6 =	vadd.f32 v11, v6;
	v2 =	vmul.f32 $2.000000030e-01, v9  }
0xdf: {  	v12 =	vld [tilespmem:s7+$0x0];
	v11 =	vmul.f32 $2.000000030e-01, v10;
	v5 =	vsel vm14, v5, v8;
	v7 =	vmul.f32 $1.442695020e+00, v7  }
0xe0: {  	v3 =	vld [tilespmem:s7+$0xFFFFFF50];
	v5 =	vmul.f32 $1.442695020e+00, v5;
	v2 =	vsel vm1, v9, v2;
	v9 =	vmul.f32 $2.000000030e-01, v6  }
0xe1: {  	v4 =	vld [tilespmem:s7+$0xFFFFFF40];
	vm13 =	vge.f32 v6, $0.0e+00;
	(erf) = vpow2.f32 v7;
	v20 =	vmul.f32 $1.442695020e+00, v2  }
0xe2: {  	v13 =	vld [tilespmem:s7+$0xFFFFFFB0];
	v2 =	vsel vm12, v10, v11;
	v6 =	vsel vm13, v6, v9;
	v9 =	vmul.f32 $2.000000030e-01, v16  }
0xe3: {  	vm15 =	vge.f32 v16, $0.0e+00;
	v8 =	vld [tilespmem:s7+$0x10];
	v21 =	vmul.f32 $1.442695020e+00, v2;
	v6 =	vmul.f32 $1.442695020e+00, v6;
	v22 =	vpop (erf)  }
0xe4: {  	v10 =	vld [tilespmem:s7+$0xFFFFFFE0];
	(erf) = vpow2.f32 v20;
	v7 =	vsel vm15, v16, v9;
	v2 =	vperm.xlane v22, v1  }
0xe5: {  	v11 =	vld [tilespmem:s7+$0x30];
	v63 =	vmul.f32 $1.442695020e+00, v7;
	v62 =	vpop (erf);
	(erf) = vpow2.f32 v5  }
0xe6: {  	v9 =	vld [tilespmem:s7+$0x40];
	v23 =	vperm.xlane v62, v1;
	(erf) = vpow2.f32 v21  }
0xe7: {  	[tilespmem:s7+$0xB0] =	vst v22;
	v7 =	vld [tilespmem:s7+$0x60];
	v19 =	vmul.f32 v19, v2;
	(erf) = vpow2.f32 v6  }
0xe8: {  	v5 =	vld [tilespmem:s7+$0x70];
	[tilespmem:s7+$0xFFFFFF90] =	vst v62;
	v16 =	vmul.f32 v17, v23;
	(erf) = vpow2.f32 v63  }
0xe9: {  	s8 =	simm.s32 $0x0;
	s10 =	simm.s32 $0x6C40;
	[tilespmem:s7+$0xA0] =	vst v19;
	v6 =	vld [tilespmem:s7+$0x90];
	v17 =	vmul.f32 v18, v23  }
.LBB2_7:
0xea: {  	v18 =	vld [tilespmem:s10+$0xB0];
	[tilespmem:s7+$0xFFFFFF70] =	vst v16;
	s9 =	sadd.s32 $0x80, s9  }
0xeb: {  	s8 =	sadd.s32 $0x8, s8;
	v16 =	vld [tilespmem:s9+$0x30];
	[tilespmem:s7+$0xFFFFFF80] =	vst v17;
	v17 =	vpop (erf)  }
0xec: {  	p1 =	slt.u32 s8, $0x78;
	v19 =	vld [tilespmem:s9+$0xFFFFFFC0];
	[tilespmem:s7+$0xFFFFFFC0] =	vst v17;
	v25 =	vperm.xlane v17, v1  }
0xed: {  	v20 =	vld [tilespmem:s10+$0xFFFFFF90];
	v21 =	vpop (erf)  }
0xee: {  	v22 =	vld [tilespmem:s9+$0xFFFFFFD0];
	v15 =	vmul.f32 v15, v25;
	[tilespmem:s7+$0xFFFFFFF0] =	vst v21;
	v21 =	vperm.xlane v21, v1;
	v23 =	vpop (erf)  }
0xef: {  	v13 =	vmul.f32 v13, v25;
	v24 =	vld [tilespmem:s10+$0xFFFFFFC0];
	[tilespmem:s7+$0xFFFFFF60] =	vst v23;
	v23 =	vperm.xlane v23, v1;
	v17 =	vpop (erf)  }
0xf0: {  	v25 =	vld [tilespmem:s9+$0xFFFFFFE0];
	v16 =	vadd.f32 v16, v18;
	[tilespmem:s7+$0xFFFFFFA0] =	vst v15;
	v14 =	vmul.f32 v14, v21;
	v15 =	vperm.xlane v17, v1;
	v18 =	vpop (erf)  }
0xf1: {  	v26 =	vld [tilespmem:s10+$0xFFFFFFF0];
	v4 =	vmul.f32 v4, v23;
	[tilespmem:s7+$0xFFFFFFB0] =	vst v13;
	v13 =	vperm.xlane v18, v1;
	v27 =	vpop (erf)  }
0xf2: {  	v28 =	vld [tilespmem:s9+$0xFFFFFFF0];
	v29 =	vmul.f32 $2.000000030e-01, v16;
	[tilespmem:s7+$0xFFFFFFD0] =	vst v14;
	v30 =	vperm.xlane v27, v1  }
0xf3: {  	v3 =	vmul.f32 v3, v23;
	vm0 =	vge.f32 v16, $0.0e+00;
	v14 =	vadd.f32 v22, v20;
	v20 =	vld [tilespmem:s10+$0x20];
	[tilespmem:s7+$0xFFFFFF40] =	vst v4  }
0xf4: {  	v10 =	vmul.f32 v10, v21;
	v12 =	vmul.f32 v12, v15;
	v4 =	vld [tilespmem:s9+$0x0];
	v16 =	vsel vm0, v16, v29;
	[tilespmem:s7+$0x20] =	vst v17  }
0xf5: {  	v17 =	vmul.f32 $2.000000030e-01, v14;
	v21 =	vadd.f32 v25, v24;
	v22 =	vld [tilespmem:s10+$0x50];
	v16 =	vmul.f32 $1.442695020e+00, v16;
	[tilespmem:s7+$0xFFFFFF50] =	vst v3  }
0xf6: {  	vm0 =	vge.f32 v14, $0.0e+00;
	v3 =	vmul.f32 v8, v15;
	v8 =	vmul.f32 v11, v13;
	v23 =	vld [tilespmem:s9+$0x10];
	[tilespmem:s7+$0xFFFFFFE0] =	vst v10  }
0xf7: {  	v10 =	vmul.f32 $2.000000030e-01, v21;
	v11 =	vadd.f32 v28, v26;
	v15 =	vld [tilespmem:s10+$0x80];
	(erf) = vpow2.f32 v16;
	[tilespmem:s7+$0x0] =	vst v12  }
0xf8: {  	v12 =	vsel vm0, v14, v17;
	vm0 =	vge.f32 v21, $0.0e+00;
	v14 =	vld [tilespmem:s9+$0x20];
	[tilespmem:s7+$0x10] =	vst v3;
	v3 =	vmul.f32 v9, v13  }
0xf9: {  	v9 =	vld [tilespmem:s10+$0xFFFFFF60];
	vm1 =	vge.f32 v11, $0.0e+00;
	v13 =	vmul.f32 $2.000000030e-01, v11;
	v16 =	vadd.f32 v4, v20;
	[tilespmem:s7+$0x30] =	vst v8  }
0xfa: {  	v7 =	vmul.f32 v7, v30;
	v8 =	vmul.f32 $1.442695020e+00, v12;
	v10 =	vsel vm0, v21, v10;
	v4 =	vld [tilespmem:s10+$0xFFFFFF40];
	[tilespmem:s7+$0x40] =	vst v3  }
0xfb: {  	v3 =	vld [tilespmem:s10+$0xFFFFFF50];
	vm0 =	vge.f32 v16, $0.0e+00;
	v12 =	vmul.f32 $2.000000030e-01, v16;
	v17 =	vadd.f32 v23, v22;
	[tilespmem:s7+$0x50] =	vst v18  }
0xfc: {  	v20 =	vmul.f32 $1.442695020e+00, v10;
	v10 =	vsel vm1, v11, v13;
	v18 =	vld [tilespmem:s10+$0xFFFFFF70];
	(erf) = vpow2.f32 v8;
	[tilespmem:s7+$0x60] =	vst v7  }
0xfd: {  	v21 =	vld [tilespmem:s10+$0xFFFFFF80];
	vm1 =	vge.f32 v17, $0.0e+00;
	v7 =	vmul.f32 $2.000000030e-01, v17;
	v8 =	vadd.f32 v14, v15;
	[tilespmem:s7+$0x80] =	vst v27  }
0xfe: {  	v11 =	vmul.f32 $1.442695020e+00, v10;
	v14 =	vsel vm0, v16, v12;
	v9 =	vadd.f32 v19, v9;
	v16 =	vld [tilespmem:s10+$0xA0]  }
0xff: {  	v15 =	vld [tilespmem:s10+$0xFFFFFFA0];
	v7 =	vsel vm1, v17, v7;
	vm0 =	vge.f32 v8, $0.0e+00;
	v12 =	vmul.f32 $2.000000030e-01, v8  }
0x100: {  	v19 =	vmul.f32 $1.442695020e+00, v14;
	vm1 =	vge.f32 v9, $0.0e+00;
	v17 =	vmul.f32 $2.000000030e-01, v9;
	v13 =	vld [tilespmem:s10+$0xFFFFFFB0];
	v10 =	vpop (erf)  }
0x101: {  	v22 =	vmul.f32 $1.442695020e+00, v7;
	v14 =	vld [tilespmem:s10+$0xFFFFFFD0];
	v7 =	vsel vm0, v8, v12;
	[tilespmem:s10+$0xB0] =	vst v10;
	v23 =	vperm.xlane v10, v1  }
0x102: {  	v8 =	vsel vm1, v9, v17;
	v10 =	vld [tilespmem:s10+$0xFFFFFFE0];
	v17 =	vmul.f32 $1.442695020e+00, v7;
	(erf) = vpow2.f32 v20  }
0x103: {  	v7 =	vmul.f32 $1.442695020e+00, v8;
	v12 =	vld [tilespmem:s10+$0x0];
	v9 =	vmul.f32 v16, v23  }
0x104: {  	v5 =	vmul.f32 v5, v30;
	v8 =	vld [tilespmem:s10+$0x10];
	(erf) = vpow2.f32 v11  }
.Ltmp2:
0x105: {  	v6 =	vmul.f32 v6, v2;
	v2 =	vmov v23;
	v11 =	vld [tilespmem:s10+$0x30];
	[tilespmem:s10+$0xA0] =	vst v9;
	(erf) = vpow2.f32 v7;
	v16 =	vpop (erf);
	(pc) =	sbr.rel @p1 .LBB2_7-.Ltmp2, $4  }
0x106: {  	v20 =	vperm.xlane v16, v1;
	v9 =	vld [tilespmem:s10+$0x40];
	(erf) = vpow2.f32 v19;
	[tilespmem:s7+$0x70] =	vst v5  }
0x107: {  	v7 =	vld [tilespmem:s10+$0x60];
	(erf) = vpow2.f32 v22;
	[tilespmem:s7+$0x90] =	vst v6;
	s7 =	smov.u32 s10  }
0x108: {  	[tilespmem:s10+$0xFFFFFF90] =	vst v16;
	v16 =	vmul.f32 v18, v20;
	v5 =	vld [tilespmem:s10+$0x70];
	(erf) = vpow2.f32 v17  }
0x109: {  	v17 =	vmul.f32 v21, v20;
	s10 =	sadd.s32 $0x180, s10;
	v6 =	vld [tilespmem:s7+$0x90]  }
0x10a: {  	_ = 	snop  }
0x10b: {  	[tilespmem:s7+$0xFFFFFF70] =	vst v16;
	v16 =	vpop (erf)  }
0x10c: {  	[tilespmem:s7+$0xFFFFFF80] =	vst v17;
	v17 =	vperm.xlane v16, v1  }
0x10d: {  	[tilespmem:s7+$0xFFFFFFC0] =	vst v16;
	v16 =	vpop (erf)  }
0x10e: {  	v15 =	vmul.f32 v15, v17;
	[tilespmem:s7+$0xFFFFFFF0] =	vst v16;
	v16 =	vperm.xlane v16, v1;
	v18 =	vpop (erf)  }
0x10f: {  	v13 =	vmul.f32 v13, v17;
	[tilespmem:s7+$0xFFFFFF60] =	vst v18;
	v18 =	vperm.xlane v18, v1  }
0x110: {  	v2 =	vmul.f32 v6, v2;
	[tilespmem:s7+$0xFFFFFFA0] =	vst v15  }
0x111: {  	v14 =	vmul.f32 v14, v16;
	[tilespmem:s7+$0xFFFFFFB0] =	vst v13;
	v4 =	vmul.f32 v4, v18  }
0x112: {  	v10 =	vmul.f32 v10, v16;
	[tilespmem:s7+$0x90] =	vst v2  }
0x113: {  	[tilespmem:s7+$0xFFFFFFD0] =	vst v14  }
0x114: {  	v13 =	vpop (erf);
	[tilespmem:s7+$0xFFFFFFE0] =	vst v10  }
0x115: {  	v3 =	vmul.f32 v3, v18;
	v14 =	vperm.xlane v13, v1;
	[tilespmem:s7+$0xFFFFFF40] =	vst v4;
	v4 =	vpop (erf)  }
0x116: {  	[tilespmem:s7+$0x20] =	vst v13;
	v13 =	vperm.xlane v4, v1  }
0x117: {  	[tilespmem:s7+$0xFFFFFF50] =	vst v3;
	v3 =	vmul.f32 v8, v14  }
0x118: {  	v12 =	vmul.f32 v12, v14;
	v8 =	vpop (erf);
	[tilespmem:s7+$0x50] =	vst v4;
	v10 =	vmul.f32 v11, v13  }
0x119: {  	[tilespmem:s7+$0x10] =	vst v3;
	v11 =	vperm.xlane v8, v1;
	v3 =	vmul.f32 v9, v13  }
0x11a: {  	[tilespmem:s7+$0x0] =	vst v12  }
0x11b: {  	[tilespmem:s7+$0x40] =	vst v3;
	v3 =	vmul.f32 v7, v11  }
0x11c: {  	[tilespmem:s7+$0x80] =	vst v8  }
0x11d: {  	[tilespmem:s7+$0x60] =	vst v3;
	v3 =	vmul.f32 v5, v11  }
0x11e: {  	[tilespmem:s7+$0x30] =	vst v10  }
0x11f: {  	s8 =	sadd.s32 $0x2980, s14;
	[tilespmem:s7+$0x70] =	vst v3;
	s7 =	simm.s32 @!p0 $0xC  }
0x120: {  	[spmem:s3] =	stream.indirect.scatter.add.f32 [tilespmem:s20], [sflag:$0xA], $0x30, s8, s18, $0xb8;
	[tilespmem:$0x14880] =	vst v63  }
0x121: {  	_ =	swait.ge @!p0 [sflag:s7], $0x1800  }
0x122: {  	[sflag:s7] =	ssyncset.done @!p0 $0x0  }
0x123: {  	s9 =	sor.u32 $0x180, s12;
	[sflag:s7] =	ssyncadd.s32 @!p0 $0xFFFFE800  }
0x124: {  	[tilespmem:s30], [sflag:$0x4] =	stream.indirect.gather [hbm4b:s5+s18], $0x30, s9, s18, $0xb8;
	[tilespmem:$0x14880] =	vst v63  }
0x125: {  	s14 =	sadd.s32 $0x2A80, s12;
	s10 =	simm.s32 $0xCA00  }
0x126: {  	[tilespmem:s10], [sflag:$0x8] =	stream.indirect.gather [hbm4b:s2+s18], $0x10, s14, s18, $0xb8;
	[tilespmem:$0x14880] =	vst v63  }
0x127: {  	_ =	swait.ge [sflag:s1], $0x1800  }
0x128: {  	[sflag:s1] =	ssyncset.done $0x0  }
0x129: {  	[sflag:s1] =	ssyncadd.s32 $0xFFFFE800  }
0x12a: {  	_ =	swait.ge [sflag:s21], $0x800  }
0x12b: {  	[sflag:s21] =	ssyncset.done $0x0  }
0x12c: {  	s7 =	simm.s32 $0x82C0;
	[sflag:s21] =	ssyncadd.s32 $0xFFFFF800  }
0x12d: {  	s9 =	simm.s32 $0xC240;
	v2 =	vld [tilespmem:s7+$0xB0]  }
0x12e: {  	v3 =	vld [tilespmem:s9+$0x30]  }
0x12f: {  	v5 =	vld [tilespmem:s9+$0xFFFFFFC0]  }
0x130: {  	v4 =	vld [tilespmem:s7+$0xFFFFFF90]  }
0x131: {  	v6 =	vld [tilespmem:s9+$0xFFFFFFD0]  }
0x132: {  	v7 =	vld [tilespmem:s7+$0xFFFFFFC0]  }
0x133: {  	v8 =	vld [tilespmem:s9+$0xFFFFFFE0]  }
0x134: {  	v9 =	vld [tilespmem:s7+$0xFFFFFFF0]  }
0x135: {  	v10 =	vld [tilespmem:s7+$0x20]  }
0x136: {  	v12 =	vld [tilespmem:s9+$0x0];
	v2 =	vadd.f32 v3, v2  }
0x137: {  	v14 =	vld [tilespmem:s7+$0x80]  }
0x138: {  	v16 =	vld [tilespmem:s9+$0x20];
	v11 =	vmul.f32 $2.000000030e-01, v2  }
0x139: {  	v3 =	vld [tilespmem:s9+$0xFFFFFFF0];
	v4 =	vadd.f32 v6, v4;
	vm0 =	vge.f32 v2, $0.0e+00  }
0x13a: {  	v7 =	vadd.f32 v8, v7;
	v8 =	vld [tilespmem:s7+$0xFFFFFF60];
	v2 =	vsel vm0, v2, v11  }
0x13b: {  	v13 =	vmul.f32 $2.000000030e-01, v4;
	v2 =	vmul.f32 $1.442695020e+00, v2  }
0x13c: {  	v6 =	vld [tilespmem:s7+$0x50];
	vm10 =	vge.f32 v4, $0.0e+00  }
0x13d: {  	v11 =	vld [tilespmem:s9+$0x10];
	(erf) = vpow2.f32 v2;
	v2 =	vsel vm10, v4, v13  }
0x13e: {  	v17 =	vld [tilespmem:s7+$0xFFFFFF70];
	v10 =	vadd.f32 v12, v10;
	v16 =	vadd.f32 v16, v14;
	v2 =	vmul.f32 $1.442695020e+00, v2  }
0x13f: {  	v18 =	vld [tilespmem:s7+$0xFFFFFF80];
	vm11 =	vge.f32 v7, $0.0e+00;
	v9 =	vadd.f32 v3, v9;
	v5 =	vadd.f32 v5, v8  }
0x140: {  	v19 =	vld [tilespmem:s7+$0xA0];
	vm12 =	vge.f32 v10, $0.0e+00;
	v13 =	vmul.f32 $2.000000030e-01, v7;
	(erf) = vpow2.f32 v2  }
0x141: {  	v15 =	vld [tilespmem:s7+$0xFFFFFFA0];
	vm1 =	vge.f32 v9, $0.0e+00;
	v8 =	vmul.f32 $2.000000030e-01, v5;
	vm14 =	vge.f32 v5, $0.0e+00  }
0x142: {  	v14 =	vld [tilespmem:s7+$0xFFFFFFD0];
	v7 =	vsel vm11, v7, v13;
	v6 =	vadd.f32 v11, v6;
	v2 =	vmul.f32 $2.000000030e-01, v9  }
0x143: {  	v12 =	vld [tilespmem:s7+$0x0];
	v11 =	vmul.f32 $2.000000030e-01, v10;
	v5 =	vsel vm14, v5, v8;
	v7 =	vmul.f32 $1.442695020e+00, v7  }
0x144: {  	v3 =	vld [tilespmem:s7+$0xFFFFFF50];
	v5 =	vmul.f32 $1.442695020e+00, v5;
	v2 =	vsel vm1, v9, v2;
	v9 =	vmul.f32 $2.000000030e-01, v6  }
0x145: {  	v4 =	vld [tilespmem:s7+$0xFFFFFF40];
	vm13 =	vge.f32 v6, $0.0e+00;
	(erf) = vpow2.f32 v7;
	v20 =	vmul.f32 $1.442695020e+00, v2  }
0x146: {  	v13 =	vld [tilespmem:s7+$0xFFFFFFB0];
	v2 =	vsel vm12, v10, v11;
	v6 =	vsel vm13, v6, v9;
	v9 =	vmul.f32 $2.000000030e-01, v16  }
0x147: {  	vm15 =	vge.f32 v16, $0.0e+00;
	v8 =	vld [tilespmem:s7+$0x10];
	v21 =	vmul.f32 $1.442695020e+00, v2;
	v6 =	vmul.f32 $1.442695020e+00, v6;
	v22 =	vpop (erf)  }
0x148: {  	v10 =	vld [tilespmem:s7+$0xFFFFFFE0];
	(erf) = vpow2.f32 v20;
	v7 =	vsel vm15, v16, v9;
	v2 =	vperm.xlane v22, v1  }
0x149: {  	v11 =	vld [tilespmem:s7+$0x30];
	v63 =	vmul.f32 $1.442695020e+00, v7;
	v62 =	vpop (erf);
	(erf) = vpow2.f32 v5  }
0x14a: {  	v9 =	vld [tilespmem:s7+$0x40];
	v23 =	vperm.xlane v62, v1;
	(erf) = vpow2.f32 v21  }
0x14b: {  	[tilespmem:s7+$0xB0] =	vst v22;
	v7 =	vld [tilespmem:s7+$0x60];
	v19 =	vmul.f32 v19, v2;
	(erf) = vpow2.f32 v6  }
0x14c: {  	v5 =	vld [tilespmem:s7+$0x70];
	[tilespmem:s7+$0xFFFFFF90] =	vst v62;
	v16 =	vmul.f32 v17, v23;
	(erf) = vpow2.f32 v63  }
0x14d: {  	s8 =	simm.s32 $0x0;
	s10 =	simm.s32 $0x8440;
	[tilespmem:s7+$0xA0] =	vst v19;
	v6 =	vld [tilespmem:s7+$0x90];
	v17 =	vmul.f32 v18, v23  }
.LBB2_9:
0x14e: {  	v18 =	vld [tilespmem:s10+$0xB0];
	[tilespmem:s7+$0xFFFFFF70] =	vst v16;
	s9 =	sadd.s32 $0x80, s9  }
0x14f: {  	s8 =	sadd.s32 $0x8, s8;
	v16 =	vld [tilespmem:s9+$0x30];
	[tilespmem:s7+$0xFFFFFF80] =	vst v17;
	v17 =	vpop (erf)  }
0x150: {  	p0 =	slt.u32 s8, $0x78;
	v19 =	vld [tilespmem:s9+$0xFFFFFFC0];
	[tilespmem:s7+$0xFFFFFFC0] =	vst v17;
	v25 =	vperm.xlane v17, v1  }
0x151: {  	v20 =	vld [tilespmem:s10+$0xFFFFFF90];
	v21 =	vpop (erf)  }
0x152: {  	v22 =	vld [tilespmem:s9+$0xFFFFFFD0];
	v15 =	vmul.f32 v15, v25;
	[tilespmem:s7+$0xFFFFFFF0] =	vst v21;
	v21 =	vperm.xlane v21, v1;
	v23 =	vpop (erf)  }
0x153: {  	v13 =	vmul.f32 v13, v25;
	v24 =	vld [tilespmem:s10+$0xFFFFFFC0];
	[tilespmem:s7+$0xFFFFFF60] =	vst v23;
	v23 =	vperm.xlane v23, v1;
	v17 =	vpop (erf)  }
0x154: {  	v25 =	vld [tilespmem:s9+$0xFFFFFFE0];
	v16 =	vadd.f32 v16, v18;
	[tilespmem:s7+$0xFFFFFFA0] =	vst v15;
	v14 =	vmul.f32 v14, v21;
	v15 =	vperm.xlane v17, v1;
	v18 =	vpop (erf)  }
0x155: {  	v26 =	vld [tilespmem:s10+$0xFFFFFFF0];
	v4 =	vmul.f32 v4, v23;
	[tilespmem:s7+$0xFFFFFFB0] =	vst v13;
	v13 =	vperm.xlane v18, v1;
	v27 =	vpop (erf)  }
0x156: {  	v28 =	vld [tilespmem:s9+$0xFFFFFFF0];
	v29 =	vmul.f32 $2.000000030e-01, v16;
	[tilespmem:s7+$0xFFFFFFD0] =	vst v14;
	v30 =	vperm.xlane v27, v1  }
0x157: {  	v3 =	vmul.f32 v3, v23;
	vm0 =	vge.f32 v16, $0.0e+00;
	v14 =	vadd.f32 v22, v20;
	v20 =	vld [tilespmem:s10+$0x20];
	[tilespmem:s7+$0xFFFFFF40] =	vst v4  }
0x158: {  	v10 =	vmul.f32 v10, v21;
	v12 =	vmul.f32 v12, v15;
	v4 =	vld [tilespmem:s9+$0x0];
	v16 =	vsel vm0, v16, v29;
	[tilespmem:s7+$0x20] =	vst v17  }
0x159: {  	v17 =	vmul.f32 $2.000000030e-01, v14;
	v21 =	vadd.f32 v25, v24;
	v22 =	vld [tilespmem:s10+$0x50];
	v16 =	vmul.f32 $1.442695020e+00, v16;
	[tilespmem:s7+$0xFFFFFF50] =	vst v3  }
0x15a: {  	vm0 =	vge.f32 v14, $0.0e+00;
	v3 =	vmul.f32 v8, v15;
	v8 =	vmul.f32 v11, v13;
	v23 =	vld [tilespmem:s9+$0x10];
	[tilespmem:s7+$0xFFFFFFE0] =	vst v10  }
0x15b: {  	v10 =	vmul.f32 $2.000000030e-01, v21;
	v11 =	vadd.f32 v28, v26;
	v15 =	vld [tilespmem:s10+$0x80];
	(erf) = vpow2.f32 v16;
	[tilespmem:s7+$0x0] =	vst v12  }
0x15c: {  	v12 =	vsel vm0, v14, v17;
	vm0 =	vge.f32 v21, $0.0e+00;
	v14 =	vld [tilespmem:s9+$0x20];
	[tilespmem:s7+$0x10] =	vst v3;
	v3 =	vmul.f32 v9, v13  }
0x15d: {  	v9 =	vld [tilespmem:s10+$0xFFFFFF60];
	vm1 =	vge.f32 v11, $0.0e+00;
	v13 =	vmul.f32 $2.000000030e-01, v11;
	v16 =	vadd.f32 v4, v20;
	[tilespmem:s7+$0x30] =	vst v8  }
0x15e: {  	v7 =	vmul.f32 v7, v30;
	v8 =	vmul.f32 $1.442695020e+00, v12;
	v10 =	vsel vm0, v21, v10;
	v4 =	vld [tilespmem:s10+$0xFFFFFF40];
	[tilespmem:s7+$0x40] =	vst v3  }
0x15f: {  	v3 =	vld [tilespmem:s10+$0xFFFFFF50];
	vm0 =	vge.f32 v16, $0.0e+00;
	v12 =	vmul.f32 $2.000000030e-01, v16;
	v17 =	vadd.f32 v23, v22;
	[tilespmem:s7+$0x50] =	vst v18  }
0x160: {  	v20 =	vmul.f32 $1.442695020e+00, v10;
	v10 =	vsel vm1, v11, v13;
	v18 =	vld [tilespmem:s10+$0xFFFFFF70];
	(erf) = vpow2.f32 v8;
	[tilespmem:s7+$0x60] =	vst v7  }
0x161: {  	v21 =	vld [tilespmem:s10+$0xFFFFFF80];
	vm1 =	vge.f32 v17, $0.0e+00;
	v7 =	vmul.f32 $2.000000030e-01, v17;
	v8 =	vadd.f32 v14, v15;
	[tilespmem:s7+$0x80] =	vst v27  }
0x162: {  	v11 =	vmul.f32 $1.442695020e+00, v10;
	v14 =	vsel vm0, v16, v12;
	v9 =	vadd.f32 v19, v9;
	v16 =	vld [tilespmem:s10+$0xA0]  }
0x163: {  	v15 =	vld [tilespmem:s10+$0xFFFFFFA0];
	v7 =	vsel vm1, v17, v7;
	vm0 =	vge.f32 v8, $0.0e+00;
	v12 =	vmul.f32 $2.000000030e-01, v8  }
0x164: {  	v19 =	vmul.f32 $1.442695020e+00, v14;
	vm1 =	vge.f32 v9, $0.0e+00;
	v17 =	vmul.f32 $2.000000030e-01, v9;
	v13 =	vld [tilespmem:s10+$0xFFFFFFB0];
	v10 =	vpop (erf)  }
0x165: {  	v22 =	vmul.f32 $1.442695020e+00, v7;
	v14 =	vld [tilespmem:s10+$0xFFFFFFD0];
	v7 =	vsel vm0, v8, v12;
	[tilespmem:s10+$0xB0] =	vst v10;
	v23 =	vperm.xlane v10, v1  }
0x166: {  	v8 =	vsel vm1, v9, v17;
	v10 =	vld [tilespmem:s10+$0xFFFFFFE0];
	v17 =	vmul.f32 $1.442695020e+00, v7;
	(erf) = vpow2.f32 v20  }
0x167: {  	v7 =	vmul.f32 $1.442695020e+00, v8;
	v12 =	vld [tilespmem:s10+$0x0];
	v9 =	vmul.f32 v16, v23  }
0x168: {  	v5 =	vmul.f32 v5, v30;
	v8 =	vld [tilespmem:s10+$0x10];
	(erf) = vpow2.f32 v11  }
.Ltmp3:
0x169: {  	v6 =	vmul.f32 v6, v2;
	v2 =	vmov v23;
	v11 =	vld [tilespmem:s10+$0x30];
	[tilespmem:s10+$0xA0] =	vst v9;
	(erf) = vpow2.f32 v7;
	v16 =	vpop (erf);
	(pc) =	sbr.rel @p0 .LBB2_9-.Ltmp3, $4  }
0x16a: {  	v20 =	vperm.xlane v16, v1;
	v9 =	vld [tilespmem:s10+$0x40];
	(erf) = vpow2.f32 v19;
	[tilespmem:s7+$0x70] =	vst v5  }
0x16b: {  	v7 =	vld [tilespmem:s10+$0x60];
	(erf) = vpow2.f32 v22;
	[tilespmem:s7+$0x90] =	vst v6;
	s7 =	smov.u32 s10  }
0x16c: {  	[tilespmem:s10+$0xFFFFFF90] =	vst v16;
	v16 =	vmul.f32 v18, v20;
	v5 =	vld [tilespmem:s10+$0x70];
	(erf) = vpow2.f32 v17  }
0x16d: {  	v17 =	vmul.f32 v21, v20;
	s10 =	sadd.s32 $0x180, s10;
	v6 =	vld [tilespmem:s7+$0x90]  }
0x16e: {  	_ = 	snop  }
0x16f: {  	[tilespmem:s7+$0xFFFFFF70] =	vst v16;
	v16 =	vpop (erf)  }
0x170: {  	[tilespmem:s7+$0xFFFFFF80] =	vst v17;
	v17 =	vperm.xlane v16, v1  }
0x171: {  	[tilespmem:s7+$0xFFFFFFC0] =	vst v16;
	v16 =	vpop (erf)  }
0x172: {  	v15 =	vmul.f32 v15, v17;
	[tilespmem:s7+$0xFFFFFFF0] =	vst v16;
	v16 =	vperm.xlane v16, v1;
	v18 =	vpop (erf)  }
0x173: {  	v13 =	vmul.f32 v13, v17;
	[tilespmem:s7+$0xFFFFFF60] =	vst v18;
	v18 =	vperm.xlane v18, v1  }
0x174: {  	v2 =	vmul.f32 v6, v2;
	[tilespmem:s7+$0xFFFFFFA0] =	vst v15  }
0x175: {  	v14 =	vmul.f32 v14, v16;
	[tilespmem:s7+$0xFFFFFFB0] =	vst v13;
	v4 =	vmul.f32 v4, v18  }
0x176: {  	v10 =	vmul.f32 v10, v16;
	[tilespmem:s7+$0x90] =	vst v2  }
0x177: {  	[tilespmem:s7+$0xFFFFFFD0] =	vst v14  }
0x178: {  	v13 =	vpop (erf);
	[tilespmem:s7+$0xFFFFFFE0] =	vst v10  }
0x179: {  	v3 =	vmul.f32 v3, v18;
	v14 =	vperm.xlane v13, v1;
	[tilespmem:s7+$0xFFFFFF40] =	vst v4;
	v4 =	vpop (erf)  }
0x17a: {  	[tilespmem:s7+$0x20] =	vst v13;
	v13 =	vperm.xlane v4, v1  }
0x17b: {  	[tilespmem:s7+$0xFFFFFF50] =	vst v3;
	v3 =	vmul.f32 v8, v14  }
0x17c: {  	v12 =	vmul.f32 v12, v14;
	v8 =	vpop (erf);
	[tilespmem:s7+$0x50] =	vst v4;
	v10 =	vmul.f32 v11, v13  }
0x17d: {  	[tilespmem:s7+$0x10] =	vst v3;
	v11 =	vperm.xlane v8, v1;
	v3 =	vmul.f32 v9, v13  }
0x17e: {  	[tilespmem:s7+$0x0] =	vst v12  }
0x17f: {  	[tilespmem:s7+$0x40] =	vst v3;
	v3 =	vmul.f32 v7, v11  }
0x180: {  	[tilespmem:s7+$0x80] =	vst v8  }
0x181: {  	[tilespmem:s7+$0x60] =	vst v3;
	v3 =	vmul.f32 v5, v11  }
0x182: {  	[tilespmem:s7+$0x30] =	vst v10  }
0x183: {  	[tilespmem:s7+$0x70] =	vst v3  }
0x184: {  	[spmem:s3] =	stream.indirect.scatter.add.f32 [tilespmem:s25], [sflag:$0xB], $0x30, s13, s18, $0xb8;
	[tilespmem:$0x14880] =	vst v63  }
0x185: {  	_ =	swait.ge [sflag:s0], $0x1800  }
0x186: {  	[sflag:s0] =	ssyncset.done $0x0  }
0x187: {  	s10 =	sadd.s32 $0x200, s12;
	[sflag:s0] =	ssyncadd.s32 $0xFFFFE800  }
0x188: {  	[tilespmem:s17], [sflag:$0x1] =	stream.indirect.gather [hbm4b:s5+s18], $0x30, s10, s18, $0xb8;
	[tilespmem:$0x14880] =	vst v63  }
0x189: {  	s13 =	sadd.s32 $0x2B00, s12  }
0x18a: {  	[tilespmem:s26], [sflag:$0x5] =	stream.indirect.gather [hbm4b:s2+s18], $0x10, s13, s18, $0xb8;
	[tilespmem:$0x14880] =	vst v63  }
0x18b: {  	_ =	swait.ge [sflag:s4], $0x1800  }
0x18c: {  	[sflag:s4] =	ssyncset.done $0x0  }
0x18d: {  	[sflag:s4] =	ssyncadd.s32 $0xFFFFE800  }
0x18e: {  	_ =	swait.ge [sflag:s16], $0x800  }
0x18f: {  	[sflag:s16] =	ssyncset.done $0x0  }
0x190: {  	s7 =	simm.s32 $0x9AC0;
	[sflag:s16] =	ssyncadd.s32 $0xFFFFF800  }
0x191: {  	s9 =	simm.s32 $0xCA40;
	v2 =	vld [tilespmem:s7+$0xB0]  }
0x192: {  	v3 =	vld [tilespmem:s9+$0x30]  }
0x193: {  	v5 =	vld [tilespmem:s9+$0xFFFFFFC0]  }
0x194: {  	v4 =	vld [tilespmem:s7+$0xFFFFFF90]  }
0x195: {  	v6 =	vld [tilespmem:s9+$0xFFFFFFD0]  }
0x196: {  	v7 =	vld [tilespmem:s7+$0xFFFFFFC0]  }
0x197: {  	v8 =	vld [tilespmem:s9+$0xFFFFFFE0]  }
0x198: {  	v9 =	vld [tilespmem:s7+$0xFFFFFFF0]  }
0x199: {  	v10 =	vld [tilespmem:s7+$0x20]  }
0x19a: {  	v12 =	vld [tilespmem:s9+$0x0];
	v2 =	vadd.f32 v3, v2  }
0x19b: {  	v14 =	vld [tilespmem:s7+$0x80]  }
0x19c: {  	v16 =	vld [tilespmem:s9+$0x20];
	v11 =	vmul.f32 $2.000000030e-01, v2  }
0x19d: {  	v3 =	vld [tilespmem:s9+$0xFFFFFFF0];
	v4 =	vadd.f32 v6, v4;
	vm0 =	vge.f32 v2, $0.0e+00  }
0x19e: {  	v7 =	vadd.f32 v8, v7;
	v8 =	vld [tilespmem:s7+$0xFFFFFF60];
	v2 =	vsel vm0, v2, v11  }
0x19f: {  	v13 =	vmul.f32 $2.000000030e-01, v4;
	v2 =	vmul.f32 $1.442695020e+00, v2  }
0x1a0: {  	v6 =	vld [tilespmem:s7+$0x50];
	vm10 =	vge.f32 v4, $0.0e+00  }
0x1a1: {  	v11 =	vld [tilespmem:s9+$0x10];
	(erf) = vpow2.f32 v2;
	v2 =	vsel vm10, v4, v13  }
0x1a2: {  	v17 =	vld [tilespmem:s7+$0xFFFFFF70];
	v10 =	vadd.f32 v12, v10;
	v16 =	vadd.f32 v16, v14;
	v2 =	vmul.f32 $1.442695020e+00, v2  }
0x1a3: {  	v18 =	vld [tilespmem:s7+$0xFFFFFF80];
	vm11 =	vge.f32 v7, $0.0e+00;
	v9 =	vadd.f32 v3, v9;
	v5 =	vadd.f32 v5, v8  }
0x1a4: {  	v19 =	vld [tilespmem:s7+$0xA0];
	vm12 =	vge.f32 v10, $0.0e+00;
	v13 =	vmul.f32 $2.000000030e-01, v7;
	(erf) = vpow2.f32 v2  }
0x1a5: {  	v15 =	vld [tilespmem:s7+$0xFFFFFFA0];
	vm1 =	vge.f32 v9, $0.0e+00;
	v8 =	vmul.f32 $2.000000030e-01, v5;
	vm14 =	vge.f32 v5, $0.0e+00  }
0x1a6: {  	v14 =	vld [tilespmem:s7+$0xFFFFFFD0];
	v7 =	vsel vm11, v7, v13;
	v6 =	vadd.f32 v11, v6;
	v2 =	vmul.f32 $2.000000030e-01, v9  }
0x1a7: {  	v12 =	vld [tilespmem:s7+$0x0];
	v11 =	vmul.f32 $2.000000030e-01, v10;
	v5 =	vsel vm14, v5, v8;
	v7 =	vmul.f32 $1.442695020e+00, v7  }
0x1a8: {  	v3 =	vld [tilespmem:s7+$0xFFFFFF50];
	v5 =	vmul.f32 $1.442695020e+00, v5;
	v2 =	vsel vm1, v9, v2;
	v9 =	vmul.f32 $2.000000030e-01, v6  }
0x1a9: {  	v4 =	vld [tilespmem:s7+$0xFFFFFF40];
	vm13 =	vge.f32 v6, $0.0e+00;
	(erf) = vpow2.f32 v7;
	v20 =	vmul.f32 $1.442695020e+00, v2  }
0x1aa: {  	v13 =	vld [tilespmem:s7+$0xFFFFFFB0];
	v2 =	vsel vm12, v10, v11;
	v6 =	vsel vm13, v6, v9;
	v9 =	vmul.f32 $2.000000030e-01, v16  }
0x1ab: {  	vm15 =	vge.f32 v16, $0.0e+00;
	v8 =	vld [tilespmem:s7+$0x10];
	v21 =	vmul.f32 $1.442695020e+00, v2;
	v6 =	vmul.f32 $1.442695020e+00, v6;
	v22 =	vpop (erf)  }
0x1ac: {  	v10 =	vld [tilespmem:s7+$0xFFFFFFE0];
	(erf) = vpow2.f32 v20;
	v7 =	vsel vm15, v16, v9;
	v2 =	vperm.xlane v22, v1  }
0x1ad: {  	v11 =	vld [tilespmem:s7+$0x30];
	v63 =	vmul.f32 $1.442695020e+00, v7;
	v62 =	vpop (erf);
	(erf) = vpow2.f32 v5  }
0x1ae: {  	v9 =	vld [tilespmem:s7+$0x40];
	v23 =	vperm.xlane v62, v1;
	(erf) = vpow2.f32 v21  }
0x1af: {  	[tilespmem:s7+$0xB0] =	vst v22;
	v7 =	vld [tilespmem:s7+$0x60];
	v19 =	vmul.f32 v19, v2;
	(erf) = vpow2.f32 v6  }
0x1b0: {  	v5 =	vld [tilespmem:s7+$0x70];
	[tilespmem:s7+$0xFFFFFF90] =	vst v62;
	v16 =	vmul.f32 v17, v23;
	(erf) = vpow2.f32 v63  }
0x1b1: {  	s8 =	simm.s32 $0x0;
	s10 =	simm.s32 $0x9C40;
	[tilespmem:s7+$0xA0] =	vst v19;
	v6 =	vld [tilespmem:s7+$0x90];
	v17 =	vmul.f32 v18, v23  }
.LBB2_11:
0x1b2: {  	v18 =	vld [tilespmem:s10+$0xB0];
	[tilespmem:s7+$0xFFFFFF70] =	vst v16;
	s9 =	sadd.s32 $0x80, s9  }
0x1b3: {  	s8 =	sadd.s32 $0x8, s8;
	v16 =	vld [tilespmem:s9+$0x30];
	[tilespmem:s7+$0xFFFFFF80] =	vst v17;
	v17 =	vpop (erf)  }
0x1b4: {  	p0 =	slt.u32 s8, $0x78;
	v19 =	vld [tilespmem:s9+$0xFFFFFFC0];
	[tilespmem:s7+$0xFFFFFFC0] =	vst v17;
	v25 =	vperm.xlane v17, v1  }
0x1b5: {  	v20 =	vld [tilespmem:s10+$0xFFFFFF90];
	v21 =	vpop (erf)  }
0x1b6: {  	v22 =	vld [tilespmem:s9+$0xFFFFFFD0];
	v15 =	vmul.f32 v15, v25;
	[tilespmem:s7+$0xFFFFFFF0] =	vst v21;
	v21 =	vperm.xlane v21, v1;
	v23 =	vpop (erf)  }
0x1b7: {  	v13 =	vmul.f32 v13, v25;
	v24 =	vld [tilespmem:s10+$0xFFFFFFC0];
	[tilespmem:s7+$0xFFFFFF60] =	vst v23;
	v23 =	vperm.xlane v23, v1;
	v17 =	vpop (erf)  }
0x1b8: {  	v25 =	vld [tilespmem:s9+$0xFFFFFFE0];
	v16 =	vadd.f32 v16, v18;
	[tilespmem:s7+$0xFFFFFFA0] =	vst v15;
	v14 =	vmul.f32 v14, v21;
	v15 =	vperm.xlane v17, v1;
	v18 =	vpop (erf)  }
0x1b9: {  	v26 =	vld [tilespmem:s10+$0xFFFFFFF0];
	v4 =	vmul.f32 v4, v23;
	[tilespmem:s7+$0xFFFFFFB0] =	vst v13;
	v13 =	vperm.xlane v18, v1;
	v27 =	vpop (erf)  }
0x1ba: {  	v28 =	vld [tilespmem:s9+$0xFFFFFFF0];
	v29 =	vmul.f32 $2.000000030e-01, v16;
	[tilespmem:s7+$0xFFFFFFD0] =	vst v14;
	v30 =	vperm.xlane v27, v1  }
0x1bb: {  	v3 =	vmul.f32 v3, v23;
	vm0 =	vge.f32 v16, $0.0e+00;
	v14 =	vadd.f32 v22, v20;
	v20 =	vld [tilespmem:s10+$0x20];
	[tilespmem:s7+$0xFFFFFF40] =	vst v4  }
0x1bc: {  	v10 =	vmul.f32 v10, v21;
	v12 =	vmul.f32 v12, v15;
	v4 =	vld [tilespmem:s9+$0x0];
	v16 =	vsel vm0, v16, v29;
	[tilespmem:s7+$0x20] =	vst v17  }
0x1bd: {  	v17 =	vmul.f32 $2.000000030e-01, v14;
	v21 =	vadd.f32 v25, v24;
	v22 =	vld [tilespmem:s10+$0x50];
	v16 =	vmul.f32 $1.442695020e+00, v16;
	[tilespmem:s7+$0xFFFFFF50] =	vst v3  }
0x1be: {  	vm0 =	vge.f32 v14, $0.0e+00;
	v3 =	vmul.f32 v8, v15;
	v8 =	vmul.f32 v11, v13;
	v23 =	vld [tilespmem:s9+$0x10];
	[tilespmem:s7+$0xFFFFFFE0] =	vst v10  }
0x1bf: {  	v10 =	vmul.f32 $2.000000030e-01, v21;
	v11 =	vadd.f32 v28, v26;
	v15 =	vld [tilespmem:s10+$0x80];
	(erf) = vpow2.f32 v16;
	[tilespmem:s7+$0x0] =	vst v12  }
0x1c0: {  	v12 =	vsel vm0, v14, v17;
	vm0 =	vge.f32 v21, $0.0e+00;
	v14 =	vld [tilespmem:s9+$0x20];
	[tilespmem:s7+$0x10] =	vst v3;
	v3 =	vmul.f32 v9, v13  }
0x1c1: {  	v9 =	vld [tilespmem:s10+$0xFFFFFF60];
	vm1 =	vge.f32 v11, $0.0e+00;
	v13 =	vmul.f32 $2.000000030e-01, v11;
	v16 =	vadd.f32 v4, v20;
	[tilespmem:s7+$0x30] =	vst v8  }
0x1c2: {  	v7 =	vmul.f32 v7, v30;
	v8 =	vmul.f32 $1.442695020e+00, v12;
	v10 =	vsel vm0, v21, v10;
	v4 =	vld [tilespmem:s10+$0xFFFFFF40];
	[tilespmem:s7+$0x40] =	vst v3  }
0x1c3: {  	v3 =	vld [tilespmem:s10+$0xFFFFFF50];
	vm0 =	vge.f32 v16, $0.0e+00;
	v12 =	vmul.f32 $2.000000030e-01, v16;
	v17 =	vadd.f32 v23, v22;
	[tilespmem:s7+$0x50] =	vst v18  }
0x1c4: {  	v20 =	vmul.f32 $1.442695020e+00, v10;
	v10 =	vsel vm1, v11, v13;
	v18 =	vld [tilespmem:s10+$0xFFFFFF70];
	(erf) = vpow2.f32 v8;
	[tilespmem:s7+$0x60] =	vst v7  }
0x1c5: {  	v21 =	vld [tilespmem:s10+$0xFFFFFF80];
	vm1 =	vge.f32 v17, $0.0e+00;
	v7 =	vmul.f32 $2.000000030e-01, v17;
	v8 =	vadd.f32 v14, v15;
	[tilespmem:s7+$0x80] =	vst v27  }
0x1c6: {  	v11 =	vmul.f32 $1.442695020e+00, v10;
	v14 =	vsel vm0, v16, v12;
	v9 =	vadd.f32 v19, v9;
	v16 =	vld [tilespmem:s10+$0xA0]  }
0x1c7: {  	v15 =	vld [tilespmem:s10+$0xFFFFFFA0];
	v7 =	vsel vm1, v17, v7;
	vm0 =	vge.f32 v8, $0.0e+00;
	v12 =	vmul.f32 $2.000000030e-01, v8  }
0x1c8: {  	v19 =	vmul.f32 $1.442695020e+00, v14;
	vm1 =	vge.f32 v9, $0.0e+00;
	v17 =	vmul.f32 $2.000000030e-01, v9;
	v13 =	vld [tilespmem:s10+$0xFFFFFFB0];
	v10 =	vpop (erf)  }
0x1c9: {  	v22 =	vmul.f32 $1.442695020e+00, v7;
	v14 =	vld [tilespmem:s10+$0xFFFFFFD0];
	v7 =	vsel vm0, v8, v12;
	[tilespmem:s10+$0xB0] =	vst v10;
	v23 =	vperm.xlane v10, v1  }
0x1ca: {  	v8 =	vsel vm1, v9, v17;
	v10 =	vld [tilespmem:s10+$0xFFFFFFE0];
	v17 =	vmul.f32 $1.442695020e+00, v7;
	(erf) = vpow2.f32 v20  }
0x1cb: {  	v7 =	vmul.f32 $1.442695020e+00, v8;
	v12 =	vld [tilespmem:s10+$0x0];
	v9 =	vmul.f32 v16, v23  }
0x1cc: {  	v5 =	vmul.f32 v5, v30;
	v8 =	vld [tilespmem:s10+$0x10];
	(erf) = vpow2.f32 v11  }
.Ltmp4:
0x1cd: {  	v6 =	vmul.f32 v6, v2;
	v2 =	vmov v23;
	v11 =	vld [tilespmem:s10+$0x30];
	[tilespmem:s10+$0xA0] =	vst v9;
	(erf) = vpow2.f32 v7;
	v16 =	vpop (erf);
	(pc) =	sbr.rel @p0 .LBB2_11-.Ltmp4, $4  }
0x1ce: {  	v20 =	vperm.xlane v16, v1;
	v9 =	vld [tilespmem:s10+$0x40];
	(erf) = vpow2.f32 v19;
	[tilespmem:s7+$0x70] =	vst v5  }
0x1cf: {  	v7 =	vld [tilespmem:s10+$0x60];
	(erf) = vpow2.f32 v22;
	[tilespmem:s7+$0x90] =	vst v6;
	s7 =	smov.u32 s10  }
0x1d0: {  	[tilespmem:s10+$0xFFFFFF90] =	vst v16;
	v16 =	vmul.f32 v18, v20;
	v5 =	vld [tilespmem:s10+$0x70];
	(erf) = vpow2.f32 v17  }
0x1d1: {  	v17 =	vmul.f32 v21, v20;
	s10 =	sadd.s32 $0x180, s10;
	v6 =	vld [tilespmem:s7+$0x90]  }
0x1d2: {  	_ = 	snop  }
0x1d3: {  	[tilespmem:s7+$0xFFFFFF70] =	vst v16;
	v54 =	vpop (erf)  }
0x1d4: {  	[tilespmem:s7+$0xFFFFFF80] =	vst v17;
	v55 =	vperm.xlane v54, v1  }
0x1d5: {  	[tilespmem:s7+$0xFFFFFFC0] =	vst v54;
	v56 =	vpop (erf)  }
0x1d6: {  	v15 =	vmul.f32 v15, v55;
	[tilespmem:s7+$0xFFFFFFF0] =	vst v56;
	v18 =	vpop (erf)  }
0x1d7: {  	v13 =	vmul.f32 v13, v55;
	[tilespmem:s7+$0xFFFFFF60] =	vst v18  }
0x1d8: {  	[tilespmem:s7+$0xFFFFFFA0] =	vst v15  }
0x1d9: {  	v16 =	vperm.xlane v56, v1;
	v2 =	vmul.f32 v6, v2;
	v57 =	vpop (erf);
	[tilespmem:s7+$0xFFFFFFB0] =	vst v13  }
0x1da: {  	[tilespmem:s7+$0x20] =	vst v57  }
0x1db: {  	v18 =	vperm.xlane v18, v1;
	v14 =	vmul.f32 v14, v16;
	v59 =	vpop (erf);
	[tilespmem:s7+$0x90] =	vst v2  }
0x1dc: {  	v10 =	vmul.f32 v10, v16;
	[tilespmem:s7+$0x50] =	vst v59  }
0x1dd: {  	v58 =	vperm.xlane v57, v1;
	v3 =	vmul.f32 v3, v18;
	[tilespmem:s7+$0xFFFFFFD0] =	vst v14  }
0x1de: {  	[tilespmem:s7+$0xFFFFFFE0] =	vst v10  }
0x1df: {  	v60 =	vperm.xlane v59, v1;
	v61 =	vpop (erf);
	[tilespmem:s7+$0xFFFFFF50] =	vst v3;
	v3 =	vmul.f32 v8, v58  }
0x1e0: {  	v4 =	vmul.f32 v4, v18;
	[tilespmem:s7+$0x80] =	vst v61  }
0x1e1: {  	v63 =	vperm.xlane v61, v1;
	[tilespmem:s7+$0x10] =	vst v3;
	v3 =	vmul.f32 v9, v60  }
0x1e2: {  	v12 =	vmul.f32 v12, v58;
	[tilespmem:s7+$0xFFFFFF40] =	vst v4  }
0x1e3: {  	[tilespmem:s7+$0x40] =	vst v3;
	v3 =	vmul.f32 v7, v63  }
0x1e4: {  	v62 =	vmul.f32 v11, v60;
	[tilespmem:s7+$0x0] =	vst v12  }
0x1e5: {  	[tilespmem:s7+$0x60] =	vst v3;
	v3 =	vmul.f32 v5, v63  }
0x1e6: {  	[tilespmem:s7+$0x30] =	vst v62  }
0x1e7: {  	s11 =	sadd.s32 $0x1, s11;
	[tilespmem:s7+$0x70] =	vst v3  }
0x1e8: {  	[spmem:s3] =	stream.indirect.scatter.add.f32 [tilespmem:s30], [sflag:$0xC], $0x30, s14, s18, $0xb8;
	[tilespmem:$0x14880] =	vst v63  }
0x1e9: {  	p0 =	sne.s32 s11, $0x14;
	_ =	swait.ge [sflag:s6], $0x1800  }
.Ltmp5:
0x1ea: {  	[sflag:s6] =	ssyncset.done $0x0;
	(pc) =	sbr.rel @p0 .LBB2_4-.Ltmp5, $4  }
0x1eb: {  	s13 =	sadd.s32 $0x280, s12;
	[sflag:s6] =	ssyncadd.s32 $0xFFFFE800  }
0x1ec: {  	[tilespmem:s20], [sflag:$0x2] =	stream.indirect.gather [hbm4b:s5+s18], $0x30, s13, s18, $0xb8;
	[tilespmem:$0x14880] =	vst v63  }
0x1ed: {  	s14 =	sadd.s32 $0x2B80, s12  }
0x1ee: {  	[tilespmem:s31], [sflag:$0x6] =	stream.indirect.gather [hbm4b:s2+s18], $0x10, s14, s18, $0xb8;
	[tilespmem:$0x14880] =	vst v63  }
0x1ef: {  	_ =	swait.ge [sflag:s23], $0x1800  }
0x1f0: {  	[sflag:s23] =	ssyncset.done $0x0  }
0x1f1: {  	[sflag:s23] =	ssyncadd.s32 $0xFFFFE800  }
0x1f2: {  	_ =	swait.ge [sflag:s24], $0x800  }
0x1f3: {  	[sflag:s24] =	ssyncset.done $0x0  }
0x1f4: {  	[sflag:s24] =	ssyncadd.s32 $0xFFFFF800  }
0x1f5: {  	_ =	swait.ge [sflag:s28], $0x1800  }
0x1f6: {  	[sflag:s28] =	ssyncset.done $0x0  }
0x1f7: {  	[sflag:s28] =	ssyncadd.s32 $0xFFFFE800  }
0x1f8: {  	_ =	swait.ge [sflag:s29], $0x800  }
0x1f9: {  	[sflag:s29] =	ssyncset.done $0x0  }
0x1fa: {  	s7 =	simm.s32 $0xB;
	[sflag:s29] =	ssyncadd.s32 $0xFFFFF800  }
0x1fb: {  	_ =	swait.ge [sflag:s7], $0x1800  }
0x1fc: {  	[sflag:s7] =	ssyncset.done $0x0  }
0x1fd: {  	s13 =	simm.s32 $0xC;
	[sflag:s7] =	ssyncadd.s32 $0xFFFFE800  }
0x1fe: {  	_ =	swait.ge [sflag:s13], $0x1800  }
0x1ff: {  	[sflag:s13] =	ssyncset.done $0x0  }
0x200: {  	s14 =	stileid.u32;
	[sflag:s13] =	ssyncadd.s32 $0xFFFFE800  }
0x201: {  	s7 =	sshll.u32 s14, $0x6;
	[bflag:$0x0] =	sbarrier.arrive $0xFFFF  }
0x202: {  	s8 =	sshrl.u32 s15, $0x3;
	s7 =	sor.u32 $0x1C0D, s7;
	s9 =	rddreg [dreg:$0xb]  }
0x203: {  	[hbm:s9], [sflag:s7] =	dma.local [spmem:s8], $0xED0  }
0x204: {  	_ =	swait.ge [sflag:s19], $0xED0  }
0x205: {  	s26 =	rddreg [dreg:$0xd]  }
0x206: {  	s31 =	rddreg [dreg:$0xc];
	s8 =	sadd.s32 $0x1, s26  }
0x207: {  	p0 =	sne.s32 s8, s31  }
.Ltmp6:
0x208: {  	_ = 	snop;
	(pc) =	sbr.rel @p0 .LBB2_1-.Ltmp6, $3  }
0x209: {  	_ =	sdelay $0x1  }
0x20a: {  	[sflag:s19] =	ssyncset.done $0x0  }
0x20b: {  	[sflag:s19] =	ssyncadd.s32 $0xFFFFF130  }
0x20c: {  	_ =	sfence.sel $0x180000  }
0x20d: {  	[bflag:$0x0] =	sbarrier.arrive $0xFFFF  }
0x20e: {  	_ =	strace $0x9000004A  }
0x20f: {  	s0 =	stileid.u32;
	[bflag:$0x2] =	sbarrier.arrive $0xFFFF  }
0x210: {  	p0 =	sne.s32 s0, $0x0;
	s0 =	rddreg [dreg:$0x3]  }
0x211: {  	s0 =	sadd.s32 @!p0 $0x100000, s0  }
0x212: {  	[sflag:s0] =	ssyncadd.tile.s32 @!p0 $0x1;
	_ =	shalt  }
.Lfunc_end2:
_tile_overlayer_lowered:
.L_overlay_start_2:
0x213: {  	(tag) =	ssettag $0x2  }
0x214: {  	s0 =	rddreg [dreg:$0x0];
	s2 =	stileid.u32  }
0x215: {  	s1 =	rddreg [dreg:$0x1];
	p0 =	sne.s32 s2, $0x0  }
0x216: {  	s3 =	rddreg [dreg:$0x2];
	[bflag:$0x3] =	sbarrier.arrive $0xFFFF;
	s2 =	simm.s32 @!p0 $0x1C0D  }
0x217: {  	[timem:s3], [sflag:s2] =	dma.local @!p0 [hbm:s0], s1  }
0x218: {  	s0 =	simm.s32 @!p0 $0xD  }
0x219: {  	_ =	swait.ge @!p0 [sflag:s0], s1  }
0x21a: {  	s1 =	ssub.s32 @!p0 $0x0, s1;
	[sflag:s0] =	ssyncset.done @!p0 $0x0  }
0x21b: {  	[sflag:s0] =	ssyncadd.s32 @!p0 s1  }
0x21c: {  	[bflag:$0x3] =	sbarrier.arrive $0xFFFF  }
0x21d: {  	_ =	shalt  }

// kernel: kernel.7.cloned.1.call-start
scs
__scs_entry_jumppad:
0x0: {  	(pc) =	sbr.rel $0x88, $3  }
0x1: {  	(tag) =	ssettag $0x0;
	lr =	simm.s32 $0x1  }
0x2: {  	[smem:$0x3F97] =	sst lr;
	_ =	strace $0xD0000000  }
0x3: {  	_ = 	snop  }
0x4: {  	_ = 	snop  }
0x5: {  	_ = 	snop  }
0x6: {  	_ = 	snop  }
0x7: {  	_ = 	snop  }
__scs_overlays_trampoline_lowered:
0x8: {  	[smem:$0x3FA6] =	sst s0  }
0x9: {  	[smem:$0x3FA7] =	sst s1  }
0xa: {  	[smem:$0x3FA8] =	sst s2  }
0xb: {  	[smem:$0x3FA9] =	sst s3  }
0xc: {  	[smem:$0x3FAA] =	sst s4  }
0xd: {  	[smem:$0x3FAB] =	sst s5  }
0xe: {  	[smem:$0x3FAC] =	sst s6  }
0xf: {  	[smem:$0x3FAD] =	sst s7  }
0x10: {  	[smem:$0x3FAE] =	sst s8  }
0x11: {  	[smem:$0x3FAF] =	sst s9;
	s0 =	simm.s32 @!p0 $0x0  }
0x12: {  	s1 =	sld [smem:$0x3F95];
	s0 =	simm.s32 @p0 $0x1  }
0x13: {  	[smem:$0x3FB0] =	sst s0;
	s0 =	simm.s32 @!p1 $0x0  }
0x14: {  	s2 =	sld [smem:$0x3F94];
	s0 =	simm.s32 @p1 $0x1  }
0x15: {  	[smem:$0x3FB1] =	sst s0;
	s0 =	simm.s32 @!p2 $0x0  }
0x16: {  	s3 =	sld [smem:$0x3FDB];
	s0 =	simm.s32 @p2 $0x1  }
0x17: {  	s4 =	simm.s32 $0x1BF5;
	[smem:$0x3FB3] =	sst s0  }
0x18: {  	s0 =	sld [smem:$0x3F96];
	_ =	swait.ge [sflag:s4], $0x0  }
0x19: {  	s7 =	sld [smem:$0x3F97]  }
0x1a: {  	s8 =	sadd.s32 $0xFFFFE003, lr  }
0x1b: {  	s9 =	sadd.s32 $0xFFFFFEF7, lr;
	s5 =	simm.s32 $0xFFFFFFFF;
	p2 =	slt.u32 s8, $0xFFFFF086  }
0x1c: {  	p1 =	slt.u32 s9, $0xF7A;
	s5 =	simm.s32 @!p2 $0x0  }
0x1d: {  	s5 =	simm.s32 @p1 $0x1;
	p0 =	seq.s32 s7, s2  }
0x1e: {  	s7 =	smul.u32 @!p0 $0xF7A, s2;
	p2 =	seq.s32 @!p0 s5, $0x0  }
0x1f: {  	s9 =	smul.u32 $0xF7A, s1;
	s8 =	simm.s32 @!p0 $0x1BF5;
	p2 =	por !p2, p0  }
0x20: {  	[sflag:s8] =	ssyncset.s32 @!p0 $0xFFFFF086;
	s6 =	sadd.s32 @!p0 s3, s7;
	s7 =	simm.s32 @!p0 $0x108  }
0x21: {  	s3 =	sadd.s32 s3, s9;
	s6 =	sadd.s32 @!p0 $0x88, s6;
	s7 =	simm.s32 @p2 $0x1082  }
0x22: {  	[simem:s7], [sflag:s8] =	dma.local @!p0 [hbm:s6], $0xF7A  }
0x23: {  	s9 =	sor.u32 $0xD0000000, s2;
	s6 =	simm.s32 $0x108;
	_ =	swait.ge @!p0 [sflag:s8], $0x0  }
0x24: {  	s3 =	sadd.s32 $0x88, s3;
	s6 =	simm.s32 @!p1 $0x1082;
	[sflag:s4] =	ssyncset.s32 $0xFFFFF086  }
0x25: {  	[simem:s6], [sflag:s4] =	dma.local [hbm:s3], $0xF7A  }
0x26: {  	[smem:$0x3F97] =	sst s1;
	(tag) =	ssettag s2;
	_ =	strace s9  }
0x27: {  	s1 =	sld [smem:$0x3FA7]  }
0x28: {  	s2 =	sld [smem:$0x3FA8]  }
0x29: {  	s4 =	sld [smem:$0x3FAA]  }
0x2a: {  	p0 =	seq.s32 s5, $0x0;
	s5 =	sld [smem:$0x3FAB]  }
0x2b: {  	s6 =	sld [smem:$0x3FAC]  }
0x2c: {  	s7 =	sld [smem:$0x3FAD]  }
0x2d: {  	s3 =	simm.s32 $0x108;
	s8 =	sld [smem:$0x3FAE]  }
0x2e: {  	s3 =	simm.s32 @!p0 $0x1082;
	s9 =	sld [smem:$0x3FAF]  }
0x2f: {  	lr =	sadd.s32 s0, s3;
	s0 =	sld [smem:$0x3FA6]  }
0x30: {  	s3 =	sld [smem:$0x3FA9]  }
0x31: {  	[smem:$0x3FB2] =	sst s10  }
0x32: {  	s10 =	sld [smem:$0x3FB0];
	_ =	sdelay $0x3  }
0x33: {  	p0 =	seq.s32 s10, $0x1;
	s10 =	sld [smem:$0x3FB2];
	_ =	sdelay $0x3  }
0x34: {  	[smem:$0x3FB2] =	sst s10  }
0x35: {  	s10 =	sld [smem:$0x3FB1];
	_ =	sdelay $0x3  }
0x36: {  	p1 =	seq.s32 s10, $0x1;
	s10 =	sld [smem:$0x3FB2];
	_ =	sdelay $0x3  }
0x37: {  	[smem:$0x3FB2] =	sst s10  }
0x38: {  	s10 =	sld [smem:$0x3FB3]  }
0x39: {  	_ = 	snop;
	(pc) =	sbr.ind lr, $3  }
0x3a: {  	_ = 	snop  }
0x3b: {  	_ = 	snop  }
0x3c: {  	p2 =	seq.s32 s10, $0x1;
	s10 =	sld [smem:$0x3FB2]  }
0x3d: {  	_ =	shalt  }
0x3e: {  	_ =	shalt  }
0x3f: {  	_ =	shalt  }
0x40: {  	_ =	shalt  }
0x41: {  	_ =	shalt  }
0x42: {  	_ =	shalt  }
0x43: {  	_ =	shalt  }
0x44: {  	_ =	shalt  }
0x45: {  	_ =	shalt  }
0x46: {  	_ =	shalt  }
0x47: {  	_ =	shalt  }
0x48: {  	_ =	shalt  }
0x49: {  	_ =	shalt  }
0x4a: {  	_ =	shalt  }
0x4b: {  	_ =	shalt  }
0x4c: {  	_ =	shalt  }
0x4d: {  	_ =	shalt  }
0x4e: {  	_ =	shalt  }
0x4f: {  	_ =	shalt  }
0x50: {  	_ =	shalt  }
0x51: {  	_ =	shalt  }
0x52: {  	_ =	shalt  }
0x53: {  	_ =	shalt  }
0x54: {  	_ =	shalt  }
0x55: {  	_ =	shalt  }
0x56: {  	_ =	shalt  }
0x57: {  	_ =	shalt  }
0x58: {  	_ =	shalt  }
0x59: {  	_ =	shalt  }
0x5a: {  	_ =	shalt  }
0x5b: {  	_ =	shalt  }
0x5c: {  	_ =	shalt  }
0x5d: {  	_ =	shalt  }
0x5e: {  	_ =	shalt  }
0x5f: {  	_ =	shalt  }
0x60: {  	_ =	shalt  }
0x61: {  	_ =	shalt  }
0x62: {  	_ =	shalt  }
0x63: {  	_ =	shalt  }
0x64: {  	_ =	shalt  }
0x65: {  	_ =	shalt  }
0x66: {  	_ =	shalt  }
0x67: {  	_ =	shalt  }
0x68: {  	_ =	shalt  }
0x69: {  	_ =	shalt  }
0x6a: {  	_ =	shalt  }
0x6b: {  	_ =	shalt  }
0x6c: {  	_ =	shalt  }
0x6d: {  	_ =	shalt  }
0x6e: {  	_ =	shalt  }
0x6f: {  	_ =	shalt  }
0x70: {  	_ =	shalt  }
0x71: {  	_ =	shalt  }
0x72: {  	_ =	shalt  }
0x73: {  	_ =	shalt  }
0x74: {  	_ =	shalt  }
0x75: {  	_ =	shalt  }
0x76: {  	_ =	shalt  }
0x77: {  	_ =	shalt  }
0x78: {  	_ =	shalt  }
0x79: {  	_ =	shalt  }
0x7a: {  	_ =	shalt  }
0x7b: {  	_ =	shalt  }
0x7c: {  	_ =	shalt  }
0x7d: {  	_ =	shalt  }
0x7e: {  	_ =	shalt  }
0x7f: {  	_ =	shalt  }
0x80: {  	_ =	shalt  }
0x81: {  	_ =	shalt  }
0x82: {  	_ =	shalt  }
0x83: {  	_ =	shalt  }
0x84: {  	_ =	shalt  }
0x85: {  	_ =	shalt  }
0x86: {  	_ =	shalt  }
0x87: {  	_ =	shalt  }
.Lfunc_end0:
.L_simem_size_0:
called_computation_lowered:
.L_overlay_start_0:
0x88: {  	s2 =	sld [smem:$0x3FD9]  }
0x89: {  	s3 =	sld [smem:$0x3FFE];
	_ =	sdelay $0x1  }
0x8a: {  	s1 =	srdreg.scid  }
0x8b: {  	s0 =	sand.u32 $0x1, s1  }
0x8c: {  	s17 =	sshll.u32 s0, $0xA;
	s2 =	sadd.s32 s3, s2  }
0x8d: {  	s2 =	sadd.s32 s2, s17  }
0x8e: {  	[smem:$0x3FBE] =	sst s2  }
0x8f: {  	_ = 	snop  }
0x90: {  	s2 =	sld [smem:$0x3FD0];
	(tm) =	ssettm $0x1  }
0x91: {  	s18 =	sld [smem:$0x3FFB];
	_ =	sdelay $0x3  }
0x92: {  	_ =	strace s18  }
0x93: {  	s3 =	sld [smem:$0x3FFC];
	_ =	sdelay $0x3  }
0x94: {  	_ =	strace s3  }
0x95: {  	s3 =	sld [smem:$0x3FFD];
	_ =	sdelay $0x3  }
0x96: {  	_ =	strace s3  }
0x97: {  	_ =	strace $0x8FFFFFFF  }
0x98: {  	s19 =	sld [smem:$0x3FDB];
	_ =	sdelay $0x1  }
0x99: {  	s4 =	simm.s32 $_scs_section_size  }
0x9a: {  	s5 =	simm.s32 $_size__tile_overlayer_lowered;
	s6 =	simm.s32 $_tile_overlayer_lowered  }
0x9b: {  	s22 =	simm.s32 $0x1BFF;
	s21 =	sshll.u32 s6, $0x1;
	s3 =	sadd.s32 s4, s19  }
0x9c: {  	s7 =	simm.s32 $0x0;
	s20 =	sshll.u32 s5, $0x1;
	s5 =	sadd.s32 s21, s3  }
0x9d: {  	[timem:s7], [sflag:s22] =	dma.local [hbm:s5], s20  }
0x9e: {  	_ =	swait.ge [sflag:s22], s20  }
0x9f: {  	s4 =	ssub.s32 $0x0, s20;
	[sflag:s22] =	ssyncset.done $0x0  }
0xa0: {  	[sflag:s22] =	ssyncadd.s32 s4;
	_ =	sdelay $0x1  }
0xa1: {  	s23 =	simm.s32 $0x1B8B  }
0xa2: {  	_ =	swait.ge [sflag:s23], $0x1  }
0xa3: {  	[sflag:s23] =	ssyncset.done $0x0  }
0xa4: {  	s25 =	simm.s32 $0x1B8E;
	s24 =	sld [smem:$0x3FFE];
	[sflag:s23] =	ssyncadd.s32 $0xFFFFFFFF  }
0xa5: {  	s26 =	simm.s32 $execute0_lowered;
	[smem:$0x3FD2] =	sst s25  }
0xa6: {  	s5 =	sshll.u32 s26, $0x1;
	_ =	strace $0x80000046;
	[dreg:$0x1] =	wrdreg $0xFFFFFFFF  }
0xa7: {  	s28 =	simm.s32 $_size_execute0_lowered;
	s3 =	sadd.s32 s3, s5;
	[dreg:$0x0] =	wrdreg $0x0  }
0xa8: {  	s5 =	sshll.u32 s28, $0x1;
	[dreg:$0x2] =	wrdreg s3  }
0xa9: {  	[dreg:$0x3] =	wrdreg s5  }
0xaa: {  	[dreg:$0x4] =	wrdreg $0xC0  }
0xab: {  	_ =	task [dreg:s7], $0x5FFFF  }
0xac: {  	[dreg:$0x1] =	wrdreg $0xFFFFFFFF  }
0xad: {  	[dreg:$0x0] =	wrdreg $0x60  }
0xae: {  	[dreg:$0x2] =	wrdreg s24  }
0xaf: {  	[dreg:$0x3] =	wrdreg s2  }
0xb0: {  	[dreg:$0x4] =	wrdreg $0x112000  }
0xb1: {  	[dreg:$0x5] =	wrdreg $0x9  }
0xb2: {  	_ =	task.clear_ibuf [dreg:s7], $0x6FFFF;
	_ =	strace $0x90000046  }
0xb3: {  	s29 =	simm.s32 $0x9;
	_ =	strace $0x80000048  }
0xb4: {  	_ =	swait.ge [sflag:s29], $0x1  }
0xb5: {  	[sflag:s29] =	ssyncadd.s32 $0xFFFFFFFF  }
0xb6: {  	_ =	strace $0x90000048  }
0xb7: {  	_ =	sfence  }
0xb8: {  	s30 =	sld [smem:$0x0];
	_ =	sdelay $0x2  }
0xb9: {  	s31 =	sshll.u32 s1, $0xD;
	s1 =	sshrl.u32 s1, $0x2  }
0xba: {  	s3 =	sand.u32 $0x4000, s31;
	s1 =	sadd.s32 s1, s30  }
0xbb: {  	s0 =	sor.u32 s3, s0;
	s1 =	sshll.u32 s1, $0x11  }
0xbc: {  	s0 =	sor.u32 s1, s0  }
0xbd: {  	s0 =	sadd.s32 $0x8F2B, s0  }
0xbe: {  	[sflag:s0] =	ssyncadd.remote.s32 $0x1  }
0xbf: {  	_ =	sfence.sel $0xFFFF  }
0xc0: {  	[dreg:$0x0] =	wrdreg $0xFFFFFFFF;
	(pc) =	sbr.abs _section_cstart, $3  }
0xc1: {  	[dreg:$0x1] =	wrdreg $0xFFFFFFFF  }
0xc2: {  	_ =	task.clear_ibuf [dreg:s7], $0x2FFFF;
	_ =	strace $0x9FFFFFFF  }
0xc3: {  	(tm) =	ssettm $0x7FFFFFFF  }
tec
execute0_lowered:
.L_overlay_start_1:
0x0: {  	(tag) =	ssettag $0x1  }
0x1: {  	s0 =	srdreg.scid;
	s1 =	rddreg [dreg:$0x0]  }
0x2: {  	s8 =	stileid.u32;
	s2 =	rddreg [dreg:$0x1]  }
0x3: {  	s5 =	simm.s32 $0x0;
	s19 =	simm.s32 $0xD;
	s17 =	simm.s32 $0x5200  }
0x4: {  	s18 =	simm.s32 $0x80;
	s28 =	simm.s32 $0x2;
	s29 =	simm.s32 $0x6  }
0x5: {  	s30 =	simm.s32 $0xCA00;
	s16 =	simm.s32 $0x4;
	s0 =	sand.u32 $0x1, s0  }
0x6: {  	s3 =	sshll.u32 s8, $0x1;
	s6 =	smul.u32 $0xC580, s8;
	[smem:$0x7FF] =	sst s5  }
0x7: {  	s8 =	smul.u32 $0x31600, s8;
	s5 =	sadd.s32 $0x1600, s1;
	s4 =	sor.u32 s0, s3  }
0x8: {  	s3 =	rddreg [dreg:$0x2];
	s20 =	smul.u32 $0xC5800, s0;
	s0 =	ssub.s32 $0x2, s0  }
0x9: {  	_ =	strace $0x80000047;
	s4 =	smul.u32 $0x500, s4;
	s21 =	sshrl.u32 s0, $0x1  }
0xa: {  	s8 =	sshrl.u32 s8, $0x2;
	s15 =	sadd.s32 s6, s3;
	s7 =	sadd.s32 s6, s20  }
0xb: {  	s0 =	ssub.s32 s0, s21;
	s23 =	sadd.s32 s8, s3;
	s20 =	simm.s32 $0x7A00  }
0xc: {  	s21 =	simm.s32 $0x7;
	s6 =	simm.s32 $0xA;
	s8 =	simm.s32 $0x0  }
0xd: {  	[dreg:$0x6] =	wrdreg s15;
	s4 =	sadd.s32 s4, s1;
	s24 =	sadd.s32 $0x2800, s23  }
0xe: {  	s7 =	sshrl.u32 s7, $0x3;
	s25 =	sadd.s32 $0x5000, s23;
	[dreg:$0x7] =	wrdreg s24  }
0xf: {  	s26 =	sadd.s32 $0x7800, s23;
	s31 =	sadd.s32 $0xA000, s23;
	[dreg:$0x8] =	wrdreg s25  }
0x10: {  	s0 =	smax.u32 s0, $0x1;
	s23 =	simm.s32 $0x1;
	[dreg:$0x9] =	wrdreg s26  }
0x11: {  	s1 =	sadd.s32 s7, s1;
	s22 =	sadd.s32 $0x24000, s4;
	[dreg:$0xa] =	wrdreg s31  }
0x12: {  	s4 =	sadd.s32 $0x19E00, s4;
	[dreg:$0xc] =	wrdreg s0;
	s24 =	simm.s32 $0x5  }
0x13: {  	v1 =	vlaneseq.u32;
	s25 =	simm.s32 $0xA200;
	s0 =	simm.s32 $0x9;
	[dreg:$0x4] =	wrdreg s22  }
0x14: {  	v0 =	vimm.f32 $0.0e+00;
	v1 =	vshrl.u32 v1, $0x3;
	[dreg:$0x5] =	wrdreg s4;
	s1 =	sadd.s32 $0x2E200, s1;
	s22 =	simm.s32 $0x2900  }
0x15: {  	v2 =	vor.u32 $0x2, v1;
	v3 =	vor.u32 $0x4, v1;
	v4 =	vor.u32 $0x6, v1;
	s4 =	simm.s32 $0x8;
	[dreg:$0xb] =	wrdreg s1;
	s1 =	simm.s32 $0x3  }
.LBB2_1:
0x16: {  	[dreg:$0xd] =	wrdreg s8  }
0x17: {  	s7 =	simm.s32 $0x0;
	s15 =	rddreg [dreg:$0x4]  }
0x18: {  	[tilespmem:s7], [sflag:$0xD] =	stream.linear.gather [hbm4b:s15+s7], $0x2900, $0x38;
	[tilespmem:$0x1D780] =	vst v63  }
0x19: {  	_ =	swait.ge [sflag:s19], $0x2900  }
0x1a: {  	[sflag:s19] =	ssyncset.done $0x0  }
0x1b: {  	s26 =	rddreg [dreg:$0x5];
	[sflag:s19] =	ssyncadd.s32 $0xFFFFD700  }
0x1c: {  	[tilespmem:s22], [sflag:$0xD] =	stream.linear.gather [hbm4b:s26+s7], $0x2900, $0x38;
	[tilespmem:$0x1D780] =	vst v63  }
0x1d: {  	s7 =	simm.s32 $0x0  }
0x1e: {  	s31 =	sor.u32 $0x3, s7  }
0x1f: {  	s9 =	sor.u32 $0x1, s7;
	s15 =	smul.u32 $0xCCCD, s7;
	s10 =	sand.u32 $0xFFFF, s31  }
0x20: {  	s11 =	sor.u32 $0x2, s7;
	s12 =	sand.u32 $0xFFFF, s9;
	s10 =	smul.u32 $0xCCCD, s10  }
0x21: {  	s13 =	sand.u32 $0xFFFF, s11;
	s12 =	smul.u32 $0xCCCD, s12  }
0x22: {  	s13 =	smul.u32 $0xCCCD, s13;
	s10 =	sshrl.u32 s10, $0x12  }
0x23: {  	_ =	swait.ge [sflag:s19], $0x2900;
	s14 =	smul.u32 $0x5, s10  }
0x24: {  	[sflag:s19] =	ssyncset.done $0x0;
	s12 =	sshrl.u32 s12, $0x12;
	s10 =	smul.u32 $0x140, s10  }
0x25: {  	[sflag:s19] =	ssyncadd.s32 $0xFFFFD700;
	s13 =	sshrl.u32 s13, $0x12;
	s22 =	smul.u32 $0x5, s12  }
0x26: {  	s19 =	sshrl.u32 s15, $0x12;
	s26 =	smul.u32 $0x5, s13;
	s8 =	ssub.s32 s31, s14  }
0x27: {  	s10 =	sshrl.u32 s10, $0x2;
	s31 =	smul.u32 $0x5, s19;
	s9 =	ssub.s32 s9, s22  }
0x28: {  	s11 =	ssub.s32 s11, s26;
	s8 =	sand.u32 $0xFFFF, s8;
	s15 =	sand.u32 $0xFFFF, s9  }
0x29: {  	s9 =	smul.u32 $0x140, s13;
	s8 =	sshll.u32 s8, $0x4;
	s31 =	ssub.s32 $0x0, s31  }
0x2a: {  	s10 =	sadd.s32 s8, s10;
	s8 =	smul.u32 $0x140, s12;
	s12 =	sand.u32 $0xFFFF, s11  }
0x2b: {  	s13 =	sand.u32 $0xFFFF, s31;
	s11 =	sshll.u32 s15, $0x4;
	[tilespmem:s10+$0x5200] =	vst v0;
	s10 =	smul.u32 $0x140, s19  }
.LBB2_2:
0x2c: {  	s7 =	sadd.s32 $0x4, s7;
	s13 =	sshll.u32 s13, $0x4  }
0x2d: {  	s12 =	sshll.u32 s12, $0x4;
	s8 =	sshrl.u32 s8, $0x2;
	s26 =	sor.u32 $0x3, s7  }
0x2e: {  	s14 =	sor.u32 $0x1, s7;
	s15 =	sor.u32 $0x2, s7;
	s22 =	sand.u32 $0xFFFF, s26  }
0x2f: {  	s31 =	sand.u32 $0xFFFF, s14;
	s19 =	sand.u32 $0xFFFF, s15;
	s22 =	smul.u32 $0xCCCD, s22  }
0x30: {  	s9 =	sshrl.u32 s9, $0x2;
	s10 =	sshrl.u32 s10, $0x2;
	s31 =	smul.u32 $0xCCCD, s31  }
0x31: {  	s8 =	sadd.s32 s11, s8;
	s11 =	smul.u32 $0xCCCD, s19;
	s19 =	sshrl.u32 s22, $0x12  }
0x32: {  	p0 =	slt.u32 s7, $0x27C;
	[tilespmem:s8+$0x5200] =	vst v0;
	s8 =	sadd.s32 s12, s9;
	s12 =	smul.u32 $0x5, s19  }
0x33: {  	s10 =	sadd.s32 s13, s10;
	s9 =	sshrl.u32 s31, $0x12;
	[tilespmem:s8+$0x5200] =	vst v0;
	s8 =	smul.u32 $0xCCCD, s7  }
0x34: {  	s11 =	sshrl.u32 s11, $0x12;
	[tilespmem:s10+$0x5200] =	vst v0;
	s10 =	ssub.s32 s26, s12;
	s12 =	smul.u32 $0x140, s19  }
0x35: {  	s13 =	sshrl.u32 s8, $0x12;
	s8 =	smul.u32 $0x5, s9  }
0x36: {  	s19 =	smul.u32 $0x5, s11;
	s10 =	sand.u32 $0xFFFF, s10  }
.Ltmp0:
0x37: {  	s12 =	sshrl.u32 s12, $0x2;
	s10 =	sshll.u32 s10, $0x4;
	(pc) =	sbr.rel @p0 .LBB2_2-.Ltmp0, $4  }
0x38: {  	s22 =	smul.u32 $0x5, s13;
	s14 =	ssub.s32 s14, s8;
	s10 =	sadd.s32 s10, s12  }
0x39: {  	s8 =	smul.u32 $0x140, s9;
	s14 =	sand.u32 $0xFFFF, s14;
	s12 =	ssub.s32 s15, s19;
	[tilespmem:s10+$0x5200] =	vst v0  }
0x3a: {  	s9 =	smul.u32 $0x140, s11;
	s15 =	ssub.s32 s7, s22;
	s12 =	sand.u32 $0xFFFF, s12  }
0x3b: {  	s10 =	smul.u32 $0x140, s13;
	s13 =	sand.u32 $0xFFFF, s15;
	s11 =	sshll.u32 s14, $0x4  }
0x3c: {  	s7 =	sshrl.u32 s8, $0x2  }
0x3d: {  	s22 =	sshll.u32 s12, $0x4;
	s9 =	sshrl.u32 s9, $0x2;
	s7 =	sadd.s32 s11, s7  }
0x3e: {  	s26 =	sshll.u32 s13, $0x4;
	s10 =	sshrl.u32 s10, $0x2;
	s8 =	sadd.s32 s22, s9;
	[tilespmem:s7+$0x5200] =	vst v0  }
0x3f: {  	s9 =	sadd.s32 s26, s10;
	[tilespmem:s8+$0x5200] =	vst v0  }
0x40: {  	[tilespmem:s9+$0x5200] =	vst v0  }
0x41: {  	s19 =	simm.s32 $0xD;
	s15 =	rddreg [dreg:$0x6]  }
0x42: {  	[spmem:s15] =	stream.linear.scatter [tilespmem:s17], [sflag:$0xD], $0x2800, $0x38;
	[tilespmem:$0x1D780] =	vst v63  }
0x43: {  	_ =	swait.ge [sflag:s19], $0x2800  }
0x44: {  	[sflag:s19] =	ssyncset.done $0x0  }
0x45: {  	s10 =	rddreg [dreg:$0x7];
	[sflag:s19] =	ssyncadd.s32 $0xFFFFD800  }
0x46: {  	[spmem:s10] =	stream.linear.scatter [tilespmem:s17], [sflag:$0xD], $0x2800, $0x38;
	[tilespmem:$0x1D780] =	vst v63  }
0x47: {  	_ =	swait.ge [sflag:s19], $0x2800  }
0x48: {  	[sflag:s19] =	ssyncset.done $0x0  }
0x49: {  	s11 =	rddreg [dreg:$0x8];
	[sflag:s19] =	ssyncadd.s32 $0xFFFFD800  }
0x4a: {  	[spmem:s11] =	stream.linear.scatter [tilespmem:s17], [sflag:$0xD], $0x2800, $0x38;
	[tilespmem:$0x1D780] =	vst v63  }
0x4b: {  	_ =	swait.ge [sflag:s19], $0x2800  }
0x4c: {  	[sflag:s19] =	ssyncset.done $0x0  }
0x4d: {  	s12 =	rddreg [dreg:$0x9];
	[sflag:s19] =	ssyncadd.s32 $0xFFFFD800  }
0x4e: {  	[spmem:s12] =	stream.linear.scatter [tilespmem:s17], [sflag:$0xD], $0x2800, $0x38;
	[tilespmem:$0x1D780] =	vst v63  }
0x4f: {  	_ =	swait.ge [sflag:s19], $0x2800  }
0x50: {  	[sflag:s19] =	ssyncset.done $0x0  }
0x51: {  	s13 =	rddreg [dreg:$0xa];
	[sflag:s19] =	ssyncadd.s32 $0xFFFFD800  }
0x52: {  	[spmem:s13] =	stream.linear.scatter [tilespmem:s17], [sflag:$0xD], $0x2580, $0x38;
	[tilespmem:$0x1D780] =	vst v63  }
0x53: {  	_ =	swait.ge [sflag:s19], $0x2580  }
0x54: {  	[sflag:s19] =	ssyncset.done $0x0  }
0x55: {  	[sflag:s19] =	ssyncadd.s32 $0xFFFFDA80  }
0x56: {  	s11 =	simm.s32 $0x0;
	[bflag:$0x0] =	sbarrier.arrive $0xFFFF  }
0x57: {  	[tilespmem:s17], [sflag:$0x1] =	stream.indirect.gather [hbm4b:s5+s18], $0x50, s11, s18, $0xb8;
	[tilespmem:$0x1D780] =	vst v63  }
0x58: {  	s22 =	simm.s32 $0x2900;
	s26 =	simm.s32 $0xF200  }
0x59: {  	[tilespmem:s26], [sflag:$0x5] =	stream.indirect.gather [hbm4b:s2+s18], $0x10, s22, s18, $0xb8;
	[tilespmem:$0x1D780] =	vst v63  }
0x5a: {  	_ = 	snop  }
0x5b: {  	[tilespmem:s20], [sflag:$0x2] =	stream.indirect.gather [hbm4b:s5+s18], $0x50, s18, s18, $0xb8;
	[tilespmem:$0x1D780] =	vst v63  }
0x5c: {  	s14 =	simm.s32 $0x2980;
	s31 =	simm.s32 $0xFA00  }
0x5d: {  	[tilespmem:s31], [sflag:$0x6] =	stream.indirect.gather [hbm4b:s2+s18], $0x10, s14, s18, $0xb8;
	[tilespmem:$0x1D780] =	vst v63  }
.LBB2_4:
0x5e: {  	_ =	swait.ge [sflag:s23], $0x2800  }
0x5f: {  	[sflag:s23] =	ssyncset.done $0x0  }
0x60: {  	[sflag:s23] =	ssyncadd.s32 $0xFFFFD800  }
0x61: {  	_ =	swait.ge [sflag:s24], $0x800  }
0x62: {  	[sflag:s24] =	ssyncset.done $0x0  }
0x63: {  	s13 =	simm.s32 $0x5340;
	[sflag:s24] =	ssyncadd.s32 $0xFFFFF800  }
0x64: {  	s7 =	simm.s32 $0xF240;
	v5 =	vld [tilespmem:s13+$0x130]  }
0x65: {  	v6 =	vld [tilespmem:s7+$0x30]  }
0x66: {  	v7 =	vld [tilespmem:s7+$0xFFFFFFC0]  }
0x67: {  	v8 =	vld [tilespmem:s13+$0xFFFFFF50]  }
0x68: {  	v9 =	vld [tilespmem:s7+$0xFFFFFFD0]  }
0x69: {  	v10 =	vld [tilespmem:s13+$0xFFFFFFA0]  }
0x6a: {  	v11 =	vld [tilespmem:s7+$0xFFFFFFE0]  }
0x6b: {  	v12 =	vld [tilespmem:s7+$0xFFFFFFF0]  }
0x6c: {  	v16 =	vld [tilespmem:s13+$0xFFFFFF00]  }
0x6d: {  	v14 =	vld [tilespmem:s13+$0x40];
	v5 =	vadd.f32 v6, v5  }
0x6e: {  	v6 =	vld [tilespmem:s13+$0xFFFFFFF0];
	v8 =	vadd.f32 v9, v8  }
0x6f: {  	v9 =	vld [tilespmem:s7+$0x0];
	v13 =	vmul.f32 $2.000000030e-01, v5  }
0x70: {  	v10 =	vadd.f32 v11, v10;
	v11 =	vld [tilespmem:s7+$0x10];
	vm0 =	vge.f32 v5, $0.0e+00;
	v15 =	vmul.f32 $2.000000030e-01, v8  }
0x71: {  	v7 =	vadd.f32 v7, v16;
	vm10 =	vge.f32 v8, $0.0e+00;
	v5 =	vsel vm0, v5, v13;
	v13 =	vld [tilespmem:s13+$0x90]  }
0x72: {  	v8 =	vsel vm10, v8, v15;
	v15 =	vld [tilespmem:s7+$0x20];
	v5 =	vmul.f32 $1.442695020e+00, v5  }
0x73: {  	vm11 =	vge.f32 v10, $0.0e+00;
	vm15 =	vge.f32 v7, $0.0e+00;
	v6 =	vadd.f32 v12, v6;
	v12 =	vld [tilespmem:s13+$0xE0]  }
0x74: {  	v9 =	vadd.f32 v9, v14;
	v8 =	vmul.f32 $1.442695020e+00, v8;
	(erf) = vpow2.f32 v5  }
0x75: {  	v21 =	vld [tilespmem:s13+$0xFFFFFEC0];
	v5 =	vmul.f32 $2.000000030e-01, v10;
	vm1 =	vge.f32 v6, $0.0e+00;
	v14 =	vmul.f32 $2.000000030e-01, v6  }
0x76: {  	v22 =	vld [tilespmem:s13+$0xFFFFFED0];
	vm12 =	vge.f32 v9, $0.0e+00;
	(erf) = vpow2.f32 v8;
	v11 =	vadd.f32 v11, v13  }
0x77: {  	v24 =	vld [tilespmem:s13+$0xFFFFFEE0];
	v5 =	vsel vm11, v10, v5;
	v10 =	vmul.f32 $2.000000030e-01, v9;
	v6 =	vsel vm1, v6, v14  }
0x78: {  	v26 =	vld [tilespmem:s13+$0xFFFFFEF0];
	v13 =	vmul.f32 $2.000000030e-01, v7;
	v12 =	vadd.f32 v15, v12;
	v8 =	vmul.f32 $2.000000030e-01, v11  }
0x79: {  	v17 =	vld [tilespmem:s13+$0xFFFFFF30];
	v5 =	vmul.f32 $1.442695020e+00, v5;
	v6 =	vmul.f32 $1.442695020e+00, v6;
	vm13 =	vge.f32 v11, $0.0e+00  }
0x7a: {  	v19 =	vld [tilespmem:s13+$0xFFFFFF40];
	v9 =	vsel vm12, v9, v10;
	v8 =	vsel vm13, v11, v8;
	v11 =	vmul.f32 $2.000000030e-01, v12  }
0x7b: {  	v16 =	vld [tilespmem:s13+$0xFFFFFF20];
	v7 =	vsel vm15, v7, v13;
	vm14 =	vge.f32 v12, $0.0e+00;
	v14 =	vmul.f32 $1.442695020e+00, v9  }
0x7c: {  	v15 =	vld [tilespmem:s13+$0xFFFFFF10];
	v7 =	vmul.f32 $1.442695020e+00, v7;
	v18 =	vmul.f32 $1.442695020e+00, v8;
	v8 =	vsel vm14, v12, v11  }
0x7d: {  	v10 =	vld [tilespmem:s13+$0x120];
	v20 =	vpop (erf);
	v23 =	vmul.f32 $1.442695020e+00, v8;
	(erf) = vpow2.f32 v5  }
0x7e: {  	v13 =	vld [tilespmem:s13+$0xFFFFFFC0];
	v9 =	vperm.xlane v20, v4;
	v5 =	vperm.xlane v20, v1  }
0x7f: {  	v11 =	vld [tilespmem:s13+$0xFFFFFF90];
	(erf) = vpow2.f32 v6;
	v6 =	vperm.xlane v20, v2;
	v27 =	vpop (erf)  }
0x80: {  	v12 =	vld [tilespmem:s13+$0xFFFFFFB0];
	(erf) = vpow2.f32 v7;
	v28 =	vperm.xlane v27, v1  }
0x81: {  	v8 =	vld [tilespmem:s13+$0xFFFFFF60];
	v29 =	vperm.xlane v27, v2;
	v7 =	vperm.xlane v20, v3  }
0x82: {  	[tilespmem:s13+$0x130] =	vst v20;
	v20 =	vld [tilespmem:s13+$0x50];
	v25 =	vmul.f32 v10, v9;
	(erf) = vpow2.f32 v14  }
0x83: {  	v9 =	vld [tilespmem:s13+$0xFFFFFF70];
	(erf) = vpow2.f32 v18;
	v18 =	vperm.xlane v27, v3  }
0x84: {  	v10 =	vld [tilespmem:s13+$0xFFFFFF80];
	(erf) = vpow2.f32 v23;
	v23 =	vperm.xlane v27, v4  }
0x85: {  	v14 =	vld [tilespmem:s13+$0xFFFFFFD0];
	v35 =	vmul.f32 v15, v28;
	v29 =	vmul.f32 v16, v29  }
0x86: {  	v15 =	vld [tilespmem:s13+$0xFFFFFFE0];
	v36 =	vmul.f32 v17, v18;
	v37 =	vmul.f32 v19, v23;
	v38 =	vpop (erf)  }
0x87: {  	v16 =	vld [tilespmem:s13+$0x0];
	v34 =	vperm.xlane v38, v1;
	v32 =	vperm.xlane v38, v2  }
0x88: {  	[tilespmem:s13+$0x120] =	vst v25;
	v25 =	vld [tilespmem:s13+$0x70];
	v30 =	vperm.xlane v38, v3;
	v28 =	vperm.xlane v38, v4;
	v39 =	vpop (erf)  }
0x89: {  	[tilespmem:s13+$0xFFFFFF50] =	vst v27;
	v27 =	vld [tilespmem:s13+$0xA0];
	v33 =	vperm.xlane v39, v1;
	v31 =	vperm.xlane v39, v2  }
0x8a: {  	v17 =	vld [tilespmem:s13+$0x10];
	v40 =	vpop (erf);
	v43 =	vperm.xlane v39, v3;
	v42 =	vperm.xlane v39, v4  }
0x8b: {  	v18 =	vld [tilespmem:s13+$0x20];
	[tilespmem:s13+$0xFFFFFF10] =	vst v35;
	v41 =	vperm.xlane v40, v1;
	v53 =	vperm.xlane v40, v2  }
0x8c: {  	[tilespmem:s13+$0xFFFFFF20] =	vst v29;
	v29 =	vld [tilespmem:s13+$0xB0];
	v56 =	vperm.xlane v40, v3;
	v57 =	vperm.xlane v40, v4;
	v54 =	vpop (erf)  }
0x8d: {  	v35 =	vld [tilespmem:s13+$0x80];
	[tilespmem:s13+$0xFFFFFF30] =	vst v36;
	v49 =	vperm.xlane v54, v1;
	v46 =	vperm.xlane v54, v2  }
0x8e: {  	v19 =	vld [tilespmem:s13+$0x30];
	[tilespmem:s13+$0xFFFFFF40] =	vst v37;
	v58 =	vpop (erf);
	v52 =	vperm.xlane v54, v3;
	v50 =	vperm.xlane v54, v4  }
0x8f: {  	v23 =	vld [tilespmem:s13+$0x60];
	[tilespmem:s13+$0xFFFFFFA0] =	vst v38;
	v51 =	vperm.xlane v58, v1;
	v47 =	vperm.xlane v58, v2  }
0x90: {  	v36 =	vld [tilespmem:s13+$0xC0];
	[tilespmem:s13+$0xFFFFFFF0] =	vst v39;
	v48 =	vperm.xlane v58, v3;
	v44 =	vperm.xlane v58, v4  }
0x91: {  	v37 =	vld [tilespmem:s13+$0xF0];
	[tilespmem:s13+$0x40] =	vst v54;
	v55 =	vmul.f32 v21, v41;
	v54 =	vmul.f32 v22, v53  }
0x92: {  	v38 =	vld [tilespmem:s13+$0xD0];
	[tilespmem:s13+$0xFFFFFF00] =	vst v40;
	v59 =	vpop (erf);
	v53 =	vmul.f32 v24, v56;
	v24 =	vmul.f32 v26, v57  }
0x93: {  	v22 =	vld [tilespmem:s13+$0x100];
	[tilespmem:s13+$0x90] =	vst v58;
	v45 =	vperm.xlane v59, v1;
	v40 =	vperm.xlane v59, v2  }
0x94: {  	s9 =	simm.s32 $0x0;
	s8 =	simm.s32 $0x55C0;
	v21 =	vld [tilespmem:s13+$0x110];
	[tilespmem:s13+$0xE0] =	vst v59;
	v39 =	vperm.xlane v59, v3;
	v41 =	vperm.xlane v59, v4  }
.LBB2_5:
0x95: {  	v26 =	vld [tilespmem:s8+$0x130];
	[tilespmem:s13+$0xFFFFFEC0] =	vst v55;
	v8 =	vmul.f32 v8, v34;
	v9 =	vmul.f32 v9, v32;
	s7 =	sadd.s32 $0x80, s7  }
0x96: {  	s9 =	sadd.s32 $0x8, s9;
	v10 =	vmul.f32 v10, v30;
	v11 =	vmul.f32 v11, v28;
	v32 =	vld [tilespmem:s7+$0x30];
	[tilespmem:s13+$0xFFFFFED0] =	vst v54  }
0x97: {  	v12 =	vmul.f32 v12, v33;
	v13 =	vmul.f32 v13, v31;
	p0 =	slt.u32 s9, $0x78;
	v28 =	vld [tilespmem:s7+$0xFFFFFFC0];
	[tilespmem:s13+$0xFFFFFEE0] =	vst v53  }
0x98: {  	v14 =	vmul.f32 v14, v43;
	v15 =	vmul.f32 v15, v42;
	v30 =	vld [tilespmem:s8+$0xFFFFFF50];
	[tilespmem:s13+$0xFFFFFEF0] =	vst v24  }
0x99: {  	v24 =	vld [tilespmem:s7+$0xFFFFFFD0];
	[tilespmem:s13+$0xFFFFFF60] =	vst v8;
	v8 =	vmul.f32 v16, v49;
	v16 =	vmul.f32 v17, v46  }
0x9a: {  	v17 =	vld [tilespmem:s8+$0xFFFFFFA0];
	[tilespmem:s13+$0xFFFFFF70] =	vst v9;
	v9 =	vmul.f32 v18, v52;
	v18 =	vmul.f32 v19, v50  }
0x9b: {  	v19 =	vld [tilespmem:s7+$0xFFFFFFE0];
	v26 =	vadd.f32 v32, v26;
	[tilespmem:s13+$0xFFFFFF80] =	vst v10;
	v10 =	vmul.f32 v20, v51;
	v20 =	vmul.f32 v23, v47  }
0x9c: {  	v23 =	vld [tilespmem:s8+$0xFFFFFFF0];
	[tilespmem:s13+$0xFFFFFF90] =	vst v11;
	v11 =	vmul.f32 v25, v48;
	v25 =	vmul.f32 v35, v44  }
0x9d: {  	v31 =	vld [tilespmem:s7+$0xFFFFFFF0];
	v32 =	vmul.f32 $2.000000030e-01, v26;
	[tilespmem:s13+$0xFFFFFFB0] =	vst v12;
	v12 =	vmul.f32 v27, v45  }
0x9e: {  	vm0 =	vge.f32 v26, $0.0e+00;
	v24 =	vadd.f32 v24, v30;
	v27 =	vld [tilespmem:s8+$0x40];
	[tilespmem:s13+$0xFFFFFFC0] =	vst v13;
	v13 =	vmul.f32 v29, v40  }
0x9f: {  	v30 =	vmul.f32 v38, v41;
	v29 =	vld [tilespmem:s7+$0x0];
	v26 =	vsel vm0, v26, v32;
	[tilespmem:s13+$0xFFFFFFD0] =	vst v14;
	v14 =	vmul.f32 v36, v39  }
0xa0: {  	v32 =	vmul.f32 $2.000000030e-01, v24;
	v17 =	vadd.f32 v19, v17;
	v19 =	vld [tilespmem:s8+$0x90];
	v26 =	vmul.f32 $1.442695020e+00, v26;
	[tilespmem:s13+$0xFFFFFFE0] =	vst v15  }
0xa1: {  	v5 =	vmul.f32 v37, v5;
	v6 =	vmul.f32 v22, v6;
	vm0 =	vge.f32 v24, $0.0e+00;
	v15 =	vld [tilespmem:s7+$0x10];
	[tilespmem:s13+$0x0] =	vst v8  }
0xa2: {  	v8 =	vmul.f32 $2.000000030e-01, v17;
	v23 =	vadd.f32 v31, v23;
	v31 =	vld [tilespmem:s8+$0xE0];
	(erf) = vpow2.f32 v26;
	[tilespmem:s13+$0x10] =	vst v16  }
0xa3: {  	v7 =	vmul.f32 v21, v7;
	v16 =	vsel vm0, v24, v32;
	vm0 =	vge.f32 v17, $0.0e+00;
	v32 =	vld [tilespmem:s7+$0x20];
	[tilespmem:s13+$0x20] =	vst v9  }
0xa4: {  	v9 =	vld [tilespmem:s8+$0xFFFFFF00];
	vm1 =	vge.f32 v23, $0.0e+00;
	v26 =	vmul.f32 $2.000000030e-01, v23;
	v27 =	vadd.f32 v29, v27;
	[tilespmem:s13+$0x30] =	vst v18  }
0xa5: {  	v16 =	vmul.f32 $1.442695020e+00, v16;
	v8 =	vsel vm0, v17, v8;
	v21 =	vld [tilespmem:s8+$0xFFFFFEC0];
	[tilespmem:s13+$0x50] =	vst v10  }
0xa6: {  	v22 =	vld [tilespmem:s8+$0xFFFFFED0];
	vm0 =	vge.f32 v27, $0.0e+00;
	v10 =	vmul.f32 $2.000000030e-01, v27;
	v15 =	vadd.f32 v15, v19;
	[tilespmem:s13+$0x60] =	vst v20  }
0xa7: {  	v8 =	vmul.f32 $1.442695020e+00, v8;
	v17 =	vsel vm1, v23, v26;
	v24 =	vld [tilespmem:s8+$0xFFFFFEE0];
	(erf) = vpow2.f32 v16;
	[tilespmem:s13+$0x70] =	vst v11  }
0xa8: {  	v26 =	vld [tilespmem:s8+$0xFFFFFEF0];
	vm1 =	vge.f32 v15, $0.0e+00;
	v11 =	vmul.f32 $2.000000030e-01, v15;
	v16 =	vadd.f32 v32, v31;
	[tilespmem:s13+$0x80] =	vst v25  }
0xa9: {  	v17 =	vmul.f32 $1.442695020e+00, v17;
	v10 =	vsel vm0, v27, v10;
	v9 =	vadd.f32 v28, v9;
	v18 =	vld [tilespmem:s8+$0x120];
	[tilespmem:s13+$0xA0] =	vst v12  }
0xaa: {  	v19 =	vld [tilespmem:s8+$0xFFFFFF10];
	v11 =	vsel vm1, v15, v11;
	vm0 =	vge.f32 v16, $0.0e+00;
	v12 =	vmul.f32 $2.000000030e-01, v16;
	[tilespmem:s13+$0xB0] =	vst v13  }
0xab: {  	v20 =	vmul.f32 $1.442695020e+00, v10;
	vm1 =	vge.f32 v9, $0.0e+00;
	v13 =	vmul.f32 $2.000000030e-01, v9;
	v15 =	vld [tilespmem:s8+$0xFFFFFF20];
	v23 =	vpop (erf);
	[tilespmem:s13+$0xC0] =	vst v14  }
0xac: {  	v14 =	vmul.f32 $1.442695020e+00, v11;
	v25 =	vld [tilespmem:s8+$0xFFFFFF30];
	v10 =	vsel vm0, v16, v12;
	v11 =	vperm.xlane v23, v4;
	[tilespmem:s13+$0xD0] =	vst v30  }
0xad: {  	v9 =	vsel vm1, v9, v13;
	v16 =	vld [tilespmem:s8+$0xFFFFFF40];
	v27 =	vmul.f32 $1.442695020e+00, v10;
	(erf) = vpow2.f32 v8;
	[tilespmem:s13+$0xF0] =	vst v5  }
0xae: {  	v12 =	vmul.f32 $1.442695020e+00, v9;
	v8 =	vld [tilespmem:s8+$0xFFFFFF60];
	v11 =	vmul.f32 v18, v11;
	[tilespmem:s13+$0x100] =	vst v6  }
0xaf: {  	v5 =	vperm.xlane v23, v1;
	v9 =	vld [tilespmem:s8+$0xFFFFFF70];
	(erf) = vpow2.f32 v17;
	[tilespmem:s13+$0x110] =	vst v7;
	s13 =	smov.u32 s8  }
0xb0: {  	v6 =	vperm.xlane v23, v2;
	v10 =	vld [tilespmem:s8+$0xFFFFFF80];
	[tilespmem:s8+$0x120] =	vst v11;
	(erf) = vpow2.f32 v12;
	v7 =	vpop (erf)  }
0xb1: {  	[tilespmem:s8+$0xFFFFFF50] =	vst v7;
	v17 =	vperm.xlane v7, v1;
	v11 =	vld [tilespmem:s8+$0xFFFFFF90];
	(erf) = vpow2.f32 v20  }
0xb2: {  	v18 =	vperm.xlane v7, v2;
	v12 =	vld [tilespmem:s8+$0xFFFFFFB0];
	[tilespmem:s8+$0x130] =	vst v23;
	(erf) = vpow2.f32 v14  }
0xb3: {  	v20 =	vperm.xlane v7, v3;
	v13 =	vld [tilespmem:s8+$0xFFFFFFC0];
	(erf) = vpow2.f32 v27  }
0xb4: {  	v27 =	vperm.xlane v7, v4;
	v7 =	vperm.xlane v23, v3;
	v14 =	vld [tilespmem:s8+$0xFFFFFFD0]  }
0xb5: {  	v17 =	vmul.f32 v19, v17;
	v18 =	vmul.f32 v15, v18;
	v15 =	vld [tilespmem:s8+$0xFFFFFFE0]  }
0xb6: {  	v19 =	vmul.f32 v25, v20;
	v20 =	vmul.f32 v16, v27;
	v16 =	vld [tilespmem:s8+$0x0];
	v25 =	vpop (erf)  }
0xb7: {  	[tilespmem:s8+$0xFFFFFF10] =	vst v17;
	v34 =	vperm.xlane v25, v1;
	v32 =	vperm.xlane v25, v2;
	v17 =	vld [tilespmem:s8+$0x10]  }
0xb8: {  	v30 =	vperm.xlane v25, v3;
	v28 =	vperm.xlane v25, v4;
	[tilespmem:s8+$0xFFFFFF20] =	vst v18;
	v18 =	vld [tilespmem:s8+$0x20];
	v27 =	vpop (erf)  }
0xb9: {  	[tilespmem:s8+$0xFFFFFF30] =	vst v19;
	v33 =	vperm.xlane v27, v1;
	v31 =	vperm.xlane v27, v2;
	v19 =	vld [tilespmem:s8+$0x30];
	v23 =	vpop (erf)  }
0xba: {  	v53 =	vperm.xlane v23, v1;
	v54 =	vperm.xlane v23, v2;
	[tilespmem:s8+$0xFFFFFF40] =	vst v20;
	v20 =	vld [tilespmem:s8+$0x50];
	v29 =	vpop (erf)  }
0xbb: {  	v56 =	vperm.xlane v23, v3;
	v57 =	vperm.xlane v23, v4;
	[tilespmem:s8+$0xFFFFFF00] =	vst v23;
	v23 =	vld [tilespmem:s8+$0x60];
	v36 =	vpop (erf)  }
0xbc: {  	v43 =	vperm.xlane v27, v3;
	v42 =	vperm.xlane v27, v4;
	[tilespmem:s8+$0xFFFFFFA0] =	vst v25;
	v25 =	vld [tilespmem:s8+$0x70];
	v37 =	vpop (erf)  }
0xbd: {  	v49 =	vperm.xlane v29, v1;
	v46 =	vperm.xlane v29, v2;
	[tilespmem:s8+$0xFFFFFFF0] =	vst v27;
	v35 =	vld [tilespmem:s8+$0x80]  }
0xbe: {  	v52 =	vperm.xlane v29, v3;
	v50 =	vperm.xlane v29, v4;
	[tilespmem:s8+$0x40] =	vst v29;
	v27 =	vld [tilespmem:s8+$0xA0]  }
0xbf: {  	v51 =	vperm.xlane v36, v1;
	v47 =	vperm.xlane v36, v2;
	[tilespmem:s8+$0x90] =	vst v36;
	v29 =	vld [tilespmem:s8+$0xB0]  }
.Ltmp1:
0xc0: {  	v48 =	vperm.xlane v36, v3;
	v44 =	vperm.xlane v36, v4;
	[tilespmem:s8+$0xE0] =	vst v37;
	v36 =	vld [tilespmem:s8+$0xC0];
	(pc) =	sbr.rel @p0 .LBB2_5-.Ltmp1, $4  }
0xc1: {  	v45 =	vperm.xlane v37, v1;
	v40 =	vperm.xlane v37, v2;
	v38 =	vld [tilespmem:s8+$0xD0]  }
0xc2: {  	v39 =	vperm.xlane v37, v3;
	v41 =	vperm.xlane v37, v4;
	v37 =	vld [tilespmem:s8+$0xF0]  }
0xc3: {  	v55 =	vmul.f32 v21, v53;
	v54 =	vmul.f32 v22, v54;
	v22 =	vld [tilespmem:s8+$0x100]  }
0xc4: {  	v53 =	vmul.f32 v24, v56;
	v24 =	vmul.f32 v26, v57;
	s8 =	sadd.s32 $0x280, s8;
	v21 =	vld [tilespmem:s13+$0x110]  }
0xc5: {  	[tilespmem:s13+$0xFFFFFEC0] =	vst v55  }
0xc6: {  	[tilespmem:s13+$0xFFFFFED0] =	vst v54  }
0xc7: {  	v8 =	vmul.f32 v8, v34;
	[tilespmem:s13+$0xFFFFFEE0] =	vst v53  }
0xc8: {  	v9 =	vmul.f32 v9, v32;
	[tilespmem:s13+$0xFFFFFEF0] =	vst v24  }
0xc9: {  	v10 =	vmul.f32 v10, v30;
	[tilespmem:s13+$0xFFFFFF60] =	vst v8  }
0xca: {  	v8 =	vmul.f32 v11, v28;
	[tilespmem:s13+$0xFFFFFF70] =	vst v9  }
0xcb: {  	v9 =	vmul.f32 v12, v33;
	[tilespmem:s13+$0xFFFFFF80] =	vst v10  }
0xcc: {  	v10 =	vmul.f32 v13, v31;
	[tilespmem:s13+$0xFFFFFF90] =	vst v8  }
0xcd: {  	v5 =	vmul.f32 v37, v5;
	[tilespmem:s13+$0xFFFFFFB0] =	vst v9  }
0xce: {  	v6 =	vmul.f32 v22, v6;
	[tilespmem:s13+$0xFFFFFFC0] =	vst v10  }
0xcf: {  	v8 =	vmul.f32 v14, v43;
	[tilespmem:s13+$0xF0] =	vst v5  }
0xd0: {  	v9 =	vmul.f32 v15, v42;
	[tilespmem:s13+$0x100] =	vst v6  }
0xd1: {  	v10 =	vmul.f32 v16, v49;
	[tilespmem:s13+$0xFFFFFFD0] =	vst v8  }
0xd2: {  	v7 =	vmul.f32 v21, v7;
	[tilespmem:s13+$0xFFFFFFE0] =	vst v9  }
0xd3: {  	v8 =	vmul.f32 v17, v46;
	[tilespmem:s13+$0x0] =	vst v10  }
0xd4: {  	v9 =	vmul.f32 v18, v52;
	[tilespmem:s13+$0x110] =	vst v7  }
0xd5: {  	v10 =	vmul.f32 v19, v50;
	[tilespmem:s13+$0x10] =	vst v8  }
0xd6: {  	v8 =	vmul.f32 v20, v51;
	[tilespmem:s13+$0x20] =	vst v9  }
0xd7: {  	v9 =	vmul.f32 v23, v47;
	[tilespmem:s13+$0x30] =	vst v10  }
0xd8: {  	v10 =	vmul.f32 v25, v48;
	[tilespmem:s13+$0x50] =	vst v8  }
0xd9: {  	v8 =	vmul.f32 v35, v44;
	[tilespmem:s13+$0x60] =	vst v9  }
0xda: {  	v9 =	vmul.f32 v27, v45;
	[tilespmem:s13+$0x70] =	vst v10  }
0xdb: {  	v10 =	vmul.f32 v29, v40;
	[tilespmem:s13+$0x80] =	vst v8  }
0xdc: {  	v8 =	vmul.f32 v36, v39;
	[tilespmem:s13+$0xA0] =	vst v9  }
0xdd: {  	s12 =	sshll.u32 s11, $0x9;
	v9 =	vmul.f32 v38, v41;
	[tilespmem:s13+$0xB0] =	vst v10  }
0xde: {  	s14 =	sand.u32 $0x3FFFFE00, s12;
	[tilespmem:s13+$0xC0] =	vst v8  }
0xdf: {  	p0 =	seq.s32 s11, $0x0;
	s7 =	sadd.s32 $0x2900, s14;
	[tilespmem:s13+$0xD0] =	vst v9  }
0xe0: {  	[spmem:s3] =	stream.indirect.scatter.add.f32 [tilespmem:s17], [sflag:$0x9], $0x50, s7, s18, $0xb8;
	[tilespmem:$0x1D780] =	vst v63  }
0xe1: {  	s7 =	simm.s32 @!p0 $0xB  }
0xe2: {  	_ =	swait.ge @!p0 [sflag:s7], $0x2800  }
0xe3: {  	[sflag:s7] =	ssyncset.done @!p0 $0x0  }
0xe4: {  	s9 =	sor.u32 $0x100, s12;
	[sflag:s7] =	ssyncadd.s32 @!p0 $0xFFFFD800  }
0xe5: {  	[tilespmem:s25], [sflag:$0x3] =	stream.indirect.gather [hbm4b:s5+s18], $0x50, s9, s18, $0xb8;
	[tilespmem:$0x1D780] =	vst v63  }
0xe6: {  	s10 =	simm.s32 $0x10200;
	s13 =	sadd.s32 $0x2A00, s12  }
0xe7: {  	[tilespmem:s10], [sflag:$0x7] =	stream.indirect.gather [hbm4b:s2+s18], $0x10, s13, s18, $0xb8;
	[tilespmem:$0x1D780] =	vst v63  }
0xe8: {  	_ =	swait.ge [sflag:s28], $0x2800  }
0xe9: {  	[sflag:s28] =	ssyncset.done $0x0  }
0xea: {  	[sflag:s28] =	ssyncadd.s32 $0xFFFFD800  }
0xeb: {  	_ =	swait.ge [sflag:s29], $0x800  }
0xec: {  	[sflag:s29] =	ssyncset.done $0x0  }
0xed: {  	s7 =	simm.s32 $0x7B40;
	[sflag:s29] =	ssyncadd.s32 $0xFFFFF800  }
0xee: {  	s9 =	simm.s32 $0xFA40;
	v5 =	vld [tilespmem:s7+$0x130]  }
0xef: {  	v6 =	vld [tilespmem:s9+$0x30]  }
0xf0: {  	v7 =	vld [tilespmem:s9+$0xFFFFFFC0]  }
0xf1: {  	v8 =	vld [tilespmem:s7+$0xFFFFFF50]  }
0xf2: {  	v9 =	vld [tilespmem:s9+$0xFFFFFFD0]  }
0xf3: {  	v10 =	vld [tilespmem:s7+$0xFFFFFFA0]  }
0xf4: {  	v11 =	vld [tilespmem:s9+$0xFFFFFFE0]  }
0xf5: {  	v12 =	vld [tilespmem:s9+$0xFFFFFFF0]  }
0xf6: {  	v16 =	vld [tilespmem:s7+$0xFFFFFF00]  }
0xf7: {  	v14 =	vld [tilespmem:s7+$0x40];
	v5 =	vadd.f32 v6, v5  }
0xf8: {  	v6 =	vld [tilespmem:s7+$0xFFFFFFF0];
	v8 =	vadd.f32 v9, v8  }
0xf9: {  	v9 =	vld [tilespmem:s9+$0x0];
	v13 =	vmul.f32 $2.000000030e-01, v5  }
0xfa: {  	v10 =	vadd.f32 v11, v10;
	v11 =	vld [tilespmem:s9+$0x10];
	vm0 =	vge.f32 v5, $0.0e+00;
	v15 =	vmul.f32 $2.000000030e-01, v8  }
0xfb: {  	v7 =	vadd.f32 v7, v16;
	vm10 =	vge.f32 v8, $0.0e+00;
	v5 =	vsel vm0, v5, v13;
	v13 =	vld [tilespmem:s7+$0x90]  }
0xfc: {  	v8 =	vsel vm10, v8, v15;
	v15 =	vld [tilespmem:s9+$0x20];
	v5 =	vmul.f32 $1.442695020e+00, v5  }
0xfd: {  	vm11 =	vge.f32 v10, $0.0e+00;
	vm15 =	vge.f32 v7, $0.0e+00;
	v6 =	vadd.f32 v12, v6;
	v12 =	vld [tilespmem:s7+$0xE0]  }
0xfe: {  	v9 =	vadd.f32 v9, v14;
	v8 =	vmul.f32 $1.442695020e+00, v8;
	(erf) = vpow2.f32 v5  }
0xff: {  	v21 =	vld [tilespmem:s7+$0xFFFFFEC0];
	v5 =	vmul.f32 $2.000000030e-01, v10;
	vm1 =	vge.f32 v6, $0.0e+00;
	v14 =	vmul.f32 $2.000000030e-01, v6  }
0x100: {  	v22 =	vld [tilespmem:s7+$0xFFFFFED0];
	vm12 =	vge.f32 v9, $0.0e+00;
	(erf) = vpow2.f32 v8;
	v11 =	vadd.f32 v11, v13  }
0x101: {  	v24 =	vld [tilespmem:s7+$0xFFFFFEE0];
	v5 =	vsel vm11, v10, v5;
	v10 =	vmul.f32 $2.000000030e-01, v9;
	v6 =	vsel vm1, v6, v14  }
0x102: {  	v26 =	vld [tilespmem:s7+$0xFFFFFEF0];
	v13 =	vmul.f32 $2.000000030e-01, v7;
	v12 =	vadd.f32 v15, v12;
	v8 =	vmul.f32 $2.000000030e-01, v11  }
0x103: {  	v17 =	vld [tilespmem:s7+$0xFFFFFF30];
	v5 =	vmul.f32 $1.442695020e+00, v5;
	v6 =	vmul.f32 $1.442695020e+00, v6;
	vm13 =	vge.f32 v11, $0.0e+00  }
0x104: {  	v19 =	vld [tilespmem:s7+$0xFFFFFF40];
	v9 =	vsel vm12, v9, v10;
	v8 =	vsel vm13, v11, v8;
	v11 =	vmul.f32 $2.000000030e-01, v12  }
0x105: {  	v35 =	vld [tilespmem:s7+$0x80];
	v7 =	vsel vm15, v7, v13;
	vm14 =	vge.f32 v12, $0.0e+00;
	v14 =	vmul.f32 $1.442695020e+00, v9  }
0x106: {  	v36 =	vld [tilespmem:s7+$0xC0];
	v7 =	vmul.f32 $1.442695020e+00, v7;
	v18 =	vmul.f32 $1.442695020e+00, v8;
	v8 =	vsel vm14, v12, v11  }
0x107: {  	v10 =	vld [tilespmem:s7+$0x120];
	v20 =	vpop (erf);
	v23 =	vmul.f32 $1.442695020e+00, v8;
	(erf) = vpow2.f32 v5  }
0x108: {  	v16 =	vld [tilespmem:s7+$0xFFFFFF20];
	v9 =	vperm.xlane v20, v4;
	v5 =	vperm.xlane v20, v1  }
0x109: {  	v15 =	vld [tilespmem:s7+$0xFFFFFF10];
	(erf) = vpow2.f32 v6;
	v6 =	vperm.xlane v20, v2;
	v27 =	vpop (erf)  }
0x10a: {  	v13 =	vld [tilespmem:s7+$0xFFFFFFC0];
	(erf) = vpow2.f32 v7;
	v28 =	vperm.xlane v27, v1  }
0x10b: {  	v11 =	vld [tilespmem:s7+$0xFFFFFF90];
	v29 =	vperm.xlane v27, v2;
	v7 =	vperm.xlane v20, v3  }
0x10c: {  	v12 =	vld [tilespmem:s7+$0xFFFFFFB0];
	v25 =	vmul.f32 v10, v9;
	(erf) = vpow2.f32 v14  }
0x10d: {  	v8 =	vld [tilespmem:s7+$0xFFFFFF60];
	(erf) = vpow2.f32 v18;
	v18 =	vperm.xlane v27, v3  }
0x10e: {  	[tilespmem:s7+$0x130] =	vst v20;
	v20 =	vld [tilespmem:s7+$0x50];
	(erf) = vpow2.f32 v23;
	v23 =	vperm.xlane v27, v4  }
0x10f: {  	v9 =	vld [tilespmem:s7+$0xFFFFFF70];
	v49 =	vmul.f32 v15, v28;
	v29 =	vmul.f32 v16, v29  }
0x110: {  	v10 =	vld [tilespmem:s7+$0xFFFFFF80];
	v50 =	vmul.f32 v17, v18;
	v37 =	vmul.f32 v19, v23;
	v38 =	vpop (erf)  }
0x111: {  	v14 =	vld [tilespmem:s7+$0xFFFFFFD0];
	v34 =	vperm.xlane v38, v1;
	v32 =	vperm.xlane v38, v2  }
0x112: {  	v15 =	vld [tilespmem:s7+$0xFFFFFFE0];
	v30 =	vperm.xlane v38, v3;
	v28 =	vperm.xlane v38, v4;
	v39 =	vpop (erf)  }
0x113: {  	[tilespmem:s7+$0xFFFFFF50] =	vst v27;
	v16 =	vld [tilespmem:s7+$0x0];
	v33 =	vperm.xlane v39, v1;
	v31 =	vperm.xlane v39, v2  }
0x114: {  	[tilespmem:s7+$0x120] =	vst v25;
	v25 =	vld [tilespmem:s7+$0x70];
	v60 =	vpop (erf);
	v43 =	vperm.xlane v39, v3;
	v42 =	vperm.xlane v39, v4  }
0x115: {  	v27 =	vld [tilespmem:s7+$0xA0];
	[tilespmem:s7+$0xFFFFFF10] =	vst v49;
	v61 =	vperm.xlane v60, v1;
	v62 =	vperm.xlane v60, v2  }
0x116: {  	v17 =	vld [tilespmem:s7+$0x10];
	[tilespmem:s7+$0xFFFFFF20] =	vst v29;
	v56 =	vperm.xlane v60, v3;
	v57 =	vperm.xlane v60, v4;
	v63 =	vpop (erf)  }
0x117: {  	v18 =	vld [tilespmem:s7+$0x20];
	[tilespmem:s7+$0xFFFFFF30] =	vst v50;
	v49 =	vperm.xlane v63, v1;
	v46 =	vperm.xlane v63, v2  }
0x118: {  	v29 =	vld [tilespmem:s7+$0xB0];
	[tilespmem:s7+$0xFFFFFF40] =	vst v37;
	v58 =	vpop (erf);
	v52 =	vperm.xlane v63, v3;
	v50 =	vperm.xlane v63, v4  }
0x119: {  	v19 =	vld [tilespmem:s7+$0x30];
	[tilespmem:s7+$0xFFFFFFA0] =	vst v38;
	v51 =	vperm.xlane v58, v1;
	v47 =	vperm.xlane v58, v2  }
0x11a: {  	v23 =	vld [tilespmem:s7+$0x60];
	[tilespmem:s7+$0xFFFFFFF0] =	vst v39;
	v48 =	vperm.xlane v58, v3;
	v44 =	vperm.xlane v58, v4  }
0x11b: {  	v37 =	vld [tilespmem:s7+$0xF0];
	[tilespmem:s7+$0xFFFFFF00] =	vst v60;
	v55 =	vmul.f32 v21, v61;
	v54 =	vmul.f32 v22, v62  }
0x11c: {  	v38 =	vld [tilespmem:s7+$0xD0];
	[tilespmem:s7+$0x40] =	vst v63;
	v59 =	vpop (erf);
	v53 =	vmul.f32 v24, v56;
	v24 =	vmul.f32 v26, v57  }
0x11d: {  	v22 =	vld [tilespmem:s7+$0x100];
	[tilespmem:s7+$0x90] =	vst v58;
	v45 =	vperm.xlane v59, v1;
	v40 =	vperm.xlane v59, v2  }
0x11e: {  	s8 =	simm.s32 $0x0;
	s10 =	simm.s32 $0x7DC0;
	v21 =	vld [tilespmem:s7+$0x110];
	[tilespmem:s7+$0xE0] =	vst v59;
	v39 =	vperm.xlane v59, v3;
	v41 =	vperm.xlane v59, v4  }
.LBB2_7:
0x11f: {  	v26 =	vld [tilespmem:s10+$0x130];
	[tilespmem:s7+$0xFFFFFEC0] =	vst v55;
	v8 =	vmul.f32 v8, v34;
	v9 =	vmul.f32 v9, v32;
	s9 =	sadd.s32 $0x80, s9  }
0x120: {  	s8 =	sadd.s32 $0x8, s8;
	v10 =	vmul.f32 v10, v30;
	v11 =	vmul.f32 v11, v28;
	v32 =	vld [tilespmem:s9+$0x30];
	[tilespmem:s7+$0xFFFFFED0] =	vst v54  }
0x121: {  	v12 =	vmul.f32 v12, v33;
	v13 =	vmul.f32 v13, v31;
	p1 =	slt.u32 s8, $0x78;
	v28 =	vld [tilespmem:s9+$0xFFFFFFC0];
	[tilespmem:s7+$0xFFFFFEE0] =	vst v53  }
0x122: {  	v14 =	vmul.f32 v14, v43;
	v15 =	vmul.f32 v15, v42;
	v30 =	vld [tilespmem:s10+$0xFFFFFF50];
	[tilespmem:s7+$0xFFFFFEF0] =	vst v24  }
0x123: {  	v24 =	vld [tilespmem:s9+$0xFFFFFFD0];
	[tilespmem:s7+$0xFFFFFF60] =	vst v8;
	v8 =	vmul.f32 v16, v49;
	v16 =	vmul.f32 v17, v46  }
0x124: {  	v17 =	vld [tilespmem:s10+$0xFFFFFFA0];
	[tilespmem:s7+$0xFFFFFF70] =	vst v9;
	v9 =	vmul.f32 v18, v52;
	v18 =	vmul.f32 v19, v50  }
0x125: {  	v19 =	vld [tilespmem:s9+$0xFFFFFFE0];
	v26 =	vadd.f32 v32, v26;
	[tilespmem:s7+$0xFFFFFF80] =	vst v10;
	v10 =	vmul.f32 v20, v51;
	v20 =	vmul.f32 v23, v47  }
0x126: {  	v23 =	vld [tilespmem:s10+$0xFFFFFFF0];
	[tilespmem:s7+$0xFFFFFF90] =	vst v11;
	v11 =	vmul.f32 v25, v48;
	v25 =	vmul.f32 v35, v44  }
0x127: {  	v31 =	vld [tilespmem:s9+$0xFFFFFFF0];
	v32 =	vmul.f32 $2.000000030e-01, v26;
	[tilespmem:s7+$0xFFFFFFB0] =	vst v12;
	v12 =	vmul.f32 v27, v45  }
0x128: {  	vm0 =	vge.f32 v26, $0.0e+00;
	v24 =	vadd.f32 v24, v30;
	v27 =	vld [tilespmem:s10+$0x40];
	[tilespmem:s7+$0xFFFFFFC0] =	vst v13;
	v13 =	vmul.f32 v29, v40  }
0x129: {  	v30 =	vmul.f32 v38, v41;
	v29 =	vld [tilespmem:s9+$0x0];
	v26 =	vsel vm0, v26, v32;
	[tilespmem:s7+$0xFFFFFFD0] =	vst v14;
	v14 =	vmul.f32 v36, v39  }
0x12a: {  	v32 =	vmul.f32 $2.000000030e-01, v24;
	v17 =	vadd.f32 v19, v17;
	v19 =	vld [tilespmem:s10+$0x90];
	v26 =	vmul.f32 $1.442695020e+00, v26;
	[tilespmem:s7+$0xFFFFFFE0] =	vst v15  }
0x12b: {  	v5 =	vmul.f32 v37, v5;
	v6 =	vmul.f32 v22, v6;
	vm0 =	vge.f32 v24, $0.0e+00;
	v15 =	vld [tilespmem:s9+$0x10];
	[tilespmem:s7+$0x0] =	vst v8  }
0x12c: {  	v8 =	vmul.f32 $2.000000030e-01, v17;
	v23 =	vadd.f32 v31, v23;
	v31 =	vld [tilespmem:s10+$0xE0];
	(erf) = vpow2.f32 v26;
	[tilespmem:s7+$0x10] =	vst v16  }
0x12d: {  	v7 =	vmul.f32 v21, v7;
	v16 =	vsel vm0, v24, v32;
	vm0 =	vge.f32 v17, $0.0e+00;
	v32 =	vld [tilespmem:s9+$0x20];
	[tilespmem:s7+$0x20] =	vst v9  }
0x12e: {  	v9 =	vld [tilespmem:s10+$0xFFFFFF00];
	vm1 =	vge.f32 v23, $0.0e+00;
	v26 =	vmul.f32 $2.000000030e-01, v23;
	v27 =	vadd.f32 v29, v27;
	[tilespmem:s7+$0x30] =	vst v18  }
0x12f: {  	v16 =	vmul.f32 $1.442695020e+00, v16;
	v8 =	vsel vm0, v17, v8;
	v21 =	vld [tilespmem:s10+$0xFFFFFEC0];
	[tilespmem:s7+$0x50] =	vst v10  }
0x130: {  	v22 =	vld [tilespmem:s10+$0xFFFFFED0];
	vm0 =	vge.f32 v27, $0.0e+00;
	v10 =	vmul.f32 $2.000000030e-01, v27;
	v15 =	vadd.f32 v15, v19;
	[tilespmem:s7+$0x60] =	vst v20  }
0x131: {  	v8 =	vmul.f32 $1.442695020e+00, v8;
	v17 =	vsel vm1, v23, v26;
	v24 =	vld [tilespmem:s10+$0xFFFFFEE0];
	(erf) = vpow2.f32 v16;
	[tilespmem:s7+$0x70] =	vst v11  }
0x132: {  	v26 =	vld [tilespmem:s10+$0xFFFFFEF0];
	vm1 =	vge.f32 v15, $0.0e+00;
	v11 =	vmul.f32 $2.000000030e-01, v15;
	v16 =	vadd.f32 v32, v31;
	[tilespmem:s7+$0x80] =	vst v25  }
0x133: {  	v17 =	vmul.f32 $1.442695020e+00, v17;
	v10 =	vsel vm0, v27, v10;
	v9 =	vadd.f32 v28, v9;
	v18 =	vld [tilespmem:s10+$0x120];
	[tilespmem:s7+$0xA0] =	vst v12  }
0x134: {  	v19 =	vld [tilespmem:s10+$0xFFFFFF10];
	v11 =	vsel vm1, v15, v11;
	vm0 =	vge.f32 v16, $0.0e+00;
	v12 =	vmul.f32 $2.000000030e-01, v16;
	[tilespmem:s7+$0xB0] =	vst v13  }
0x135: {  	v20 =	vmul.f32 $1.442695020e+00, v10;
	vm1 =	vge.f32 v9, $0.0e+00;
	v13 =	vmul.f32 $2.000000030e-01, v9;
	v15 =	vld [tilespmem:s10+$0xFFFFFF20];
	v23 =	vpop (erf);
	[tilespmem:s7+$0xC0] =	vst v14  }
0x136: {  	v14 =	vmul.f32 $1.442695020e+00, v11;
	v25 =	vld [tilespmem:s10+$0xFFFFFF30];
	v10 =	vsel vm0, v16, v12;
	v11 =	vperm.xlane v23, v4;
	[tilespmem:s7+$0xD0] =	vst v30  }
0x137: {  	v9 =	vsel vm1, v9, v13;
	v16 =	vld [tilespmem:s10+$0xFFFFFF40];
	v27 =	vmul.f32 $1.442695020e+00, v10;
	(erf) = vpow2.f32 v8;
	[tilespmem:s7+$0xF0] =	vst v5  }
0x138: {  	v12 =	vmul.f32 $1.442695020e+00, v9;
	v8 =	vld [tilespmem:s10+$0xFFFFFF60];
	v11 =	vmul.f32 v18, v11;
	[tilespmem:s7+$0x100] =	vst v6  }
0x139: {  	v5 =	vperm.xlane v23, v1;
	v9 =	vld [tilespmem:s10+$0xFFFFFF70];
	(erf) = vpow2.f32 v17;
	[tilespmem:s7+$0x110] =	vst v7;
	s7 =	smov.u32 s10  }
0x13a: {  	v6 =	vperm.xlane v23, v2;
	v10 =	vld [tilespmem:s10+$0xFFFFFF80];
	[tilespmem:s10+$0x120] =	vst v11;
	(erf) = vpow2.f32 v12;
	v7 =	vpop (erf)  }
0x13b: {  	[tilespmem:s10+$0xFFFFFF50] =	vst v7;
	v17 =	vperm.xlane v7, v1;
	v11 =	vld [tilespmem:s10+$0xFFFFFF90];
	(erf) = vpow2.f32 v20  }
0x13c: {  	v18 =	vperm.xlane v7, v2;
	v12 =	vld [tilespmem:s10+$0xFFFFFFB0];
	[tilespmem:s10+$0x130] =	vst v23;
	(erf) = vpow2.f32 v14  }
0x13d: {  	v20 =	vperm.xlane v7, v3;
	v13 =	vld [tilespmem:s10+$0xFFFFFFC0];
	(erf) = vpow2.f32 v27  }
0x13e: {  	v27 =	vperm.xlane v7, v4;
	v7 =	vperm.xlane v23, v3;
	v14 =	vld [tilespmem:s10+$0xFFFFFFD0]  }
0x13f: {  	v17 =	vmul.f32 v19, v17;
	v18 =	vmul.f32 v15, v18;
	v15 =	vld [tilespmem:s10+$0xFFFFFFE0]  }
0x140: {  	v19 =	vmul.f32 v25, v20;
	v20 =	vmul.f32 v16, v27;
	v16 =	vld [tilespmem:s10+$0x0];
	v25 =	vpop (erf)  }
0x141: {  	[tilespmem:s10+$0xFFFFFF10] =	vst v17;
	v34 =	vperm.xlane v25, v1;
	v32 =	vperm.xlane v25, v2;
	v17 =	vld [tilespmem:s10+$0x10]  }
0x142: {  	v30 =	vperm.xlane v25, v3;
	v28 =	vperm.xlane v25, v4;
	[tilespmem:s10+$0xFFFFFF20] =	vst v18;
	v18 =	vld [tilespmem:s10+$0x20];
	v27 =	vpop (erf)  }
0x143: {  	[tilespmem:s10+$0xFFFFFF30] =	vst v19;
	v33 =	vperm.xlane v27, v1;
	v31 =	vperm.xlane v27, v2;
	v19 =	vld [tilespmem:s10+$0x30];
	v23 =	vpop (erf)  }
0x144: {  	v53 =	vperm.xlane v23, v1;
	v54 =	vperm.xlane v23, v2;
	[tilespmem:s10+$0xFFFFFF40] =	vst v20;
	v20 =	vld [tilespmem:s10+$0x50];
	v29 =	vpop (erf)  }
0x145: {  	v56 =	vperm.xlane v23, v3;
	v57 =	vperm.xlane v23, v4;
	[tilespmem:s10+$0xFFFFFF00] =	vst v23;
	v23 =	vld [tilespmem:s10+$0x60];
	v36 =	vpop (erf)  }
0x146: {  	v43 =	vperm.xlane v27, v3;
	v42 =	vperm.xlane v27, v4;
	[tilespmem:s10+$0xFFFFFFA0] =	vst v25;
	v25 =	vld [tilespmem:s10+$0x70];
	v37 =	vpop (erf)  }
0x147: {  	v49 =	vperm.xlane v29, v1;
	v46 =	vperm.xlane v29, v2;
	[tilespmem:s10+$0xFFFFFFF0] =	vst v27;
	v35 =	vld [tilespmem:s10+$0x80]  }
0x148: {  	v52 =	vperm.xlane v29, v3;
	v50 =	vperm.xlane v29, v4;
	[tilespmem:s10+$0x40] =	vst v29;
	v27 =	vld [tilespmem:s10+$0xA0]  }
0x149: {  	v51 =	vperm.xlane v36, v1;
	v47 =	vperm.xlane v36, v2;
	[tilespmem:s10+$0x90] =	vst v36;
	v29 =	vld [tilespmem:s10+$0xB0]  }
.Ltmp2:
0x14a: {  	v48 =	vperm.xlane v36, v3;
	v44 =	vperm.xlane v36, v4;
	[tilespmem:s10+$0xE0] =	vst v37;
	v36 =	vld [tilespmem:s10+$0xC0];
	(pc) =	sbr.rel @p1 .LBB2_7-.Ltmp2, $4  }
0x14b: {  	v45 =	vperm.xlane v37, v1;
	v40 =	vperm.xlane v37, v2;
	v38 =	vld [tilespmem:s10+$0xD0]  }
0x14c: {  	v39 =	vperm.xlane v37, v3;
	v41 =	vperm.xlane v37, v4;
	v37 =	vld [tilespmem:s10+$0xF0]  }
0x14d: {  	v55 =	vmul.f32 v21, v53;
	v54 =	vmul.f32 v22, v54;
	v22 =	vld [tilespmem:s10+$0x100]  }
0x14e: {  	v53 =	vmul.f32 v24, v56;
	v24 =	vmul.f32 v26, v57;
	s10 =	sadd.s32 $0x280, s10;
	v21 =	vld [tilespmem:s7+$0x110]  }
0x14f: {  	[tilespmem:s7+$0xFFFFFEC0] =	vst v55  }
0x150: {  	[tilespmem:s7+$0xFFFFFED0] =	vst v54  }
0x151: {  	v8 =	vmul.f32 v8, v34;
	[tilespmem:s7+$0xFFFFFEE0] =	vst v53  }
0x152: {  	v9 =	vmul.f32 v9, v32;
	[tilespmem:s7+$0xFFFFFEF0] =	vst v24  }
0x153: {  	v10 =	vmul.f32 v10, v30;
	[tilespmem:s7+$0xFFFFFF60] =	vst v8  }
0x154: {  	v8 =	vmul.f32 v11, v28;
	[tilespmem:s7+$0xFFFFFF70] =	vst v9  }
0x155: {  	v9 =	vmul.f32 v12, v33;
	[tilespmem:s7+$0xFFFFFF80] =	vst v10  }
0x156: {  	v10 =	vmul.f32 v13, v31;
	[tilespmem:s7+$0xFFFFFF90] =	vst v8  }
0x157: {  	v5 =	vmul.f32 v37, v5;
	[tilespmem:s7+$0xFFFFFFB0] =	vst v9  }
0x158: {  	v6 =	vmul.f32 v22, v6;
	[tilespmem:s7+$0xFFFFFFC0] =	vst v10  }
0x159: {  	v8 =	vmul.f32 v14, v43;
	[tilespmem:s7+$0xF0] =	vst v5  }
0x15a: {  	v9 =	vmul.f32 v15, v42;
	[tilespmem:s7+$0x100] =	vst v6  }
0x15b: {  	v10 =	vmul.f32 v16, v49;
	[tilespmem:s7+$0xFFFFFFD0] =	vst v8  }
0x15c: {  	v7 =	vmul.f32 v21, v7;
	[tilespmem:s7+$0xFFFFFFE0] =	vst v9  }
0x15d: {  	v8 =	vmul.f32 v17, v46;
	[tilespmem:s7+$0x0] =	vst v10  }
0x15e: {  	v9 =	vmul.f32 v18, v52;
	[tilespmem:s7+$0x110] =	vst v7  }
0x15f: {  	v10 =	vmul.f32 v19, v50;
	[tilespmem:s7+$0x10] =	vst v8  }
0x160: {  	v8 =	vmul.f32 v20, v51;
	[tilespmem:s7+$0x20] =	vst v9  }
0x161: {  	v9 =	vmul.f32 v23, v47;
	[tilespmem:s7+$0x30] =	vst v10  }
0x162: {  	v10 =	vmul.f32 v25, v48;
	[tilespmem:s7+$0x50] =	vst v8  }
0x163: {  	v8 =	vmul.f32 v35, v44;
	[tilespmem:s7+$0x60] =	vst v9  }
0x164: {  	v9 =	vmul.f32 v27, v45;
	[tilespmem:s7+$0x70] =	vst v10  }
0x165: {  	v10 =	vmul.f32 v29, v40;
	[tilespmem:s7+$0x80] =	vst v8  }
0x166: {  	v8 =	vmul.f32 v36, v39;
	[tilespmem:s7+$0xA0] =	vst v9  }
0x167: {  	v9 =	vmul.f32 v38, v41;
	[tilespmem:s7+$0xB0] =	vst v10  }
0x168: {  	[tilespmem:s7+$0xC0] =	vst v8  }
0x169: {  	s8 =	sadd.s32 $0x2980, s14;
	[tilespmem:s7+$0xD0] =	vst v9;
	s7 =	simm.s32 @!p0 $0xC  }
0x16a: {  	[spmem:s3] =	stream.indirect.scatter.add.f32 [tilespmem:s20], [sflag:$0xA], $0x50, s8, s18, $0xb8;
	[tilespmem:$0x1D780] =	vst v63  }
0x16b: {  	_ =	swait.ge @!p0 [sflag:s7], $0x2800  }
0x16c: {  	[sflag:s7] =	ssyncset.done @!p0 $0x0  }
0x16d: {  	s9 =	sor.u32 $0x180, s12;
	[sflag:s7] =	ssyncadd.s32 @!p0 $0xFFFFD800  }
0x16e: {  	[tilespmem:s30], [sflag:$0x4] =	stream.indirect.gather [hbm4b:s5+s18], $0x50, s9, s18, $0xb8;
	[tilespmem:$0x1D780] =	vst v63  }
0x16f: {  	s14 =	sadd.s32 $0x2A80, s12;
	s10 =	simm.s32 $0x10A00  }
0x170: {  	[tilespmem:s10], [sflag:$0x8] =	stream.indirect.gather [hbm4b:s2+s18], $0x10, s14, s18, $0xb8;
	[tilespmem:$0x1D780] =	vst v63  }
0x171: {  	_ =	swait.ge [sflag:s1], $0x2800  }
0x172: {  	[sflag:s1] =	ssyncset.done $0x0  }
0x173: {  	[sflag:s1] =	ssyncadd.s32 $0xFFFFD800  }
0x174: {  	_ =	swait.ge [sflag:s21], $0x800  }
0x175: {  	[sflag:s21] =	ssyncset.done $0x0  }
0x176: {  	s7 =	simm.s32 $0xA340;
	[sflag:s21] =	ssyncadd.s32 $0xFFFFF800  }
0x177: {  	s9 =	simm.s32 $0x10240;
	v5 =	vld [tilespmem:s7+$0x130]  }
0x178: {  	v6 =	vld [tilespmem:s9+$0x30]  }
0x179: {  	v7 =	vld [tilespmem:s9+$0xFFFFFFC0]  }
0x17a: {  	v8 =	vld [tilespmem:s7+$0xFFFFFF50]  }
0x17b: {  	v9 =	vld [tilespmem:s9+$0xFFFFFFD0]  }
0x17c: {  	v10 =	vld [tilespmem:s7+$0xFFFFFFA0]  }
0x17d: {  	v11 =	vld [tilespmem:s9+$0xFFFFFFE0]  }
0x17e: {  	v12 =	vld [tilespmem:s9+$0xFFFFFFF0]  }
0x17f: {  	v16 =	vld [tilespmem:s7+$0xFFFFFF00]  }
0x180: {  	v14 =	vld [tilespmem:s7+$0x40];
	v5 =	vadd.f32 v6, v5  }
0x181: {  	v6 =	vld [tilespmem:s7+$0xFFFFFFF0];
	v8 =	vadd.f32 v9, v8  }
0x182: {  	v9 =	vld [tilespmem:s9+$0x0];
	v13 =	vmul.f32 $2.000000030e-01, v5  }
0x183: {  	v10 =	vadd.f32 v11, v10;
	v11 =	vld [tilespmem:s9+$0x10];
	vm0 =	vge.f32 v5, $0.0e+00;
	v15 =	vmul.f32 $2.000000030e-01, v8  }
0x184: {  	v7 =	vadd.f32 v7, v16;
	vm10 =	vge.f32 v8, $0.0e+00;
	v5 =	vsel vm0, v5, v13;
	v13 =	vld [tilespmem:s7+$0x90]  }
0x185: {  	v8 =	vsel vm10, v8, v15;
	v15 =	vld [tilespmem:s9+$0x20];
	v5 =	vmul.f32 $1.442695020e+00, v5  }
0x186: {  	vm11 =	vge.f32 v10, $0.0e+00;
	vm15 =	vge.f32 v7, $0.0e+00;
	v6 =	vadd.f32 v12, v6;
	v12 =	vld [tilespmem:s7+$0xE0]  }
0x187: {  	v9 =	vadd.f32 v9, v14;
	v8 =	vmul.f32 $1.442695020e+00, v8;
	(erf) = vpow2.f32 v5  }
0x188: {  	v21 =	vld [tilespmem:s7+$0xFFFFFEC0];
	v5 =	vmul.f32 $2.000000030e-01, v10;
	vm1 =	vge.f32 v6, $0.0e+00;
	v14 =	vmul.f32 $2.000000030e-01, v6  }
0x189: {  	v22 =	vld [tilespmem:s7+$0xFFFFFED0];
	vm12 =	vge.f32 v9, $0.0e+00;
	(erf) = vpow2.f32 v8;
	v11 =	vadd.f32 v11, v13  }
0x18a: {  	v24 =	vld [tilespmem:s7+$0xFFFFFEE0];
	v5 =	vsel vm11, v10, v5;
	v10 =	vmul.f32 $2.000000030e-01, v9;
	v6 =	vsel vm1, v6, v14  }
0x18b: {  	v26 =	vld [tilespmem:s7+$0xFFFFFEF0];
	v13 =	vmul.f32 $2.000000030e-01, v7;
	v12 =	vadd.f32 v15, v12;
	v8 =	vmul.f32 $2.000000030e-01, v11  }
0x18c: {  	v17 =	vld [tilespmem:s7+$0xFFFFFF30];
	v5 =	vmul.f32 $1.442695020e+00, v5;
	v6 =	vmul.f32 $1.442695020e+00, v6;
	vm13 =	vge.f32 v11, $0.0e+00  }
0x18d: {  	v19 =	vld [tilespmem:s7+$0xFFFFFF40];
	v9 =	vsel vm12, v9, v10;
	v8 =	vsel vm13, v11, v8;
	v11 =	vmul.f32 $2.000000030e-01, v12  }
0x18e: {  	v35 =	vld [tilespmem:s7+$0x80];
	v7 =	vsel vm15, v7, v13;
	vm14 =	vge.f32 v12, $0.0e+00;
	v14 =	vmul.f32 $1.442695020e+00, v9  }
0x18f: {  	v36 =	vld [tilespmem:s7+$0xC0];
	v7 =	vmul.f32 $1.442695020e+00, v7;
	v18 =	vmul.f32 $1.442695020e+00, v8;
	v8 =	vsel vm14, v12, v11  }
0x190: {  	v10 =	vld [tilespmem:s7+$0x120];
	v20 =	vpop (erf);
	v23 =	vmul.f32 $1.442695020e+00, v8;
	(erf) = vpow2.f32 v5  }
0x191: {  	v16 =	vld [tilespmem:s7+$0xFFFFFF20];
	v9 =	vperm.xlane v20, v4;
	v5 =	vperm.xlane v20, v1  }
0x192: {  	v15 =	vld [tilespmem:s7+$0xFFFFFF10];
	(erf) = vpow2.f32 v6;
	v6 =	vperm.xlane v20, v2;
	v27 =	vpop (erf)  }
0x193: {  	v13 =	vld [tilespmem:s7+$0xFFFFFFC0];
	(erf) = vpow2.f32 v7;
	v28 =	vperm.xlane v27, v1  }
0x194: {  	v11 =	vld [tilespmem:s7+$0xFFFFFF90];
	v29 =	vperm.xlane v27, v2;
	v7 =	vperm.xlane v20, v3  }
0x195: {  	v12 =	vld [tilespmem:s7+$0xFFFFFFB0];
	v25 =	vmul.f32 v10, v9;
	(erf) = vpow2.f32 v14  }
0x196: {  	v8 =	vld [tilespmem:s7+$0xFFFFFF60];
	(erf) = vpow2.f32 v18;
	v18 =	vperm.xlane v27, v3  }
0x197: {  	[tilespmem:s7+$0x130] =	vst v20;
	v20 =	vld [tilespmem:s7+$0x50];
	(erf) = vpow2.f32 v23;
	v23 =	vperm.xlane v27, v4  }
0x198: {  	v9 =	vld [tilespmem:s7+$0xFFFFFF70];
	v49 =	vmul.f32 v15, v28;
	v29 =	vmul.f32 v16, v29  }
0x199: {  	v10 =	vld [tilespmem:s7+$0xFFFFFF80];
	v50 =	vmul.f32 v17, v18;
	v37 =	vmul.f32 v19, v23;
	v38 =	vpop (erf)  }
0x19a: {  	v14 =	vld [tilespmem:s7+$0xFFFFFFD0];
	v34 =	vperm.xlane v38, v1;
	v32 =	vperm.xlane v38, v2  }
0x19b: {  	v15 =	vld [tilespmem:s7+$0xFFFFFFE0];
	v30 =	vperm.xlane v38, v3;
	v28 =	vperm.xlane v38, v4;
	v39 =	vpop (erf)  }
0x19c: {  	[tilespmem:s7+$0xFFFFFF50] =	vst v27;
	v16 =	vld [tilespmem:s7+$0x0];
	v33 =	vperm.xlane v39, v1;
	v31 =	vperm.xlane v39, v2  }
0x19d: {  	[tilespmem:s7+$0x120] =	vst v25;
	v25 =	vld [tilespmem:s7+$0x70];
	v60 =	vpop (erf);
	v43 =	vperm.xlane v39, v3;
	v42 =	vperm.xlane v39, v4  }
0x19e: {  	v27 =	vld [tilespmem:s7+$0xA0];
	[tilespmem:s7+$0xFFFFFF10] =	vst v49;
	v61 =	vperm.xlane v60, v1;
	v62 =	vperm.xlane v60, v2  }
0x19f: {  	v17 =	vld [tilespmem:s7+$0x10];
	[tilespmem:s7+$0xFFFFFF20] =	vst v29;
	v56 =	vperm.xlane v60, v3;
	v57 =	vperm.xlane v60, v4;
	v63 =	vpop (erf)  }
0x1a0: {  	v18 =	vld [tilespmem:s7+$0x20];
	[tilespmem:s7+$0xFFFFFF30] =	vst v50;
	v49 =	vperm.xlane v63, v1;
	v46 =	vperm.xlane v63, v2  }
0x1a1: {  	v29 =	vld [tilespmem:s7+$0xB0];
	[tilespmem:s7+$0xFFFFFF40] =	vst v37;
	v58 =	vpop (erf);
	v52 =	vperm.xlane v63, v3;
	v50 =	vperm.xlane v63, v4  }
0x1a2: {  	v19 =	vld [tilespmem:s7+$0x30];
	[tilespmem:s7+$0xFFFFFFA0] =	vst v38;
	v51 =	vperm.xlane v58, v1;
	v47 =	vperm.xlane v58, v2  }
0x1a3: {  	v23 =	vld [tilespmem:s7+$0x60];
	[tilespmem:s7+$0xFFFFFFF0] =	vst v39;
	v48 =	vperm.xlane v58, v3;
	v44 =	vperm.xlane v58, v4  }
0x1a4: {  	v37 =	vld [tilespmem:s7+$0xF0];
	[tilespmem:s7+$0xFFFFFF00] =	vst v60;
	v55 =	vmul.f32 v21, v61;
	v54 =	vmul.f32 v22, v62  }
0x1a5: {  	v38 =	vld [tilespmem:s7+$0xD0];
	[tilespmem:s7+$0x40] =	vst v63;
	v59 =	vpop (erf);
	v53 =	vmul.f32 v24, v56;
	v24 =	vmul.f32 v26, v57  }
0x1a6: {  	v22 =	vld [tilespmem:s7+$0x100];
	[tilespmem:s7+$0x90] =	vst v58;
	v45 =	vperm.xlane v59, v1;
	v40 =	vperm.xlane v59, v2  }
0x1a7: {  	s8 =	simm.s32 $0x0;
	s10 =	simm.s32 $0xA5C0;
	v21 =	vld [tilespmem:s7+$0x110];
	[tilespmem:s7+$0xE0] =	vst v59;
	v39 =	vperm.xlane v59, v3;
	v41 =	vperm.xlane v59, v4  }
.LBB2_9:
0x1a8: {  	v26 =	vld [tilespmem:s10+$0x130];
	[tilespmem:s7+$0xFFFFFEC0] =	vst v55;
	v8 =	vmul.f32 v8, v34;
	v9 =	vmul.f32 v9, v32;
	s9 =	sadd.s32 $0x80, s9  }
0x1a9: {  	s8 =	sadd.s32 $0x8, s8;
	v10 =	vmul.f32 v10, v30;
	v11 =	vmul.f32 v11, v28;
	v32 =	vld [tilespmem:s9+$0x30];
	[tilespmem:s7+$0xFFFFFED0] =	vst v54  }
0x1aa: {  	v12 =	vmul.f32 v12, v33;
	v13 =	vmul.f32 v13, v31;
	p0 =	slt.u32 s8, $0x78;
	v28 =	vld [tilespmem:s9+$0xFFFFFFC0];
	[tilespmem:s7+$0xFFFFFEE0] =	vst v53  }
0x1ab: {  	v14 =	vmul.f32 v14, v43;
	v15 =	vmul.f32 v15, v42;
	v30 =	vld [tilespmem:s10+$0xFFFFFF50];
	[tilespmem:s7+$0xFFFFFEF0] =	vst v24  }
0x1ac: {  	v24 =	vld [tilespmem:s9+$0xFFFFFFD0];
	[tilespmem:s7+$0xFFFFFF60] =	vst v8;
	v8 =	vmul.f32 v16, v49;
	v16 =	vmul.f32 v17, v46  }
0x1ad: {  	v17 =	vld [tilespmem:s10+$0xFFFFFFA0];
	[tilespmem:s7+$0xFFFFFF70] =	vst v9;
	v9 =	vmul.f32 v18, v52;
	v18 =	vmul.f32 v19, v50  }
0x1ae: {  	v19 =	vld [tilespmem:s9+$0xFFFFFFE0];
	v26 =	vadd.f32 v32, v26;
	[tilespmem:s7+$0xFFFFFF80] =	vst v10;
	v10 =	vmul.f32 v20, v51;
	v20 =	vmul.f32 v23, v47  }
0x1af: {  	v23 =	vld [tilespmem:s10+$0xFFFFFFF0];
	[tilespmem:s7+$0xFFFFFF90] =	vst v11;
	v11 =	vmul.f32 v25, v48;
	v25 =	vmul.f32 v35, v44  }
0x1b0: {  	v31 =	vld [tilespmem:s9+$0xFFFFFFF0];
	v32 =	vmul.f32 $2.000000030e-01, v26;
	[tilespmem:s7+$0xFFFFFFB0] =	vst v12;
	v12 =	vmul.f32 v27, v45  }
0x1b1: {  	vm0 =	vge.f32 v26, $0.0e+00;
	v24 =	vadd.f32 v24, v30;
	v27 =	vld [tilespmem:s10+$0x40];
	[tilespmem:s7+$0xFFFFFFC0] =	vst v13;
	v13 =	vmul.f32 v29, v40  }
0x1b2: {  	v30 =	vmul.f32 v38, v41;
	v29 =	vld [tilespmem:s9+$0x0];
	v26 =	vsel vm0, v26, v32;
	[tilespmem:s7+$0xFFFFFFD0] =	vst v14;
	v14 =	vmul.f32 v36, v39  }
0x1b3: {  	v32 =	vmul.f32 $2.000000030e-01, v24;
	v17 =	vadd.f32 v19, v17;
	v19 =	vld [tilespmem:s10+$0x90];
	v26 =	vmul.f32 $1.442695020e+00, v26;
	[tilespmem:s7+$0xFFFFFFE0] =	vst v15  }
0x1b4: {  	v5 =	vmul.f32 v37, v5;
	v6 =	vmul.f32 v22, v6;
	vm0 =	vge.f32 v24, $0.0e+00;
	v15 =	vld [tilespmem:s9+$0x10];
	[tilespmem:s7+$0x0] =	vst v8  }
0x1b5: {  	v8 =	vmul.f32 $2.000000030e-01, v17;
	v23 =	vadd.f32 v31, v23;
	v31 =	vld [tilespmem:s10+$0xE0];
	(erf) = vpow2.f32 v26;
	[tilespmem:s7+$0x10] =	vst v16  }
0x1b6: {  	v7 =	vmul.f32 v21, v7;
	v16 =	vsel vm0, v24, v32;
	vm0 =	vge.f32 v17, $0.0e+00;
	v32 =	vld [tilespmem:s9+$0x20];
	[tilespmem:s7+$0x20] =	vst v9  }
0x1b7: {  	v9 =	vld [tilespmem:s10+$0xFFFFFF00];
	vm1 =	vge.f32 v23, $0.0e+00;
	v26 =	vmul.f32 $2.000000030e-01, v23;
	v27 =	vadd.f32 v29, v27;
	[tilespmem:s7+$0x30] =	vst v18  }
0x1b8: {  	v16 =	vmul.f32 $1.442695020e+00, v16;
	v8 =	vsel vm0, v17, v8;
	v21 =	vld [tilespmem:s10+$0xFFFFFEC0];
	[tilespmem:s7+$0x50] =	vst v10  }
0x1b9: {  	v22 =	vld [tilespmem:s10+$0xFFFFFED0];
	vm0 =	vge.f32 v27, $0.0e+00;
	v10 =	vmul.f32 $2.000000030e-01, v27;
	v15 =	vadd.f32 v15, v19;
	[tilespmem:s7+$0x60] =	vst v20  }
0x1ba: {  	v8 =	vmul.f32 $1.442695020e+00, v8;
	v17 =	vsel vm1, v23, v26;
	v24 =	vld [tilespmem:s10+$0xFFFFFEE0];
	(erf) = vpow2.f32 v16;
	[tilespmem:s7+$0x70] =	vst v11  }
0x1bb: {  	v26 =	vld [tilespmem:s10+$0xFFFFFEF0];
	vm1 =	vge.f32 v15, $0.0e+00;
	v11 =	vmul.f32 $2.000000030e-01, v15;
	v16 =	vadd.f32 v32, v31;
	[tilespmem:s7+$0x80] =	vst v25  }
0x1bc: {  	v17 =	vmul.f32 $1.442695020e+00, v17;
	v10 =	vsel vm0, v27, v10;
	v9 =	vadd.f32 v28, v9;
	v18 =	vld [tilespmem:s10+$0x120];
	[tilespmem:s7+$0xA0] =	vst v12  }
0x1bd: {  	v19 =	vld [tilespmem:s10+$0xFFFFFF10];
	v11 =	vsel vm1, v15, v11;
	vm0 =	vge.f32 v16, $0.0e+00;
	v12 =	vmul.f32 $2.000000030e-01, v16;
	[tilespmem:s7+$0xB0] =	vst v13  }
0x1be: {  	v20 =	vmul.f32 $1.442695020e+00, v10;
	vm1 =	vge.f32 v9, $0.0e+00;
	v13 =	vmul.f32 $2.000000030e-01, v9;
	v15 =	vld [tilespmem:s10+$0xFFFFFF20];
	v23 =	vpop (erf);
	[tilespmem:s7+$0xC0] =	vst v14  }
0x1bf: {  	v14 =	vmul.f32 $1.442695020e+00, v11;
	v25 =	vld [tilespmem:s10+$0xFFFFFF30];
	v10 =	vsel vm0, v16, v12;
	v11 =	vperm.xlane v23, v4;
	[tilespmem:s7+$0xD0] =	vst v30  }
0x1c0: {  	v9 =	vsel vm1, v9, v13;
	v16 =	vld [tilespmem:s10+$0xFFFFFF40];
	v27 =	vmul.f32 $1.442695020e+00, v10;
	(erf) = vpow2.f32 v8;
	[tilespmem:s7+$0xF0] =	vst v5  }
0x1c1: {  	v12 =	vmul.f32 $1.442695020e+00, v9;
	v8 =	vld [tilespmem:s10+$0xFFFFFF60];
	v11 =	vmul.f32 v18, v11;
	[tilespmem:s7+$0x100] =	vst v6  }
0x1c2: {  	v5 =	vperm.xlane v23, v1;
	v9 =	vld [tilespmem:s10+$0xFFFFFF70];
	(erf) = vpow2.f32 v17;
	[tilespmem:s7+$0x110] =	vst v7;
	s7 =	smov.u32 s10  }
0x1c3: {  	v6 =	vperm.xlane v23, v2;
	v10 =	vld [tilespmem:s10+$0xFFFFFF80];
	[tilespmem:s10+$0x120] =	vst v11;
	(erf) = vpow2.f32 v12;
	v7 =	vpop (erf)  }
0x1c4: {  	[tilespmem:s10+$0xFFFFFF50] =	vst v7;
	v17 =	vperm.xlane v7, v1;
	v11 =	vld [tilespmem:s10+$0xFFFFFF90];
	(erf) = vpow2.f32 v20  }
0x1c5: {  	v18 =	vperm.xlane v7, v2;
	v12 =	vld [tilespmem:s10+$0xFFFFFFB0];
	[tilespmem:s10+$0x130] =	vst v23;
	(erf) = vpow2.f32 v14  }
0x1c6: {  	v20 =	vperm.xlane v7, v3;
	v13 =	vld [tilespmem:s10+$0xFFFFFFC0];
	(erf) = vpow2.f32 v27  }
0x1c7: {  	v27 =	vperm.xlane v7, v4;
	v7 =	vperm.xlane v23, v3;
	v14 =	vld [tilespmem:s10+$0xFFFFFFD0]  }
0x1c8: {  	v17 =	vmul.f32 v19, v17;
	v18 =	vmul.f32 v15, v18;
	v15 =	vld [tilespmem:s10+$0xFFFFFFE0]  }
0x1c9: {  	v19 =	vmul.f32 v25, v20;
	v20 =	vmul.f32 v16, v27;
	v16 =	vld [tilespmem:s10+$0x0];
	v25 =	vpop (erf)  }
0x1ca: {  	[tilespmem:s10+$0xFFFFFF10] =	vst v17;
	v34 =	vperm.xlane v25, v1;
	v32 =	vperm.xlane v25, v2;
	v17 =	vld [tilespmem:s10+$0x10]  }
0x1cb: {  	v30 =	vperm.xlane v25, v3;
	v28 =	vperm.xlane v25, v4;
	[tilespmem:s10+$0xFFFFFF20] =	vst v18;
	v18 =	vld [tilespmem:s10+$0x20];
	v27 =	vpop (erf)  }
0x1cc: {  	[tilespmem:s10+$0xFFFFFF30] =	vst v19;
	v33 =	vperm.xlane v27, v1;
	v31 =	vperm.xlane v27, v2;
	v19 =	vld [tilespmem:s10+$0x30];
	v23 =	vpop (erf)  }
0x1cd: {  	v53 =	vperm.xlane v23, v1;
	v54 =	vperm.xlane v23, v2;
	[tilespmem:s10+$0xFFFFFF40] =	vst v20;
	v20 =	vld [tilespmem:s10+$0x50];
	v29 =	vpop (erf)  }
0x1ce: {  	v56 =	vperm.xlane v23, v3;
	v57 =	vperm.xlane v23, v4;
	[tilespmem:s10+$0xFFFFFF00] =	vst v23;
	v23 =	vld [tilespmem:s10+$0x60];
	v36 =	vpop (erf)  }
0x1cf: {  	v43 =	vperm.xlane v27, v3;
	v42 =	vperm.xlane v27, v4;
	[tilespmem:s10+$0xFFFFFFA0] =	vst v25;
	v25 =	vld [tilespmem:s10+$0x70];
	v37 =	vpop (erf)  }
0x1d0: {  	v49 =	vperm.xlane v29, v1;
	v46 =	vperm.xlane v29, v2;
	[tilespmem:s10+$0xFFFFFFF0] =	vst v27;
	v35 =	vld [tilespmem:s10+$0x80]  }
0x1d1: {  	v52 =	vperm.xlane v29, v3;
	v50 =	vperm.xlane v29, v4;
	[tilespmem:s10+$0x40] =	vst v29;
	v27 =	vld [tilespmem:s10+$0xA0]  }
0x1d2: {  	v51 =	vperm.xlane v36, v1;
	v47 =	vperm.xlane v36, v2;
	[tilespmem:s10+$0x90] =	vst v36;
	v29 =	vld [tilespmem:s10+$0xB0]  }
.Ltmp3:
0x1d3: {  	v48 =	vperm.xlane v36, v3;
	v44 =	vperm.xlane v36, v4;
	[tilespmem:s10+$0xE0] =	vst v37;
	v36 =	vld [tilespmem:s10+$0xC0];
	(pc) =	sbr.rel @p0 .LBB2_9-.Ltmp3, $4  }
0x1d4: {  	v45 =	vperm.xlane v37, v1;
	v40 =	vperm.xlane v37, v2;
	v38 =	vld [tilespmem:s10+$0xD0]  }
0x1d5: {  	v39 =	vperm.xlane v37, v3;
	v41 =	vperm.xlane v37, v4;
	v37 =	vld [tilespmem:s10+$0xF0]  }
0x1d6: {  	v55 =	vmul.f32 v21, v53;
	v54 =	vmul.f32 v22, v54;
	v22 =	vld [tilespmem:s10+$0x100]  }
0x1d7: {  	v53 =	vmul.f32 v24, v56;
	v24 =	vmul.f32 v26, v57;
	s10 =	sadd.s32 $0x280, s10;
	v21 =	vld [tilespmem:s7+$0x110]  }
0x1d8: {  	[tilespmem:s7+$0xFFFFFEC0] =	vst v55  }
0x1d9: {  	[tilespmem:s7+$0xFFFFFED0] =	vst v54  }
0x1da: {  	v8 =	vmul.f32 v8, v34;
	[tilespmem:s7+$0xFFFFFEE0] =	vst v53  }
0x1db: {  	v9 =	vmul.f32 v9, v32;
	[tilespmem:s7+$0xFFFFFEF0] =	vst v24  }
0x1dc: {  	v10 =	vmul.f32 v10, v30;
	[tilespmem:s7+$0xFFFFFF60] =	vst v8  }
0x1dd: {  	v8 =	vmul.f32 v11, v28;
	[tilespmem:s7+$0xFFFFFF70] =	vst v9  }
0x1de: {  	v9 =	vmul.f32 v12, v33;
	[tilespmem:s7+$0xFFFFFF80] =	vst v10  }
0x1df: {  	v10 =	vmul.f32 v13, v31;
	[tilespmem:s7+$0xFFFFFF90] =	vst v8  }
0x1e0: {  	v5 =	vmul.f32 v37, v5;
	[tilespmem:s7+$0xFFFFFFB0] =	vst v9  }
0x1e1: {  	v6 =	vmul.f32 v22, v6;
	[tilespmem:s7+$0xFFFFFFC0] =	vst v10  }
0x1e2: {  	v8 =	vmul.f32 v14, v43;
	[tilespmem:s7+$0xF0] =	vst v5  }
0x1e3: {  	v9 =	vmul.f32 v15, v42;
	[tilespmem:s7+$0x100] =	vst v6  }
0x1e4: {  	v10 =	vmul.f32 v16, v49;
	[tilespmem:s7+$0xFFFFFFD0] =	vst v8  }
0x1e5: {  	v7 =	vmul.f32 v21, v7;
	[tilespmem:s7+$0xFFFFFFE0] =	vst v9  }
0x1e6: {  	v8 =	vmul.f32 v17, v46;
	[tilespmem:s7+$0x0] =	vst v10  }
0x1e7: {  	v9 =	vmul.f32 v18, v52;
	[tilespmem:s7+$0x110] =	vst v7  }
0x1e8: {  	v10 =	vmul.f32 v19, v50;
	[tilespmem:s7+$0x10] =	vst v8  }
0x1e9: {  	v8 =	vmul.f32 v20, v51;
	[tilespmem:s7+$0x20] =	vst v9  }
0x1ea: {  	v9 =	vmul.f32 v23, v47;
	[tilespmem:s7+$0x30] =	vst v10  }
0x1eb: {  	v10 =	vmul.f32 v25, v48;
	[tilespmem:s7+$0x50] =	vst v8  }
0x1ec: {  	v8 =	vmul.f32 v35, v44;
	[tilespmem:s7+$0x60] =	vst v9  }
0x1ed: {  	v9 =	vmul.f32 v27, v45;
	[tilespmem:s7+$0x70] =	vst v10  }
0x1ee: {  	v10 =	vmul.f32 v29, v40;
	[tilespmem:s7+$0x80] =	vst v8  }
0x1ef: {  	v8 =	vmul.f32 v36, v39;
	[tilespmem:s7+$0xA0] =	vst v9  }
0x1f0: {  	v9 =	vmul.f32 v38, v41;
	[tilespmem:s7+$0xB0] =	vst v10  }
0x1f1: {  	[tilespmem:s7+$0xC0] =	vst v8  }
0x1f2: {  	[tilespmem:s7+$0xD0] =	vst v9  }
0x1f3: {  	[spmem:s3] =	stream.indirect.scatter.add.f32 [tilespmem:s25], [sflag:$0xB], $0x50, s13, s18, $0xb8;
	[tilespmem:$0x1D780] =	vst v63  }
0x1f4: {  	_ =	swait.ge [sflag:s0], $0x2800  }
0x1f5: {  	[sflag:s0] =	ssyncset.done $0x0  }
0x1f6: {  	s10 =	sadd.s32 $0x200, s12;
	[sflag:s0] =	ssyncadd.s32 $0xFFFFD800  }
0x1f7: {  	[tilespmem:s17], [sflag:$0x1] =	stream.indirect.gather [hbm4b:s5+s18], $0x50, s10, s18, $0xb8;
	[tilespmem:$0x1D780] =	vst v63  }
0x1f8: {  	s13 =	sadd.s32 $0x2B00, s12  }
0x1f9: {  	[tilespmem:s26], [sflag:$0x5] =	stream.indirect.gather [hbm4b:s2+s18], $0x10, s13, s18, $0xb8;
	[tilespmem:$0x1D780] =	vst v63  }
0x1fa: {  	_ =	swait.ge [sflag:s16], $0x2800  }
0x1fb: {  	[sflag:s16] =	ssyncset.done $0x0  }
0x1fc: {  	[sflag:s16] =	ssyncadd.s32 $0xFFFFD800  }
0x1fd: {  	_ =	swait.ge [sflag:s4], $0x800  }
0x1fe: {  	[sflag:s4] =	ssyncset.done $0x0  }
0x1ff: {  	s7 =	simm.s32 $0xCB40;
	[sflag:s4] =	ssyncadd.s32 $0xFFFFF800  }
0x200: {  	s9 =	simm.s32 $0x10A40;
	v5 =	vld [tilespmem:s7+$0x130]  }
0x201: {  	v6 =	vld [tilespmem:s9+$0x30]  }
0x202: {  	v7 =	vld [tilespmem:s9+$0xFFFFFFC0]  }
0x203: {  	v8 =	vld [tilespmem:s7+$0xFFFFFF50]  }
0x204: {  	v9 =	vld [tilespmem:s9+$0xFFFFFFD0]  }
0x205: {  	v10 =	vld [tilespmem:s7+$0xFFFFFFA0]  }
0x206: {  	v11 =	vld [tilespmem:s9+$0xFFFFFFE0]  }
0x207: {  	v12 =	vld [tilespmem:s9+$0xFFFFFFF0]  }
0x208: {  	v16 =	vld [tilespmem:s7+$0xFFFFFF00]  }
0x209: {  	v14 =	vld [tilespmem:s7+$0x40];
	v5 =	vadd.f32 v6, v5  }
0x20a: {  	v6 =	vld [tilespmem:s7+$0xFFFFFFF0];
	v8 =	vadd.f32 v9, v8  }
0x20b: {  	v9 =	vld [tilespmem:s9+$0x0];
	v13 =	vmul.f32 $2.000000030e-01, v5  }
0x20c: {  	v10 =	vadd.f32 v11, v10;
	v11 =	vld [tilespmem:s9+$0x10];
	vm0 =	vge.f32 v5, $0.0e+00;
	v15 =	vmul.f32 $2.000000030e-01, v8  }
0x20d: {  	v7 =	vadd.f32 v7, v16;
	vm10 =	vge.f32 v8, $0.0e+00;
	v5 =	vsel vm0, v5, v13;
	v13 =	vld [tilespmem:s7+$0x90]  }
0x20e: {  	v8 =	vsel vm10, v8, v15;
	v15 =	vld [tilespmem:s9+$0x20];
	v5 =	vmul.f32 $1.442695020e+00, v5  }
0x20f: {  	vm11 =	vge.f32 v10, $0.0e+00;
	vm15 =	vge.f32 v7, $0.0e+00;
	v6 =	vadd.f32 v12, v6;
	v12 =	vld [tilespmem:s7+$0xE0]  }
0x210: {  	v9 =	vadd.f32 v9, v14;
	v8 =	vmul.f32 $1.442695020e+00, v8;
	(erf) = vpow2.f32 v5  }
0x211: {  	v21 =	vld [tilespmem:s7+$0xFFFFFEC0];
	v5 =	vmul.f32 $2.000000030e-01, v10;
	vm1 =	vge.f32 v6, $0.0e+00;
	v14 =	vmul.f32 $2.000000030e-01, v6  }
0x212: {  	v22 =	vld [tilespmem:s7+$0xFFFFFED0];
	vm12 =	vge.f32 v9, $0.0e+00;
	(erf) = vpow2.f32 v8;
	v11 =	vadd.f32 v11, v13  }
0x213: {  	v24 =	vld [tilespmem:s7+$0xFFFFFEE0];
	v5 =	vsel vm11, v10, v5;
	v10 =	vmul.f32 $2.000000030e-01, v9;
	v6 =	vsel vm1, v6, v14  }
0x214: {  	v26 =	vld [tilespmem:s7+$0xFFFFFEF0];
	v13 =	vmul.f32 $2.000000030e-01, v7;
	v12 =	vadd.f32 v15, v12;
	v8 =	vmul.f32 $2.000000030e-01, v11  }
0x215: {  	v17 =	vld [tilespmem:s7+$0xFFFFFF30];
	v5 =	vmul.f32 $1.442695020e+00, v5;
	v6 =	vmul.f32 $1.442695020e+00, v6;
	vm13 =	vge.f32 v11, $0.0e+00  }
0x216: {  	v19 =	vld [tilespmem:s7+$0xFFFFFF40];
	v9 =	vsel vm12, v9, v10;
	v8 =	vsel vm13, v11, v8;
	v11 =	vmul.f32 $2.000000030e-01, v12  }
0x217: {  	v35 =	vld [tilespmem:s7+$0x80];
	v7 =	vsel vm15, v7, v13;
	vm14 =	vge.f32 v12, $0.0e+00;
	v14 =	vmul.f32 $1.442695020e+00, v9  }
0x218: {  	v36 =	vld [tilespmem:s7+$0xC0];
	v7 =	vmul.f32 $1.442695020e+00, v7;
	v18 =	vmul.f32 $1.442695020e+00, v8;
	v8 =	vsel vm14, v12, v11  }
0x219: {  	v10 =	vld [tilespmem:s7+$0x120];
	v20 =	vpop (erf);
	v23 =	vmul.f32 $1.442695020e+00, v8;
	(erf) = vpow2.f32 v5  }
0x21a: {  	v16 =	vld [tilespmem:s7+$0xFFFFFF20];
	v9 =	vperm.xlane v20, v4;
	v5 =	vperm.xlane v20, v1  }
0x21b: {  	v15 =	vld [tilespmem:s7+$0xFFFFFF10];
	(erf) = vpow2.f32 v6;
	v6 =	vperm.xlane v20, v2;
	v27 =	vpop (erf)  }
0x21c: {  	v13 =	vld [tilespmem:s7+$0xFFFFFFC0];
	(erf) = vpow2.f32 v7;
	v28 =	vperm.xlane v27, v1  }
0x21d: {  	v11 =	vld [tilespmem:s7+$0xFFFFFF90];
	v29 =	vperm.xlane v27, v2;
	v7 =	vperm.xlane v20, v3  }
0x21e: {  	v12 =	vld [tilespmem:s7+$0xFFFFFFB0];
	v25 =	vmul.f32 v10, v9;
	(erf) = vpow2.f32 v14  }
0x21f: {  	v8 =	vld [tilespmem:s7+$0xFFFFFF60];
	(erf) = vpow2.f32 v18;
	v18 =	vperm.xlane v27, v3  }
0x220: {  	[tilespmem:s7+$0x130] =	vst v20;
	v20 =	vld [tilespmem:s7+$0x50];
	(erf) = vpow2.f32 v23;
	v23 =	vperm.xlane v27, v4  }
0x221: {  	v9 =	vld [tilespmem:s7+$0xFFFFFF70];
	v49 =	vmul.f32 v15, v28;
	v29 =	vmul.f32 v16, v29  }
0x222: {  	v10 =	vld [tilespmem:s7+$0xFFFFFF80];
	v50 =	vmul.f32 v17, v18;
	v37 =	vmul.f32 v19, v23;
	v38 =	vpop (erf)  }
0x223: {  	v14 =	vld [tilespmem:s7+$0xFFFFFFD0];
	v34 =	vperm.xlane v38, v1;
	v32 =	vperm.xlane v38, v2  }
0x224: {  	v15 =	vld [tilespmem:s7+$0xFFFFFFE0];
	v30 =	vperm.xlane v38, v3;
	v28 =	vperm.xlane v38, v4;
	v39 =	vpop (erf)  }
0x225: {  	[tilespmem:s7+$0xFFFFFF50] =	vst v27;
	v16 =	vld [tilespmem:s7+$0x0];
	v33 =	vperm.xlane v39, v1;
	v31 =	vperm.xlane v39, v2  }
0x226: {  	[tilespmem:s7+$0x120] =	vst v25;
	v25 =	vld [tilespmem:s7+$0x70];
	v60 =	vpop (erf);
	v43 =	vperm.xlane v39, v3;
	v42 =	vperm.xlane v39, v4  }
0x227: {  	v27 =	vld [tilespmem:s7+$0xA0];
	[tilespmem:s7+$0xFFFFFF10] =	vst v49;
	v61 =	vperm.xlane v60, v1;
	v62 =	vperm.xlane v60, v2  }
0x228: {  	v17 =	vld [tilespmem:s7+$0x10];
	[tilespmem:s7+$0xFFFFFF20] =	vst v29;
	v56 =	vperm.xlane v60, v3;
	v57 =	vperm.xlane v60, v4;
	v63 =	vpop (erf)  }
0x229: {  	v18 =	vld [tilespmem:s7+$0x20];
	[tilespmem:s7+$0xFFFFFF30] =	vst v50;
	v49 =	vperm.xlane v63, v1;
	v46 =	vperm.xlane v63, v2  }
0x22a: {  	v29 =	vld [tilespmem:s7+$0xB0];
	[tilespmem:s7+$0xFFFFFF40] =	vst v37;
	v58 =	vpop (erf);
	v52 =	vperm.xlane v63, v3;
	v50 =	vperm.xlane v63, v4  }
0x22b: {  	v19 =	vld [tilespmem:s7+$0x30];
	[tilespmem:s7+$0xFFFFFFA0] =	vst v38;
	v51 =	vperm.xlane v58, v1;
	v47 =	vperm.xlane v58, v2  }
0x22c: {  	v23 =	vld [tilespmem:s7+$0x60];
	[tilespmem:s7+$0xFFFFFFF0] =	vst v39;
	v48 =	vperm.xlane v58, v3;
	v44 =	vperm.xlane v58, v4  }
0x22d: {  	v37 =	vld [tilespmem:s7+$0xF0];
	[tilespmem:s7+$0xFFFFFF00] =	vst v60;
	v55 =	vmul.f32 v21, v61;
	v54 =	vmul.f32 v22, v62  }
0x22e: {  	v38 =	vld [tilespmem:s7+$0xD0];
	[tilespmem:s7+$0x40] =	vst v63;
	v59 =	vpop (erf);
	v53 =	vmul.f32 v24, v56;
	v24 =	vmul.f32 v26, v57  }
0x22f: {  	v22 =	vld [tilespmem:s7+$0x100];
	[tilespmem:s7+$0x90] =	vst v58;
	v45 =	vperm.xlane v59, v1;
	v40 =	vperm.xlane v59, v2  }
0x230: {  	s8 =	simm.s32 $0x0;
	s10 =	simm.s32 $0xCDC0;
	v21 =	vld [tilespmem:s7+$0x110];
	[tilespmem:s7+$0xE0] =	vst v59;
	v39 =	vperm.xlane v59, v3;
	v41 =	vperm.xlane v59, v4  }
.LBB2_11:
0x231: {  	v26 =	vld [tilespmem:s10+$0x130];
	[tilespmem:s7+$0xFFFFFEC0] =	vst v55;
	v8 =	vmul.f32 v8, v34;
	v9 =	vmul.f32 v9, v32;
	s9 =	sadd.s32 $0x80, s9  }
0x232: {  	s8 =	sadd.s32 $0x8, s8;
	v10 =	vmul.f32 v10, v30;
	v11 =	vmul.f32 v11, v28;
	v32 =	vld [tilespmem:s9+$0x30];
	[tilespmem:s7+$0xFFFFFED0] =	vst v54  }
0x233: {  	v12 =	vmul.f32 v12, v33;
	v13 =	vmul.f32 v13, v31;
	p0 =	slt.u32 s8, $0x78;
	v28 =	vld [tilespmem:s9+$0xFFFFFFC0];
	[tilespmem:s7+$0xFFFFFEE0] =	vst v53  }
0x234: {  	v14 =	vmul.f32 v14, v43;
	v15 =	vmul.f32 v15, v42;
	v30 =	vld [tilespmem:s10+$0xFFFFFF50];
	[tilespmem:s7+$0xFFFFFEF0] =	vst v24  }
0x235: {  	v24 =	vld [tilespmem:s9+$0xFFFFFFD0];
	[tilespmem:s7+$0xFFFFFF60] =	vst v8;
	v8 =	vmul.f32 v16, v49;
	v16 =	vmul.f32 v17, v46  }
0x236: {  	v17 =	vld [tilespmem:s10+$0xFFFFFFA0];
	[tilespmem:s7+$0xFFFFFF70] =	vst v9;
	v9 =	vmul.f32 v18, v52;
	v18 =	vmul.f32 v19, v50  }
0x237: {  	v19 =	vld [tilespmem:s9+$0xFFFFFFE0];
	v26 =	vadd.f32 v32, v26;
	[tilespmem:s7+$0xFFFFFF80] =	vst v10;
	v10 =	vmul.f32 v20, v51;
	v20 =	vmul.f32 v23, v47  }
0x238: {  	v23 =	vld [tilespmem:s10+$0xFFFFFFF0];
	[tilespmem:s7+$0xFFFFFF90] =	vst v11;
	v11 =	vmul.f32 v25, v48;
	v25 =	vmul.f32 v35, v44  }
0x239: {  	v31 =	vld [tilespmem:s9+$0xFFFFFFF0];
	v32 =	vmul.f32 $2.000000030e-01, v26;
	[tilespmem:s7+$0xFFFFFFB0] =	vst v12;
	v12 =	vmul.f32 v27, v45  }
0x23a: {  	vm0 =	vge.f32 v26, $0.0e+00;
	v24 =	vadd.f32 v24, v30;
	v27 =	vld [tilespmem:s10+$0x40];
	[tilespmem:s7+$0xFFFFFFC0] =	vst v13;
	v13 =	vmul.f32 v29, v40  }
0x23b: {  	v30 =	vmul.f32 v38, v41;
	v29 =	vld [tilespmem:s9+$0x0];
	v26 =	vsel vm0, v26, v32;
	[tilespmem:s7+$0xFFFFFFD0] =	vst v14;
	v14 =	vmul.f32 v36, v39  }
0x23c: {  	v32 =	vmul.f32 $2.000000030e-01, v24;
	v17 =	vadd.f32 v19, v17;
	v19 =	vld [tilespmem:s10+$0x90];
	v26 =	vmul.f32 $1.442695020e+00, v26;
	[tilespmem:s7+$0xFFFFFFE0] =	vst v15  }
0x23d: {  	v5 =	vmul.f32 v37, v5;
	v6 =	vmul.f32 v22, v6;
	vm0 =	vge.f32 v24, $0.0e+00;
	v15 =	vld [tilespmem:s9+$0x10];
	[tilespmem:s7+$0x0] =	vst v8  }
0x23e: {  	v8 =	vmul.f32 $2.000000030e-01, v17;
	v23 =	vadd.f32 v31, v23;
	v31 =	vld [tilespmem:s10+$0xE0];
	(erf) = vpow2.f32 v26;
	[tilespmem:s7+$0x10] =	vst v16  }
0x23f: {  	v7 =	vmul.f32 v21, v7;
	v16 =	vsel vm0, v24, v32;
	vm0 =	vge.f32 v17, $0.0e+00;
	v32 =	vld [tilespmem:s9+$0x20];
	[tilespmem:s7+$0x20] =	vst v9  }
0x240: {  	v9 =	vld [tilespmem:s10+$0xFFFFFF00];
	vm1 =	vge.f32 v23, $0.0e+00;
	v26 =	vmul.f32 $2.000000030e-01, v23;
	v27 =	vadd.f32 v29, v27;
	[tilespmem:s7+$0x30] =	vst v18  }
0x241: {  	v16 =	vmul.f32 $1.442695020e+00, v16;
	v8 =	vsel vm0, v17, v8;
	v21 =	vld [tilespmem:s10+$0xFFFFFEC0];
	[tilespmem:s7+$0x50] =	vst v10  }
0x242: {  	v22 =	vld [tilespmem:s10+$0xFFFFFED0];
	vm0 =	vge.f32 v27, $0.0e+00;
	v10 =	vmul.f32 $2.000000030e-01, v27;
	v15 =	vadd.f32 v15, v19;
	[tilespmem:s7+$0x60] =	vst v20  }
0x243: {  	v8 =	vmul.f32 $1.442695020e+00, v8;
	v17 =	vsel vm1, v23, v26;
	v24 =	vld [tilespmem:s10+$0xFFFFFEE0];
	(erf) = vpow2.f32 v16;
	[tilespmem:s7+$0x70] =	vst v11  }
0x244: {  	v26 =	vld [tilespmem:s10+$0xFFFFFEF0];
	vm1 =	vge.f32 v15, $0.0e+00;
	v11 =	vmul.f32 $2.000000030e-01, v15;
	v16 =	vadd.f32 v32, v31;
	[tilespmem:s7+$0x80] =	vst v25  }
0x245: {  	v17 =	vmul.f32 $1.442695020e+00, v17;
	v10 =	vsel vm0, v27, v10;
	v9 =	vadd.f32 v28, v9;
	v18 =	vld [tilespmem:s10+$0x120];
	[tilespmem:s7+$0xA0] =	vst v12  }
0x246: {  	v19 =	vld [tilespmem:s10+$0xFFFFFF10];
	v11 =	vsel vm1, v15, v11;
	vm0 =	vge.f32 v16, $0.0e+00;
	v12 =	vmul.f32 $2.000000030e-01, v16;
	[tilespmem:s7+$0xB0] =	vst v13  }
0x247: {  	v20 =	vmul.f32 $1.442695020e+00, v10;
	vm1 =	vge.f32 v9, $0.0e+00;
	v13 =	vmul.f32 $2.000000030e-01, v9;
	v15 =	vld [tilespmem:s10+$0xFFFFFF20];
	v23 =	vpop (erf);
	[tilespmem:s7+$0xC0] =	vst v14  }
0x248: {  	v14 =	vmul.f32 $1.442695020e+00, v11;
	v25 =	vld [tilespmem:s10+$0xFFFFFF30];
	v10 =	vsel vm0, v16, v12;
	v11 =	vperm.xlane v23, v4;
	[tilespmem:s7+$0xD0] =	vst v30  }
0x249: {  	v9 =	vsel vm1, v9, v13;
	v16 =	vld [tilespmem:s10+$0xFFFFFF40];
	v27 =	vmul.f32 $1.442695020e+00, v10;
	(erf) = vpow2.f32 v8;
	[tilespmem:s7+$0xF0] =	vst v5  }
0x24a: {  	v12 =	vmul.f32 $1.442695020e+00, v9;
	v8 =	vld [tilespmem:s10+$0xFFFFFF60];
	v11 =	vmul.f32 v18, v11;
	[tilespmem:s7+$0x100] =	vst v6  }
0x24b: {  	v5 =	vperm.xlane v23, v1;
	v9 =	vld [tilespmem:s10+$0xFFFFFF70];
	(erf) = vpow2.f32 v17;
	[tilespmem:s7+$0x110] =	vst v7;
	s7 =	smov.u32 s10  }
0x24c: {  	v6 =	vperm.xlane v23, v2;
	v10 =	vld [tilespmem:s10+$0xFFFFFF80];
	[tilespmem:s10+$0x120] =	vst v11;
	(erf) = vpow2.f32 v12;
	v7 =	vpop (erf)  }
0x24d: {  	[tilespmem:s10+$0xFFFFFF50] =	vst v7;
	v17 =	vperm.xlane v7, v1;
	v11 =	vld [tilespmem:s10+$0xFFFFFF90];
	(erf) = vpow2.f32 v20  }
0x24e: {  	v18 =	vperm.xlane v7, v2;
	v12 =	vld [tilespmem:s10+$0xFFFFFFB0];
	[tilespmem:s10+$0x130] =	vst v23;
	(erf) = vpow2.f32 v14  }
0x24f: {  	v20 =	vperm.xlane v7, v3;
	v13 =	vld [tilespmem:s10+$0xFFFFFFC0];
	(erf) = vpow2.f32 v27  }
0x250: {  	v27 =	vperm.xlane v7, v4;
	v7 =	vperm.xlane v23, v3;
	v14 =	vld [tilespmem:s10+$0xFFFFFFD0]  }
0x251: {  	v17 =	vmul.f32 v19, v17;
	v18 =	vmul.f32 v15, v18;
	v15 =	vld [tilespmem:s10+$0xFFFFFFE0]  }
0x252: {  	v19 =	vmul.f32 v25, v20;
	v20 =	vmul.f32 v16, v27;
	v16 =	vld [tilespmem:s10+$0x0];
	v25 =	vpop (erf)  }
0x253: {  	[tilespmem:s10+$0xFFFFFF10] =	vst v17;
	v34 =	vperm.xlane v25, v1;
	v32 =	vperm.xlane v25, v2;
	v17 =	vld [tilespmem:s10+$0x10]  }
0x254: {  	v30 =	vperm.xlane v25, v3;
	v28 =	vperm.xlane v25, v4;
	[tilespmem:s10+$0xFFFFFF20] =	vst v18;
	v18 =	vld [tilespmem:s10+$0x20];
	v27 =	vpop (erf)  }
0x255: {  	[tilespmem:s10+$0xFFFFFF30] =	vst v19;
	v33 =	vperm.xlane v27, v1;
	v31 =	vperm.xlane v27, v2;
	v19 =	vld [tilespmem:s10+$0x30];
	v23 =	vpop (erf)  }
0x256: {  	v53 =	vperm.xlane v23, v1;
	v54 =	vperm.xlane v23, v2;
	[tilespmem:s10+$0xFFFFFF40] =	vst v20;
	v20 =	vld [tilespmem:s10+$0x50];
	v29 =	vpop (erf)  }
0x257: {  	v56 =	vperm.xlane v23, v3;
	v57 =	vperm.xlane v23, v4;
	[tilespmem:s10+$0xFFFFFF00] =	vst v23;
	v23 =	vld [tilespmem:s10+$0x60];
	v36 =	vpop (erf)  }
0x258: {  	v43 =	vperm.xlane v27, v3;
	v42 =	vperm.xlane v27, v4;
	[tilespmem:s10+$0xFFFFFFA0] =	vst v25;
	v25 =	vld [tilespmem:s10+$0x70];
	v37 =	vpop (erf)  }
0x259: {  	v49 =	vperm.xlane v29, v1;
	v46 =	vperm.xlane v29, v2;
	[tilespmem:s10+$0xFFFFFFF0] =	vst v27;
	v35 =	vld [tilespmem:s10+$0x80]  }
0x25a: {  	v52 =	vperm.xlane v29, v3;
	v50 =	vperm.xlane v29, v4;
	[tilespmem:s10+$0x40] =	vst v29;
	v27 =	vld [tilespmem:s10+$0xA0]  }
0x25b: {  	v51 =	vperm.xlane v36, v1;
	v47 =	vperm.xlane v36, v2;
	[tilespmem:s10+$0x90] =	vst v36;
	v29 =	vld [tilespmem:s10+$0xB0]  }
.Ltmp4:
0x25c: {  	v48 =	vperm.xlane v36, v3;
	v44 =	vperm.xlane v36, v4;
	[tilespmem:s10+$0xE0] =	vst v37;
	v36 =	vld [tilespmem:s10+$0xC0];
	(pc) =	sbr.rel @p0 .LBB2_11-.Ltmp4, $4  }
0x25d: {  	v45 =	vperm.xlane v37, v1;
	v40 =	vperm.xlane v37, v2;
	v38 =	vld [tilespmem:s10+$0xD0]  }
0x25e: {  	v39 =	vperm.xlane v37, v3;
	v41 =	vperm.xlane v37, v4;
	v37 =	vld [tilespmem:s10+$0xF0]  }
0x25f: {  	v55 =	vmul.f32 v21, v53;
	v54 =	vmul.f32 v22, v54;
	v22 =	vld [tilespmem:s10+$0x100]  }
0x260: {  	v53 =	vmul.f32 v24, v56;
	v24 =	vmul.f32 v26, v57;
	s10 =	sadd.s32 $0x280, s10;
	v21 =	vld [tilespmem:s7+$0x110]  }
0x261: {  	[tilespmem:s7+$0xFFFFFEC0] =	vst v55  }
0x262: {  	[tilespmem:s7+$0xFFFFFED0] =	vst v54  }
0x263: {  	v8 =	vmul.f32 v8, v34;
	[tilespmem:s7+$0xFFFFFEE0] =	vst v53  }
0x264: {  	v9 =	vmul.f32 v9, v32;
	[tilespmem:s7+$0xFFFFFEF0] =	vst v24  }
0x265: {  	v10 =	vmul.f32 v10, v30;
	[tilespmem:s7+$0xFFFFFF60] =	vst v8  }
0x266: {  	v30 =	vmul.f32 v11, v28;
	[tilespmem:s7+$0xFFFFFF70] =	vst v9  }
0x267: {  	v32 =	vmul.f32 v12, v33;
	[tilespmem:s7+$0xFFFFFF80] =	vst v10  }
0x268: {  	v33 =	vmul.f32 v13, v31;
	[tilespmem:s7+$0xFFFFFF90] =	vst v30  }
0x269: {  	v34 =	vmul.f32 v14, v43;
	[tilespmem:s7+$0xFFFFFFB0] =	vst v32  }
0x26a: {  	v43 =	vmul.f32 v15, v42;
	[tilespmem:s7+$0xFFFFFFC0] =	vst v33  }
0x26b: {  	v49 =	vmul.f32 v16, v49;
	[tilespmem:s7+$0xFFFFFFD0] =	vst v34  }
0x26c: {  	v54 =	vmul.f32 v18, v52;
	[tilespmem:s7+$0xFFFFFFE0] =	vst v43  }
0x26d: {  	v55 =	vmul.f32 v19, v50;
	[tilespmem:s7+$0x0] =	vst v49  }
0x26e: {  	v56 =	vmul.f32 v20, v51;
	[tilespmem:s7+$0x20] =	vst v54  }
0x26f: {  	v57 =	vmul.f32 v23, v47;
	[tilespmem:s7+$0x30] =	vst v55  }
0x270: {  	v58 =	vmul.f32 v25, v48;
	[tilespmem:s7+$0x50] =	vst v56  }
0x271: {  	v59 =	vmul.f32 v35, v44;
	[tilespmem:s7+$0x60] =	vst v57  }
0x272: {  	v60 =	vmul.f32 v27, v45;
	[tilespmem:s7+$0x70] =	vst v58  }
0x273: {  	v61 =	vmul.f32 v29, v40;
	[tilespmem:s7+$0x80] =	vst v59  }
0x274: {  	v62 =	vmul.f32 v36, v39;
	[tilespmem:s7+$0xA0] =	vst v60  }
0x275: {  	v53 =	vmul.f32 v17, v46;
	[tilespmem:s7+$0xB0] =	vst v61  }
0x276: {  	v63 =	vmul.f32 v38, v41;
	[tilespmem:s7+$0xC0] =	vst v62  }
0x277: {  	v5 =	vmul.f32 v37, v5;
	[tilespmem:s7+$0x10] =	vst v53  }
0x278: {  	v6 =	vmul.f32 v22, v6;
	[tilespmem:s7+$0xD0] =	vst v63  }
0x279: {  	v7 =	vmul.f32 v21, v7;
	[tilespmem:s7+$0xF0] =	vst v5  }
0x27a: {  	[tilespmem:s7+$0x100] =	vst v6  }
0x27b: {  	s11 =	sadd.s32 $0x1, s11;
	[tilespmem:s7+$0x110] =	vst v7  }
0x27c: {  	[spmem:s3] =	stream.indirect.scatter.add.f32 [tilespmem:s30], [sflag:$0xC], $0x50, s14, s18, $0xb8;
	[tilespmem:$0x1D780] =	vst v63  }
0x27d: {  	p0 =	sne.s32 s11, $0x14;
	_ =	swait.ge [sflag:s6], $0x2800  }
.Ltmp5:
0x27e: {  	[sflag:s6] =	ssyncset.done $0x0;
	(pc) =	sbr.rel @p0 .LBB2_4-.Ltmp5, $4  }
0x27f: {  	s13 =	sadd.s32 $0x280, s12;
	[sflag:s6] =	ssyncadd.s32 $0xFFFFD800  }
0x280: {  	[tilespmem:s20], [sflag:$0x2] =	stream.indirect.gather [hbm4b:s5+s18], $0x50, s13, s18, $0xb8;
	[tilespmem:$0x1D780] =	vst v63  }
0x281: {  	s14 =	sadd.s32 $0x2B80, s12  }
0x282: {  	[tilespmem:s31], [sflag:$0x6] =	stream.indirect.gather [hbm4b:s2+s18], $0x10, s14, s18, $0xb8;
	[tilespmem:$0x1D780] =	vst v63  }
0x283: {  	_ =	swait.ge [sflag:s23], $0x2800  }
0x284: {  	[sflag:s23] =	ssyncset.done $0x0  }
0x285: {  	[sflag:s23] =	ssyncadd.s32 $0xFFFFD800  }
0x286: {  	_ =	swait.ge [sflag:s24], $0x800  }
0x287: {  	[sflag:s24] =	ssyncset.done $0x0  }
0x288: {  	[sflag:s24] =	ssyncadd.s32 $0xFFFFF800  }
0x289: {  	_ =	swait.ge [sflag:s28], $0x2800  }
0x28a: {  	[sflag:s28] =	ssyncset.done $0x0  }
0x28b: {  	[sflag:s28] =	ssyncadd.s32 $0xFFFFD800  }
0x28c: {  	_ =	swait.ge [sflag:s29], $0x800  }
0x28d: {  	[sflag:s29] =	ssyncset.done $0x0  }
0x28e: {  	s7 =	simm.s32 $0xB;
	[sflag:s29] =	ssyncadd.s32 $0xFFFFF800  }
0x28f: {  	_ =	swait.ge [sflag:s7], $0x2800  }
0x290: {  	[sflag:s7] =	ssyncset.done $0x0  }
0x291: {  	s13 =	simm.s32 $0xC;
	[sflag:s7] =	ssyncadd.s32 $0xFFFFD800  }
0x292: {  	_ =	swait.ge [sflag:s13], $0x2800  }
0x293: {  	[sflag:s13] =	ssyncset.done $0x0  }
0x294: {  	s14 =	stileid.u32;
	[sflag:s13] =	ssyncadd.s32 $0xFFFFD800  }
0x295: {  	s7 =	sshll.u32 s14, $0x6;
	[bflag:$0x0] =	sbarrier.arrive $0xFFFF  }
0x296: {  	s8 =	sshrl.u32 s15, $0x3;
	s7 =	sor.u32 $0x1C0D, s7;
	s9 =	rddreg [dreg:$0xb]  }
0x297: {  	[hbm:s9], [sflag:s7] =	dma.local [spmem:s8], $0x18B0  }
0x298: {  	_ =	swait.ge [sflag:s19], $0x18B0  }
0x299: {  	s26 =	rddreg [dreg:$0xd]  }
0x29a: {  	s31 =	rddreg [dreg:$0xc];
	s8 =	sadd.s32 $0x1, s26  }
0x29b: {  	p0 =	sne.s32 s8, s31  }
.Ltmp6:
0x29c: {  	_ = 	snop;
	(pc) =	sbr.rel @p0 .LBB2_1-.Ltmp6, $3  }
0x29d: {  	_ =	sdelay $0x1  }
0x29e: {  	[sflag:s19] =	ssyncset.done $0x0  }
0x29f: {  	[sflag:s19] =	ssyncadd.s32 $0xFFFFE750  }
0x2a0: {  	_ =	sfence.sel $0x180000  }
0x2a1: {  	[bflag:$0x0] =	sbarrier.arrive $0xFFFF  }
0x2a2: {  	_ =	strace $0x90000047  }
0x2a3: {  	s0 =	stileid.u32;
	[bflag:$0x2] =	sbarrier.arrive $0xFFFF  }
0x2a4: {  	p0 =	sne.s32 s0, $0x0;
	s0 =	rddreg [dreg:$0x3]  }
0x2a5: {  	s0 =	sadd.s32 @!p0 $0x100000, s0  }
0x2a6: {  	[sflag:s0] =	ssyncadd.tile.s32 @!p0 $0x1;
	_ =	shalt  }
.Lfunc_end2:
_tile_overlayer_lowered:
.L_overlay_start_2:
0x2a7: {  	(tag) =	ssettag $0x2  }
0x2a8: {  	s0 =	rddreg [dreg:$0x0];
	s2 =	stileid.u32  }
0x2a9: {  	s1 =	rddreg [dreg:$0x1];
	p0 =	sne.s32 s2, $0x0  }
0x2aa: {  	s3 =	rddreg [dreg:$0x2];
	[bflag:$0x3] =	sbarrier.arrive $0xFFFF;
	s2 =	simm.s32 @!p0 $0x1C0D  }
0x2ab: {  	[timem:s3], [sflag:s2] =	dma.local @!p0 [hbm:s0], s1  }
0x2ac: {  	s0 =	simm.s32 @!p0 $0xD  }
0x2ad: {  	_ =	swait.ge @!p0 [sflag:s0], s1  }
0x2ae: {  	s1 =	ssub.s32 @!p0 $0x0, s1;
	[sflag:s0] =	ssyncset.done @!p0 $0x0  }
0x2af: {  	[sflag:s0] =	ssyncadd.s32 @!p0 s1  }
0x2b0: {  	[bflag:$0x3] =	sbarrier.arrive $0xFFFF  }
0x2b1: {  	_ =	shalt  }

</sc_bundles>
